<compile_context>
chip_gen: v7x
topology: tpu7x:2x2x1
jax: 0.10.2.dev20260603
libtpu: 0.0.44.dev20260713+nightly
codegen_flags: <defaults>
</compile_context>

<pallas_src>
import functools

import jax
import jax.numpy as jnp
from jax import lax
from jax.experimental import pallas as pl
from jax.experimental.pallas import tpu as pltpu
from jax.experimental.pallas import tpu_sc as plsc

NUM_HEADS = 8
N_NODES = 2048
N_EDGES = 65536
NUM_SPATIAL = 512

_NC = 2
_NS = 16
_L = 16
_ROWS = N_NODES * N_NODES
_EPT = N_EDGES // _NS
_CHUNK = 65536
_TRASH = 8192
_NCH = _ROWS // (_NC * _CHUNK)
_SLICE = _CHUNK // _NS
_ZSL = (_CHUNK + _TRASH) // _NS
_TSL = _TRASH // _NS


def _make_sc_kernel():
    mesh = plsc.VectorSubcoreMesh(
        core_axis_name="c", subcore_axis_name="s", num_cores=_NC,
        num_subcores=_NS)

    @functools.partial(
        pl.kernel,
        mesh=mesh,
        compiler_params=pltpu.CompilerParams(use_tc_tiling_on_sc=False),
        out_type=jax.ShapeDtypeStruct((_ROWS, NUM_HEADS), jnp.float32),
        scratch_types=[
            pltpu.VMEM((_EPT,), jnp.int32),
            pltpu.VMEM((_EPT,), jnp.int32),
            pltpu.VMEM((_EPT,), jnp.int32),
            pltpu.VMEM((_EPT,), jnp.int32),
            pltpu.VMEM((_EPT,), jnp.int32),
            pltpu.VMEM((_EPT, NUM_HEADS), jnp.float32),
            pltpu.VMEM((_EPT, NUM_HEADS), jnp.float32),
            pltpu.VMEM_SHARED((_CHUNK + _TRASH, NUM_HEADS), jnp.float32),
            pltpu.SemaphoreType.DMA,
        ],
    )
    def sc_kernel(st_h, row_h, col_h, w_h, z_h, out_h,
                  t_v, r_v, c_v, f_v, x_v, vals_v, z_v, acc, sem):
        cid = lax.axis_index("c")
        sid = lax.axis_index("s")
        base_e = sid * _EPT

        pltpu.sync_copy(st_h.at[pl.ds(base_e, _EPT)], t_v)
        pltpu.sync_copy(row_h.at[pl.ds(base_e, _EPT)], r_v)
        pltpu.sync_copy(col_h.at[pl.ds(base_e, _EPT)], c_v)
        pltpu.sync_copy(z_h, z_v)
        pltpu.async_copy(w_h.at[t_v], vals_v, sem).wait()

        def flat_body(i, carry):
            rr = r_v[pl.ds(i * _L, _L)]
            cc = c_v[pl.ds(i * _L, _L)]
            f_v[pl.ds(i * _L, _L)] = rr * N_NODES + cc
            return carry

        lax.fori_loop(0, _EPT // _L, flat_body, 0)

        pltpu.sync_copy(z_v, acc.at[pl.ds(sid * _ZSL, _EPT)])
        pltpu.sync_copy(z_v.at[pl.ds(0, _ZSL - _EPT)],
                        acc.at[pl.ds(sid * _ZSL + _EPT, _ZSL - _EPT)])
        plsc.subcore_barrier()

        for j in range(_NCH):
            base = (cid * _NCH + j) * _CHUNK

            def remap_body(i, carry):
                v = f_v[pl.ds(i * _L, _L)]
                lane = lax.iota(jnp.int32, _L)
                trash = _CHUNK + ((base_e + i * _L + lane) & (_TRASH - 1))
                ok = (v >= base) & (v < base + _CHUNK)
                x_v[pl.ds(i * _L, _L)] = jnp.where(ok, v - base, trash)
                return carry

            lax.fori_loop(0, _EPT // _L, remap_body, 0)

            pltpu.sync_copy(vals_v, acc.at[x_v], add=True)
            plsc.subcore_barrier()
            pltpu.sync_copy(
                acc.at[pl.ds(sid * _SLICE, _SLICE)],
                out_h.at[pl.ds(base + sid * _SLICE, _SLICE)])
            pltpu.sync_copy(z_v, acc.at[pl.ds(sid * _SLICE, _SLICE)])
            pltpu.sync_copy(
                z_v.at[pl.ds(0, _TSL)],
                acc.at[pl.ds(_CHUNK + sid * _TSL, _TSL)])
            plsc.subcore_barrier()

    return sc_kernel


_SC_KERNEL = _make_sc_kernel()


def kernel(spatial_types, graph_index, batch, spatial_weight):
    del batch
    st = spatial_types.astype(jnp.int32)
    row = graph_index[0].astype(jnp.int32)
    col = graph_index[1].astype(jnp.int32)
    zeros = jnp.zeros((_EPT, NUM_HEADS), jnp.float32)
    out = _SC_KERNEL(st, row, col, spatial_weight, zeros)
    return out.reshape(1, N_NODES, N_NODES, NUM_HEADS)

# --- scband reference (transcript-rebuilt; emitter-appended) ---
"""Pipeline reference for scband-bias-encoder-61856118997206 (READ-ONLY COPY).

The authoritative reference and input builder live on the scoring server;
editing this copy changes nothing except your own understanding.
"""

import jax, jax.numpy as jnp
import numpy as np

NUM_HEADS = 8
NUM_SPATIAL = 512  # num_spatial_types + 1 rows in spatial_encoder
N_NODES = 2048
N_EDGES = 65536
NUM_GRAPHS = 1


def setup_inputs(seed: int = 0) -> dict:
    key = jax.random.key(seed)
    k1, k2, k3 = jax.random.split(key, 3)
    spatial_types = jax.random.randint(k1, (N_EDGES,), 0, NUM_SPATIAL)
    graph_index = jax.random.randint(k2, (2, N_EDGES), 0, N_NODES)
    batch = jnp.zeros((N_NODES,), dtype=jnp.int32)
    # learned parameter: spatial_encoder.weight, normal(std=0.02)
    spatial_weight = jax.random.normal(k3, (NUM_SPATIAL, NUM_HEADS), dtype=jnp.float32) * 0.02
    return {"spatial_types": spatial_types, "graph_index": graph_index, "batch": batch, "spatial_weight": spatial_weight}


def _to_dense_adj(edge_index, batch, edge_attr, num_graphs, max_nodes):
    # faithful port of torch_geometric.utils.to_dense_adj with edge_attr
    ones = jnp.ones_like(batch)
    num_nodes = jax.ops.segment_sum(ones, batch, num_segments=num_graphs)
    cum = jnp.cumsum(num_nodes) - num_nodes
    row, col = edge_index[0], edge_index[1]
    idx0 = batch[row]
    idx1 = row - cum[idx0]
    idx2 = col - cum[batch[col]]
    adj = jnp.zeros((num_graphs, max_nodes, max_nodes) + edge_attr.shape[1:], dtype=edge_attr.dtype)
    return adj.at[idx0, idx1, idx2].add(edge_attr)


def reference(spatial_types, graph_index, batch, spatial_weight):
    # spatial_encoder(data.spatial_types): embedding gather
    st = jnp.take(spatial_weight, spatial_types, axis=0)  # [E, H]
    # to_dense_adj scatter-add into [B, N, N, H]
    spatial_encodings = _to_dense_adj(graph_index, batch, st, NUM_GRAPHS, N_NODES)
    # bias = spatial_encodings.permute(BATCH_HEAD_NODE_NODE)
    bias = jnp.transpose(spatial_encodings, (0, 3, 1, 2))
    # no shortest_path_types attribute -> edge branch skipped
    # return bias.permute((0, 2, 3, 1))
    return jnp.transpose(bias, (0, 2, 3, 1))

if __name__ == "__main__":
    import jax
    _d = setup_inputs()
    print(jax.jit(kernel)(*tuple(_d.values())))

</pallas_src>

<mosaic_0001>
#map = affine_map<(d0, d1) -> (0)>
#map1 = affine_map<(d0, d1) -> (0, 0)>
module attributes {stable_mosaic.version = 14 : i64} {
  func.func @sc_kernel(%arg0: i32, %arg1: i32, %arg2: memref<65536xi32, #tpu.memory_space<hbm>>, %arg3: memref<65536xi32, #tpu.memory_space<hbm>>, %arg4: memref<65536xi32, #tpu.memory_space<hbm>>, %arg5: memref<512x8xf32, #tpu.memory_space<hbm>>, %arg6: memref<4096x8xf32, #tpu.memory_space<hbm>>, %arg7: memref<4194304x8xf32, #tpu.memory_space<hbm>>, %arg8: memref<4096xi32, #tpu.memory_space<vmem>>, %arg9: memref<4096xi32, #tpu.memory_space<vmem>>, %arg10: memref<4096xi32, #tpu.memory_space<vmem>>, %arg11: memref<4096xi32, #tpu.memory_space<vmem>>, %arg12: memref<4096xi32, #tpu.memory_space<vmem>>, %arg13: memref<4096x8xf32, #tpu.memory_space<vmem>>, %arg14: memref<4096x8xf32, #tpu.memory_space<vmem>>, %arg15: memref<73728x8xf32, #tpu.memory_space<vmem_shared>>, %arg16: memref<!tpu.dma_semaphore, #tpu.memory_space<semaphore_mem>>) attributes {dimension_semantics = [#tpu.dimension_semantics<core_parallel>, #tpu.dimension_semantics<subcore_parallel>], iteration_bounds = array<i64: 2, 16>, scalar_prefetch = 0 : i64, scratch_operands = 9 : i64, tpu.core_type = #tpu.core_type<sc_vector_subcore>, window_params = [{transform_indices = #map}, {transform_indices = #map}, {transform_indices = #map}, {transform_indices = #map1}, {transform_indices = #map1}, {transform_indices = #map1}]} {
    %mul3A = arith.constant 4096 : i32
    %mul3A_0 = arith.muli %arg1, %mul3A : i32
    "tpu.region"() ({
      %run_scoped3A = tpu.sem_alloc : memref<!tpu.dma_semaphore, #tpu.memory_space<semaphore_mem>>
      %dma_start3A_815 = tpu.memref_slice %arg2[%mul3A_0] : memref<65536xi32, #tpu.memory_space<hbm>> -> memref<4096xi32, #tpu.memory_space<hbm>>
      %dma_start3A_816 = tpu.memref_slice %arg2[%mul3A_0] : memref<65536xi32, #tpu.memory_space<hbm>> -> memref<4096xi32, #tpu.memory_space<hbm>>
      tpu.enqueue_dma source(%dma_start3A_816 : memref<4096xi32, #tpu.memory_space<hbm>>) target(%arg8 : memref<4096xi32, #tpu.memory_space<vmem>>) target_semaphore(%run_scoped3A : memref<!tpu.dma_semaphore, #tpu.memory_space<semaphore_mem>>)
      %dma_wait3A_817 = tpu.memref_slice %arg2[%mul3A_0] : memref<65536xi32, #tpu.memory_space<hbm>> -> memref<4096xi32, #tpu.memory_space<hbm>>
      %dma_wait3A_818 = tpu.memref_slice %arg2[%mul3A_0] : memref<65536xi32, #tpu.memory_space<hbm>> -> memref<4096xi32, #tpu.memory_space<hbm>>
      tpu.wait_dma2 semaphore(%run_scoped3A : memref<!tpu.dma_semaphore, #tpu.memory_space<semaphore_mem>>) src(%dma_wait3A_818 : memref<4096xi32, #tpu.memory_space<hbm>>) dst(%arg8 : memref<4096xi32, #tpu.memory_space<vmem>>)
      tpu.yield
    }) : () -> ()
    "tpu.region"() ({
      %run_scoped3A = tpu.sem_alloc : memref<!tpu.dma_semaphore, #tpu.memory_space<semaphore_mem>>
      %dma_start3A_815 = tpu.memref_slice %arg3[%mul3A_0] : memref<65536xi32, #tpu.memory_space<hbm>> -> memref<4096xi32, #tpu.memory_space<hbm>>
      %dma_start3A_816 = tpu.memref_slice %arg3[%mul3A_0] : memref<65536xi32, #tpu.memory_space<hbm>> -> memref<4096xi32, #tpu.memory_space<hbm>>
      tpu.enqueue_dma source(%dma_start3A_816 : memref<4096xi32, #tpu.memory_space<hbm>>) target(%arg9 : memref<4096xi32, #tpu.memory_space<vmem>>) target_semaphore(%run_scoped3A : memref<!tpu.dma_semaphore, #tpu.memory_space<semaphore_mem>>)
      %dma_wait3A_817 = tpu.memref_slice %arg3[%mul3A_0] : memref<65536xi32, #tpu.memory_space<hbm>> -> memref<4096xi32, #tpu.memory_space<hbm>>
      %dma_wait3A_818 = tpu.memref_slice %arg3[%mul3A_0] : memref<65536xi32, #tpu.memory_space<hbm>> -> memref<4096xi32, #tpu.memory_space<hbm>>
      tpu.wait_dma2 semaphore(%run_scoped3A : memref<!tpu.dma_semaphore, #tpu.memory_space<semaphore_mem>>) src(%dma_wait3A_818 : memref<4096xi32, #tpu.memory_space<hbm>>) dst(%arg9 : memref<4096xi32, #tpu.memory_space<vmem>>)
      tpu.yield
    }) : () -> ()
    "tpu.region"() ({
      %run_scoped3A = tpu.sem_alloc : memref<!tpu.dma_semaphore, #tpu.memory_space<semaphore_mem>>
      %dma_start3A_815 = tpu.memref_slice %arg4[%mul3A_0] : memref<65536xi32, #tpu.memory_space<hbm>> -> memref<4096xi32, #tpu.memory_space<hbm>>
      %dma_start3A_816 = tpu.memref_slice %arg4[%mul3A_0] : memref<65536xi32, #tpu.memory_space<hbm>> -> memref<4096xi32, #tpu.memory_space<hbm>>
      tpu.enqueue_dma source(%dma_start3A_816 : memref<4096xi32, #tpu.memory_space<hbm>>) target(%arg10 : memref<4096xi32, #tpu.memory_space<vmem>>) target_semaphore(%run_scoped3A : memref<!tpu.dma_semaphore, #tpu.memory_space<semaphore_mem>>)
      %dma_wait3A_817 = tpu.memref_slice %arg4[%mul3A_0] : memref<65536xi32, #tpu.memory_space<hbm>> -> memref<4096xi32, #tpu.memory_space<hbm>>
      %dma_wait3A_818 = tpu.memref_slice %arg4[%mul3A_0] : memref<65536xi32, #tpu.memory_space<hbm>> -> memref<4096xi32, #tpu.memory_space<hbm>>
      tpu.wait_dma2 semaphore(%run_scoped3A : memref<!tpu.dma_semaphore, #tpu.memory_space<semaphore_mem>>) src(%dma_wait3A_818 : memref<4096xi32, #tpu.memory_space<hbm>>) dst(%arg10 : memref<4096xi32, #tpu.memory_space<vmem>>)
      tpu.yield
    }) : () -> ()
    "tpu.region"() ({
      %run_scoped3A = tpu.sem_alloc : memref<!tpu.dma_semaphore, #tpu.memory_space<semaphore_mem>>
      tpu.enqueue_dma source(%arg6 : memref<4096x8xf32, #tpu.memory_space<hbm>>) target(%arg14 : memref<4096x8xf32, #tpu.memory_space<vmem>>) target_semaphore(%run_scoped3A : memref<!tpu.dma_semaphore, #tpu.memory_space<semaphore_mem>>)
      tpu.wait_dma2 semaphore(%run_scoped3A : memref<!tpu.dma_semaphore, #tpu.memory_space<semaphore_mem>>) src(%arg6 : memref<4096x8xf32, #tpu.memory_space<hbm>>) dst(%arg14 : memref<4096x8xf32, #tpu.memory_space<vmem>>)
      tpu.yield
    }) : () -> ()
    %dma_start3A = arith.constant 0 : i32
    %dma_start3A_1 = arith.constant 0 : i32
    %dma_start3A_2 = tpu.memref_slice %arg5[%dma_start3A, %dma_start3A_1] : memref<512x8xf32, #tpu.memory_space<hbm>> -> memref<512x8xf32, #tpu.memory_space<hbm>>
    tpu.enqueue_indirect_dma source(%dma_start3A_2 : memref<512x8xf32, #tpu.memory_space<hbm>>) target(%arg13 : memref<4096x8xf32, #tpu.memory_space<vmem>>) offsets(%arg8 : memref<4096xi32, #tpu.memory_space<vmem>>) semaphore(%arg16 : memref<!tpu.dma_semaphore, #tpu.memory_space<semaphore_mem>>)
    %dma_wait3A = arith.constant 0 : i32
    %dma_wait3A_3 = arith.constant 0 : i32
    %dma_wait3A_4 = tpu.memref_slice %arg5[%dma_wait3A, %dma_wait3A_3] : memref<512x8xf32, #tpu.memory_space<hbm>> -> memref<512x8xf32, #tpu.memory_space<hbm>>
    tpu.wait_indirect_dma semaphore(%arg16 : memref<!tpu.dma_semaphore, #tpu.memory_space<semaphore_mem>>) src(%dma_wait3A_4 : memref<512x8xf32, #tpu.memory_space<hbm>>) dst(%arg13 : memref<4096x8xf32, #tpu.memory_space<vmem>>)
    %scan3A = arith.constant 0 : i32
    %scan3A_5 = arith.constant 0 : i32
    %scan3A_6 = arith.constant 256 : i32
    %scan3A_7 = arith.addi %scan3A_5, %scan3A_6 : i32
    %scan3A_8 = arith.constant 1 : i32
    scf.for %scan3A_815 = %scan3A_5 to %scan3A_7 step %scan3A_8  : i32 {
      %mul3A_816 = arith.constant 16 : i32
      %mul3A_817 = arith.muli %scan3A_815, %mul3A_816 : i32
      %get3A = arith.index_cast %mul3A_817 : i32 to index
      %get3A_818 = tpu.vector_load %arg9[%get3A] {strides = array<i32>} : memref<4096xi32, #tpu.memory_space<vmem>>, vector<16xi32>,
      %get3A_819 = vector.shape_cast %get3A_818 : vector<16xi32> to vector<16xi32>
      %mul3A_820 = arith.constant 16 : i32
      %mul3A_821 = arith.muli %scan3A_815, %mul3A_820 : i32
      %get3A_822 = arith.index_cast %mul3A_821 : i32 to index
      %get3A_823 = tpu.vector_load %arg10[%get3A_822] {strides = array<i32>} : memref<4096xi32, #tpu.memory_space<vmem>>, vector<16xi32>,
      %get3A_824 = vector.shape_cast %get3A_823 : vector<16xi32> to vector<16xi32>
      %mul3A_825 = arith.constant 2048 : i32
      %mul3A_826 = vector.broadcast %mul3A_825 : i32 to vector<16xi32>
      %mul3A_827 = arith.muli %get3A_819, %mul3A_826 : vector<16xi32>
      %add3A_828 = arith.addi %mul3A_827, %get3A_824 : vector<16xi32>
      %mul3A_829 = arith.constant 16 : i32
      %mul3A_830 = arith.muli %scan3A_815, %mul3A_829 : i32
      %swap3A = arith.index_cast %mul3A_830 : i32 to index
      %swap3A_831 = tpu.vector_load %arg11[%swap3A] {strides = array<i32>} : memref<4096xi32, #tpu.memory_space<vmem>>, vector<16xi32>,
      %swap3A_832 = vector.shape_cast %swap3A_831 : vector<16xi32> to vector<16xi32>
      %swap3A_833 = vector.shape_cast %add3A_828 : vector<16xi32> to vector<16xi32>
      tpu.vector_store %arg11[%swap3A], %swap3A_833 {strides = array<i32>} : memref<4096xi32, #tpu.memory_space<vmem>>, vector<16xi32>,
    }
    %scan3A_9 = arith.constant 256 : i32
    %mul3A_10 = arith.constant 4608 : i32
    %mul3A_11 = arith.muli %arg1, %mul3A_10 : i32
    "tpu.region"() ({
      %run_scoped3A = tpu.sem_alloc : memref<!tpu.dma_semaphore, #tpu.memory_space<semaphore_mem>>
      %dma_start3A_815 = arith.constant 0 : i32
      %dma_start3A_816 = tpu.memref_slice %arg15[%mul3A_11, %dma_start3A_815] : memref<73728x8xf32, #tpu.memory_space<vmem_shared>> -> memref<4096x8xf32, #tpu.memory_space<vmem_shared>>
      %dma_start3A_817 = arith.constant 0 : i32
      %dma_start3A_818 = tpu.memref_slice %arg15[%mul3A_11, %dma_start3A_817] : memref<73728x8xf32, #tpu.memory_space<vmem_shared>> -> memref<4096x8xf32, #tpu.memory_space<vmem_shared>>
      tpu.enqueue_dma source(%arg14 : memref<4096x8xf32, #tpu.memory_space<vmem>>) target(%dma_start3A_818 : memref<4096x8xf32, #tpu.memory_space<vmem_shared>>) target_semaphore(%run_scoped3A : memref<!tpu.dma_semaphore, #tpu.memory_space<semaphore_mem>>)
      %dma_wait3A_819 = arith.constant 0 : i32
      %dma_wait3A_820 = tpu.memref_slice %arg15[%mul3A_11, %dma_wait3A_819] : memref<73728x8xf32, #tpu.memory_space<vmem_shared>> -> memref<4096x8xf32, #tpu.memory_space<vmem_shared>>
      %dma_wait3A_821 = arith.constant 0 : i32
      %dma_wait3A_822 = tpu.memref_slice %arg15[%mul3A_11, %dma_wait3A_821] : memref<73728x8xf32, #tpu.memory_space<vmem_shared>> -> memref<4096x8xf32, #tpu.memory_space<vmem_shared>>
      tpu.wait_dma2 semaphore(%run_scoped3A : memref<!tpu.dma_semaphore, #tpu.memory_space<semaphore_mem>>) src(%arg14 : memref<4096x8xf32, #tpu.memory_space<vmem>>) dst(%dma_wait3A_822 : memref<4096x8xf32, #tpu.memory_space<vmem_shared>>)
      tpu.yield
    }) : () -> ()
    %mul3A_12 = arith.constant 4608 : i32
    %mul3A_13 = arith.muli %arg1, %mul3A_12 : i32
    %add3A = arith.constant 4096 : i32
    %add3A_14 = arith.addi %mul3A_13, %add3A : i32
    "tpu.region"() ({
      %run_scoped3A = tpu.sem_alloc : memref<!tpu.dma_semaphore, #tpu.memory_space<semaphore_mem>>
      %dma_start3A_815 = arith.constant 0 : i32
      %dma_start3A_816 = arith.constant 0 : i32
      %dma_start3A_817 = tpu.memref_slice %arg14[%dma_start3A_815, %dma_start3A_816] : memref<4096x8xf32, #tpu.memory_space<vmem>> -> memref<512x8xf32, #tpu.memory_space<vmem>>
      %dma_start3A_818 = arith.constant 0 : i32
      %dma_start3A_819 = tpu.memref_slice %arg15[%add3A_14, %dma_start3A_818] : memref<73728x8xf32, #tpu.memory_space<vmem_shared>> -> memref<512x8xf32, #tpu.memory_space<vmem_shared>>
      %dma_start3A_820 = arith.constant 0 : i32
      %dma_start3A_821 = tpu.memref_slice %arg15[%add3A_14, %dma_start3A_820] : memref<73728x8xf32, #tpu.memory_space<vmem_shared>> -> memref<512x8xf32, #tpu.memory_space<vmem_shared>>
      %dma_start3A_822 = arith.constant 0 : i32
      %dma_start3A_823 = arith.constant 0 : i32
      %dma_start3A_824 = tpu.memref_slice %arg14[%dma_start3A_822, %dma_start3A_823] : memref<4096x8xf32, #tpu.memory_space<vmem>> -> memref<512x8xf32, #tpu.memory_space<vmem>>
      tpu.enqueue_dma source(%dma_start3A_824 : memref<512x8xf32, #tpu.memory_space<vmem>>) target(%dma_start3A_821 : memref<512x8xf32, #tpu.memory_space<vmem_shared>>) target_semaphore(%run_scoped3A : memref<!tpu.dma_semaphore, #tpu.memory_space<semaphore_mem>>)
      %dma_wait3A_825 = arith.constant 0 : i32
      %dma_wait3A_826 = arith.constant 0 : i32
      %dma_wait3A_827 = tpu.memref_slice %arg14[%dma_wait3A_825, %dma_wait3A_826] : memref<4096x8xf32, #tpu.memory_space<vmem>> -> memref<512x8xf32, #tpu.memory_space<vmem>>
      %dma_wait3A_828 = arith.constant 0 : i32
      %dma_wait3A_829 = tpu.memref_slice %arg15[%add3A_14, %dma_wait3A_828] : memref<73728x8xf32, #tpu.memory_space<vmem_shared>> -> memref<512x8xf32, #tpu.memory_space<vmem_shared>>
      %dma_wait3A_830 = arith.constant 0 : i32
      %dma_wait3A_831 = tpu.memref_slice %arg15[%add3A_14, %dma_wait3A_830] : memref<73728x8xf32, #tpu.memory_space<vmem_shared>> -> memref<512x8xf32, #tpu.memory_space<vmem_shared>>
      %dma_wait3A_832 = arith.constant 0 : i32
      %dma_wait3A_833 = arith.constant 0 : i32
      %dma_wait3A_834 = tpu.memref_slice %arg14[%dma_wait3A_832, %dma_wait3A_833] : memref<4096x8xf32, #tpu.memory_space<vmem>> -> memref<512x8xf32, #tpu.memory_space<vmem>>
      tpu.wait_dma2 semaphore(%run_scoped3A : memref<!tpu.dma_semaphore, #tpu.memory_space<semaphore_mem>>) src(%dma_wait3A_834 : memref<512x8xf32, #tpu.memory_space<vmem>>) dst(%dma_wait3A_831 : memref<512x8xf32, #tpu.memory_space<vmem_shared>>)
      tpu.yield
    }) : () -> ()
    %barrier3A = arith.constant 0 : index
    tpu.barrier barrier_id(%barrier3A)
    %mul3A_15 = arith.constant 32 : i32
    %mul3A_16 = arith.muli %arg0, %mul3A_15 : i32
    %add3A_17 = arith.constant 0 : i32
    %add3A_18 = arith.addi %mul3A_16, %add3A_17 : i32
    %mul3A_19 = arith.constant 65536 : i32
    %mul3A_20 = arith.muli %add3A_18, %mul3A_19 : i32
    %scan3A_21 = arith.constant 0 : i32
    %scan3A_22 = arith.constant 0 : i32
    %scan3A_23 = arith.constant 256 : i32
    %scan3A_24 = arith.addi %scan3A_22, %scan3A_23 : i32
    %scan3A_25 = arith.constant 1 : i32
    scf.for %scan3A_815 = %scan3A_22 to %scan3A_24 step %scan3A_25  : i32 {
      %mul3A_816 = arith.constant 16 : i32
      %mul3A_817 = arith.muli %scan3A_815, %mul3A_816 : i32
      %get3A = arith.index_cast %mul3A_817 : i32 to index
      %get3A_818 = tpu.vector_load %arg11[%get3A] {strides = array<i32>} : memref<4096xi32, #tpu.memory_space<vmem>>, vector<16xi32>,
      %get3A_819 = vector.shape_cast %get3A_818 : vector<16xi32> to vector<16xi32>
      %iota3A = tpu.iota {dimensions = array<i32: 0>} : vector<16xi32>
      %mul3A_820 = arith.constant 16 : i32
      %mul3A_821 = arith.muli %scan3A_815, %mul3A_820 : i32
      %add3A_822 = arith.addi %mul3A_0, %mul3A_821 : i32
      %add3A_823 = vector.broadcast %add3A_822 : i32 to vector<16xi32>
      %add3A_824 = arith.addi %add3A_823, %iota3A : vector<16xi32>
      %and3A = arith.constant 8191 : i32
      %and3A_825 = vector.broadcast %and3A : i32 to vector<16xi32>
      %and3A_826 = arith.andi %add3A_824, %and3A_825 : vector<16xi32>
      %add3A_827 = arith.constant 65536 : i32
      %add3A_828 = vector.broadcast %add3A_827 : i32 to vector<16xi32>
      %add3A_829 = arith.addi %add3A_828, %and3A_826 : vector<16xi32>
      %ge3A = vector.broadcast %mul3A_20 : i32 to vector<16xi32>
      %ge3A_830 = arith.cmpi sge, %get3A_819, %ge3A : vector<16xi32>
      %add3A_831 = arith.constant 65536 : i32
      %add3A_832 = arith.addi %mul3A_20, %add3A_831 : i32
      %lt3A = vector.broadcast %add3A_832 : i32 to vector<16xi32>
      %lt3A_833 = arith.cmpi slt, %get3A_819, %lt3A : vector<16xi32>
      %and3A_834 = arith.andi %ge3A_830, %lt3A_833 : vector<16xi1>
      %sub3A = vector.broadcast %mul3A_20 : i32 to vector<16xi32>
      %sub3A_835 = arith.subi %get3A_819, %sub3A : vector<16xi32>
      %select_n3A = arith.select %and3A_834, %sub3A_835, %add3A_829 : vector<16xi1>, vector<16xi32>
      %mul3A_836 = arith.constant 16 : i32
      %mul3A_837 = arith.muli %scan3A_815, %mul3A_836 : i32
      %swap3A = arith.index_cast %mul3A_837 : i32 to index
      %swap3A_838 = tpu.vector_load %arg12[%swap3A] {strides = array<i32>} : memref<4096xi32, #tpu.memory_space<vmem>>, vector<16xi32>,
      %swap3A_839 = vector.shape_cast %swap3A_838 : vector<16xi32> to vector<16xi32>
      %swap3A_840 = vector.shape_cast %select_n3A : vector<16xi32> to vector<16xi32>
      tpu.vector_store %arg12[%swap3A], %swap3A_840 {strides = array<i32>} : memref<4096xi32, #tpu.memory_space<vmem>>, vector<16xi32>,
    }
    %scan3A_26 = arith.constant 256 : i32
    "tpu.region"() ({
      %run_scoped3A = tpu.sem_alloc : memref<!tpu.dma_semaphore, #tpu.memory_space<semaphore_mem>>
      %dma_start3A_815 = arith.constant 0 : i32
      %dma_start3A_816 = arith.constant 0 : i32
      %dma_start3A_817 = tpu.memref_slice %arg15[%dma_start3A_815, %dma_start3A_816] : memref<73728x8xf32, #tpu.memory_space<vmem_shared>> -> memref<73728x8xf32, #tpu.memory_space<vmem_shared>>
      tpu.enqueue_indirect_dma source(%arg13 : memref<4096x8xf32, #tpu.memory_space<vmem>>) target(%dma_start3A_817 : memref<73728x8xf32, #tpu.memory_space<vmem_shared>>) offsets(%arg12 : memref<4096xi32, #tpu.memory_space<vmem>>) semaphore(%run_scoped3A : memref<!tpu.dma_semaphore, #tpu.memory_space<semaphore_mem>>) {add = true}
      %dma_wait3A_818 = arith.constant 0 : i32
      %dma_wait3A_819 = arith.constant 0 : i32
      %dma_wait3A_820 = tpu.memref_slice %arg15[%dma_wait3A_818, %dma_wait3A_819] : memref<73728x8xf32, #tpu.memory_space<vmem_shared>> -> memref<73728x8xf32, #tpu.memory_space<vmem_shared>>
      tpu.wait_indirect_dma semaphore(%run_scoped3A : memref<!tpu.dma_semaphore, #tpu.memory_space<semaphore_mem>>) src(%arg13 : memref<4096x8xf32, #tpu.memory_space<vmem>>) dst(%dma_wait3A_820 : memref<73728x8xf32, #tpu.memory_space<vmem_shared>>)
      tpu.yield
    }) : () -> ()
    %barrier3A_27 = arith.constant 0 : index
    tpu.barrier barrier_id(%barrier3A_27)
    %mul3A_28 = arith.constant 4096 : i32
    %mul3A_29 = arith.muli %arg1, %mul3A_28 : i32
    %mul3A_30 = arith.constant 4096 : i32
    %mul3A_31 = arith.muli %arg1, %mul3A_30 : i32
    %add3A_32 = arith.addi %mul3A_20, %mul3A_31 : i32
    "tpu.region"() ({
      %run_scoped3A = tpu.sem_alloc : memref<!tpu.dma_semaphore, #tpu.memory_space<semaphore_mem>>
      %dma_start3A_815 = arith.constant 0 : i32
      %dma_start3A_816 = tpu.memref_slice %arg7[%add3A_32, %dma_start3A_815] : memref<4194304x8xf32, #tpu.memory_space<hbm>> -> memref<4096x8xf32, #tpu.memory_space<hbm>>
      %dma_start3A_817 = arith.constant 0 : i32
      %dma_start3A_818 = tpu.memref_slice %arg15[%mul3A_29, %dma_start3A_817] : memref<73728x8xf32, #tpu.memory_space<vmem_shared>> -> memref<4096x8xf32, #tpu.memory_space<vmem_shared>>
      tpu.enqueue_dma source(%dma_start3A_818 : memref<4096x8xf32, #tpu.memory_space<vmem_shared>>) target(%dma_start3A_816 : memref<4096x8xf32, #tpu.memory_space<hbm>>) target_semaphore(%run_scoped3A : memref<!tpu.dma_semaphore, #tpu.memory_space<semaphore_mem>>)
      %dma_wait3A_819 = arith.constant 0 : i32
      %dma_wait3A_820 = tpu.memref_slice %arg7[%add3A_32, %dma_wait3A_819] : memref<4194304x8xf32, #tpu.memory_space<hbm>> -> memref<4096x8xf32, #tpu.memory_space<hbm>>
      %dma_wait3A_821 = arith.constant 0 : i32
      %dma_wait3A_822 = tpu.memref_slice %arg15[%mul3A_29, %dma_wait3A_821] : memref<73728x8xf32, #tpu.memory_space<vmem_shared>> -> memref<4096x8xf32, #tpu.memory_space<vmem_shared>>
      tpu.wait_dma2 semaphore(%run_scoped3A : memref<!tpu.dma_semaphore, #tpu.memory_space<semaphore_mem>>) src(%dma_wait3A_822 : memref<4096x8xf32, #tpu.memory_space<vmem_shared>>) dst(%dma_wait3A_820 : memref<4096x8xf32, #tpu.memory_space<hbm>>)
      tpu.yield
    }) : () -> ()
    %mul3A_33 = arith.constant 4096 : i32
    %mul3A_34 = arith.muli %arg1, %mul3A_33 : i32
    "tpu.region"() ({
      %run_scoped3A = tpu.sem_alloc : memref<!tpu.dma_semaphore, #tpu.memory_space<semaphore_mem>>
      %dma_start3A_815 = arith.constant 0 : i32
      %dma_start3A_816 = tpu.memref_slice %arg15[%mul3A_34, %dma_start3A_815] : memref<73728x8xf32, #tpu.memory_space<vmem_shared>> -> memref<4096x8xf32, #tpu.memory_space<vmem_shared>>
      %dma_start3A_817 = arith.constant 0 : i32
      %dma_start3A_818 = tpu.memref_slice %arg15[%mul3A_34, %dma_start3A_817] : memref<73728x8xf32, #tpu.memory_space<vmem_shared>> -> memref<4096x8xf32, #tpu.memory_space<vmem_shared>>
      tpu.enqueue_dma source(%arg14 : memref<4096x8xf32, #tpu.memory_space<vmem>>) target(%dma_start3A_818 : memref<4096x8xf32, #tpu.memory_space<vmem_shared>>) target_semaphore(%run_scoped3A : memref<!tpu.dma_semaphore, #tpu.memory_space<semaphore_mem>>)
      %dma_wait3A_819 = arith.constant 0 : i32
      %dma_wait3A_820 = tpu.memref_slice %arg15[%mul3A_34, %dma_wait3A_819] : memref<73728x8xf32, #tpu.memory_space<vmem_shared>> -> memref<4096x8xf32, #tpu.memory_space<vmem_shared>>
      %dma_wait3A_821 = arith.constant 0 : i32
      %dma_wait3A_822 = tpu.memref_slice %arg15[%mul3A_34, %dma_wait3A_821] : memref<73728x8xf32, #tpu.memory_space<vmem_shared>> -> memref<4096x8xf32, #tpu.memory_space<vmem_shared>>
      tpu.wait_dma2 semaphore(%run_scoped3A : memref<!tpu.dma_semaphore, #tpu.memory_space<semaphore_mem>>) src(%arg14 : memref<4096x8xf32, #tpu.memory_space<vmem>>) dst(%dma_wait3A_822 : memref<4096x8xf32, #tpu.memory_space<vmem_shared>>)
      tpu.yield
    }) : () -> ()
    %mul3A_35 = arith.constant 512 : i32
    %mul3A_36 = arith.muli %arg1, %mul3A_35 : i32
    %add3A_37 = arith.constant 65536 : i32
    %add3A_38 = arith.addi %add3A_37, %mul3A_36 : i32
    "tpu.region"() ({
      %run_scoped3A = tpu.sem_alloc : memref<!tpu.dma_semaphore, #tpu.memory_space<semaphore_mem>>
      %dma_start3A_815 = arith.constant 0 : i32
      %dma_start3A_816 = arith.constant 0 : i32
      %dma_start3A_817 = tpu.memref_slice %arg14[%dma_start3A_815, %dma_start3A_816] : memref<4096x8xf32, #tpu.memory_space<vmem>> -> memref<512x8xf32, #tpu.memory_space<vmem>>
      %dma_start3A_818 = arith.constant 0 : i32
      %dma_start3A_819 = tpu.memref_slice %arg15[%add3A_38, %dma_start3A_818] : memref<73728x8xf32, #tpu.memory_space<vmem_shared>> -> memref<512x8xf32, #tpu.memory_space<vmem_shared>>
      %dma_start3A_820 = arith.constant 0 : i32
      %dma_start3A_821 = tpu.memref_slice %arg15[%add3A_38, %dma_start3A_820] : memref<73728x8xf32, #tpu.memory_space<vmem_shared>> -> memref<512x8xf32, #tpu.memory_space<vmem_shared>>
      %dma_start3A_822 = arith.constant 0 : i32
      %dma_start3A_823 = arith.constant 0 : i32
      %dma_start3A_824 = tpu.memref_slice %arg14[%dma_start3A_822, %dma_start3A_823] : memref<4096x8xf32, #tpu.memory_space<vmem>> -> memref<512x8xf32, #tpu.memory_space<vmem>>
      tpu.enqueue_dma source(%dma_start3A_824 : memref<512x8xf32, #tpu.memory_space<vmem>>) target(%dma_start3A_821 : memref<512x8xf32, #tpu.memory_space<vmem_shared>>) target_semaphore(%run_scoped3A : memref<!tpu.dma_semaphore, #tpu.memory_space<semaphore_mem>>)
      %dma_wait3A_825 = arith.constant 0 : i32
      %dma_wait3A_826 = arith.constant 0 : i32
      %dma_wait3A_827 = tpu.memref_slice %arg14[%dma_wait3A_825, %dma_wait3A_826] : memref<4096x8xf32, #tpu.memory_space<vmem>> -> memref<512x8xf32, #tpu.memory_space<vmem>>
      %dma_wait3A_828 = arith.constant 0 : i32
      %dma_wait3A_829 = tpu.memref_slice %arg15[%add3A_38, %dma_wait3A_828] : memref<73728x8xf32, #tpu.memory_space<vmem_shared>> -> memref<512x8xf32, #tpu.memory_space<vmem_shared>>
      %dma_wait3A_830 = arith.constant 0 : i32
      %dma_wait3A_831 = tpu.memref_slice %arg15[%add3A_38, %dma_wait3A_830] : memref<73728x8xf32, #tpu.memory_space<vmem_shared>> -> memref<512x8xf32, #tpu.memory_space<vmem_shared>>
      %dma_wait3A_832 = arith.constant 0 : i32
      %dma_wait3A_833 = arith.constant 0 : i32
      %dma_wait3A_834 = tpu.memref_slice %arg14[%dma_wait3A_832, %dma_wait3A_833] : memref<4096x8xf32, #tpu.memory_space<vmem>> -> memref<512x8xf32, #tpu.memory_space<vmem>>
      tpu.wait_dma2 semaphore(%run_scoped3A : memref<!tpu.dma_semaphore, #tpu.memory_space<semaphore_mem>>) src(%dma_wait3A_834 : memref<512x8xf32, #tpu.memory_space<vmem>>) dst(%dma_wait3A_831 : memref<512x8xf32, #tpu.memory_space<vmem_shared>>)
      tpu.yield
    }) : () -> ()
    %barrier3A_39 = arith.constant 0 : index
    tpu.barrier barrier_id(%barrier3A_39)
    %mul3A_40 = arith.constant 32 : i32
    %mul3A_41 = arith.muli %arg0, %mul3A_40 : i32
    %add3A_42 = arith.constant 1 : i32
    %add3A_43 = arith.addi %mul3A_41, %add3A_42 : i32
    %mul3A_44 = arith.constant 65536 : i32
    %mul3A_45 = arith.muli %add3A_43, %mul3A_44 : i32
    %scan3A_46 = arith.constant 0 : i32
    %scan3A_47 = arith.constant 0 : i32
    %scan3A_48 = arith.constant 256 : i32
    %scan3A_49 = arith.addi %scan3A_47, %scan3A_48 : i32
    %scan3A_50 = arith.constant 1 : i32
    scf.for %scan3A_815 = %scan3A_47 to %scan3A_49 step %scan3A_50  : i32 {
      %mul3A_816 = arith.constant 16 : i32
      %mul3A_817 = arith.muli %scan3A_815, %mul3A_816 : i32
      %get3A = arith.index_cast %mul3A_817 : i32 to index
      %get3A_818 = tpu.vector_load %arg11[%get3A] {strides = array<i32>} : memref<4096xi32, #tpu.memory_space<vmem>>, vector<16xi32>,
      %get3A_819 = vector.shape_cast %get3A_818 : vector<16xi32> to vector<16xi32>
      %iota3A = tpu.iota {dimensions = array<i32: 0>} : vector<16xi32>
      %mul3A_820 = arith.constant 16 : i32
      %mul3A_821 = arith.muli %scan3A_815, %mul3A_820 : i32
      %add3A_822 = arith.addi %mul3A_0, %mul3A_821 : i32
      %add3A_823 = vector.broadcast %add3A_822 : i32 to vector<16xi32>
      %add3A_824 = arith.addi %add3A_823, %iota3A : vector<16xi32>
      %and3A = arith.constant 8191 : i32
      %and3A_825 = vector.broadcast %and3A : i32 to vector<16xi32>
      %and3A_826 = arith.andi %add3A_824, %and3A_825 : vector<16xi32>
      %add3A_827 = arith.constant 65536 : i32
      %add3A_828 = vector.broadcast %add3A_827 : i32 to vector<16xi32>
      %add3A_829 = arith.addi %add3A_828, %and3A_826 : vector<16xi32>
      %ge3A = vector.broadcast %mul3A_45 : i32 to vector<16xi32>
      %ge3A_830 = arith.cmpi sge, %get3A_819, %ge3A : vector<16xi32>
      %add3A_831 = arith.constant 65536 : i32
      %add3A_832 = arith.addi %mul3A_45, %add3A_831 : i32
      %lt3A = vector.broadcast %add3A_832 : i32 to vector<16xi32>
      %lt3A_833 = arith.cmpi slt, %get3A_819, %lt3A : vector<16xi32>
      %and3A_834 = arith.andi %ge3A_830, %lt3A_833 : vector<16xi1>
      %sub3A = vector.broadcast %mul3A_45 : i32 to vector<16xi32>
      %sub3A_835 = arith.subi %get3A_819, %sub3A : vector<16xi32>
      %select_n3A = arith.select %and3A_834, %sub3A_835, %add3A_829 : vector<16xi1>, vector<16xi32>
      %mul3A_836 = arith.constant 16 : i32
      %mul3A_837 = arith.muli %scan3A_815, %mul3A_836 : i32
      %swap3A = arith.index_cast %mul3A_837 : i32 to index
      %swap3A_838 = tpu.vector_load %arg12[%swap3A] {strides = array<i32>} : memref<4096xi32, #tpu.memory_space<vmem>>, vector<16xi32>,
      %swap3A_839 = vector.shape_cast %swap3A_838 : vector<16xi32> to vector<16xi32>
      %swap3A_840 = vector.shape_cast %select_n3A : vector<16xi32> to vector<16xi32>
      tpu.vector_store %arg12[%swap3A], %swap3A_840 {strides = array<i32>} : memref<4096xi32, #tpu.memory_space<vmem>>, vector<16xi32>,
    }
    %scan3A_51 = arith.constant 256 : i32
    "tpu.region"() ({
      %run_scoped3A = tpu.sem_alloc : memref<!tpu.dma_semaphore, #tpu.memory_space<semaphore_mem>>
      %dma_start3A_815 = arith.constant 0 : i32
      %dma_start3A_816 = arith.constant 0 : i32
      %dma_start3A_817 = tpu.memref_slice %arg15[%dma_start3A_815, %dma_start3A_816] : memref<73728x8xf32, #tpu.memory_space<vmem_shared>> -> memref<73728x8xf32, #tpu.memory_space<vmem_shared>>
      tpu.enqueue_indirect_dma source(%arg13 : memref<4096x8xf32, #tpu.memory_space<vmem>>) target(%dma_start3A_817 : memref<73728x8xf32, #tpu.memory_space<vmem_shared>>) offsets(%arg12 : memref<4096xi32, #tpu.memory_space<vmem>>) semaphore(%run_scoped3A : memref<!tpu.dma_semaphore, #tpu.memory_space<semaphore_mem>>) {add = true}
      %dma_wait3A_818 = arith.constant 0 : i32
      %dma_wait3A_819 = arith.constant 0 : i32
      %dma_wait3A_820 = tpu.memref_slice %arg15[%dma_wait3A_818, %dma_wait3A_819] : memref<73728x8xf32, #tpu.memory_space<vmem_shared>> -> memref<73728x8xf32, #tpu.memory_space<vmem_shared>>
      tpu.wait_indirect_dma semaphore(%run_scoped3A : memref<!tpu.dma_semaphore, #tpu.memory_space<semaphore_mem>>) src(%arg13 : memref<4096x8xf32, #tpu.memory_space<vmem>>) dst(%dma_wait3A_820 : memref<73728x8xf32, #tpu.memory_space<vmem_shared>>)
      tpu.yield
    }) : () -> ()
    %barrier3A_52 = arith.constant 0 : index
    tpu.barrier barrier_id(%barrier3A_52)
    %mul3A_53 = arith.constant 4096 : i32
    %mul3A_54 = arith.muli %arg1, %mul3A_53 : i32
    %mul3A_55 = arith.constant 4096 : i32
    %mul3A_56 = arith.muli %arg1, %mul3A_55 : i32
    %add3A_57 = arith.addi %mul3A_45, %mul3A_56 : i32
    "tpu.region"() ({
      %run_scoped3A = tpu.sem_alloc : memref<!tpu.dma_semaphore, #tpu.memory_space<semaphore_mem>>
      %dma_start3A_815 = arith.constant 0 : i32
      %dma_start3A_816 = tpu.memref_slice %arg7[%add3A_57, %dma_start3A_815] : memref<4194304x8xf32, #tpu.memory_space<hbm>> -> memref<4096x8xf32, #tpu.memory_space<hbm>>
      %dma_start3A_817 = arith.constant 0 : i32
      %dma_start3A_818 = tpu.memref_slice %arg15[%mul3A_54, %dma_start3A_817] : memref<73728x8xf32, #tpu.memory_space<vmem_shared>> -> memref<4096x8xf32, #tpu.memory_space<vmem_shared>>
      tpu.enqueue_dma source(%dma_start3A_818 : memref<4096x8xf32, #tpu.memory_space<vmem_shared>>) target(%dma_start3A_816 : memref<4096x8xf32, #tpu.memory_space<hbm>>) target_semaphore(%run_scoped3A : memref<!tpu.dma_semaphore, #tpu.memory_space<semaphore_mem>>)
      %dma_wait3A_819 = arith.constant 0 : i32
      %dma_wait3A_820 = tpu.memref_slice %arg7[%add3A_57, %dma_wait3A_819] : memref<4194304x8xf32, #tpu.memory_space<hbm>> -> memref<4096x8xf32, #tpu.memory_space<hbm>>
      %dma_wait3A_821 = arith.constant 0 : i32
      %dma_wait3A_822 = tpu.memref_slice %arg15[%mul3A_54, %dma_wait3A_821] : memref<73728x8xf32, #tpu.memory_space<vmem_shared>> -> memref<4096x8xf32, #tpu.memory_space<vmem_shared>>
      tpu.wait_dma2 semaphore(%run_scoped3A : memref<!tpu.dma_semaphore, #tpu.memory_space<semaphore_mem>>) src(%dma_wait3A_822 : memref<4096x8xf32, #tpu.memory_space<vmem_shared>>) dst(%dma_wait3A_820 : memref<4096x8xf32, #tpu.memory_space<hbm>>)
      tpu.yield
    }) : () -> ()
    %mul3A_58 = arith.constant 4096 : i32
    %mul3A_59 = arith.muli %arg1, %mul3A_58 : i32
    "tpu.region"() ({
      %run_scoped3A = tpu.sem_alloc : memref<!tpu.dma_semaphore, #tpu.memory_space<semaphore_mem>>
      %dma_start3A_815 = arith.constant 0 : i32
      %dma_start3A_816 = tpu.memref_slice %arg15[%mul3A_59, %dma_start3A_815] : memref<73728x8xf32, #tpu.memory_space<vmem_shared>> -> memref<4096x8xf32, #tpu.memory_space<vmem_shared>>
      %dma_start3A_817 = arith.constant 0 : i32
      %dma_start3A_818 = tpu.memref_slice %arg15[%mul3A_59, %dma_start3A_817] : memref<73728x8xf32, #tpu.memory_space<vmem_shared>> -> memref<4096x8xf32, #tpu.memory_space<vmem_shared>>
      tpu.enqueue_dma source(%arg14 : memref<4096x8xf32, #tpu.memory_space<vmem>>) target(%dma_start3A_818 : memref<4096x8xf32, #tpu.memory_space<vmem_shared>>) target_semaphore(%run_scoped3A : memref<!tpu.dma_semaphore, #tpu.memory_space<semaphore_mem>>)
      %dma_wait3A_819 = arith.constant 0 : i32
      %dma_wait3A_820 = tpu.memref_slice %arg15[%mul3A_59, %dma_wait3A_819] : memref<73728x8xf32, #tpu.memory_space<vmem_shared>> -> memref<4096x8xf32, #tpu.memory_space<vmem_shared>>
      %dma_wait3A_821 = arith.constant 0 : i32
      %dma_wait3A_822 = tpu.memref_slice %arg15[%mul3A_59, %dma_wait3A_821] : memref<73728x8xf32, #tpu.memory_space<vmem_shared>> -> memref<4096x8xf32, #tpu.memory_space<vmem_shared>>
      tpu.wait_dma2 semaphore(%run_scoped3A : memref<!tpu.dma_semaphore, #tpu.memory_space<semaphore_mem>>) src(%arg14 : memref<4096x8xf32, #tpu.memory_space<vmem>>) dst(%dma_wait3A_822 : memref<4096x8xf32, #tpu.memory_space<vmem_shared>>)
      tpu.yield
    }) : () -> ()
    %mul3A_60 = arith.constant 512 : i32
    %mul3A_61 = arith.muli %arg1, %mul3A_60 : i32
    %add3A_62 = arith.constant 65536 : i32
    %add3A_63 = arith.addi %add3A_62, %mul3A_61 : i32
    "tpu.region"() ({
      %run_scoped3A = tpu.sem_alloc : memref<!tpu.dma_semaphore, #tpu.memory_space<semaphore_mem>>
      %dma_start3A_815 = arith.constant 0 : i32
      %dma_start3A_816 = arith.constant 0 : i32
      %dma_start3A_817 = tpu.memref_slice %arg14[%dma_start3A_815, %dma_start3A_816] : memref<4096x8xf32, #tpu.memory_space<vmem>> -> memref<512x8xf32, #tpu.memory_space<vmem>>
      %dma_start3A_818 = arith.constant 0 : i32
      %dma_start3A_819 = tpu.memref_slice %arg15[%add3A_63, %dma_start3A_818] : memref<73728x8xf32, #tpu.memory_space<vmem_shared>> -> memref<512x8xf32, #tpu.memory_space<vmem_shared>>
      %dma_start3A_820 = arith.constant 0 : i32
      %dma_start3A_821 = tpu.memref_slice %arg15[%add3A_63, %dma_start3A_820] : memref<73728x8xf32, #tpu.memory_space<vmem_shared>> -> memref<512x8xf32, #tpu.memory_space<vmem_shared>>
      %dma_start3A_822 = arith.constant 0 : i32
      %dma_start3A_823 = arith.constant 0 : i32
      %dma_start3A_824 = tpu.memref_slice %arg14[%dma_start3A_822, %dma_start3A_823] : memref<4096x8xf32, #tpu.memory_space<vmem>> -> memref<512x8xf32, #tpu.memory_space<vmem>>
      tpu.enqueue_dma source(%dma_start3A_824 : memref<512x8xf32, #tpu.memory_space<vmem>>) target(%dma_start3A_821 : memref<512x8xf32, #tpu.memory_space<vmem_shared>>) target_semaphore(%run_scoped3A : memref<!tpu.dma_semaphore, #tpu.memory_space<semaphore_mem>>)
      %dma_wait3A_825 = arith.constant 0 : i32
      %dma_wait3A_826 = arith.constant 0 : i32
      %dma_wait3A_827 = tpu.memref_slice %arg14[%dma_wait3A_825, %dma_wait3A_826] : memref<4096x8xf32, #tpu.memory_space<vmem>> -> memref<512x8xf32, #tpu.memory_space<vmem>>
      %dma_wait3A_828 = arith.constant 0 : i32
      %dma_wait3A_829 = tpu.memref_slice %arg15[%add3A_63, %dma_wait3A_828] : memref<73728x8xf32, #tpu.memory_space<vmem_shared>> -> memref<512x8xf32, #tpu.memory_space<vmem_shared>>
      %dma_wait3A_830 = arith.constant 0 : i32
      %dma_wait3A_831 = tpu.memref_slice %arg15[%add3A_63, %dma_wait3A_830] : memref<73728x8xf32, #tpu.memory_space<vmem_shared>> -> memref<512x8xf32, #tpu.memory_space<vmem_shared>>
      %dma_wait3A_832 = arith.constant 0 : i32
      %dma_wait3A_833 = arith.constant 0 : i32
      %dma_wait3A_834 = tpu.memref_slice %arg14[%dma_wait3A_832, %dma_wait3A_833] : memref<4096x8xf32, #tpu.memory_space<vmem>> -> memref<512x8xf32, #tpu.memory_space<vmem>>
      tpu.wait_dma2 semaphore(%run_scoped3A : memref<!tpu.dma_semaphore, #tpu.memory_space<semaphore_mem>>) src(%dma_wait3A_834 : memref<512x8xf32, #tpu.memory_space<vmem>>) dst(%dma_wait3A_831 : memref<512x8xf32, #tpu.memory_space<vmem_shared>>)
      tpu.yield
    }) : () -> ()
    %barrier3A_64 = arith.constant 0 : index
    tpu.barrier barrier_id(%barrier3A_64)
    %mul3A_65 = arith.constant 32 : i32
    %mul3A_66 = arith.muli %arg0, %mul3A_65 : i32
    %add3A_67 = arith.constant 2 : i32
    %add3A_68 = arith.addi %mul3A_66, %add3A_67 : i32
    %mul3A_69 = arith.constant 65536 : i32
    %mul3A_70 = arith.muli %add3A_68, %mul3A_69 : i32
    %scan3A_71 = arith.constant 0 : i32
    %scan3A_72 = arith.constant 0 : i32
    %scan3A_73 = arith.constant 256 : i32
    %scan3A_74 = arith.addi %scan3A_72, %scan3A_73 : i32
    %scan3A_75 = arith.constant 1 : i32
    scf.for %scan3A_815 = %scan3A_72 to %scan3A_74 step %scan3A_75  : i32 {
      %mul3A_816 = arith.constant 16 : i32
      %mul3A_817 = arith.muli %scan3A_815, %mul3A_816 : i32
      %get3A = arith.index_cast %mul3A_817 : i32 to index
      %get3A_818 = tpu.vector_load %arg11[%get3A] {strides = array<i32>} : memref<4096xi32, #tpu.memory_space<vmem>>, vector<16xi32>,
      %get3A_819 = vector.shape_cast %get3A_818 : vector<16xi32> to vector<16xi32>
      %iota3A = tpu.iota {dimensions = array<i32: 0>} : vector<16xi32>
      %mul3A_820 = arith.constant 16 : i32
      %mul3A_821 = arith.muli %scan3A_815, %mul3A_820 : i32
      %add3A_822 = arith.addi %mul3A_0, %mul3A_821 : i32
      %add3A_823 = vector.broadcast %add3A_822 : i32 to vector<16xi32>
      %add3A_824 = arith.addi %add3A_823, %iota3A : vector<16xi32>
      %and3A = arith.constant 8191 : i32
      %and3A_825 = vector.broadcast %and3A : i32 to vector<16xi32>
      %and3A_826 = arith.andi %add3A_824, %and3A_825 : vector<16xi32>
      %add3A_827 = arith.constant 65536 : i32
      %add3A_828 = vector.broadcast %add3A_827 : i32 to vector<16xi32>
      %add3A_829 = arith.addi %add3A_828, %and3A_826 : vector<16xi32>
      %ge3A = vector.broadcast %mul3A_70 : i32 to vector<16xi32>
      %ge3A_830 = arith.cmpi sge, %get3A_819, %ge3A : vector<16xi32>
      %add3A_831 = arith.constant 65536 : i32
      %add3A_832 = arith.addi %mul3A_70, %add3A_831 : i32
      %lt3A = vector.broadcast %add3A_832 : i32 to vector<16xi32>
      %lt3A_833 = arith.cmpi slt, %get3A_819, %lt3A : vector<16xi32>
      %and3A_834 = arith.andi %ge3A_830, %lt3A_833 : vector<16xi1>
      %sub3A = vector.broadcast %mul3A_70 : i32 to vector<16xi32>
      %sub3A_835 = arith.subi %get3A_819, %sub3A : vector<16xi32>
      %select_n3A = arith.select %and3A_834, %sub3A_835, %add3A_829 : vector<16xi1>, vector<16xi32>
      %mul3A_836 = arith.constant 16 : i32
      %mul3A_837 = arith.muli %scan3A_815, %mul3A_836 : i32
      %swap3A = arith.index_cast %mul3A_837 : i32 to index
      %swap3A_838 = tpu.vector_load %arg12[%swap3A] {strides = array<i32>} : memref<4096xi32, #tpu.memory_space<vmem>>, vector<16xi32>,
      %swap3A_839 = vector.shape_cast %swap3A_838 : vector<16xi32> to vector<16xi32>
      %swap3A_840 = vector.shape_cast %select_n3A : vector<16xi32> to vector<16xi32>
      tpu.vector_store %arg12[%swap3A], %swap3A_840 {strides = array<i32>} : memref<4096xi32, #tpu.memory_space<vmem>>, vector<16xi32>,
    }
    %scan3A_76 = arith.constant 256 : i32
    "tpu.region"() ({
      %run_scoped3A = tpu.sem_alloc : memref<!tpu.dma_semaphore, #tpu.memory_space<semaphore_mem>>
      %dma_start3A_815 = arith.constant 0 : i32
      %dma_start3A_816 = arith.constant 0 : i32
      %dma_start3A_817 = tpu.memref_slice %arg15[%dma_start3A_815, %dma_start3A_816] : memref<73728x8xf32, #tpu.memory_space<vmem_shared>> -> memref<73728x8xf32, #tpu.memory_space<vmem_shared>>
      tpu.enqueue_indirect_dma source(%arg13 : memref<4096x8xf32, #tpu.memory_space<vmem>>) target(%dma_start3A_817 : memref<73728x8xf32, #tpu.memory_space<vmem_shared>>) offsets(%arg12 : memref<4096xi32, #tpu.memory_space<vmem>>) semaphore(%run_scoped3A : memref<!tpu.dma_semaphore, #tpu.memory_space<semaphore_mem>>) {add = true}
      %dma_wait3A_818 = arith.constant 0 : i32
      %dma_wait3A_819 = arith.constant 0 : i32
      %dma_wait3A_820 = tpu.memref_slice %arg15[%dma_wait3A_818, %dma_wait3A_819] : memref<73728x8xf32, #tpu.memory_space<vmem_shared>> -> memref<73728x8xf32, #tpu.memory_space<vmem_shared>>
      tpu.wait_indirect_dma semaphore(%run_scoped3A : memref<!tpu.dma_semaphore, #tpu.memory_space<semaphore_mem>>) src(%arg13 : memref<4096x8xf32, #tpu.memory_space<vmem>>) dst(%dma_wait3A_820 : memref<73728x8xf32, #tpu.memory_space<vmem_shared>>)
      tpu.yield
    }) : () -> ()
    %barrier3A_77 = arith.constant 0 : index
    tpu.barrier barrier_id(%barrier3A_77)
    %mul3A_78 = arith.constant 4096 : i32
    %mul3A_79 = arith.muli %arg1, %mul3A_78 : i32
    %mul3A_80 = arith.constant 4096 : i32
    %mul3A_81 = arith.muli %arg1, %mul3A_80 : i32
    %add3A_82 = arith.addi %mul3A_70, %mul3A_81 : i32
    "tpu.region"() ({
      %run_scoped3A = tpu.sem_alloc : memref<!tpu.dma_semaphore, #tpu.memory_space<semaphore_mem>>
      %dma_start3A_815 = arith.constant 0 : i32
      %dma_start3A_816 = tpu.memref_slice %arg7[%add3A_82, %dma_start3A_815] : memref<4194304x8xf32, #tpu.memory_space<hbm>> -> memref<4096x8xf32, #tpu.memory_space<hbm>>
      %dma_start3A_817 = arith.constant 0 : i32
      %dma_start3A_818 = tpu.memref_slice %arg15[%mul3A_79, %dma_start3A_817] : memref<73728x8xf32, #tpu.memory_space<vmem_shared>> -> memref<4096x8xf32, #tpu.memory_space<vmem_shared>>
      tpu.enqueue_dma source(%dma_start3A_818 : memref<4096x8xf32, #tpu.memory_space<vmem_shared>>) target(%dma_start3A_816 : memref<4096x8xf32, #tpu.memory_space<hbm>>) target_semaphore(%run_scoped3A : memref<!tpu.dma_semaphore, #tpu.memory_space<semaphore_mem>>)
      %dma_wait3A_819 = arith.constant 0 : i32
      %dma_wait3A_820 = tpu.memref_slice %arg7[%add3A_82, %dma_wait3A_819] : memref<4194304x8xf32, #tpu.memory_space<hbm>> -> memref<4096x8xf32, #tpu.memory_space<hbm>>
      %dma_wait3A_821 = arith.constant 0 : i32
      %dma_wait3A_822 = tpu.memref_slice %arg15[%mul3A_79, %dma_wait3A_821] : memref<73728x8xf32, #tpu.memory_space<vmem_shared>> -> memref<4096x8xf32, #tpu.memory_space<vmem_shared>>
      tpu.wait_dma2 semaphore(%run_scoped3A : memref<!tpu.dma_semaphore, #tpu.memory_space<semaphore_mem>>) src(%dma_wait3A_822 : memref<4096x8xf32, #tpu.memory_space<vmem_shared>>) dst(%dma_wait3A_820 : memref<4096x8xf32, #tpu.memory_space<hbm>>)
      tpu.yield
    }) : () -> ()
    %mul3A_83 = arith.constant 4096 : i32
    %mul3A_84 = arith.muli %arg1, %mul3A_83 : i32
    "tpu.region"() ({
      %run_scoped3A = tpu.sem_alloc : memref<!tpu.dma_semaphore, #tpu.memory_space<semaphore_mem>>
      %dma_start3A_815 = arith.constant 0 : i32
      %dma_start3A_816 = tpu.memref_slice %arg15[%mul3A_84, %dma_start3A_815] : memref<73728x8xf32, #tpu.memory_space<vmem_shared>> -> memref<4096x8xf32, #tpu.memory_space<vmem_shared>>
      %dma_start3A_817 = arith.constant 0 : i32
      %dma_start3A_818 = tpu.memref_slice %arg15[%mul3A_84, %dma_start3A_817] : memref<73728x8xf32, #tpu.memory_space<vmem_shared>> -> memref<4096x8xf32, #tpu.memory_space<vmem_shared>>
      tpu.enqueue_dma source(%arg14 : memref<4096x8xf32, #tpu.memory_space<vmem>>) target(%dma_start3A_818 : memref<4096x8xf32, #tpu.memory_space<vmem_shared>>) target_semaphore(%run_scoped3A : memref<!tpu.dma_semaphore, #tpu.memory_space<semaphore_mem>>)
      %dma_wait3A_819 = arith.constant 0 : i32
      %dma_wait3A_820 = tpu.memref_slice %arg15[%mul3A_84, %dma_wait3A_819] : memref<73728x8xf32, #tpu.memory_space<vmem_shared>> -> memref<4096x8xf32, #tpu.memory_space<vmem_shared>>
      %dma_wait3A_821 = arith.constant 0 : i32
      %dma_wait3A_822 = tpu.memref_slice %arg15[%mul3A_84, %dma_wait3A_821] : memref<73728x8xf32, #tpu.memory_space<vmem_shared>> -> memref<4096x8xf32, #tpu.memory_space<vmem_shared>>
      tpu.wait_dma2 semaphore(%run_scoped3A : memref<!tpu.dma_semaphore, #tpu.memory_space<semaphore_mem>>) src(%arg14 : memref<4096x8xf32, #tpu.memory_space<vmem>>) dst(%dma_wait3A_822 : memref<4096x8xf32, #tpu.memory_space<vmem_shared>>)
      tpu.yield
    }) : () -> ()
    %mul3A_85 = arith.constant 512 : i32
    %mul3A_86 = arith.muli %arg1, %mul3A_85 : i32
    %add3A_87 = arith.constant 65536 : i32
    %add3A_88 = arith.addi %add3A_87, %mul3A_86 : i32
    "tpu.region"() ({
      %run_scoped3A = tpu.sem_alloc : memref<!tpu.dma_semaphore, #tpu.memory_space<semaphore_mem>>
      %dma_start3A_815 = arith.constant 0 : i32
      %dma_start3A_816 = arith.constant 0 : i32
      %dma_start3A_817 = tpu.memref_slice %arg14[%dma_start3A_815, %dma_start3A_816] : memref<4096x8xf32, #tpu.memory_space<vmem>> -> memref<512x8xf32, #tpu.memory_space<vmem>>
      %dma_start3A_818 = arith.constant 0 : i32
      %dma_start3A_819 = tpu.memref_slice %arg15[%add3A_88, %dma_start3A_818] : memref<73728x8xf32, #tpu.memory_space<vmem_shared>> -> memref<512x8xf32, #tpu.memory_space<vmem_shared>>
      %dma_start3A_820 = arith.constant 0 : i32
      %dma_start3A_821 = tpu.memref_slice %arg15[%add3A_88, %dma_start3A_820] : memref<73728x8xf32, #tpu.memory_space<vmem_shared>> -> memref<512x8xf32, #tpu.memory_space<vmem_shared>>
      %dma_start3A_822 = arith.constant 0 : i32
      %dma_start3A_823 = arith.constant 0 : i32
      %dma_start3A_824 = tpu.memref_slice %arg14[%dma_start3A_822, %dma_start3A_823] : memref<4096x8xf32, #tpu.memory_space<vmem>> -> memref<512x8xf32, #tpu.memory_space<vmem>>
      tpu.enqueue_dma source(%dma_start3A_824 : memref<512x8xf32, #tpu.memory_space<vmem>>) target(%dma_start3A_821 : memref<512x8xf32, #tpu.memory_space<vmem_shared>>) target_semaphore(%run_scoped3A : memref<!tpu.dma_semaphore, #tpu.memory_space<semaphore_mem>>)
      %dma_wait3A_825 = arith.constant 0 : i32
      %dma_wait3A_826 = arith.constant 0 : i32
      %dma_wait3A_827 = tpu.memref_slice %arg14[%dma_wait3A_825, %dma_wait3A_826] : memref<4096x8xf32, #tpu.memory_space<vmem>> -> memref<512x8xf32, #tpu.memory_space<vmem>>
      %dma_wait3A_828 = arith.constant 0 : i32
      %dma_wait3A_829 = tpu.memref_slice %arg15[%add3A_88, %dma_wait3A_828] : memref<73728x8xf32, #tpu.memory_space<vmem_shared>> -> memref<512x8xf32, #tpu.memory_space<vmem_shared>>
      %dma_wait3A_830 = arith.constant 0 : i32
      %dma_wait3A_831 = tpu.memref_slice %arg15[%add3A_88, %dma_wait3A_830] : memref<73728x8xf32, #tpu.memory_space<vmem_shared>> -> memref<512x8xf32, #tpu.memory_space<vmem_shared>>
      %dma_wait3A_832 = arith.constant 0 : i32
      %dma_wait3A_833 = arith.constant 0 : i32
      %dma_wait3A_834 = tpu.memref_slice %arg14[%dma_wait3A_832, %dma_wait3A_833] : memref<4096x8xf32, #tpu.memory_space<vmem>> -> memref<512x8xf32, #tpu.memory_space<vmem>>
      tpu.wait_dma2 semaphore(%run_scoped3A : memref<!tpu.dma_semaphore, #tpu.memory_space<semaphore_mem>>) src(%dma_wait3A_834 : memref<512x8xf32, #tpu.memory_space<vmem>>) dst(%dma_wait3A_831 : memref<512x8xf32, #tpu.memory_space<vmem_shared>>)
      tpu.yield
    }) : () -> ()
    %barrier3A_89 = arith.constant 0 : index
    tpu.barrier barrier_id(%barrier3A_89)
    %mul3A_90 = arith.constant 32 : i32
    %mul3A_91 = arith.muli %arg0, %mul3A_90 : i32
    %add3A_92 = arith.constant 3 : i32
    %add3A_93 = arith.addi %mul3A_91, %add3A_92 : i32
    %mul3A_94 = arith.constant 65536 : i32
    %mul3A_95 = arith.muli %add3A_93, %mul3A_94 : i32
    %scan3A_96 = arith.constant 0 : i32
    %scan3A_97 = arith.constant 0 : i32
    %scan3A_98 = arith.constant 256 : i32
    %scan3A_99 = arith.addi %scan3A_97, %scan3A_98 : i32
    %scan3A_100 = arith.constant 1 : i32
    scf.for %scan3A_815 = %scan3A_97 to %scan3A_99 step %scan3A_100  : i32 {
      %mul3A_816 = arith.constant 16 : i32
      %mul3A_817 = arith.muli %scan3A_815, %mul3A_816 : i32
      %get3A = arith.index_cast %mul3A_817 : i32 to index
      %get3A_818 = tpu.vector_load %arg11[%get3A] {strides = array<i32>} : memref<4096xi32, #tpu.memory_space<vmem>>, vector<16xi32>,
      %get3A_819 = vector.shape_cast %get3A_818 : vector<16xi32> to vector<16xi32>
      %iota3A = tpu.iota {dimensions = array<i32: 0>} : vector<16xi32>
      %mul3A_820 = arith.constant 16 : i32
      %mul3A_821 = arith.muli %scan3A_815, %mul3A_820 : i32
      %add3A_822 = arith.addi %mul3A_0, %mul3A_821 : i32
      %add3A_823 = vector.broadcast %add3A_822 : i32 to vector<16xi32>
      %add3A_824 = arith.addi %add3A_823, %iota3A : vector<16xi32>
      %and3A = arith.constant 8191 : i32
      %and3A_825 = vector.broadcast %and3A : i32 to vector<16xi32>
      %and3A_826 = arith.andi %add3A_824, %and3A_825 : vector<16xi32>
      %add3A_827 = arith.constant 65536 : i32
      %add3A_828 = vector.broadcast %add3A_827 : i32 to vector<16xi32>
      %add3A_829 = arith.addi %add3A_828, %and3A_826 : vector<16xi32>
      %ge3A = vector.broadcast %mul3A_95 : i32 to vector<16xi32>
      %ge3A_830 = arith.cmpi sge, %get3A_819, %ge3A : vector<16xi32>
      %add3A_831 = arith.constant 65536 : i32
      %add3A_832 = arith.addi %mul3A_95, %add3A_831 : i32
      %lt3A = vector.broadcast %add3A_832 : i32 to vector<16xi32>
      %lt3A_833 = arith.cmpi slt, %get3A_819, %lt3A : vector<16xi32>
      %and3A_834 = arith.andi %ge3A_830, %lt3A_833 : vector<16xi1>
      %sub3A = vector.broadcast %mul3A_95 : i32 to vector<16xi32>
      %sub3A_835 = arith.subi %get3A_819, %sub3A : vector<16xi32>
      %select_n3A = arith.select %and3A_834, %sub3A_835, %add3A_829 : vector<16xi1>, vector<16xi32>
      %mul3A_836 = arith.constant 16 : i32
      %mul3A_837 = arith.muli %scan3A_815, %mul3A_836 : i32
      %swap3A = arith.index_cast %mul3A_837 : i32 to index
      %swap3A_838 = tpu.vector_load %arg12[%swap3A] {strides = array<i32>} : memref<4096xi32, #tpu.memory_space<vmem>>, vector<16xi32>,
      %swap3A_839 = vector.shape_cast %swap3A_838 : vector<16xi32> to vector<16xi32>
      %swap3A_840 = vector.shape_cast %select_n3A : vector<16xi32> to vector<16xi32>
      tpu.vector_store %arg12[%swap3A], %swap3A_840 {strides = array<i32>} : memref<4096xi32, #tpu.memory_space<vmem>>, vector<16xi32>,
    }
    %scan3A_101 = arith.constant 256 : i32
    "tpu.region"() ({
      %run_scoped3A = tpu.sem_alloc : memref<!tpu.dma_semaphore, #tpu.memory_space<semaphore_mem>>
      %dma_start3A_815 = arith.constant 0 : i32
      %dma_start3A_816 = arith.constant 0 : i32
      %dma_start3A_817 = tpu.memref_slice %arg15[%dma_start3A_815, %dma_start3A_816] : memref<73728x8xf32, #tpu.memory_space<vmem_shared>> -> memref<73728x8xf32, #tpu.memory_space<vmem_shared>>
      tpu.enqueue_indirect_dma source(%arg13 : memref<4096x8xf32, #tpu.memory_space<vmem>>) target(%dma_start3A_817 : memref<73728x8xf32, #tpu.memory_space<vmem_shared>>) offsets(%arg12 : memref<4096xi32, #tpu.memory_space<vmem>>) semaphore(%run_scoped3A : memref<!tpu.dma_semaphore, #tpu.memory_space<semaphore_mem>>) {add = true}
      %dma_wait3A_818 = arith.constant 0 : i32
      %dma_wait3A_819 = arith.constant 0 : i32
      %dma_wait3A_820 = tpu.memref_slice %arg15[%dma_wait3A_818, %dma_wait3A_819] : memref<73728x8xf32, #tpu.memory_space<vmem_shared>> -> memref<73728x8xf32, #tpu.memory_space<vmem_shared>>
      tpu.wait_indirect_dma semaphore(%run_scoped3A : memref<!tpu.dma_semaphore, #tpu.memory_space<semaphore_mem>>) src(%arg13 : memref<4096x8xf32, #tpu.memory_space<vmem>>) dst(%dma_wait3A_820 : memref<73728x8xf32, #tpu.memory_space<vmem_shared>>)
      tpu.yield
    }) : () -> ()
    %barrier3A_102 = arith.constant 0 : index
    tpu.barrier barrier_id(%barrier3A_102)
    %mul3A_103 = arith.constant 4096 : i32
    %mul3A_104 = arith.muli %arg1, %mul3A_103 : i32
    %mul3A_105 = arith.constant 4096 : i32
    %mul3A_106 = arith.muli %arg1, %mul3A_105 : i32
    %add3A_107 = arith.addi %mul3A_95, %mul3A_106 : i32
    "tpu.region"() ({
      %run_scoped3A = tpu.sem_alloc : memref<!tpu.dma_semaphore, #tpu.memory_space<semaphore_mem>>
      %dma_start3A_815 = arith.constant 0 : i32
      %dma_start3A_816 = tpu.memref_slice %arg7[%add3A_107, %dma_start3A_815] : memref<4194304x8xf32, #tpu.memory_space<hbm>> -> memref<4096x8xf32, #tpu.memory_space<hbm>>
      %dma_start3A_817 = arith.constant 0 : i32
      %dma_start3A_818 = tpu.memref_slice %arg15[%mul3A_104, %dma_start3A_817] : memref<73728x8xf32, #tpu.memory_space<vmem_shared>> -> memref<4096x8xf32, #tpu.memory_space<vmem_shared>>
      tpu.enqueue_dma source(%dma_start3A_818 : memref<4096x8xf32, #tpu.memory_space<vmem_shared>>) target(%dma_start3A_816 : memref<4096x8xf32, #tpu.memory_space<hbm>>) target_semaphore(%run_scoped3A : memref<!tpu.dma_semaphore, #tpu.memory_space<semaphore_mem>>)
      %dma_wait3A_819 = arith.constant 0 : i32
      %dma_wait3A_820 = tpu.memref_slice %arg7[%add3A_107, %dma_wait3A_819] : memref<4194304x8xf32, #tpu.memory_space<hbm>> -> memref<4096x8xf32, #tpu.memory_space<hbm>>
      %dma_wait3A_821 = arith.constant 0 : i32
      %dma_wait3A_822 = tpu.memref_slice %arg15[%mul3A_104, %dma_wait3A_821] : memref<73728x8xf32, #tpu.memory_space<vmem_shared>> -> memref<4096x8xf32, #tpu.memory_space<vmem_shared>>
      tpu.wait_dma2 semaphore(%run_scoped3A : memref<!tpu.dma_semaphore, #tpu.memory_space<semaphore_mem>>) src(%dma_wait3A_822 : memref<4096x8xf32, #tpu.memory_space<vmem_shared>>) dst(%dma_wait3A_820 : memref<4096x8xf32, #tpu.memory_space<hbm>>)
      tpu.yield
    }) : () -> ()
    %mul3A_108 = arith.constant 4096 : i32
    %mul3A_109 = arith.muli %arg1, %mul3A_108 : i32
    "tpu.region"() ({
      %run_scoped3A = tpu.sem_alloc : memref<!tpu.dma_semaphore, #tpu.memory_space<semaphore_mem>>
      %dma_start3A_815 = arith.constant 0 : i32
      %dma_start3A_816 = tpu.memref_slice %arg15[%mul3A_109, %dma_start3A_815] : memref<73728x8xf32, #tpu.memory_space<vmem_shared>> -> memref<4096x8xf32, #tpu.memory_space<vmem_shared>>
      %dma_start3A_817 = arith.constant 0 : i32
      %dma_start3A_818 = tpu.memref_slice %arg15[%mul3A_109, %dma_start3A_817] : memref<73728x8xf32, #tpu.memory_space<vmem_shared>> -> memref<4096x8xf32, #tpu.memory_space<vmem_shared>>
      tpu.enqueue_dma source(%arg14 : memref<4096x8xf32, #tpu.memory_space<vmem>>) target(%dma_start3A_818 : memref<4096x8xf32, #tpu.memory_space<vmem_shared>>) target_semaphore(%run_scoped3A : memref<!tpu.dma_semaphore, #tpu.memory_space<semaphore_mem>>)
      %dma_wait3A_819 = arith.constant 0 : i32
      %dma_wait3A_820 = tpu.memref_slice %arg15[%mul3A_109, %dma_wait3A_819] : memref<73728x8xf32, #tpu.memory_space<vmem_shared>> -> memref<4096x8xf32, #tpu.memory_space<vmem_shared>>
      %dma_wait3A_821 = arith.constant 0 : i32
      %dma_wait3A_822 = tpu.memref_slice %arg15[%mul3A_109, %dma_wait3A_821] : memref<73728x8xf32, #tpu.memory_space<vmem_shared>> -> memref<4096x8xf32, #tpu.memory_space<vmem_shared>>
      tpu.wait_dma2 semaphore(%run_scoped3A : memref<!tpu.dma_semaphore, #tpu.memory_space<semaphore_mem>>) src(%arg14 : memref<4096x8xf32, #tpu.memory_space<vmem>>) dst(%dma_wait3A_822 : memref<4096x8xf32, #tpu.memory_space<vmem_shared>>)
      tpu.yield
    }) : () -> ()
    %mul3A_110 = arith.constant 512 : i32
    %mul3A_111 = arith.muli %arg1, %mul3A_110 : i32
    %add3A_112 = arith.constant 65536 : i32
    %add3A_113 = arith.addi %add3A_112, %mul3A_111 : i32
    "tpu.region"() ({
      %run_scoped3A = tpu.sem_alloc : memref<!tpu.dma_semaphore, #tpu.memory_space<semaphore_mem>>
      %dma_start3A_815 = arith.constant 0 : i32
      %dma_start3A_816 = arith.constant 0 : i32
      %dma_start3A_817 = tpu.memref_slice %arg14[%dma_start3A_815, %dma_start3A_816] : memref<4096x8xf32, #tpu.memory_space<vmem>> -> memref<512x8xf32, #tpu.memory_space<vmem>>
      %dma_start3A_818 = arith.constant 0 : i32
      %dma_start3A_819 = tpu.memref_slice %arg15[%add3A_113, %dma_start3A_818] : memref<73728x8xf32, #tpu.memory_space<vmem_shared>> -> memref<512x8xf32, #tpu.memory_space<vmem_shared>>
      %dma_start3A_820 = arith.constant 0 : i32
      %dma_start3A_821 = tpu.memref_slice %arg15[%add3A_113, %dma_start3A_820] : memref<73728x8xf32, #tpu.memory_space<vmem_shared>> -> memref<512x8xf32, #tpu.memory_space<vmem_shared>>
      %dma_start3A_822 = arith.constant 0 : i32
      %dma_start3A_823 = arith.constant 0 : i32
      %dma_start3A_824 = tpu.memref_slice %arg14[%dma_start3A_822, %dma_start3A_823] : memref<4096x8xf32, #tpu.memory_space<vmem>> -> memref<512x8xf32, #tpu.memory_space<vmem>>
      tpu.enqueue_dma source(%dma_start3A_824 : memref<512x8xf32, #tpu.memory_space<vmem>>) target(%dma_start3A_821 : memref<512x8xf32, #tpu.memory_space<vmem_shared>>) target_semaphore(%run_scoped3A : memref<!tpu.dma_semaphore, #tpu.memory_space<semaphore_mem>>)
      %dma_wait3A_825 = arith.constant 0 : i32
      %dma_wait3A_826 = arith.constant 0 : i32
      %dma_wait3A_827 = tpu.memref_slice %arg14[%dma_wait3A_825, %dma_wait3A_826] : memref<4096x8xf32, #tpu.memory_space<vmem>> -> memref<512x8xf32, #tpu.memory_space<vmem>>
      %dma_wait3A_828 = arith.constant 0 : i32
      %dma_wait3A_829 = tpu.memref_slice %arg15[%add3A_113, %dma_wait3A_828] : memref<73728x8xf32, #tpu.memory_space<vmem_shared>> -> memref<512x8xf32, #tpu.memory_space<vmem_shared>>
      %dma_wait3A_830 = arith.constant 0 : i32
      %dma_wait3A_831 = tpu.memref_slice %arg15[%add3A_113, %dma_wait3A_830] : memref<73728x8xf32, #tpu.memory_space<vmem_shared>> -> memref<512x8xf32, #tpu.memory_space<vmem_shared>>
      %dma_wait3A_832 = arith.constant 0 : i32
      %dma_wait3A_833 = arith.constant 0 : i32
      %dma_wait3A_834 = tpu.memref_slice %arg14[%dma_wait3A_832, %dma_wait3A_833] : memref<4096x8xf32, #tpu.memory_space<vmem>> -> memref<512x8xf32, #tpu.memory_space<vmem>>
      tpu.wait_dma2 semaphore(%run_scoped3A : memref<!tpu.dma_semaphore, #tpu.memory_space<semaphore_mem>>) src(%dma_wait3A_834 : memref<512x8xf32, #tpu.memory_space<vmem>>) dst(%dma_wait3A_831 : memref<512x8xf32, #tpu.memory_space<vmem_shared>>)
      tpu.yield
    }) : () -> ()
    %barrier3A_114 = arith.constant 0 : index
    tpu.barrier barrier_id(%barrier3A_114)
    %mul3A_115 = arith.constant 32 : i32
    %mul3A_116 = arith.muli %arg0, %mul3A_115 : i32
    %add3A_117 = arith.constant 4 : i32
    %add3A_118 = arith.addi %mul3A_116, %add3A_117 : i32
    %mul3A_119 = arith.constant 65536 : i32
    %mul3A_120 = arith.muli %add3A_118, %mul3A_119 : i32
    %scan3A_121 = arith.constant 0 : i32
    %scan3A_122 = arith.constant 0 : i32
    %scan3A_123 = arith.constant 256 : i32
    %scan3A_124 = arith.addi %scan3A_122, %scan3A_123 : i32
    %scan3A_125 = arith.constant 1 : i32
    scf.for %scan3A_815 = %scan3A_122 to %scan3A_124 step %scan3A_125  : i32 {
      %mul3A_816 = arith.constant 16 : i32
      %mul3A_817 = arith.muli %scan3A_815, %mul3A_816 : i32
      %get3A = arith.index_cast %mul3A_817 : i32 to index
      %get3A_818 = tpu.vector_load %arg11[%get3A] {strides = array<i32>} : memref<4096xi32, #tpu.memory_space<vmem>>, vector<16xi32>,
      %get3A_819 = vector.shape_cast %get3A_818 : vector<16xi32> to vector<16xi32>
      %iota3A = tpu.iota {dimensions = array<i32: 0>} : vector<16xi32>
      %mul3A_820 = arith.constant 16 : i32
      %mul3A_821 = arith.muli %scan3A_815, %mul3A_820 : i32
      %add3A_822 = arith.addi %mul3A_0, %mul3A_821 : i32
      %add3A_823 = vector.broadcast %add3A_822 : i32 to vector<16xi32>
      %add3A_824 = arith.addi %add3A_823, %iota3A : vector<16xi32>
      %and3A = arith.constant 8191 : i32
      %and3A_825 = vector.broadcast %and3A : i32 to vector<16xi32>
      %and3A_826 = arith.andi %add3A_824, %and3A_825 : vector<16xi32>
      %add3A_827 = arith.constant 65536 : i32
      %add3A_828 = vector.broadcast %add3A_827 : i32 to vector<16xi32>
      %add3A_829 = arith.addi %add3A_828, %and3A_826 : vector<16xi32>
      %ge3A = vector.broadcast %mul3A_120 : i32 to vector<16xi32>
      %ge3A_830 = arith.cmpi sge, %get3A_819, %ge3A : vector<16xi32>
      %add3A_831 = arith.constant 65536 : i32
      %add3A_832 = arith.addi %mul3A_120, %add3A_831 : i32
      %lt3A = vector.broadcast %add3A_832 : i32 to vector<16xi32>
      %lt3A_833 = arith.cmpi slt, %get3A_819, %lt3A : vector<16xi32>
      %and3A_834 = arith.andi %ge3A_830, %lt3A_833 : vector<16xi1>
      %sub3A = vector.broadcast %mul3A_120 : i32 to vector<16xi32>
      %sub3A_835 = arith.subi %get3A_819, %sub3A : vector<16xi32>
      %select_n3A = arith.select %and3A_834, %sub3A_835, %add3A_829 : vector<16xi1>, vector<16xi32>
      %mul3A_836 = arith.constant 16 : i32
      %mul3A_837 = arith.muli %scan3A_815, %mul3A_836 : i32
      %swap3A = arith.index_cast %mul3A_837 : i32 to index
      %swap3A_838 = tpu.vector_load %arg12[%swap3A] {strides = array<i32>} : memref<4096xi32, #tpu.memory_space<vmem>>, vector<16xi32>,
      %swap3A_839 = vector.shape_cast %swap3A_838 : vector<16xi32> to vector<16xi32>
      %swap3A_840 = vector.shape_cast %select_n3A : vector<16xi32> to vector<16xi32>
      tpu.vector_store %arg12[%swap3A], %swap3A_840 {strides = array<i32>} : memref<4096xi32, #tpu.memory_space<vmem>>, vector<16xi32>,
    }
    %scan3A_126 = arith.constant 256 : i32
    "tpu.region"() ({
      %run_scoped3A = tpu.sem_alloc : memref<!tpu.dma_semaphore, #tpu.memory_space<semaphore_mem>>
      %dma_start3A_815 = arith.constant 0 : i32
      %dma_start3A_816 = arith.constant 0 : i32
      %dma_start3A_817 = tpu.memref_slice %arg15[%dma_start3A_815, %dma_start3A_816] : memref<73728x8xf32, #tpu.memory_space<vmem_shared>> -> memref<73728x8xf32, #tpu.memory_space<vmem_shared>>
      tpu.enqueue_indirect_dma source(%arg13 : memref<4096x8xf32, #tpu.memory_space<vmem>>) target(%dma_start3A_817 : memref<73728x8xf32, #tpu.memory_space<vmem_shared>>) offsets(%arg12 : memref<4096xi32, #tpu.memory_space<vmem>>) semaphore(%run_scoped3A : memref<!tpu.dma_semaphore, #tpu.memory_space<semaphore_mem>>) {add = true}
      %dma_wait3A_818 = arith.constant 0 : i32
      %dma_wait3A_819 = arith.constant 0 : i32
      %dma_wait3A_820 = tpu.memref_slice %arg15[%dma_wait3A_818, %dma_wait3A_819] : memref<73728x8xf32, #tpu.memory_space<vmem_shared>> -> memref<73728x8xf32, #tpu.memory_space<vmem_shared>>
      tpu.wait_indirect_dma semaphore(%run_scoped3A : memref<!tpu.dma_semaphore, #tpu.memory_space<semaphore_mem>>) src(%arg13 : memref<4096x8xf32, #tpu.memory_space<vmem>>) dst(%dma_wait3A_820 : memref<73728x8xf32, #tpu.memory_space<vmem_shared>>)
      tpu.yield
    }) : () -> ()
    %barrier3A_127 = arith.constant 0 : index
    tpu.barrier barrier_id(%barrier3A_127)
    %mul3A_128 = arith.constant 4096 : i32
    %mul3A_129 = arith.muli %arg1, %mul3A_128 : i32
    %mul3A_130 = arith.constant 4096 : i32
    %mul3A_131 = arith.muli %arg1, %mul3A_130 : i32
    %add3A_132 = arith.addi %mul3A_120, %mul3A_131 : i32
    "tpu.region"() ({
      %run_scoped3A = tpu.sem_alloc : memref<!tpu.dma_semaphore, #tpu.memory_space<semaphore_mem>>
      %dma_start3A_815 = arith.constant 0 : i32
      %dma_start3A_816 = tpu.memref_slice %arg7[%add3A_132, %dma_start3A_815] : memref<4194304x8xf32, #tpu.memory_space<hbm>> -> memref<4096x8xf32, #tpu.memory_space<hbm>>
      %dma_start3A_817 = arith.constant 0 : i32
      %dma_start3A_818 = tpu.memref_slice %arg15[%mul3A_129, %dma_start3A_817] : memref<73728x8xf32, #tpu.memory_space<vmem_shared>> -> memref<4096x8xf32, #tpu.memory_space<vmem_shared>>
      tpu.enqueue_dma source(%dma_start3A_818 : memref<4096x8xf32, #tpu.memory_space<vmem_shared>>) target(%dma_start3A_816 : memref<4096x8xf32, #tpu.memory_space<hbm>>) target_semaphore(%run_scoped3A : memref<!tpu.dma_semaphore, #tpu.memory_space<semaphore_mem>>)
      %dma_wait3A_819 = arith.constant 0 : i32
      %dma_wait3A_820 = tpu.memref_slice %arg7[%add3A_132, %dma_wait3A_819] : memref<4194304x8xf32, #tpu.memory_space<hbm>> -> memref<4096x8xf32, #tpu.memory_space<hbm>>
      %dma_wait3A_821 = arith.constant 0 : i32
      %dma_wait3A_822 = tpu.memref_slice %arg15[%mul3A_129, %dma_wait3A_821] : memref<73728x8xf32, #tpu.memory_space<vmem_shared>> -> memref<4096x8xf32, #tpu.memory_space<vmem_shared>>
      tpu.wait_dma2 semaphore(%run_scoped3A : memref<!tpu.dma_semaphore, #tpu.memory_space<semaphore_mem>>) src(%dma_wait3A_822 : memref<4096x8xf32, #tpu.memory_space<vmem_shared>>) dst(%dma_wait3A_820 : memref<4096x8xf32, #tpu.memory_space<hbm>>)
      tpu.yield
    }) : () -> ()
    %mul3A_133 = arith.constant 4096 : i32
    %mul3A_134 = arith.muli %arg1, %mul3A_133 : i32
    "tpu.region"() ({
      %run_scoped3A = tpu.sem_alloc : memref<!tpu.dma_semaphore, #tpu.memory_space<semaphore_mem>>
      %dma_start3A_815 = arith.constant 0 : i32
      %dma_start3A_816 = tpu.memref_slice %arg15[%mul3A_134, %dma_start3A_815] : memref<73728x8xf32, #tpu.memory_space<vmem_shared>> -> memref<4096x8xf32, #tpu.memory_space<vmem_shared>>
      %dma_start3A_817 = arith.constant 0 : i32
      %dma_start3A_818 = tpu.memref_slice %arg15[%mul3A_134, %dma_start3A_817] : memref<73728x8xf32, #tpu.memory_space<vmem_shared>> -> memref<4096x8xf32, #tpu.memory_space<vmem_shared>>
      tpu.enqueue_dma source(%arg14 : memref<4096x8xf32, #tpu.memory_space<vmem>>) target(%dma_start3A_818 : memref<4096x8xf32, #tpu.memory_space<vmem_shared>>) target_semaphore(%run_scoped3A : memref<!tpu.dma_semaphore, #tpu.memory_space<semaphore_mem>>)
      %dma_wait3A_819 = arith.constant 0 : i32
      %dma_wait3A_820 = tpu.memref_slice %arg15[%mul3A_134, %dma_wait3A_819] : memref<73728x8xf32, #tpu.memory_space<vmem_shared>> -> memref<4096x8xf32, #tpu.memory_space<vmem_shared>>
      %dma_wait3A_821 = arith.constant 0 : i32
      %dma_wait3A_822 = tpu.memref_slice %arg15[%mul3A_134, %dma_wait3A_821] : memref<73728x8xf32, #tpu.memory_space<vmem_shared>> -> memref<4096x8xf32, #tpu.memory_space<vmem_shared>>
      tpu.wait_dma2 semaphore(%run_scoped3A : memref<!tpu.dma_semaphore, #tpu.memory_space<semaphore_mem>>) src(%arg14 : memref<4096x8xf32, #tpu.memory_space<vmem>>) dst(%dma_wait3A_822 : memref<4096x8xf32, #tpu.memory_space<vmem_shared>>)
      tpu.yield
    }) : () -> ()
    %mul3A_135 = arith.constant 512 : i32
    %mul3A_136 = arith.muli %arg1, %mul3A_135 : i32
    %add3A_137 = arith.constant 65536 : i32
    %add3A_138 = arith.addi %add3A_137, %mul3A_136 : i32
    "tpu.region"() ({
      %run_scoped3A = tpu.sem_alloc : memref<!tpu.dma_semaphore, #tpu.memory_space<semaphore_mem>>
      %dma_start3A_815 = arith.constant 0 : i32
      %dma_start3A_816 = arith.constant 0 : i32
      %dma_start3A_817 = tpu.memref_slice %arg14[%dma_start3A_815, %dma_start3A_816] : memref<4096x8xf32, #tpu.memory_space<vmem>> -> memref<512x8xf32, #tpu.memory_space<vmem>>
      %dma_start3A_818 = arith.constant 0 : i32
      %dma_start3A_819 = tpu.memref_slice %arg15[%add3A_138, %dma_start3A_818] : memref<73728x8xf32, #tpu.memory_space<vmem_shared>> -> memref<512x8xf32, #tpu.memory_space<vmem_shared>>
      %dma_start3A_820 = arith.constant 0 : i32
      %dma_start3A_821 = tpu.memref_slice %arg15[%add3A_138, %dma_start3A_820] : memref<73728x8xf32, #tpu.memory_space<vmem_shared>> -> memref<512x8xf32, #tpu.memory_space<vmem_shared>>
      %dma_start3A_822 = arith.constant 0 : i32
      %dma_start3A_823 = arith.constant 0 : i32
      %dma_start3A_824 = tpu.memref_slice %arg14[%dma_start3A_822, %dma_start3A_823] : memref<4096x8xf32, #tpu.memory_space<vmem>> -> memref<512x8xf32, #tpu.memory_space<vmem>>
      tpu.enqueue_dma source(%dma_start3A_824 : memref<512x8xf32, #tpu.memory_space<vmem>>) target(%dma_start3A_821 : memref<512x8xf32, #tpu.memory_space<vmem_shared>>) target_semaphore(%run_scoped3A : memref<!tpu.dma_semaphore, #tpu.memory_space<semaphore_mem>>)
      %dma_wait3A_825 = arith.constant 0 : i32
      %dma_wait3A_826 = arith.constant 0 : i32
      %dma_wait3A_827 = tpu.memref_slice %arg14[%dma_wait3A_825, %dma_wait3A_826] : memref<4096x8xf32, #tpu.memory_space<vmem>> -> memref<512x8xf32, #tpu.memory_space<vmem>>
      %dma_wait3A_828 = arith.constant 0 : i32
      %dma_wait3A_829 = tpu.memref_slice %arg15[%add3A_138, %dma_wait3A_828] : memref<73728x8xf32, #tpu.memory_space<vmem_shared>> -> memref<512x8xf32, #tpu.memory_space<vmem_shared>>
      %dma_wait3A_830 = arith.constant 0 : i32
      %dma_wait3A_831 = tpu.memref_slice %arg15[%add3A_138, %dma_wait3A_830] : memref<73728x8xf32, #tpu.memory_space<vmem_shared>> -> memref<512x8xf32, #tpu.memory_space<vmem_shared>>
      %dma_wait3A_832 = arith.constant 0 : i32
      %dma_wait3A_833 = arith.constant 0 : i32
      %dma_wait3A_834 = tpu.memref_slice %arg14[%dma_wait3A_832, %dma_wait3A_833] : memref<4096x8xf32, #tpu.memory_space<vmem>> -> memref<512x8xf32, #tpu.memory_space<vmem>>
      tpu.wait_dma2 semaphore(%run_scoped3A : memref<!tpu.dma_semaphore, #tpu.memory_space<semaphore_mem>>) src(%dma_wait3A_834 : memref<512x8xf32, #tpu.memory_space<vmem>>) dst(%dma_wait3A_831 : memref<512x8xf32, #tpu.memory_space<vmem_shared>>)
      tpu.yield
    }) : () -> ()
    %barrier3A_139 = arith.constant 0 : index
    tpu.barrier barrier_id(%barrier3A_139)
    %mul3A_140 = arith.constant 32 : i32
    %mul3A_141 = arith.muli %arg0, %mul3A_140 : i32
    %add3A_142 = arith.constant 5 : i32
    %add3A_143 = arith.addi %mul3A_141, %add3A_142 : i32
    %mul3A_144 = arith.constant 65536 : i32
    %mul3A_145 = arith.muli %add3A_143, %mul3A_144 : i32
    %scan3A_146 = arith.constant 0 : i32
    %scan3A_147 = arith.constant 0 : i32
    %scan3A_148 = arith.constant 256 : i32
    %scan3A_149 = arith.addi %scan3A_147, %scan3A_148 : i32
    %scan3A_150 = arith.constant 1 : i32
    scf.for %scan3A_815 = %scan3A_147 to %scan3A_149 step %scan3A_150  : i32 {
      %mul3A_816 = arith.constant 16 : i32
      %mul3A_817 = arith.muli %scan3A_815, %mul3A_816 : i32
      %get3A = arith.index_cast %mul3A_817 : i32 to index
      %get3A_818 = tpu.vector_load %arg11[%get3A] {strides = array<i32>} : memref<4096xi32, #tpu.memory_space<vmem>>, vector<16xi32>,
      %get3A_819 = vector.shape_cast %get3A_818 : vector<16xi32> to vector<16xi32>
      %iota3A = tpu.iota {dimensions = array<i32: 0>} : vector<16xi32>
      %mul3A_820 = arith.constant 16 : i32
      %mul3A_821 = arith.muli %scan3A_815, %mul3A_820 : i32
      %add3A_822 = arith.addi %mul3A_0, %mul3A_821 : i32
      %add3A_823 = vector.broadcast %add3A_822 : i32 to vector<16xi32>
      %add3A_824 = arith.addi %add3A_823, %iota3A : vector<16xi32>
      %and3A = arith.constant 8191 : i32
      %and3A_825 = vector.broadcast %and3A : i32 to vector<16xi32>
      %and3A_826 = arith.andi %add3A_824, %and3A_825 : vector<16xi32>
      %add3A_827 = arith.constant 65536 : i32
      %add3A_828 = vector.broadcast %add3A_827 : i32 to vector<16xi32>
      %add3A_829 = arith.addi %add3A_828, %and3A_826 : vector<16xi32>
      %ge3A = vector.broadcast %mul3A_145 : i32 to vector<16xi32>
      %ge3A_830 = arith.cmpi sge, %get3A_819, %ge3A : vector<16xi32>
      %add3A_831 = arith.constant 65536 : i32
      %add3A_832 = arith.addi %mul3A_145, %add3A_831 : i32
      %lt3A = vector.broadcast %add3A_832 : i32 to vector<16xi32>
      %lt3A_833 = arith.cmpi slt, %get3A_819, %lt3A : vector<16xi32>
      %and3A_834 = arith.andi %ge3A_830, %lt3A_833 : vector<16xi1>
      %sub3A = vector.broadcast %mul3A_145 : i32 to vector<16xi32>
      %sub3A_835 = arith.subi %get3A_819, %sub3A : vector<16xi32>
      %select_n3A = arith.select %and3A_834, %sub3A_835, %add3A_829 : vector<16xi1>, vector<16xi32>
      %mul3A_836 = arith.constant 16 : i32
      %mul3A_837 = arith.muli %scan3A_815, %mul3A_836 : i32
      %swap3A = arith.index_cast %mul3A_837 : i32 to index
      %swap3A_838 = tpu.vector_load %arg12[%swap3A] {strides = array<i32>} : memref<4096xi32, #tpu.memory_space<vmem>>, vector<16xi32>,
      %swap3A_839 = vector.shape_cast %swap3A_838 : vector<16xi32> to vector<16xi32>
      %swap3A_840 = vector.shape_cast %select_n3A : vector<16xi32> to vector<16xi32>
      tpu.vector_store %arg12[%swap3A], %swap3A_840 {strides = array<i32>} : memref<4096xi32, #tpu.memory_space<vmem>>, vector<16xi32>,
    }
    %scan3A_151 = arith.constant 256 : i32
    "tpu.region"() ({
      %run_scoped3A = tpu.sem_alloc : memref<!tpu.dma_semaphore, #tpu.memory_space<semaphore_mem>>
      %dma_start3A_815 = arith.constant 0 : i32
      %dma_start3A_816 = arith.constant 0 : i32
      %dma_start3A_817 = tpu.memref_slice %arg15[%dma_start3A_815, %dma_start3A_816] : memref<73728x8xf32, #tpu.memory_space<vmem_shared>> -> memref<73728x8xf32, #tpu.memory_space<vmem_shared>>
      tpu.enqueue_indirect_dma source(%arg13 : memref<4096x8xf32, #tpu.memory_space<vmem>>) target(%dma_start3A_817 : memref<73728x8xf32, #tpu.memory_space<vmem_shared>>) offsets(%arg12 : memref<4096xi32, #tpu.memory_space<vmem>>) semaphore(%run_scoped3A : memref<!tpu.dma_semaphore, #tpu.memory_space<semaphore_mem>>) {add = true}
      %dma_wait3A_818 = arith.constant 0 : i32
      %dma_wait3A_819 = arith.constant 0 : i32
      %dma_wait3A_820 = tpu.memref_slice %arg15[%dma_wait3A_818, %dma_wait3A_819] : memref<73728x8xf32, #tpu.memory_space<vmem_shared>> -> memref<73728x8xf32, #tpu.memory_space<vmem_shared>>
      tpu.wait_indirect_dma semaphore(%run_scoped3A : memref<!tpu.dma_semaphore, #tpu.memory_space<semaphore_mem>>) src(%arg13 : memref<4096x8xf32, #tpu.memory_space<vmem>>) dst(%dma_wait3A_820 : memref<73728x8xf32, #tpu.memory_space<vmem_shared>>)
      tpu.yield
    }) : () -> ()
    %barrier3A_152 = arith.constant 0 : index
    tpu.barrier barrier_id(%barrier3A_152)
    %mul3A_153 = arith.constant 4096 : i32
    %mul3A_154 = arith.muli %arg1, %mul3A_153 : i32
    %mul3A_155 = arith.constant 4096 : i32
    %mul3A_156 = arith.muli %arg1, %mul3A_155 : i32
    %add3A_157 = arith.addi %mul3A_145, %mul3A_156 : i32
    "tpu.region"() ({
      %run_scoped3A = tpu.sem_alloc : memref<!tpu.dma_semaphore, #tpu.memory_space<semaphore_mem>>
      %dma_start3A_815 = arith.constant 0 : i32
      %dma_start3A_816 = tpu.memref_slice %arg7[%add3A_157, %dma_start3A_815] : memref<4194304x8xf32, #tpu.memory_space<hbm>> -> memref<4096x8xf32, #tpu.memory_space<hbm>>
      %dma_start3A_817 = arith.constant 0 : i32
      %dma_start3A_818 = tpu.memref_slice %arg15[%mul3A_154, %dma_start3A_817] : memref<73728x8xf32, #tpu.memory_space<vmem_shared>> -> memref<4096x8xf32, #tpu.memory_space<vmem_shared>>
      tpu.enqueue_dma source(%dma_start3A_818 : memref<4096x8xf32, #tpu.memory_space<vmem_shared>>) target(%dma_start3A_816 : memref<4096x8xf32, #tpu.memory_space<hbm>>) target_semaphore(%run_scoped3A : memref<!tpu.dma_semaphore, #tpu.memory_space<semaphore_mem>>)
      %dma_wait3A_819 = arith.constant 0 : i32
      %dma_wait3A_820 = tpu.memref_slice %arg7[%add3A_157, %dma_wait3A_819] : memref<4194304x8xf32, #tpu.memory_space<hbm>> -> memref<4096x8xf32, #tpu.memory_space<hbm>>
      %dma_wait3A_821 = arith.constant 0 : i32
      %dma_wait3A_822 = tpu.memref_slice %arg15[%mul3A_154, %dma_wait3A_821] : memref<73728x8xf32, #tpu.memory_space<vmem_shared>> -> memref<4096x8xf32, #tpu.memory_space<vmem_shared>>
      tpu.wait_dma2 semaphore(%run_scoped3A : memref<!tpu.dma_semaphore, #tpu.memory_space<semaphore_mem>>) src(%dma_wait3A_822 : memref<4096x8xf32, #tpu.memory_space<vmem_shared>>) dst(%dma_wait3A_820 : memref<4096x8xf32, #tpu.memory_space<hbm>>)
      tpu.yield
    }) : () -> ()
    %mul3A_158 = arith.constant 4096 : i32
    %mul3A_159 = arith.muli %arg1, %mul3A_158 : i32
    "tpu.region"() ({
      %run_scoped3A = tpu.sem_alloc : memref<!tpu.dma_semaphore, #tpu.memory_space<semaphore_mem>>
      %dma_start3A_815 = arith.constant 0 : i32
      %dma_start3A_816 = tpu.memref_slice %arg15[%mul3A_159, %dma_start3A_815] : memref<73728x8xf32, #tpu.memory_space<vmem_shared>> -> memref<4096x8xf32, #tpu.memory_space<vmem_shared>>
      %dma_start3A_817 = arith.constant 0 : i32
      %dma_start3A_818 = tpu.memref_slice %arg15[%mul3A_159, %dma_start3A_817] : memref<73728x8xf32, #tpu.memory_space<vmem_shared>> -> memref<4096x8xf32, #tpu.memory_space<vmem_shared>>
      tpu.enqueue_dma source(%arg14 : memref<4096x8xf32, #tpu.memory_space<vmem>>) target(%dma_start3A_818 : memref<4096x8xf32, #tpu.memory_space<vmem_shared>>) target_semaphore(%run_scoped3A : memref<!tpu.dma_semaphore, #tpu.memory_space<semaphore_mem>>)
      %dma_wait3A_819 = arith.constant 0 : i32
      %dma_wait3A_820 = tpu.memref_slice %arg15[%mul3A_159, %dma_wait3A_819] : memref<73728x8xf32, #tpu.memory_space<vmem_shared>> -> memref<4096x8xf32, #tpu.memory_space<vmem_shared>>
      %dma_wait3A_821 = arith.constant 0 : i32
      %dma_wait3A_822 = tpu.memref_slice %arg15[%mul3A_159, %dma_wait3A_821] : memref<73728x8xf32, #tpu.memory_space<vmem_shared>> -> memref<4096x8xf32, #tpu.memory_space<vmem_shared>>
      tpu.wait_dma2 semaphore(%run_scoped3A : memref<!tpu.dma_semaphore, #tpu.memory_space<semaphore_mem>>) src(%arg14 : memref<4096x8xf32, #tpu.memory_space<vmem>>) dst(%dma_wait3A_822 : memref<4096x8xf32, #tpu.memory_space<vmem_shared>>)
      tpu.yield
    }) : () -> ()
    %mul3A_160 = arith.constant 512 : i32
    %mul3A_161 = arith.muli %arg1, %mul3A_160 : i32
    %add3A_162 = arith.constant 65536 : i32
    %add3A_163 = arith.addi %add3A_162, %mul3A_161 : i32
    "tpu.region"() ({
      %run_scoped3A = tpu.sem_alloc : memref<!tpu.dma_semaphore, #tpu.memory_space<semaphore_mem>>
      %dma_start3A_815 = arith.constant 0 : i32
      %dma_start3A_816 = arith.constant 0 : i32
      %dma_start3A_817 = tpu.memref_slice %arg14[%dma_start3A_815, %dma_start3A_816] : memref<4096x8xf32, #tpu.memory_space<vmem>> -> memref<512x8xf32, #tpu.memory_space<vmem>>
      %dma_start3A_818 = arith.constant 0 : i32
      %dma_start3A_819 = tpu.memref_slice %arg15[%add3A_163, %dma_start3A_818] : memref<73728x8xf32, #tpu.memory_space<vmem_shared>> -> memref<512x8xf32, #tpu.memory_space<vmem_shared>>
      %dma_start3A_820 = arith.constant 0 : i32
      %dma_start3A_821 = tpu.memref_slice %arg15[%add3A_163, %dma_start3A_820] : memref<73728x8xf32, #tpu.memory_space<vmem_shared>> -> memref<512x8xf32, #tpu.memory_space<vmem_shared>>
      %dma_start3A_822 = arith.constant 0 : i32
      %dma_start3A_823 = arith.constant 0 : i32
      %dma_start3A_824 = tpu.memref_slice %arg14[%dma_start3A_822, %dma_start3A_823] : memref<4096x8xf32, #tpu.memory_space<vmem>> -> memref<512x8xf32, #tpu.memory_space<vmem>>
      tpu.enqueue_dma source(%dma_start3A_824 : memref<512x8xf32, #tpu.memory_space<vmem>>) target(%dma_start3A_821 : memref<512x8xf32, #tpu.memory_space<vmem_shared>>) target_semaphore(%run_scoped3A : memref<!tpu.dma_semaphore, #tpu.memory_space<semaphore_mem>>)
      %dma_wait3A_825 = arith.constant 0 : i32
      %dma_wait3A_826 = arith.constant 0 : i32
      %dma_wait3A_827 = tpu.memref_slice %arg14[%dma_wait3A_825, %dma_wait3A_826] : memref<4096x8xf32, #tpu.memory_space<vmem>> -> memref<512x8xf32, #tpu.memory_space<vmem>>
      %dma_wait3A_828 = arith.constant 0 : i32
      %dma_wait3A_829 = tpu.memref_slice %arg15[%add3A_163, %dma_wait3A_828] : memref<73728x8xf32, #tpu.memory_space<vmem_shared>> -> memref<512x8xf32, #tpu.memory_space<vmem_shared>>
      %dma_wait3A_830 = arith.constant 0 : i32
      %dma_wait3A_831 = tpu.memref_slice %arg15[%add3A_163, %dma_wait3A_830] : memref<73728x8xf32, #tpu.memory_space<vmem_shared>> -> memref<512x8xf32, #tpu.memory_space<vmem_shared>>
      %dma_wait3A_832 = arith.constant 0 : i32
      %dma_wait3A_833 = arith.constant 0 : i32
      %dma_wait3A_834 = tpu.memref_slice %arg14[%dma_wait3A_832, %dma_wait3A_833] : memref<4096x8xf32, #tpu.memory_space<vmem>> -> memref<512x8xf32, #tpu.memory_space<vmem>>
      tpu.wait_dma2 semaphore(%run_scoped3A : memref<!tpu.dma_semaphore, #tpu.memory_space<semaphore_mem>>) src(%dma_wait3A_834 : memref<512x8xf32, #tpu.memory_space<vmem>>) dst(%dma_wait3A_831 : memref<512x8xf32, #tpu.memory_space<vmem_shared>>)
      tpu.yield
    }) : () -> ()
    %barrier3A_164 = arith.constant 0 : index
    tpu.barrier barrier_id(%barrier3A_164)
    %mul3A_165 = arith.constant 32 : i32
    %mul3A_166 = arith.muli %arg0, %mul3A_165 : i32
    %add3A_167 = arith.constant 6 : i32
    %add3A_168 = arith.addi %mul3A_166, %add3A_167 : i32
    %mul3A_169 = arith.constant 65536 : i32
    %mul3A_170 = arith.muli %add3A_168, %mul3A_169 : i32
    %scan3A_171 = arith.constant 0 : i32
    %scan3A_172 = arith.constant 0 : i32
    %scan3A_173 = arith.constant 256 : i32
    %scan3A_174 = arith.addi %scan3A_172, %scan3A_173 : i32
    %scan3A_175 = arith.constant 1 : i32
    scf.for %scan3A_815 = %scan3A_172 to %scan3A_174 step %scan3A_175  : i32 {
      %mul3A_816 = arith.constant 16 : i32
      %mul3A_817 = arith.muli %scan3A_815, %mul3A_816 : i32
      %get3A = arith.index_cast %mul3A_817 : i32 to index
      %get3A_818 = tpu.vector_load %arg11[%get3A] {strides = array<i32>} : memref<4096xi32, #tpu.memory_space<vmem>>, vector<16xi32>,
      %get3A_819 = vector.shape_cast %get3A_818 : vector<16xi32> to vector<16xi32>
      %iota3A = tpu.iota {dimensions = array<i32: 0>} : vector<16xi32>
      %mul3A_820 = arith.constant 16 : i32
      %mul3A_821 = arith.muli %scan3A_815, %mul3A_820 : i32
      %add3A_822 = arith.addi %mul3A_0, %mul3A_821 : i32
      %add3A_823 = vector.broadcast %add3A_822 : i32 to vector<16xi32>
      %add3A_824 = arith.addi %add3A_823, %iota3A : vector<16xi32>
      %and3A = arith.constant 8191 : i32
      %and3A_825 = vector.broadcast %and3A : i32 to vector<16xi32>
      %and3A_826 = arith.andi %add3A_824, %and3A_825 : vector<16xi32>
      %add3A_827 = arith.constant 65536 : i32
      %add3A_828 = vector.broadcast %add3A_827 : i32 to vector<16xi32>
      %add3A_829 = arith.addi %add3A_828, %and3A_826 : vector<16xi32>
      %ge3A = vector.broadcast %mul3A_170 : i32 to vector<16xi32>
      %ge3A_830 = arith.cmpi sge, %get3A_819, %ge3A : vector<16xi32>
      %add3A_831 = arith.constant 65536 : i32
      %add3A_832 = arith.addi %mul3A_170, %add3A_831 : i32
      %lt3A = vector.broadcast %add3A_832 : i32 to vector<16xi32>
      %lt3A_833 = arith.cmpi slt, %get3A_819, %lt3A : vector<16xi32>
      %and3A_834 = arith.andi %ge3A_830, %lt3A_833 : vector<16xi1>
      %sub3A = vector.broadcast %mul3A_170 : i32 to vector<16xi32>
      %sub3A_835 = arith.subi %get3A_819, %sub3A : vector<16xi32>
      %select_n3A = arith.select %and3A_834, %sub3A_835, %add3A_829 : vector<16xi1>, vector<16xi32>
      %mul3A_836 = arith.constant 16 : i32
      %mul3A_837 = arith.muli %scan3A_815, %mul3A_836 : i32
      %swap3A = arith.index_cast %mul3A_837 : i32 to index
      %swap3A_838 = tpu.vector_load %arg12[%swap3A] {strides = array<i32>} : memref<4096xi32, #tpu.memory_space<vmem>>, vector<16xi32>,
      %swap3A_839 = vector.shape_cast %swap3A_838 : vector<16xi32> to vector<16xi32>
      %swap3A_840 = vector.shape_cast %select_n3A : vector<16xi32> to vector<16xi32>
      tpu.vector_store %arg12[%swap3A], %swap3A_840 {strides = array<i32>} : memref<4096xi32, #tpu.memory_space<vmem>>, vector<16xi32>,
    }
    %scan3A_176 = arith.constant 256 : i32
    "tpu.region"() ({
      %run_scoped3A = tpu.sem_alloc : memref<!tpu.dma_semaphore, #tpu.memory_space<semaphore_mem>>
      %dma_start3A_815 = arith.constant 0 : i32
      %dma_start3A_816 = arith.constant 0 : i32
      %dma_start3A_817 = tpu.memref_slice %arg15[%dma_start3A_815, %dma_start3A_816] : memref<73728x8xf32, #tpu.memory_space<vmem_shared>> -> memref<73728x8xf32, #tpu.memory_space<vmem_shared>>
      tpu.enqueue_indirect_dma source(%arg13 : memref<4096x8xf32, #tpu.memory_space<vmem>>) target(%dma_start3A_817 : memref<73728x8xf32, #tpu.memory_space<vmem_shared>>) offsets(%arg12 : memref<4096xi32, #tpu.memory_space<vmem>>) semaphore(%run_scoped3A : memref<!tpu.dma_semaphore, #tpu.memory_space<semaphore_mem>>) {add = true}
      %dma_wait3A_818 = arith.constant 0 : i32
      %dma_wait3A_819 = arith.constant 0 : i32
      %dma_wait3A_820 = tpu.memref_slice %arg15[%dma_wait3A_818, %dma_wait3A_819] : memref<73728x8xf32, #tpu.memory_space<vmem_shared>> -> memref<73728x8xf32, #tpu.memory_space<vmem_shared>>
      tpu.wait_indirect_dma semaphore(%run_scoped3A : memref<!tpu.dma_semaphore, #tpu.memory_space<semaphore_mem>>) src(%arg13 : memref<4096x8xf32, #tpu.memory_space<vmem>>) dst(%dma_wait3A_820 : memref<73728x8xf32, #tpu.memory_space<vmem_shared>>)
      tpu.yield
    }) : () -> ()
    %barrier3A_177 = arith.constant 0 : index
    tpu.barrier barrier_id(%barrier3A_177)
    %mul3A_178 = arith.constant 4096 : i32
    %mul3A_179 = arith.muli %arg1, %mul3A_178 : i32
    %mul3A_180 = arith.constant 4096 : i32
    %mul3A_181 = arith.muli %arg1, %mul3A_180 : i32
    %add3A_182 = arith.addi %mul3A_170, %mul3A_181 : i32
    "tpu.region"() ({
      %run_scoped3A = tpu.sem_alloc : memref<!tpu.dma_semaphore, #tpu.memory_space<semaphore_mem>>
      %dma_start3A_815 = arith.constant 0 : i32
      %dma_start3A_816 = tpu.memref_slice %arg7[%add3A_182, %dma_start3A_815] : memref<4194304x8xf32, #tpu.memory_space<hbm>> -> memref<4096x8xf32, #tpu.memory_space<hbm>>
      %dma_start3A_817 = arith.constant 0 : i32
      %dma_start3A_818 = tpu.memref_slice %arg15[%mul3A_179, %dma_start3A_817] : memref<73728x8xf32, #tpu.memory_space<vmem_shared>> -> memref<4096x8xf32, #tpu.memory_space<vmem_shared>>
      tpu.enqueue_dma source(%dma_start3A_818 : memref<4096x8xf32, #tpu.memory_space<vmem_shared>>) target(%dma_start3A_816 : memref<4096x8xf32, #tpu.memory_space<hbm>>) target_semaphore(%run_scoped3A : memref<!tpu.dma_semaphore, #tpu.memory_space<semaphore_mem>>)
      %dma_wait3A_819 = arith.constant 0 : i32
      %dma_wait3A_820 = tpu.memref_slice %arg7[%add3A_182, %dma_wait3A_819] : memref<4194304x8xf32, #tpu.memory_space<hbm>> -> memref<4096x8xf32, #tpu.memory_space<hbm>>
      %dma_wait3A_821 = arith.constant 0 : i32
      %dma_wait3A_822 = tpu.memref_slice %arg15[%mul3A_179, %dma_wait3A_821] : memref<73728x8xf32, #tpu.memory_space<vmem_shared>> -> memref<4096x8xf32, #tpu.memory_space<vmem_shared>>
      tpu.wait_dma2 semaphore(%run_scoped3A : memref<!tpu.dma_semaphore, #tpu.memory_space<semaphore_mem>>) src(%dma_wait3A_822 : memref<4096x8xf32, #tpu.memory_space<vmem_shared>>) dst(%dma_wait3A_820 : memref<4096x8xf32, #tpu.memory_space<hbm>>)
      tpu.yield
    }) : () -> ()
    %mul3A_183 = arith.constant 4096 : i32
    %mul3A_184 = arith.muli %arg1, %mul3A_183 : i32
    "tpu.region"() ({
      %run_scoped3A = tpu.sem_alloc : memref<!tpu.dma_semaphore, #tpu.memory_space<semaphore_mem>>
      %dma_start3A_815 = arith.constant 0 : i32
      %dma_start3A_816 = tpu.memref_slice %arg15[%mul3A_184, %dma_start3A_815] : memref<73728x8xf32, #tpu.memory_space<vmem_shared>> -> memref<4096x8xf32, #tpu.memory_space<vmem_shared>>
      %dma_start3A_817 = arith.constant 0 : i32
      %dma_start3A_818 = tpu.memref_slice %arg15[%mul3A_184, %dma_start3A_817] : memref<73728x8xf32, #tpu.memory_space<vmem_shared>> -> memref<4096x8xf32, #tpu.memory_space<vmem_shared>>
      tpu.enqueue_dma source(%arg14 : memref<4096x8xf32, #tpu.memory_space<vmem>>) target(%dma_start3A_818 : memref<4096x8xf32, #tpu.memory_space<vmem_shared>>) target_semaphore(%run_scoped3A : memref<!tpu.dma_semaphore, #tpu.memory_space<semaphore_mem>>)
      %dma_wait3A_819 = arith.constant 0 : i32
      %dma_wait3A_820 = tpu.memref_slice %arg15[%mul3A_184, %dma_wait3A_819] : memref<73728x8xf32, #tpu.memory_space<vmem_shared>> -> memref<4096x8xf32, #tpu.memory_space<vmem_shared>>
      %dma_wait3A_821 = arith.constant 0 : i32
      %dma_wait3A_822 = tpu.memref_slice %arg15[%mul3A_184, %dma_wait3A_821] : memref<73728x8xf32, #tpu.memory_space<vmem_shared>> -> memref<4096x8xf32, #tpu.memory_space<vmem_shared>>
      tpu.wait_dma2 semaphore(%run_scoped3A : memref<!tpu.dma_semaphore, #tpu.memory_space<semaphore_mem>>) src(%arg14 : memref<4096x8xf32, #tpu.memory_space<vmem>>) dst(%dma_wait3A_822 : memref<4096x8xf32, #tpu.memory_space<vmem_shared>>)
      tpu.yield
    }) : () -> ()
    %mul3A_185 = arith.constant 512 : i32
    %mul3A_186 = arith.muli %arg1, %mul3A_185 : i32
    %add3A_187 = arith.constant 65536 : i32
    %add3A_188 = arith.addi %add3A_187, %mul3A_186 : i32
    "tpu.region"() ({
      %run_scoped3A = tpu.sem_alloc : memref<!tpu.dma_semaphore, #tpu.memory_space<semaphore_mem>>
      %dma_start3A_815 = arith.constant 0 : i32
      %dma_start3A_816 = arith.constant 0 : i32
      %dma_start3A_817 = tpu.memref_slice %arg14[%dma_start3A_815, %dma_start3A_816] : memref<4096x8xf32, #tpu.memory_space<vmem>> -> memref<512x8xf32, #tpu.memory_space<vmem>>
      %dma_start3A_818 = arith.constant 0 : i32
      %dma_start3A_819 = tpu.memref_slice %arg15[%add3A_188, %dma_start3A_818] : memref<73728x8xf32, #tpu.memory_space<vmem_shared>> -> memref<512x8xf32, #tpu.memory_space<vmem_shared>>
      %dma_start3A_820 = arith.constant 0 : i32
      %dma_start3A_821 = tpu.memref_slice %arg15[%add3A_188, %dma_start3A_820] : memref<73728x8xf32, #tpu.memory_space<vmem_shared>> -> memref<512x8xf32, #tpu.memory_space<vmem_shared>>
      %dma_start3A_822 = arith.constant 0 : i32
      %dma_start3A_823 = arith.constant 0 : i32
      %dma_start3A_824 = tpu.memref_slice %arg14[%dma_start3A_822, %dma_start3A_823] : memref<4096x8xf32, #tpu.memory_space<vmem>> -> memref<512x8xf32, #tpu.memory_space<vmem>>
      tpu.enqueue_dma source(%dma_start3A_824 : memref<512x8xf32, #tpu.memory_space<vmem>>) target(%dma_start3A_821 : memref<512x8xf32, #tpu.memory_space<vmem_shared>>) target_semaphore(%run_scoped3A : memref<!tpu.dma_semaphore, #tpu.memory_space<semaphore_mem>>)
      %dma_wait3A_825 = arith.constant 0 : i32
      %dma_wait3A_826 = arith.constant 0 : i32
      %dma_wait3A_827 = tpu.memref_slice %arg14[%dma_wait3A_825, %dma_wait3A_826] : memref<4096x8xf32, #tpu.memory_space<vmem>> -> memref<512x8xf32, #tpu.memory_space<vmem>>
      %dma_wait3A_828 = arith.constant 0 : i32
      %dma_wait3A_829 = tpu.memref_slice %arg15[%add3A_188, %dma_wait3A_828] : memref<73728x8xf32, #tpu.memory_space<vmem_shared>> -> memref<512x8xf32, #tpu.memory_space<vmem_shared>>
      %dma_wait3A_830 = arith.constant 0 : i32
      %dma_wait3A_831 = tpu.memref_slice %arg15[%add3A_188, %dma_wait3A_830] : memref<73728x8xf32, #tpu.memory_space<vmem_shared>> -> memref<512x8xf32, #tpu.memory_space<vmem_shared>>
      %dma_wait3A_832 = arith.constant 0 : i32
      %dma_wait3A_833 = arith.constant 0 : i32
      %dma_wait3A_834 = tpu.memref_slice %arg14[%dma_wait3A_832, %dma_wait3A_833] : memref<4096x8xf32, #tpu.memory_space<vmem>> -> memref<512x8xf32, #tpu.memory_space<vmem>>
      tpu.wait_dma2 semaphore(%run_scoped3A : memref<!tpu.dma_semaphore, #tpu.memory_space<semaphore_mem>>) src(%dma_wait3A_834 : memref<512x8xf32, #tpu.memory_space<vmem>>) dst(%dma_wait3A_831 : memref<512x8xf32, #tpu.memory_space<vmem_shared>>)
      tpu.yield
    }) : () -> ()
    %barrier3A_189 = arith.constant 0 : index
    tpu.barrier barrier_id(%barrier3A_189)
    %mul3A_190 = arith.constant 32 : i32
    %mul3A_191 = arith.muli %arg0, %mul3A_190 : i32
    %add3A_192 = arith.constant 7 : i32
    %add3A_193 = arith.addi %mul3A_191, %add3A_192 : i32
    %mul3A_194 = arith.constant 65536 : i32
    %mul3A_195 = arith.muli %add3A_193, %mul3A_194 : i32
    %scan3A_196 = arith.constant 0 : i32
    %scan3A_197 = arith.constant 0 : i32
    %scan3A_198 = arith.constant 256 : i32
    %scan3A_199 = arith.addi %scan3A_197, %scan3A_198 : i32
    %scan3A_200 = arith.constant 1 : i32
    scf.for %scan3A_815 = %scan3A_197 to %scan3A_199 step %scan3A_200  : i32 {
      %mul3A_816 = arith.constant 16 : i32
      %mul3A_817 = arith.muli %scan3A_815, %mul3A_816 : i32
      %get3A = arith.index_cast %mul3A_817 : i32 to index
      %get3A_818 = tpu.vector_load %arg11[%get3A] {strides = array<i32>} : memref<4096xi32, #tpu.memory_space<vmem>>, vector<16xi32>,
      %get3A_819 = vector.shape_cast %get3A_818 : vector<16xi32> to vector<16xi32>
      %iota3A = tpu.iota {dimensions = array<i32: 0>} : vector<16xi32>
      %mul3A_820 = arith.constant 16 : i32
      %mul3A_821 = arith.muli %scan3A_815, %mul3A_820 : i32
      %add3A_822 = arith.addi %mul3A_0, %mul3A_821 : i32
      %add3A_823 = vector.broadcast %add3A_822 : i32 to vector<16xi32>
      %add3A_824 = arith.addi %add3A_823, %iota3A : vector<16xi32>
      %and3A = arith.constant 8191 : i32
      %and3A_825 = vector.broadcast %and3A : i32 to vector<16xi32>
      %and3A_826 = arith.andi %add3A_824, %and3A_825 : vector<16xi32>
      %add3A_827 = arith.constant 65536 : i32
      %add3A_828 = vector.broadcast %add3A_827 : i32 to vector<16xi32>
      %add3A_829 = arith.addi %add3A_828, %and3A_826 : vector<16xi32>
      %ge3A = vector.broadcast %mul3A_195 : i32 to vector<16xi32>
      %ge3A_830 = arith.cmpi sge, %get3A_819, %ge3A : vector<16xi32>
      %add3A_831 = arith.constant 65536 : i32
      %add3A_832 = arith.addi %mul3A_195, %add3A_831 : i32
      %lt3A = vector.broadcast %add3A_832 : i32 to vector<16xi32>
      %lt3A_833 = arith.cmpi slt, %get3A_819, %lt3A : vector<16xi32>
      %and3A_834 = arith.andi %ge3A_830, %lt3A_833 : vector<16xi1>
      %sub3A = vector.broadcast %mul3A_195 : i32 to vector<16xi32>
      %sub3A_835 = arith.subi %get3A_819, %sub3A : vector<16xi32>
      %select_n3A = arith.select %and3A_834, %sub3A_835, %add3A_829 : vector<16xi1>, vector<16xi32>
      %mul3A_836 = arith.constant 16 : i32
      %mul3A_837 = arith.muli %scan3A_815, %mul3A_836 : i32
      %swap3A = arith.index_cast %mul3A_837 : i32 to index
      %swap3A_838 = tpu.vector_load %arg12[%swap3A] {strides = array<i32>} : memref<4096xi32, #tpu.memory_space<vmem>>, vector<16xi32>,
      %swap3A_839 = vector.shape_cast %swap3A_838 : vector<16xi32> to vector<16xi32>
      %swap3A_840 = vector.shape_cast %select_n3A : vector<16xi32> to vector<16xi32>
      tpu.vector_store %arg12[%swap3A], %swap3A_840 {strides = array<i32>} : memref<4096xi32, #tpu.memory_space<vmem>>, vector<16xi32>,
    }
    %scan3A_201 = arith.constant 256 : i32
    "tpu.region"() ({
      %run_scoped3A = tpu.sem_alloc : memref<!tpu.dma_semaphore, #tpu.memory_space<semaphore_mem>>
      %dma_start3A_815 = arith.constant 0 : i32
      %dma_start3A_816 = arith.constant 0 : i32
      %dma_start3A_817 = tpu.memref_slice %arg15[%dma_start3A_815, %dma_start3A_816] : memref<73728x8xf32, #tpu.memory_space<vmem_shared>> -> memref<73728x8xf32, #tpu.memory_space<vmem_shared>>
      tpu.enqueue_indirect_dma source(%arg13 : memref<4096x8xf32, #tpu.memory_space<vmem>>) target(%dma_start3A_817 : memref<73728x8xf32, #tpu.memory_space<vmem_shared>>) offsets(%arg12 : memref<4096xi32, #tpu.memory_space<vmem>>) semaphore(%run_scoped3A : memref<!tpu.dma_semaphore, #tpu.memory_space<semaphore_mem>>) {add = true}
      %dma_wait3A_818 = arith.constant 0 : i32
      %dma_wait3A_819 = arith.constant 0 : i32
      %dma_wait3A_820 = tpu.memref_slice %arg15[%dma_wait3A_818, %dma_wait3A_819] : memref<73728x8xf32, #tpu.memory_space<vmem_shared>> -> memref<73728x8xf32, #tpu.memory_space<vmem_shared>>
      tpu.wait_indirect_dma semaphore(%run_scoped3A : memref<!tpu.dma_semaphore, #tpu.memory_space<semaphore_mem>>) src(%arg13 : memref<4096x8xf32, #tpu.memory_space<vmem>>) dst(%dma_wait3A_820 : memref<73728x8xf32, #tpu.memory_space<vmem_shared>>)
      tpu.yield
    }) : () -> ()
    %barrier3A_202 = arith.constant 0 : index
    tpu.barrier barrier_id(%barrier3A_202)
    %mul3A_203 = arith.constant 4096 : i32
    %mul3A_204 = arith.muli %arg1, %mul3A_203 : i32
    %mul3A_205 = arith.constant 4096 : i32
    %mul3A_206 = arith.muli %arg1, %mul3A_205 : i32
    %add3A_207 = arith.addi %mul3A_195, %mul3A_206 : i32
    "tpu.region"() ({
      %run_scoped3A = tpu.sem_alloc : memref<!tpu.dma_semaphore, #tpu.memory_space<semaphore_mem>>
      %dma_start3A_815 = arith.constant 0 : i32
      %dma_start3A_816 = tpu.memref_slice %arg7[%add3A_207, %dma_start3A_815] : memref<4194304x8xf32, #tpu.memory_space<hbm>> -> memref<4096x8xf32, #tpu.memory_space<hbm>>
      %dma_start3A_817 = arith.constant 0 : i32
      %dma_start3A_818 = tpu.memref_slice %arg15[%mul3A_204, %dma_start3A_817] : memref<73728x8xf32, #tpu.memory_space<vmem_shared>> -> memref<4096x8xf32, #tpu.memory_space<vmem_shared>>
      tpu.enqueue_dma source(%dma_start3A_818 : memref<4096x8xf32, #tpu.memory_space<vmem_shared>>) target(%dma_start3A_816 : memref<4096x8xf32, #tpu.memory_space<hbm>>) target_semaphore(%run_scoped3A : memref<!tpu.dma_semaphore, #tpu.memory_space<semaphore_mem>>)
      %dma_wait3A_819 = arith.constant 0 : i32
      %dma_wait3A_820 = tpu.memref_slice %arg7[%add3A_207, %dma_wait3A_819] : memref<4194304x8xf32, #tpu.memory_space<hbm>> -> memref<4096x8xf32, #tpu.memory_space<hbm>>
      %dma_wait3A_821 = arith.constant 0 : i32
      %dma_wait3A_822 = tpu.memref_slice %arg15[%mul3A_204, %dma_wait3A_821] : memref<73728x8xf32, #tpu.memory_space<vmem_shared>> -> memref<4096x8xf32, #tpu.memory_space<vmem_shared>>
      tpu.wait_dma2 semaphore(%run_scoped3A : memref<!tpu.dma_semaphore, #tpu.memory_space<semaphore_mem>>) src(%dma_wait3A_822 : memref<4096x8xf32, #tpu.memory_space<vmem_shared>>) dst(%dma_wait3A_820 : memref<4096x8xf32, #tpu.memory_space<hbm>>)
      tpu.yield
    }) : () -> ()
    %mul3A_208 = arith.constant 4096 : i32
    %mul3A_209 = arith.muli %arg1, %mul3A_208 : i32
    "tpu.region"() ({
      %run_scoped3A = tpu.sem_alloc : memref<!tpu.dma_semaphore, #tpu.memory_space<semaphore_mem>>
      %dma_start3A_815 = arith.constant 0 : i32
      %dma_start3A_816 = tpu.memref_slice %arg15[%mul3A_209, %dma_start3A_815] : memref<73728x8xf32, #tpu.memory_space<vmem_shared>> -> memref<4096x8xf32, #tpu.memory_space<vmem_shared>>
      %dma_start3A_817 = arith.constant 0 : i32
      %dma_start3A_818 = tpu.memref_slice %arg15[%mul3A_209, %dma_start3A_817] : memref<73728x8xf32, #tpu.memory_space<vmem_shared>> -> memref<4096x8xf32, #tpu.memory_space<vmem_shared>>
      tpu.enqueue_dma source(%arg14 : memref<4096x8xf32, #tpu.memory_space<vmem>>) target(%dma_start3A_818 : memref<4096x8xf32, #tpu.memory_space<vmem_shared>>) target_semaphore(%run_scoped3A : memref<!tpu.dma_semaphore, #tpu.memory_space<semaphore_mem>>)
      %dma_wait3A_819 = arith.constant 0 : i32
      %dma_wait3A_820 = tpu.memref_slice %arg15[%mul3A_209, %dma_wait3A_819] : memref<73728x8xf32, #tpu.memory_space<vmem_shared>> -> memref<4096x8xf32, #tpu.memory_space<vmem_shared>>
      %dma_wait3A_821 = arith.constant 0 : i32
      %dma_wait3A_822 = tpu.memref_slice %arg15[%mul3A_209, %dma_wait3A_821] : memref<73728x8xf32, #tpu.memory_space<vmem_shared>> -> memref<4096x8xf32, #tpu.memory_space<vmem_shared>>
      tpu.wait_dma2 semaphore(%run_scoped3A : memref<!tpu.dma_semaphore, #tpu.memory_space<semaphore_mem>>) src(%arg14 : memref<4096x8xf32, #tpu.memory_space<vmem>>) dst(%dma_wait3A_822 : memref<4096x8xf32, #tpu.memory_space<vmem_shared>>)
      tpu.yield
    }) : () -> ()
    %mul3A_210 = arith.constant 512 : i32
    %mul3A_211 = arith.muli %arg1, %mul3A_210 : i32
    %add3A_212 = arith.constant 65536 : i32
    %add3A_213 = arith.addi %add3A_212, %mul3A_211 : i32
    "tpu.region"() ({
      %run_scoped3A = tpu.sem_alloc : memref<!tpu.dma_semaphore, #tpu.memory_space<semaphore_mem>>
      %dma_start3A_815 = arith.constant 0 : i32
      %dma_start3A_816 = arith.constant 0 : i32
      %dma_start3A_817 = tpu.memref_slice %arg14[%dma_start3A_815, %dma_start3A_816] : memref<4096x8xf32, #tpu.memory_space<vmem>> -> memref<512x8xf32, #tpu.memory_space<vmem>>
      %dma_start3A_818 = arith.constant 0 : i32
      %dma_start3A_819 = tpu.memref_slice %arg15[%add3A_213, %dma_start3A_818] : memref<73728x8xf32, #tpu.memory_space<vmem_shared>> -> memref<512x8xf32, #tpu.memory_space<vmem_shared>>
      %dma_start3A_820 = arith.constant 0 : i32
      %dma_start3A_821 = tpu.memref_slice %arg15[%add3A_213, %dma_start3A_820] : memref<73728x8xf32, #tpu.memory_space<vmem_shared>> -> memref<512x8xf32, #tpu.memory_space<vmem_shared>>
      %dma_start3A_822 = arith.constant 0 : i32
      %dma_start3A_823 = arith.constant 0 : i32
      %dma_start3A_824 = tpu.memref_slice %arg14[%dma_start3A_822, %dma_start3A_823] : memref<4096x8xf32, #tpu.memory_space<vmem>> -> memref<512x8xf32, #tpu.memory_space<vmem>>
      tpu.enqueue_dma source(%dma_start3A_824 : memref<512x8xf32, #tpu.memory_space<vmem>>) target(%dma_start3A_821 : memref<512x8xf32, #tpu.memory_space<vmem_shared>>) target_semaphore(%run_scoped3A : memref<!tpu.dma_semaphore, #tpu.memory_space<semaphore_mem>>)
      %dma_wait3A_825 = arith.constant 0 : i32
      %dma_wait3A_826 = arith.constant 0 : i32
      %dma_wait3A_827 = tpu.memref_slice %arg14[%dma_wait3A_825, %dma_wait3A_826] : memref<4096x8xf32, #tpu.memory_space<vmem>> -> memref<512x8xf32, #tpu.memory_space<vmem>>
      %dma_wait3A_828 = arith.constant 0 : i32
      %dma_wait3A_829 = tpu.memref_slice %arg15[%add3A_213, %dma_wait3A_828] : memref<73728x8xf32, #tpu.memory_space<vmem_shared>> -> memref<512x8xf32, #tpu.memory_space<vmem_shared>>
      %dma_wait3A_830 = arith.constant 0 : i32
      %dma_wait3A_831 = tpu.memref_slice %arg15[%add3A_213, %dma_wait3A_830] : memref<73728x8xf32, #tpu.memory_space<vmem_shared>> -> memref<512x8xf32, #tpu.memory_space<vmem_shared>>
      %dma_wait3A_832 = arith.constant 0 : i32
      %dma_wait3A_833 = arith.constant 0 : i32
      %dma_wait3A_834 = tpu.memref_slice %arg14[%dma_wait3A_832, %dma_wait3A_833] : memref<4096x8xf32, #tpu.memory_space<vmem>> -> memref<512x8xf32, #tpu.memory_space<vmem>>
      tpu.wait_dma2 semaphore(%run_scoped3A : memref<!tpu.dma_semaphore, #tpu.memory_space<semaphore_mem>>) src(%dma_wait3A_834 : memref<512x8xf32, #tpu.memory_space<vmem>>) dst(%dma_wait3A_831 : memref<512x8xf32, #tpu.memory_space<vmem_shared>>)
      tpu.yield
    }) : () -> ()
    %barrier3A_214 = arith.constant 0 : index
    tpu.barrier barrier_id(%barrier3A_214)
    %mul3A_215 = arith.constant 32 : i32
    %mul3A_216 = arith.muli %arg0, %mul3A_215 : i32
    %add3A_217 = arith.constant 8 : i32
    %add3A_218 = arith.addi %mul3A_216, %add3A_217 : i32
    %mul3A_219 = arith.constant 65536 : i32
    %mul3A_220 = arith.muli %add3A_218, %mul3A_219 : i32
    %scan3A_221 = arith.constant 0 : i32
    %scan3A_222 = arith.constant 0 : i32
    %scan3A_223 = arith.constant 256 : i32
    %scan3A_224 = arith.addi %scan3A_222, %scan3A_223 : i32
    %scan3A_225 = arith.constant 1 : i32
    scf.for %scan3A_815 = %scan3A_222 to %scan3A_224 step %scan3A_225  : i32 {
      %mul3A_816 = arith.constant 16 : i32
      %mul3A_817 = arith.muli %scan3A_815, %mul3A_816 : i32
      %get3A = arith.index_cast %mul3A_817 : i32 to index
      %get3A_818 = tpu.vector_load %arg11[%get3A] {strides = array<i32>} : memref<4096xi32, #tpu.memory_space<vmem>>, vector<16xi32>,
      %get3A_819 = vector.shape_cast %get3A_818 : vector<16xi32> to vector<16xi32>
      %iota3A = tpu.iota {dimensions = array<i32: 0>} : vector<16xi32>
      %mul3A_820 = arith.constant 16 : i32
      %mul3A_821 = arith.muli %scan3A_815, %mul3A_820 : i32
      %add3A_822 = arith.addi %mul3A_0, %mul3A_821 : i32
      %add3A_823 = vector.broadcast %add3A_822 : i32 to vector<16xi32>
      %add3A_824 = arith.addi %add3A_823, %iota3A : vector<16xi32>
      %and3A = arith.constant 8191 : i32
      %and3A_825 = vector.broadcast %and3A : i32 to vector<16xi32>
      %and3A_826 = arith.andi %add3A_824, %and3A_825 : vector<16xi32>
      %add3A_827 = arith.constant 65536 : i32
      %add3A_828 = vector.broadcast %add3A_827 : i32 to vector<16xi32>
      %add3A_829 = arith.addi %add3A_828, %and3A_826 : vector<16xi32>
      %ge3A = vector.broadcast %mul3A_220 : i32 to vector<16xi32>
      %ge3A_830 = arith.cmpi sge, %get3A_819, %ge3A : vector<16xi32>
      %add3A_831 = arith.constant 65536 : i32
      %add3A_832 = arith.addi %mul3A_220, %add3A_831 : i32
      %lt3A = vector.broadcast %add3A_832 : i32 to vector<16xi32>
      %lt3A_833 = arith.cmpi slt, %get3A_819, %lt3A : vector<16xi32>
      %and3A_834 = arith.andi %ge3A_830, %lt3A_833 : vector<16xi1>
      %sub3A = vector.broadcast %mul3A_220 : i32 to vector<16xi32>
      %sub3A_835 = arith.subi %get3A_819, %sub3A : vector<16xi32>
      %select_n3A = arith.select %and3A_834, %sub3A_835, %add3A_829 : vector<16xi1>, vector<16xi32>
      %mul3A_836 = arith.constant 16 : i32
      %mul3A_837 = arith.muli %scan3A_815, %mul3A_836 : i32
      %swap3A = arith.index_cast %mul3A_837 : i32 to index
      %swap3A_838 = tpu.vector_load %arg12[%swap3A] {strides = array<i32>} : memref<4096xi32, #tpu.memory_space<vmem>>, vector<16xi32>,
      %swap3A_839 = vector.shape_cast %swap3A_838 : vector<16xi32> to vector<16xi32>
      %swap3A_840 = vector.shape_cast %select_n3A : vector<16xi32> to vector<16xi32>
      tpu.vector_store %arg12[%swap3A], %swap3A_840 {strides = array<i32>} : memref<4096xi32, #tpu.memory_space<vmem>>, vector<16xi32>,
    }
    %scan3A_226 = arith.constant 256 : i32
    "tpu.region"() ({
      %run_scoped3A = tpu.sem_alloc : memref<!tpu.dma_semaphore, #tpu.memory_space<semaphore_mem>>
      %dma_start3A_815 = arith.constant 0 : i32
      %dma_start3A_816 = arith.constant 0 : i32
      %dma_start3A_817 = tpu.memref_slice %arg15[%dma_start3A_815, %dma_start3A_816] : memref<73728x8xf32, #tpu.memory_space<vmem_shared>> -> memref<73728x8xf32, #tpu.memory_space<vmem_shared>>
      tpu.enqueue_indirect_dma source(%arg13 : memref<4096x8xf32, #tpu.memory_space<vmem>>) target(%dma_start3A_817 : memref<73728x8xf32, #tpu.memory_space<vmem_shared>>) offsets(%arg12 : memref<4096xi32, #tpu.memory_space<vmem>>) semaphore(%run_scoped3A : memref<!tpu.dma_semaphore, #tpu.memory_space<semaphore_mem>>) {add = true}
      %dma_wait3A_818 = arith.constant 0 : i32
      %dma_wait3A_819 = arith.constant 0 : i32
      %dma_wait3A_820 = tpu.memref_slice %arg15[%dma_wait3A_818, %dma_wait3A_819] : memref<73728x8xf32, #tpu.memory_space<vmem_shared>> -> memref<73728x8xf32, #tpu.memory_space<vmem_shared>>
      tpu.wait_indirect_dma semaphore(%run_scoped3A : memref<!tpu.dma_semaphore, #tpu.memory_space<semaphore_mem>>) src(%arg13 : memref<4096x8xf32, #tpu.memory_space<vmem>>) dst(%dma_wait3A_820 : memref<73728x8xf32, #tpu.memory_space<vmem_shared>>)
      tpu.yield
    }) : () -> ()
    %barrier3A_227 = arith.constant 0 : index
    tpu.barrier barrier_id(%barrier3A_227)
    %mul3A_228 = arith.constant 4096 : i32
    %mul3A_229 = arith.muli %arg1, %mul3A_228 : i32
    %mul3A_230 = arith.constant 4096 : i32
    %mul3A_231 = arith.muli %arg1, %mul3A_230 : i32
    %add3A_232 = arith.addi %mul3A_220, %mul3A_231 : i32
    "tpu.region"() ({
      %run_scoped3A = tpu.sem_alloc : memref<!tpu.dma_semaphore, #tpu.memory_space<semaphore_mem>>
      %dma_start3A_815 = arith.constant 0 : i32
      %dma_start3A_816 = tpu.memref_slice %arg7[%add3A_232, %dma_start3A_815] : memref<4194304x8xf32, #tpu.memory_space<hbm>> -> memref<4096x8xf32, #tpu.memory_space<hbm>>
      %dma_start3A_817 = arith.constant 0 : i32
      %dma_start3A_818 = tpu.memref_slice %arg15[%mul3A_229, %dma_start3A_817] : memref<73728x8xf32, #tpu.memory_space<vmem_shared>> -> memref<4096x8xf32, #tpu.memory_space<vmem_shared>>
      tpu.enqueue_dma source(%dma_start3A_818 : memref<4096x8xf32, #tpu.memory_space<vmem_shared>>) target(%dma_start3A_816 : memref<4096x8xf32, #tpu.memory_space<hbm>>) target_semaphore(%run_scoped3A : memref<!tpu.dma_semaphore, #tpu.memory_space<semaphore_mem>>)
      %dma_wait3A_819 = arith.constant 0 : i32
      %dma_wait3A_820 = tpu.memref_slice %arg7[%add3A_232, %dma_wait3A_819] : memref<4194304x8xf32, #tpu.memory_space<hbm>> -> memref<4096x8xf32, #tpu.memory_space<hbm>>
      %dma_wait3A_821 = arith.constant 0 : i32
      %dma_wait3A_822 = tpu.memref_slice %arg15[%mul3A_229, %dma_wait3A_821] : memref<73728x8xf32, #tpu.memory_space<vmem_shared>> -> memref<4096x8xf32, #tpu.memory_space<vmem_shared>>
      tpu.wait_dma2 semaphore(%run_scoped3A : memref<!tpu.dma_semaphore, #tpu.memory_space<semaphore_mem>>) src(%dma_wait3A_822 : memref<4096x8xf32, #tpu.memory_space<vmem_shared>>) dst(%dma_wait3A_820 : memref<4096x8xf32, #tpu.memory_space<hbm>>)
      tpu.yield
    }) : () -> ()
    %mul3A_233 = arith.constant 4096 : i32
    %mul3A_234 = arith.muli %arg1, %mul3A_233 : i32
    "tpu.region"() ({
      %run_scoped3A = tpu.sem_alloc : memref<!tpu.dma_semaphore, #tpu.memory_space<semaphore_mem>>
      %dma_start3A_815 = arith.constant 0 : i32
      %dma_start3A_816 = tpu.memref_slice %arg15[%mul3A_234, %dma_start3A_815] : memref<73728x8xf32, #tpu.memory_space<vmem_shared>> -> memref<4096x8xf32, #tpu.memory_space<vmem_shared>>
      %dma_start3A_817 = arith.constant 0 : i32
      %dma_start3A_818 = tpu.memref_slice %arg15[%mul3A_234, %dma_start3A_817] : memref<73728x8xf32, #tpu.memory_space<vmem_shared>> -> memref<4096x8xf32, #tpu.memory_space<vmem_shared>>
      tpu.enqueue_dma source(%arg14 : memref<4096x8xf32, #tpu.memory_space<vmem>>) target(%dma_start3A_818 : memref<4096x8xf32, #tpu.memory_space<vmem_shared>>) target_semaphore(%run_scoped3A : memref<!tpu.dma_semaphore, #tpu.memory_space<semaphore_mem>>)
      %dma_wait3A_819 = arith.constant 0 : i32
      %dma_wait3A_820 = tpu.memref_slice %arg15[%mul3A_234, %dma_wait3A_819] : memref<73728x8xf32, #tpu.memory_space<vmem_shared>> -> memref<4096x8xf32, #tpu.memory_space<vmem_shared>>
      %dma_wait3A_821 = arith.constant 0 : i32
      %dma_wait3A_822 = tpu.memref_slice %arg15[%mul3A_234, %dma_wait3A_821] : memref<73728x8xf32, #tpu.memory_space<vmem_shared>> -> memref<4096x8xf32, #tpu.memory_space<vmem_shared>>
      tpu.wait_dma2 semaphore(%run_scoped3A : memref<!tpu.dma_semaphore, #tpu.memory_space<semaphore_mem>>) src(%arg14 : memref<4096x8xf32, #tpu.memory_space<vmem>>) dst(%dma_wait3A_822 : memref<4096x8xf32, #tpu.memory_space<vmem_shared>>)
      tpu.yield
    }) : () -> ()
    %mul3A_235 = arith.constant 512 : i32
    %mul3A_236 = arith.muli %arg1, %mul3A_235 : i32
    %add3A_237 = arith.constant 65536 : i32
    %add3A_238 = arith.addi %add3A_237, %mul3A_236 : i32
    "tpu.region"() ({
      %run_scoped3A = tpu.sem_alloc : memref<!tpu.dma_semaphore, #tpu.memory_space<semaphore_mem>>
      %dma_start3A_815 = arith.constant 0 : i32
      %dma_start3A_816 = arith.constant 0 : i32
      %dma_start3A_817 = tpu.memref_slice %arg14[%dma_start3A_815, %dma_start3A_816] : memref<4096x8xf32, #tpu.memory_space<vmem>> -> memref<512x8xf32, #tpu.memory_space<vmem>>
      %dma_start3A_818 = arith.constant 0 : i32
      %dma_start3A_819 = tpu.memref_slice %arg15[%add3A_238, %dma_start3A_818] : memref<73728x8xf32, #tpu.memory_space<vmem_shared>> -> memref<512x8xf32, #tpu.memory_space<vmem_shared>>
      %dma_start3A_820 = arith.constant 0 : i32
      %dma_start3A_821 = tpu.memref_slice %arg15[%add3A_238, %dma_start3A_820] : memref<73728x8xf32, #tpu.memory_space<vmem_shared>> -> memref<512x8xf32, #tpu.memory_space<vmem_shared>>
      %dma_start3A_822 = arith.constant 0 : i32
      %dma_start3A_823 = arith.constant 0 : i32
      %dma_start3A_824 = tpu.memref_slice %arg14[%dma_start3A_822, %dma_start3A_823] : memref<4096x8xf32, #tpu.memory_space<vmem>> -> memref<512x8xf32, #tpu.memory_space<vmem>>
      tpu.enqueue_dma source(%dma_start3A_824 : memref<512x8xf32, #tpu.memory_space<vmem>>) target(%dma_start3A_821 : memref<512x8xf32, #tpu.memory_space<vmem_shared>>) target_semaphore(%run_scoped3A : memref<!tpu.dma_semaphore, #tpu.memory_space<semaphore_mem>>)
      %dma_wait3A_825 = arith.constant 0 : i32
      %dma_wait3A_826 = arith.constant 0 : i32
      %dma_wait3A_827 = tpu.memref_slice %arg14[%dma_wait3A_825, %dma_wait3A_826] : memref<4096x8xf32, #tpu.memory_space<vmem>> -> memref<512x8xf32, #tpu.memory_space<vmem>>
      %dma_wait3A_828 = arith.constant 0 : i32
      %dma_wait3A_829 = tpu.memref_slice %arg15[%add3A_238, %dma_wait3A_828] : memref<73728x8xf32, #tpu.memory_space<vmem_shared>> -> memref<512x8xf32, #tpu.memory_space<vmem_shared>>
      %dma_wait3A_830 = arith.constant 0 : i32
      %dma_wait3A_831 = tpu.memref_slice %arg15[%add3A_238, %dma_wait3A_830] : memref<73728x8xf32, #tpu.memory_space<vmem_shared>> -> memref<512x8xf32, #tpu.memory_space<vmem_shared>>
      %dma_wait3A_832 = arith.constant 0 : i32
      %dma_wait3A_833 = arith.constant 0 : i32
      %dma_wait3A_834 = tpu.memref_slice %arg14[%dma_wait3A_832, %dma_wait3A_833] : memref<4096x8xf32, #tpu.memory_space<vmem>> -> memref<512x8xf32, #tpu.memory_space<vmem>>
      tpu.wait_dma2 semaphore(%run_scoped3A : memref<!tpu.dma_semaphore, #tpu.memory_space<semaphore_mem>>) src(%dma_wait3A_834 : memref<512x8xf32, #tpu.memory_space<vmem>>) dst(%dma_wait3A_831 : memref<512x8xf32, #tpu.memory_space<vmem_shared>>)
      tpu.yield
    }) : () -> ()
    %barrier3A_239 = arith.constant 0 : index
    tpu.barrier barrier_id(%barrier3A_239)
    %mul3A_240 = arith.constant 32 : i32
    %mul3A_241 = arith.muli %arg0, %mul3A_240 : i32
    %add3A_242 = arith.constant 9 : i32
    %add3A_243 = arith.addi %mul3A_241, %add3A_242 : i32
    %mul3A_244 = arith.constant 65536 : i32
    %mul3A_245 = arith.muli %add3A_243, %mul3A_244 : i32
    %scan3A_246 = arith.constant 0 : i32
    %scan3A_247 = arith.constant 0 : i32
    %scan3A_248 = arith.constant 256 : i32
    %scan3A_249 = arith.addi %scan3A_247, %scan3A_248 : i32
    %scan3A_250 = arith.constant 1 : i32
    scf.for %scan3A_815 = %scan3A_247 to %scan3A_249 step %scan3A_250  : i32 {
      %mul3A_816 = arith.constant 16 : i32
      %mul3A_817 = arith.muli %scan3A_815, %mul3A_816 : i32
      %get3A = arith.index_cast %mul3A_817 : i32 to index
      %get3A_818 = tpu.vector_load %arg11[%get3A] {strides = array<i32>} : memref<4096xi32, #tpu.memory_space<vmem>>, vector<16xi32>,
      %get3A_819 = vector.shape_cast %get3A_818 : vector<16xi32> to vector<16xi32>
      %iota3A = tpu.iota {dimensions = array<i32: 0>} : vector<16xi32>
      %mul3A_820 = arith.constant 16 : i32
      %mul3A_821 = arith.muli %scan3A_815, %mul3A_820 : i32
      %add3A_822 = arith.addi %mul3A_0, %mul3A_821 : i32
      %add3A_823 = vector.broadcast %add3A_822 : i32 to vector<16xi32>
      %add3A_824 = arith.addi %add3A_823, %iota3A : vector<16xi32>
      %and3A = arith.constant 8191 : i32
      %and3A_825 = vector.broadcast %and3A : i32 to vector<16xi32>
      %and3A_826 = arith.andi %add3A_824, %and3A_825 : vector<16xi32>
      %add3A_827 = arith.constant 65536 : i32
      %add3A_828 = vector.broadcast %add3A_827 : i32 to vector<16xi32>
      %add3A_829 = arith.addi %add3A_828, %and3A_826 : vector<16xi32>
      %ge3A = vector.broadcast %mul3A_245 : i32 to vector<16xi32>
      %ge3A_830 = arith.cmpi sge, %get3A_819, %ge3A : vector<16xi32>
      %add3A_831 = arith.constant 65536 : i32
      %add3A_832 = arith.addi %mul3A_245, %add3A_831 : i32
      %lt3A = vector.broadcast %add3A_832 : i32 to vector<16xi32>
      %lt3A_833 = arith.cmpi slt, %get3A_819, %lt3A : vector<16xi32>
      %and3A_834 = arith.andi %ge3A_830, %lt3A_833 : vector<16xi1>
      %sub3A = vector.broadcast %mul3A_245 : i32 to vector<16xi32>
      %sub3A_835 = arith.subi %get3A_819, %sub3A : vector<16xi32>
      %select_n3A = arith.select %and3A_834, %sub3A_835, %add3A_829 : vector<16xi1>, vector<16xi32>
      %mul3A_836 = arith.constant 16 : i32
      %mul3A_837 = arith.muli %scan3A_815, %mul3A_836 : i32
      %swap3A = arith.index_cast %mul3A_837 : i32 to index
      %swap3A_838 = tpu.vector_load %arg12[%swap3A] {strides = array<i32>} : memref<4096xi32, #tpu.memory_space<vmem>>, vector<16xi32>,
      %swap3A_839 = vector.shape_cast %swap3A_838 : vector<16xi32> to vector<16xi32>
      %swap3A_840 = vector.shape_cast %select_n3A : vector<16xi32> to vector<16xi32>
      tpu.vector_store %arg12[%swap3A], %swap3A_840 {strides = array<i32>} : memref<4096xi32, #tpu.memory_space<vmem>>, vector<16xi32>,
    }
    %scan3A_251 = arith.constant 256 : i32
    "tpu.region"() ({
      %run_scoped3A = tpu.sem_alloc : memref<!tpu.dma_semaphore, #tpu.memory_space<semaphore_mem>>
      %dma_start3A_815 = arith.constant 0 : i32
      %dma_start3A_816 = arith.constant 0 : i32
      %dma_start3A_817 = tpu.memref_slice %arg15[%dma_start3A_815, %dma_start3A_816] : memref<73728x8xf32, #tpu.memory_space<vmem_shared>> -> memref<73728x8xf32, #tpu.memory_space<vmem_shared>>
      tpu.enqueue_indirect_dma source(%arg13 : memref<4096x8xf32, #tpu.memory_space<vmem>>) target(%dma_start3A_817 : memref<73728x8xf32, #tpu.memory_space<vmem_shared>>) offsets(%arg12 : memref<4096xi32, #tpu.memory_space<vmem>>) semaphore(%run_scoped3A : memref<!tpu.dma_semaphore, #tpu.memory_space<semaphore_mem>>) {add = true}
      %dma_wait3A_818 = arith.constant 0 : i32
      %dma_wait3A_819 = arith.constant 0 : i32
      %dma_wait3A_820 = tpu.memref_slice %arg15[%dma_wait3A_818, %dma_wait3A_819] : memref<73728x8xf32, #tpu.memory_space<vmem_shared>> -> memref<73728x8xf32, #tpu.memory_space<vmem_shared>>
      tpu.wait_indirect_dma semaphore(%run_scoped3A : memref<!tpu.dma_semaphore, #tpu.memory_space<semaphore_mem>>) src(%arg13 : memref<4096x8xf32, #tpu.memory_space<vmem>>) dst(%dma_wait3A_820 : memref<73728x8xf32, #tpu.memory_space<vmem_shared>>)
      tpu.yield
    }) : () -> ()
    %barrier3A_252 = arith.constant 0 : index
    tpu.barrier barrier_id(%barrier3A_252)
    %mul3A_253 = arith.constant 4096 : i32
    %mul3A_254 = arith.muli %arg1, %mul3A_253 : i32
    %mul3A_255 = arith.constant 4096 : i32
    %mul3A_256 = arith.muli %arg1, %mul3A_255 : i32
    %add3A_257 = arith.addi %mul3A_245, %mul3A_256 : i32
    "tpu.region"() ({
      %run_scoped3A = tpu.sem_alloc : memref<!tpu.dma_semaphore, #tpu.memory_space<semaphore_mem>>
      %dma_start3A_815 = arith.constant 0 : i32
      %dma_start3A_816 = tpu.memref_slice %arg7[%add3A_257, %dma_start3A_815] : memref<4194304x8xf32, #tpu.memory_space<hbm>> -> memref<4096x8xf32, #tpu.memory_space<hbm>>
      %dma_start3A_817 = arith.constant 0 : i32
      %dma_start3A_818 = tpu.memref_slice %arg15[%mul3A_254, %dma_start3A_817] : memref<73728x8xf32, #tpu.memory_space<vmem_shared>> -> memref<4096x8xf32, #tpu.memory_space<vmem_shared>>
      tpu.enqueue_dma source(%dma_start3A_818 : memref<4096x8xf32, #tpu.memory_space<vmem_shared>>) target(%dma_start3A_816 : memref<4096x8xf32, #tpu.memory_space<hbm>>) target_semaphore(%run_scoped3A : memref<!tpu.dma_semaphore, #tpu.memory_space<semaphore_mem>>)
      %dma_wait3A_819 = arith.constant 0 : i32
      %dma_wait3A_820 = tpu.memref_slice %arg7[%add3A_257, %dma_wait3A_819] : memref<4194304x8xf32, #tpu.memory_space<hbm>> -> memref<4096x8xf32, #tpu.memory_space<hbm>>
      %dma_wait3A_821 = arith.constant 0 : i32
      %dma_wait3A_822 = tpu.memref_slice %arg15[%mul3A_254, %dma_wait3A_821] : memref<73728x8xf32, #tpu.memory_space<vmem_shared>> -> memref<4096x8xf32, #tpu.memory_space<vmem_shared>>
      tpu.wait_dma2 semaphore(%run_scoped3A : memref<!tpu.dma_semaphore, #tpu.memory_space<semaphore_mem>>) src(%dma_wait3A_822 : memref<4096x8xf32, #tpu.memory_space<vmem_shared>>) dst(%dma_wait3A_820 : memref<4096x8xf32, #tpu.memory_space<hbm>>)
      tpu.yield
    }) : () -> ()
    %mul3A_258 = arith.constant 4096 : i32
    %mul3A_259 = arith.muli %arg1, %mul3A_258 : i32
    "tpu.region"() ({
      %run_scoped3A = tpu.sem_alloc : memref<!tpu.dma_semaphore, #tpu.memory_space<semaphore_mem>>
      %dma_start3A_815 = arith.constant 0 : i32
      %dma_start3A_816 = tpu.memref_slice %arg15[%mul3A_259, %dma_start3A_815] : memref<73728x8xf32, #tpu.memory_space<vmem_shared>> -> memref<4096x8xf32, #tpu.memory_space<vmem_shared>>
      %dma_start3A_817 = arith.constant 0 : i32
      %dma_start3A_818 = tpu.memref_slice %arg15[%mul3A_259, %dma_start3A_817] : memref<73728x8xf32, #tpu.memory_space<vmem_shared>> -> memref<4096x8xf32, #tpu.memory_space<vmem_shared>>
      tpu.enqueue_dma source(%arg14 : memref<4096x8xf32, #tpu.memory_space<vmem>>) target(%dma_start3A_818 : memref<4096x8xf32, #tpu.memory_space<vmem_shared>>) target_semaphore(%run_scoped3A : memref<!tpu.dma_semaphore, #tpu.memory_space<semaphore_mem>>)
      %dma_wait3A_819 = arith.constant 0 : i32
      %dma_wait3A_820 = tpu.memref_slice %arg15[%mul3A_259, %dma_wait3A_819] : memref<73728x8xf32, #tpu.memory_space<vmem_shared>> -> memref<4096x8xf32, #tpu.memory_space<vmem_shared>>
      %dma_wait3A_821 = arith.constant 0 : i32
      %dma_wait3A_822 = tpu.memref_slice %arg15[%mul3A_259, %dma_wait3A_821] : memref<73728x8xf32, #tpu.memory_space<vmem_shared>> -> memref<4096x8xf32, #tpu.memory_space<vmem_shared>>
      tpu.wait_dma2 semaphore(%run_scoped3A : memref<!tpu.dma_semaphore, #tpu.memory_space<semaphore_mem>>) src(%arg14 : memref<4096x8xf32, #tpu.memory_space<vmem>>) dst(%dma_wait3A_822 : memref<4096x8xf32, #tpu.memory_space<vmem_shared>>)
      tpu.yield
    }) : () -> ()
    %mul3A_260 = arith.constant 512 : i32
    %mul3A_261 = arith.muli %arg1, %mul3A_260 : i32
    %add3A_262 = arith.constant 65536 : i32
    %add3A_263 = arith.addi %add3A_262, %mul3A_261 : i32
    "tpu.region"() ({
      %run_scoped3A = tpu.sem_alloc : memref<!tpu.dma_semaphore, #tpu.memory_space<semaphore_mem>>
      %dma_start3A_815 = arith.constant 0 : i32
      %dma_start3A_816 = arith.constant 0 : i32
      %dma_start3A_817 = tpu.memref_slice %arg14[%dma_start3A_815, %dma_start3A_816] : memref<4096x8xf32, #tpu.memory_space<vmem>> -> memref<512x8xf32, #tpu.memory_space<vmem>>
      %dma_start3A_818 = arith.constant 0 : i32
      %dma_start3A_819 = tpu.memref_slice %arg15[%add3A_263, %dma_start3A_818] : memref<73728x8xf32, #tpu.memory_space<vmem_shared>> -> memref<512x8xf32, #tpu.memory_space<vmem_shared>>
      %dma_start3A_820 = arith.constant 0 : i32
      %dma_start3A_821 = tpu.memref_slice %arg15[%add3A_263, %dma_start3A_820] : memref<73728x8xf32, #tpu.memory_space<vmem_shared>> -> memref<512x8xf32, #tpu.memory_space<vmem_shared>>
      %dma_start3A_822 = arith.constant 0 : i32
      %dma_start3A_823 = arith.constant 0 : i32
      %dma_start3A_824 = tpu.memref_slice %arg14[%dma_start3A_822, %dma_start3A_823] : memref<4096x8xf32, #tpu.memory_space<vmem>> -> memref<512x8xf32, #tpu.memory_space<vmem>>
      tpu.enqueue_dma source(%dma_start3A_824 : memref<512x8xf32, #tpu.memory_space<vmem>>) target(%dma_start3A_821 : memref<512x8xf32, #tpu.memory_space<vmem_shared>>) target_semaphore(%run_scoped3A : memref<!tpu.dma_semaphore, #tpu.memory_space<semaphore_mem>>)
      %dma_wait3A_825 = arith.constant 0 : i32
      %dma_wait3A_826 = arith.constant 0 : i32
      %dma_wait3A_827 = tpu.memref_slice %arg14[%dma_wait3A_825, %dma_wait3A_826] : memref<4096x8xf32, #tpu.memory_space<vmem>> -> memref<512x8xf32, #tpu.memory_space<vmem>>
      %dma_wait3A_828 = arith.constant 0 : i32
      %dma_wait3A_829 = tpu.memref_slice %arg15[%add3A_263, %dma_wait3A_828] : memref<73728x8xf32, #tpu.memory_space<vmem_shared>> -> memref<512x8xf32, #tpu.memory_space<vmem_shared>>
      %dma_wait3A_830 = arith.constant 0 : i32
      %dma_wait3A_831 = tpu.memref_slice %arg15[%add3A_263, %dma_wait3A_830] : memref<73728x8xf32, #tpu.memory_space<vmem_shared>> -> memref<512x8xf32, #tpu.memory_space<vmem_shared>>
      %dma_wait3A_832 = arith.constant 0 : i32
      %dma_wait3A_833 = arith.constant 0 : i32
      %dma_wait3A_834 = tpu.memref_slice %arg14[%dma_wait3A_832, %dma_wait3A_833] : memref<4096x8xf32, #tpu.memory_space<vmem>> -> memref<512x8xf32, #tpu.memory_space<vmem>>
      tpu.wait_dma2 semaphore(%run_scoped3A : memref<!tpu.dma_semaphore, #tpu.memory_space<semaphore_mem>>) src(%dma_wait3A_834 : memref<512x8xf32, #tpu.memory_space<vmem>>) dst(%dma_wait3A_831 : memref<512x8xf32, #tpu.memory_space<vmem_shared>>)
      tpu.yield
    }) : () -> ()
    %barrier3A_264 = arith.constant 0 : index
    tpu.barrier barrier_id(%barrier3A_264)
    %mul3A_265 = arith.constant 32 : i32
    %mul3A_266 = arith.muli %arg0, %mul3A_265 : i32
    %add3A_267 = arith.constant 10 : i32
    %add3A_268 = arith.addi %mul3A_266, %add3A_267 : i32
    %mul3A_269 = arith.constant 65536 : i32
    %mul3A_270 = arith.muli %add3A_268, %mul3A_269 : i32
    %scan3A_271 = arith.constant 0 : i32
    %scan3A_272 = arith.constant 0 : i32
    %scan3A_273 = arith.constant 256 : i32
    %scan3A_274 = arith.addi %scan3A_272, %scan3A_273 : i32
    %scan3A_275 = arith.constant 1 : i32
    scf.for %scan3A_815 = %scan3A_272 to %scan3A_274 step %scan3A_275  : i32 {
      %mul3A_816 = arith.constant 16 : i32
      %mul3A_817 = arith.muli %scan3A_815, %mul3A_816 : i32
      %get3A = arith.index_cast %mul3A_817 : i32 to index
      %get3A_818 = tpu.vector_load %arg11[%get3A] {strides = array<i32>} : memref<4096xi32, #tpu.memory_space<vmem>>, vector<16xi32>,
      %get3A_819 = vector.shape_cast %get3A_818 : vector<16xi32> to vector<16xi32>
      %iota3A = tpu.iota {dimensions = array<i32: 0>} : vector<16xi32>
      %mul3A_820 = arith.constant 16 : i32
      %mul3A_821 = arith.muli %scan3A_815, %mul3A_820 : i32
      %add3A_822 = arith.addi %mul3A_0, %mul3A_821 : i32
      %add3A_823 = vector.broadcast %add3A_822 : i32 to vector<16xi32>
      %add3A_824 = arith.addi %add3A_823, %iota3A : vector<16xi32>
      %and3A = arith.constant 8191 : i32
      %and3A_825 = vector.broadcast %and3A : i32 to vector<16xi32>
      %and3A_826 = arith.andi %add3A_824, %and3A_825 : vector<16xi32>
      %add3A_827 = arith.constant 65536 : i32
      %add3A_828 = vector.broadcast %add3A_827 : i32 to vector<16xi32>
      %add3A_829 = arith.addi %add3A_828, %and3A_826 : vector<16xi32>
      %ge3A = vector.broadcast %mul3A_270 : i32 to vector<16xi32>
      %ge3A_830 = arith.cmpi sge, %get3A_819, %ge3A : vector<16xi32>
      %add3A_831 = arith.constant 65536 : i32
      %add3A_832 = arith.addi %mul3A_270, %add3A_831 : i32
      %lt3A = vector.broadcast %add3A_832 : i32 to vector<16xi32>
      %lt3A_833 = arith.cmpi slt, %get3A_819, %lt3A : vector<16xi32>
      %and3A_834 = arith.andi %ge3A_830, %lt3A_833 : vector<16xi1>
      %sub3A = vector.broadcast %mul3A_270 : i32 to vector<16xi32>
      %sub3A_835 = arith.subi %get3A_819, %sub3A : vector<16xi32>
      %select_n3A = arith.select %and3A_834, %sub3A_835, %add3A_829 : vector<16xi1>, vector<16xi32>
      %mul3A_836 = arith.constant 16 : i32
      %mul3A_837 = arith.muli %scan3A_815, %mul3A_836 : i32
      %swap3A = arith.index_cast %mul3A_837 : i32 to index
      %swap3A_838 = tpu.vector_load %arg12[%swap3A] {strides = array<i32>} : memref<4096xi32, #tpu.memory_space<vmem>>, vector<16xi32>,
      %swap3A_839 = vector.shape_cast %swap3A_838 : vector<16xi32> to vector<16xi32>
      %swap3A_840 = vector.shape_cast %select_n3A : vector<16xi32> to vector<16xi32>
      tpu.vector_store %arg12[%swap3A], %swap3A_840 {strides = array<i32>} : memref<4096xi32, #tpu.memory_space<vmem>>, vector<16xi32>,
    }
    %scan3A_276 = arith.constant 256 : i32
    "tpu.region"() ({
      %run_scoped3A = tpu.sem_alloc : memref<!tpu.dma_semaphore, #tpu.memory_space<semaphore_mem>>
      %dma_start3A_815 = arith.constant 0 : i32
      %dma_start3A_816 = arith.constant 0 : i32
      %dma_start3A_817 = tpu.memref_slice %arg15[%dma_start3A_815, %dma_start3A_816] : memref<73728x8xf32, #tpu.memory_space<vmem_shared>> -> memref<73728x8xf32, #tpu.memory_space<vmem_shared>>
      tpu.enqueue_indirect_dma source(%arg13 : memref<4096x8xf32, #tpu.memory_space<vmem>>) target(%dma_start3A_817 : memref<73728x8xf32, #tpu.memory_space<vmem_shared>>) offsets(%arg12 : memref<4096xi32, #tpu.memory_space<vmem>>) semaphore(%run_scoped3A : memref<!tpu.dma_semaphore, #tpu.memory_space<semaphore_mem>>) {add = true}
      %dma_wait3A_818 = arith.constant 0 : i32
      %dma_wait3A_819 = arith.constant 0 : i32
      %dma_wait3A_820 = tpu.memref_slice %arg15[%dma_wait3A_818, %dma_wait3A_819] : memref<73728x8xf32, #tpu.memory_space<vmem_shared>> -> memref<73728x8xf32, #tpu.memory_space<vmem_shared>>
      tpu.wait_indirect_dma semaphore(%run_scoped3A : memref<!tpu.dma_semaphore, #tpu.memory_space<semaphore_mem>>) src(%arg13 : memref<4096x8xf32, #tpu.memory_space<vmem>>) dst(%dma_wait3A_820 : memref<73728x8xf32, #tpu.memory_space<vmem_shared>>)
      tpu.yield
    }) : () -> ()
    %barrier3A_277 = arith.constant 0 : index
    tpu.barrier barrier_id(%barrier3A_277)
    %mul3A_278 = arith.constant 4096 : i32
    %mul3A_279 = arith.muli %arg1, %mul3A_278 : i32
    %mul3A_280 = arith.constant 4096 : i32
    %mul3A_281 = arith.muli %arg1, %mul3A_280 : i32
    %add3A_282 = arith.addi %mul3A_270, %mul3A_281 : i32
    "tpu.region"() ({
      %run_scoped3A = tpu.sem_alloc : memref<!tpu.dma_semaphore, #tpu.memory_space<semaphore_mem>>
      %dma_start3A_815 = arith.constant 0 : i32
      %dma_start3A_816 = tpu.memref_slice %arg7[%add3A_282, %dma_start3A_815] : memref<4194304x8xf32, #tpu.memory_space<hbm>> -> memref<4096x8xf32, #tpu.memory_space<hbm>>
      %dma_start3A_817 = arith.constant 0 : i32
      %dma_start3A_818 = tpu.memref_slice %arg15[%mul3A_279, %dma_start3A_817] : memref<73728x8xf32, #tpu.memory_space<vmem_shared>> -> memref<4096x8xf32, #tpu.memory_space<vmem_shared>>
      tpu.enqueue_dma source(%dma_start3A_818 : memref<4096x8xf32, #tpu.memory_space<vmem_shared>>) target(%dma_start3A_816 : memref<4096x8xf32, #tpu.memory_space<hbm>>) target_semaphore(%run_scoped3A : memref<!tpu.dma_semaphore, #tpu.memory_space<semaphore_mem>>)
      %dma_wait3A_819 = arith.constant 0 : i32
      %dma_wait3A_820 = tpu.memref_slice %arg7[%add3A_282, %dma_wait3A_819] : memref<4194304x8xf32, #tpu.memory_space<hbm>> -> memref<4096x8xf32, #tpu.memory_space<hbm>>
      %dma_wait3A_821 = arith.constant 0 : i32
      %dma_wait3A_822 = tpu.memref_slice %arg15[%mul3A_279, %dma_wait3A_821] : memref<73728x8xf32, #tpu.memory_space<vmem_shared>> -> memref<4096x8xf32, #tpu.memory_space<vmem_shared>>
      tpu.wait_dma2 semaphore(%run_scoped3A : memref<!tpu.dma_semaphore, #tpu.memory_space<semaphore_mem>>) src(%dma_wait3A_822 : memref<4096x8xf32, #tpu.memory_space<vmem_shared>>) dst(%dma_wait3A_820 : memref<4096x8xf32, #tpu.memory_space<hbm>>)
      tpu.yield
    }) : () -> ()
    %mul3A_283 = arith.constant 4096 : i32
    %mul3A_284 = arith.muli %arg1, %mul3A_283 : i32
    "tpu.region"() ({
      %run_scoped3A = tpu.sem_alloc : memref<!tpu.dma_semaphore, #tpu.memory_space<semaphore_mem>>
      %dma_start3A_815 = arith.constant 0 : i32
      %dma_start3A_816 = tpu.memref_slice %arg15[%mul3A_284, %dma_start3A_815] : memref<73728x8xf32, #tpu.memory_space<vmem_shared>> -> memref<4096x8xf32, #tpu.memory_space<vmem_shared>>
      %dma_start3A_817 = arith.constant 0 : i32
      %dma_start3A_818 = tpu.memref_slice %arg15[%mul3A_284, %dma_start3A_817] : memref<73728x8xf32, #tpu.memory_space<vmem_shared>> -> memref<4096x8xf32, #tpu.memory_space<vmem_shared>>
      tpu.enqueue_dma source(%arg14 : memref<4096x8xf32, #tpu.memory_space<vmem>>) target(%dma_start3A_818 : memref<4096x8xf32, #tpu.memory_space<vmem_shared>>) target_semaphore(%run_scoped3A : memref<!tpu.dma_semaphore, #tpu.memory_space<semaphore_mem>>)
      %dma_wait3A_819 = arith.constant 0 : i32
      %dma_wait3A_820 = tpu.memref_slice %arg15[%mul3A_284, %dma_wait3A_819] : memref<73728x8xf32, #tpu.memory_space<vmem_shared>> -> memref<4096x8xf32, #tpu.memory_space<vmem_shared>>
      %dma_wait3A_821 = arith.constant 0 : i32
      %dma_wait3A_822 = tpu.memref_slice %arg15[%mul3A_284, %dma_wait3A_821] : memref<73728x8xf32, #tpu.memory_space<vmem_shared>> -> memref<4096x8xf32, #tpu.memory_space<vmem_shared>>
      tpu.wait_dma2 semaphore(%run_scoped3A : memref<!tpu.dma_semaphore, #tpu.memory_space<semaphore_mem>>) src(%arg14 : memref<4096x8xf32, #tpu.memory_space<vmem>>) dst(%dma_wait3A_822 : memref<4096x8xf32, #tpu.memory_space<vmem_shared>>)
      tpu.yield
    }) : () -> ()
    %mul3A_285 = arith.constant 512 : i32
    %mul3A_286 = arith.muli %arg1, %mul3A_285 : i32
    %add3A_287 = arith.constant 65536 : i32
    %add3A_288 = arith.addi %add3A_287, %mul3A_286 : i32
    "tpu.region"() ({
      %run_scoped3A = tpu.sem_alloc : memref<!tpu.dma_semaphore, #tpu.memory_space<semaphore_mem>>
      %dma_start3A_815 = arith.constant 0 : i32
      %dma_start3A_816 = arith.constant 0 : i32
      %dma_start3A_817 = tpu.memref_slice %arg14[%dma_start3A_815, %dma_start3A_816] : memref<4096x8xf32, #tpu.memory_space<vmem>> -> memref<512x8xf32, #tpu.memory_space<vmem>>
      %dma_start3A_818 = arith.constant 0 : i32
      %dma_start3A_819 = tpu.memref_slice %arg15[%add3A_288, %dma_start3A_818] : memref<73728x8xf32, #tpu.memory_space<vmem_shared>> -> memref<512x8xf32, #tpu.memory_space<vmem_shared>>
      %dma_start3A_820 = arith.constant 0 : i32
      %dma_start3A_821 = tpu.memref_slice %arg15[%add3A_288, %dma_start3A_820] : memref<73728x8xf32, #tpu.memory_space<vmem_shared>> -> memref<512x8xf32, #tpu.memory_space<vmem_shared>>
      %dma_start3A_822 = arith.constant 0 : i32
      %dma_start3A_823 = arith.constant 0 : i32
      %dma_start3A_824 = tpu.memref_slice %arg14[%dma_start3A_822, %dma_start3A_823] : memref<4096x8xf32, #tpu.memory_space<vmem>> -> memref<512x8xf32, #tpu.memory_space<vmem>>
      tpu.enqueue_dma source(%dma_start3A_824 : memref<512x8xf32, #tpu.memory_space<vmem>>) target(%dma_start3A_821 : memref<512x8xf32, #tpu.memory_space<vmem_shared>>) target_semaphore(%run_scoped3A : memref<!tpu.dma_semaphore, #tpu.memory_space<semaphore_mem>>)
      %dma_wait3A_825 = arith.constant 0 : i32
      %dma_wait3A_826 = arith.constant 0 : i32
      %dma_wait3A_827 = tpu.memref_slice %arg14[%dma_wait3A_825, %dma_wait3A_826] : memref<4096x8xf32, #tpu.memory_space<vmem>> -> memref<512x8xf32, #tpu.memory_space<vmem>>
      %dma_wait3A_828 = arith.constant 0 : i32
      %dma_wait3A_829 = tpu.memref_slice %arg15[%add3A_288, %dma_wait3A_828] : memref<73728x8xf32, #tpu.memory_space<vmem_shared>> -> memref<512x8xf32, #tpu.memory_space<vmem_shared>>
      %dma_wait3A_830 = arith.constant 0 : i32
      %dma_wait3A_831 = tpu.memref_slice %arg15[%add3A_288, %dma_wait3A_830] : memref<73728x8xf32, #tpu.memory_space<vmem_shared>> -> memref<512x8xf32, #tpu.memory_space<vmem_shared>>
      %dma_wait3A_832 = arith.constant 0 : i32
      %dma_wait3A_833 = arith.constant 0 : i32
      %dma_wait3A_834 = tpu.memref_slice %arg14[%dma_wait3A_832, %dma_wait3A_833] : memref<4096x8xf32, #tpu.memory_space<vmem>> -> memref<512x8xf32, #tpu.memory_space<vmem>>
      tpu.wait_dma2 semaphore(%run_scoped3A : memref<!tpu.dma_semaphore, #tpu.memory_space<semaphore_mem>>) src(%dma_wait3A_834 : memref<512x8xf32, #tpu.memory_space<vmem>>) dst(%dma_wait3A_831 : memref<512x8xf32, #tpu.memory_space<vmem_shared>>)
      tpu.yield
    }) : () -> ()
    %barrier3A_289 = arith.constant 0 : index
    tpu.barrier barrier_id(%barrier3A_289)
    %mul3A_290 = arith.constant 32 : i32
    %mul3A_291 = arith.muli %arg0, %mul3A_290 : i32
    %add3A_292 = arith.constant 11 : i32
    %add3A_293 = arith.addi %mul3A_291, %add3A_292 : i32
    %mul3A_294 = arith.constant 65536 : i32
    %mul3A_295 = arith.muli %add3A_293, %mul3A_294 : i32
    %scan3A_296 = arith.constant 0 : i32
    %scan3A_297 = arith.constant 0 : i32
    %scan3A_298 = arith.constant 256 : i32
    %scan3A_299 = arith.addi %scan3A_297, %scan3A_298 : i32
    %scan3A_300 = arith.constant 1 : i32
    scf.for %scan3A_815 = %scan3A_297 to %scan3A_299 step %scan3A_300  : i32 {
      %mul3A_816 = arith.constant 16 : i32
      %mul3A_817 = arith.muli %scan3A_815, %mul3A_816 : i32
      %get3A = arith.index_cast %mul3A_817 : i32 to index
      %get3A_818 = tpu.vector_load %arg11[%get3A] {strides = array<i32>} : memref<4096xi32, #tpu.memory_space<vmem>>, vector<16xi32>,
      %get3A_819 = vector.shape_cast %get3A_818 : vector<16xi32> to vector<16xi32>
      %iota3A = tpu.iota {dimensions = array<i32: 0>} : vector<16xi32>
      %mul3A_820 = arith.constant 16 : i32
      %mul3A_821 = arith.muli %scan3A_815, %mul3A_820 : i32
      %add3A_822 = arith.addi %mul3A_0, %mul3A_821 : i32
      %add3A_823 = vector.broadcast %add3A_822 : i32 to vector<16xi32>
      %add3A_824 = arith.addi %add3A_823, %iota3A : vector<16xi32>
      %and3A = arith.constant 8191 : i32
      %and3A_825 = vector.broadcast %and3A : i32 to vector<16xi32>
      %and3A_826 = arith.andi %add3A_824, %and3A_825 : vector<16xi32>
      %add3A_827 = arith.constant 65536 : i32
      %add3A_828 = vector.broadcast %add3A_827 : i32 to vector<16xi32>
      %add3A_829 = arith.addi %add3A_828, %and3A_826 : vector<16xi32>
      %ge3A = vector.broadcast %mul3A_295 : i32 to vector<16xi32>
      %ge3A_830 = arith.cmpi sge, %get3A_819, %ge3A : vector<16xi32>
      %add3A_831 = arith.constant 65536 : i32
      %add3A_832 = arith.addi %mul3A_295, %add3A_831 : i32
      %lt3A = vector.broadcast %add3A_832 : i32 to vector<16xi32>
      %lt3A_833 = arith.cmpi slt, %get3A_819, %lt3A : vector<16xi32>
      %and3A_834 = arith.andi %ge3A_830, %lt3A_833 : vector<16xi1>
      %sub3A = vector.broadcast %mul3A_295 : i32 to vector<16xi32>
      %sub3A_835 = arith.subi %get3A_819, %sub3A : vector<16xi32>
      %select_n3A = arith.select %and3A_834, %sub3A_835, %add3A_829 : vector<16xi1>, vector<16xi32>
      %mul3A_836 = arith.constant 16 : i32
      %mul3A_837 = arith.muli %scan3A_815, %mul3A_836 : i32
      %swap3A = arith.index_cast %mul3A_837 : i32 to index
      %swap3A_838 = tpu.vector_load %arg12[%swap3A] {strides = array<i32>} : memref<4096xi32, #tpu.memory_space<vmem>>, vector<16xi32>,
      %swap3A_839 = vector.shape_cast %swap3A_838 : vector<16xi32> to vector<16xi32>
      %swap3A_840 = vector.shape_cast %select_n3A : vector<16xi32> to vector<16xi32>
      tpu.vector_store %arg12[%swap3A], %swap3A_840 {strides = array<i32>} : memref<4096xi32, #tpu.memory_space<vmem>>, vector<16xi32>,
    }
    %scan3A_301 = arith.constant 256 : i32
    "tpu.region"() ({
      %run_scoped3A = tpu.sem_alloc : memref<!tpu.dma_semaphore, #tpu.memory_space<semaphore_mem>>
      %dma_start3A_815 = arith.constant 0 : i32
      %dma_start3A_816 = arith.constant 0 : i32
      %dma_start3A_817 = tpu.memref_slice %arg15[%dma_start3A_815, %dma_start3A_816] : memref<73728x8xf32, #tpu.memory_space<vmem_shared>> -> memref<73728x8xf32, #tpu.memory_space<vmem_shared>>
      tpu.enqueue_indirect_dma source(%arg13 : memref<4096x8xf32, #tpu.memory_space<vmem>>) target(%dma_start3A_817 : memref<73728x8xf32, #tpu.memory_space<vmem_shared>>) offsets(%arg12 : memref<4096xi32, #tpu.memory_space<vmem>>) semaphore(%run_scoped3A : memref<!tpu.dma_semaphore, #tpu.memory_space<semaphore_mem>>) {add = true}
      %dma_wait3A_818 = arith.constant 0 : i32
      %dma_wait3A_819 = arith.constant 0 : i32
      %dma_wait3A_820 = tpu.memref_slice %arg15[%dma_wait3A_818, %dma_wait3A_819] : memref<73728x8xf32, #tpu.memory_space<vmem_shared>> -> memref<73728x8xf32, #tpu.memory_space<vmem_shared>>
      tpu.wait_indirect_dma semaphore(%run_scoped3A : memref<!tpu.dma_semaphore, #tpu.memory_space<semaphore_mem>>) src(%arg13 : memref<4096x8xf32, #tpu.memory_space<vmem>>) dst(%dma_wait3A_820 : memref<73728x8xf32, #tpu.memory_space<vmem_shared>>)
      tpu.yield
    }) : () -> ()
    %barrier3A_302 = arith.constant 0 : index
    tpu.barrier barrier_id(%barrier3A_302)
    %mul3A_303 = arith.constant 4096 : i32
    %mul3A_304 = arith.muli %arg1, %mul3A_303 : i32
    %mul3A_305 = arith.constant 4096 : i32
    %mul3A_306 = arith.muli %arg1, %mul3A_305 : i32
    %add3A_307 = arith.addi %mul3A_295, %mul3A_306 : i32
    "tpu.region"() ({
      %run_scoped3A = tpu.sem_alloc : memref<!tpu.dma_semaphore, #tpu.memory_space<semaphore_mem>>
      %dma_start3A_815 = arith.constant 0 : i32
      %dma_start3A_816 = tpu.memref_slice %arg7[%add3A_307, %dma_start3A_815] : memref<4194304x8xf32, #tpu.memory_space<hbm>> -> memref<4096x8xf32, #tpu.memory_space<hbm>>
      %dma_start3A_817 = arith.constant 0 : i32
      %dma_start3A_818 = tpu.memref_slice %arg15[%mul3A_304, %dma_start3A_817] : memref<73728x8xf32, #tpu.memory_space<vmem_shared>> -> memref<4096x8xf32, #tpu.memory_space<vmem_shared>>
      tpu.enqueue_dma source(%dma_start3A_818 : memref<4096x8xf32, #tpu.memory_space<vmem_shared>>) target(%dma_start3A_816 : memref<4096x8xf32, #tpu.memory_space<hbm>>) target_semaphore(%run_scoped3A : memref<!tpu.dma_semaphore, #tpu.memory_space<semaphore_mem>>)
      %dma_wait3A_819 = arith.constant 0 : i32
      %dma_wait3A_820 = tpu.memref_slice %arg7[%add3A_307, %dma_wait3A_819] : memref<4194304x8xf32, #tpu.memory_space<hbm>> -> memref<4096x8xf32, #tpu.memory_space<hbm>>
      %dma_wait3A_821 = arith.constant 0 : i32
      %dma_wait3A_822 = tpu.memref_slice %arg15[%mul3A_304, %dma_wait3A_821] : memref<73728x8xf32, #tpu.memory_space<vmem_shared>> -> memref<4096x8xf32, #tpu.memory_space<vmem_shared>>
      tpu.wait_dma2 semaphore(%run_scoped3A : memref<!tpu.dma_semaphore, #tpu.memory_space<semaphore_mem>>) src(%dma_wait3A_822 : memref<4096x8xf32, #tpu.memory_space<vmem_shared>>) dst(%dma_wait3A_820 : memref<4096x8xf32, #tpu.memory_space<hbm>>)
      tpu.yield
    }) : () -> ()
    %mul3A_308 = arith.constant 4096 : i32
    %mul3A_309 = arith.muli %arg1, %mul3A_308 : i32
    "tpu.region"() ({
      %run_scoped3A = tpu.sem_alloc : memref<!tpu.dma_semaphore, #tpu.memory_space<semaphore_mem>>
      %dma_start3A_815 = arith.constant 0 : i32
      %dma_start3A_816 = tpu.memref_slice %arg15[%mul3A_309, %dma_start3A_815] : memref<73728x8xf32, #tpu.memory_space<vmem_shared>> -> memref<4096x8xf32, #tpu.memory_space<vmem_shared>>
      %dma_start3A_817 = arith.constant 0 : i32
      %dma_start3A_818 = tpu.memref_slice %arg15[%mul3A_309, %dma_start3A_817] : memref<73728x8xf32, #tpu.memory_space<vmem_shared>> -> memref<4096x8xf32, #tpu.memory_space<vmem_shared>>
      tpu.enqueue_dma source(%arg14 : memref<4096x8xf32, #tpu.memory_space<vmem>>) target(%dma_start3A_818 : memref<4096x8xf32, #tpu.memory_space<vmem_shared>>) target_semaphore(%run_scoped3A : memref<!tpu.dma_semaphore, #tpu.memory_space<semaphore_mem>>)
      %dma_wait3A_819 = arith.constant 0 : i32
      %dma_wait3A_820 = tpu.memref_slice %arg15[%mul3A_309, %dma_wait3A_819] : memref<73728x8xf32, #tpu.memory_space<vmem_shared>> -> memref<4096x8xf32, #tpu.memory_space<vmem_shared>>
      %dma_wait3A_821 = arith.constant 0 : i32
      %dma_wait3A_822 = tpu.memref_slice %arg15[%mul3A_309, %dma_wait3A_821] : memref<73728x8xf32, #tpu.memory_space<vmem_shared>> -> memref<4096x8xf32, #tpu.memory_space<vmem_shared>>
      tpu.wait_dma2 semaphore(%run_scoped3A : memref<!tpu.dma_semaphore, #tpu.memory_space<semaphore_mem>>) src(%arg14 : memref<4096x8xf32, #tpu.memory_space<vmem>>) dst(%dma_wait3A_822 : memref<4096x8xf32, #tpu.memory_space<vmem_shared>>)
      tpu.yield
    }) : () -> ()
    %mul3A_310 = arith.constant 512 : i32
    %mul3A_311 = arith.muli %arg1, %mul3A_310 : i32
    %add3A_312 = arith.constant 65536 : i32
    %add3A_313 = arith.addi %add3A_312, %mul3A_311 : i32
    "tpu.region"() ({
      %run_scoped3A = tpu.sem_alloc : memref<!tpu.dma_semaphore, #tpu.memory_space<semaphore_mem>>
      %dma_start3A_815 = arith.constant 0 : i32
      %dma_start3A_816 = arith.constant 0 : i32
      %dma_start3A_817 = tpu.memref_slice %arg14[%dma_start3A_815, %dma_start3A_816] : memref<4096x8xf32, #tpu.memory_space<vmem>> -> memref<512x8xf32, #tpu.memory_space<vmem>>
      %dma_start3A_818 = arith.constant 0 : i32
      %dma_start3A_819 = tpu.memref_slice %arg15[%add3A_313, %dma_start3A_818] : memref<73728x8xf32, #tpu.memory_space<vmem_shared>> -> memref<512x8xf32, #tpu.memory_space<vmem_shared>>
      %dma_start3A_820 = arith.constant 0 : i32
      %dma_start3A_821 = tpu.memref_slice %arg15[%add3A_313, %dma_start3A_820] : memref<73728x8xf32, #tpu.memory_space<vmem_shared>> -> memref<512x8xf32, #tpu.memory_space<vmem_shared>>
      %dma_start3A_822 = arith.constant 0 : i32
      %dma_start3A_823 = arith.constant 0 : i32
      %dma_start3A_824 = tpu.memref_slice %arg14[%dma_start3A_822, %dma_start3A_823] : memref<4096x8xf32, #tpu.memory_space<vmem>> -> memref<512x8xf32, #tpu.memory_space<vmem>>
      tpu.enqueue_dma source(%dma_start3A_824 : memref<512x8xf32, #tpu.memory_space<vmem>>) target(%dma_start3A_821 : memref<512x8xf32, #tpu.memory_space<vmem_shared>>) target_semaphore(%run_scoped3A : memref<!tpu.dma_semaphore, #tpu.memory_space<semaphore_mem>>)
      %dma_wait3A_825 = arith.constant 0 : i32
      %dma_wait3A_826 = arith.constant 0 : i32
      %dma_wait3A_827 = tpu.memref_slice %arg14[%dma_wait3A_825, %dma_wait3A_826] : memref<4096x8xf32, #tpu.memory_space<vmem>> -> memref<512x8xf32, #tpu.memory_space<vmem>>
      %dma_wait3A_828 = arith.constant 0 : i32
      %dma_wait3A_829 = tpu.memref_slice %arg15[%add3A_313, %dma_wait3A_828] : memref<73728x8xf32, #tpu.memory_space<vmem_shared>> -> memref<512x8xf32, #tpu.memory_space<vmem_shared>>
      %dma_wait3A_830 = arith.constant 0 : i32
      %dma_wait3A_831 = tpu.memref_slice %arg15[%add3A_313, %dma_wait3A_830] : memref<73728x8xf32, #tpu.memory_space<vmem_shared>> -> memref<512x8xf32, #tpu.memory_space<vmem_shared>>
      %dma_wait3A_832 = arith.constant 0 : i32
      %dma_wait3A_833 = arith.constant 0 : i32
      %dma_wait3A_834 = tpu.memref_slice %arg14[%dma_wait3A_832, %dma_wait3A_833] : memref<4096x8xf32, #tpu.memory_space<vmem>> -> memref<512x8xf32, #tpu.memory_space<vmem>>
      tpu.wait_dma2 semaphore(%run_scoped3A : memref<!tpu.dma_semaphore, #tpu.memory_space<semaphore_mem>>) src(%dma_wait3A_834 : memref<512x8xf32, #tpu.memory_space<vmem>>) dst(%dma_wait3A_831 : memref<512x8xf32, #tpu.memory_space<vmem_shared>>)
      tpu.yield
    }) : () -> ()
    %barrier3A_314 = arith.constant 0 : index
    tpu.barrier barrier_id(%barrier3A_314)
    %mul3A_315 = arith.constant 32 : i32
    %mul3A_316 = arith.muli %arg0, %mul3A_315 : i32
    %add3A_317 = arith.constant 12 : i32
    %add3A_318 = arith.addi %mul3A_316, %add3A_317 : i32
    %mul3A_319 = arith.constant 65536 : i32
    %mul3A_320 = arith.muli %add3A_318, %mul3A_319 : i32
    %scan3A_321 = arith.constant 0 : i32
    %scan3A_322 = arith.constant 0 : i32
    %scan3A_323 = arith.constant 256 : i32
    %scan3A_324 = arith.addi %scan3A_322, %scan3A_323 : i32
    %scan3A_325 = arith.constant 1 : i32
    scf.for %scan3A_815 = %scan3A_322 to %scan3A_324 step %scan3A_325  : i32 {
      %mul3A_816 = arith.constant 16 : i32
      %mul3A_817 = arith.muli %scan3A_815, %mul3A_816 : i32
      %get3A = arith.index_cast %mul3A_817 : i32 to index
      %get3A_818 = tpu.vector_load %arg11[%get3A] {strides = array<i32>} : memref<4096xi32, #tpu.memory_space<vmem>>, vector<16xi32>,
      %get3A_819 = vector.shape_cast %get3A_818 : vector<16xi32> to vector<16xi32>
      %iota3A = tpu.iota {dimensions = array<i32: 0>} : vector<16xi32>
      %mul3A_820 = arith.constant 16 : i32
      %mul3A_821 = arith.muli %scan3A_815, %mul3A_820 : i32
      %add3A_822 = arith.addi %mul3A_0, %mul3A_821 : i32
      %add3A_823 = vector.broadcast %add3A_822 : i32 to vector<16xi32>
      %add3A_824 = arith.addi %add3A_823, %iota3A : vector<16xi32>
      %and3A = arith.constant 8191 : i32
      %and3A_825 = vector.broadcast %and3A : i32 to vector<16xi32>
      %and3A_826 = arith.andi %add3A_824, %and3A_825 : vector<16xi32>
      %add3A_827 = arith.constant 65536 : i32
      %add3A_828 = vector.broadcast %add3A_827 : i32 to vector<16xi32>
      %add3A_829 = arith.addi %add3A_828, %and3A_826 : vector<16xi32>
      %ge3A = vector.broadcast %mul3A_320 : i32 to vector<16xi32>
      %ge3A_830 = arith.cmpi sge, %get3A_819, %ge3A : vector<16xi32>
      %add3A_831 = arith.constant 65536 : i32
      %add3A_832 = arith.addi %mul3A_320, %add3A_831 : i32
      %lt3A = vector.broadcast %add3A_832 : i32 to vector<16xi32>
      %lt3A_833 = arith.cmpi slt, %get3A_819, %lt3A : vector<16xi32>
      %and3A_834 = arith.andi %ge3A_830, %lt3A_833 : vector<16xi1>
      %sub3A = vector.broadcast %mul3A_320 : i32 to vector<16xi32>
      %sub3A_835 = arith.subi %get3A_819, %sub3A : vector<16xi32>
      %select_n3A = arith.select %and3A_834, %sub3A_835, %add3A_829 : vector<16xi1>, vector<16xi32>
      %mul3A_836 = arith.constant 16 : i32
      %mul3A_837 = arith.muli %scan3A_815, %mul3A_836 : i32
      %swap3A = arith.index_cast %mul3A_837 : i32 to index
      %swap3A_838 = tpu.vector_load %arg12[%swap3A] {strides = array<i32>} : memref<4096xi32, #tpu.memory_space<vmem>>, vector<16xi32>,
      %swap3A_839 = vector.shape_cast %swap3A_838 : vector<16xi32> to vector<16xi32>
      %swap3A_840 = vector.shape_cast %select_n3A : vector<16xi32> to vector<16xi32>
      tpu.vector_store %arg12[%swap3A], %swap3A_840 {strides = array<i32>} : memref<4096xi32, #tpu.memory_space<vmem>>, vector<16xi32>,
    }
    %scan3A_326 = arith.constant 256 : i32
    "tpu.region"() ({
      %run_scoped3A = tpu.sem_alloc : memref<!tpu.dma_semaphore, #tpu.memory_space<semaphore_mem>>
      %dma_start3A_815 = arith.constant 0 : i32
      %dma_start3A_816 = arith.constant 0 : i32
      %dma_start3A_817 = tpu.memref_slice %arg15[%dma_start3A_815, %dma_start3A_816] : memref<73728x8xf32, #tpu.memory_space<vmem_shared>> -> memref<73728x8xf32, #tpu.memory_space<vmem_shared>>
      tpu.enqueue_indirect_dma source(%arg13 : memref<4096x8xf32, #tpu.memory_space<vmem>>) target(%dma_start3A_817 : memref<73728x8xf32, #tpu.memory_space<vmem_shared>>) offsets(%arg12 : memref<4096xi32, #tpu.memory_space<vmem>>) semaphore(%run_scoped3A : memref<!tpu.dma_semaphore, #tpu.memory_space<semaphore_mem>>) {add = true}
      %dma_wait3A_818 = arith.constant 0 : i32
      %dma_wait3A_819 = arith.constant 0 : i32
      %dma_wait3A_820 = tpu.memref_slice %arg15[%dma_wait3A_818, %dma_wait3A_819] : memref<73728x8xf32, #tpu.memory_space<vmem_shared>> -> memref<73728x8xf32, #tpu.memory_space<vmem_shared>>
      tpu.wait_indirect_dma semaphore(%run_scoped3A : memref<!tpu.dma_semaphore, #tpu.memory_space<semaphore_mem>>) src(%arg13 : memref<4096x8xf32, #tpu.memory_space<vmem>>) dst(%dma_wait3A_820 : memref<73728x8xf32, #tpu.memory_space<vmem_shared>>)
      tpu.yield
    }) : () -> ()
    %barrier3A_327 = arith.constant 0 : index
    tpu.barrier barrier_id(%barrier3A_327)
    %mul3A_328 = arith.constant 4096 : i32
    %mul3A_329 = arith.muli %arg1, %mul3A_328 : i32
    %mul3A_330 = arith.constant 4096 : i32
    %mul3A_331 = arith.muli %arg1, %mul3A_330 : i32
    %add3A_332 = arith.addi %mul3A_320, %mul3A_331 : i32
    "tpu.region"() ({
      %run_scoped3A = tpu.sem_alloc : memref<!tpu.dma_semaphore, #tpu.memory_space<semaphore_mem>>
      %dma_start3A_815 = arith.constant 0 : i32
      %dma_start3A_816 = tpu.memref_slice %arg7[%add3A_332, %dma_start3A_815] : memref<4194304x8xf32, #tpu.memory_space<hbm>> -> memref<4096x8xf32, #tpu.memory_space<hbm>>
      %dma_start3A_817 = arith.constant 0 : i32
      %dma_start3A_818 = tpu.memref_slice %arg15[%mul3A_329, %dma_start3A_817] : memref<73728x8xf32, #tpu.memory_space<vmem_shared>> -> memref<4096x8xf32, #tpu.memory_space<vmem_shared>>
      tpu.enqueue_dma source(%dma_start3A_818 : memref<4096x8xf32, #tpu.memory_space<vmem_shared>>) target(%dma_start3A_816 : memref<4096x8xf32, #tpu.memory_space<hbm>>) target_semaphore(%run_scoped3A : memref<!tpu.dma_semaphore, #tpu.memory_space<semaphore_mem>>)
      %dma_wait3A_819 = arith.constant 0 : i32
      %dma_wait3A_820 = tpu.memref_slice %arg7[%add3A_332, %dma_wait3A_819] : memref<4194304x8xf32, #tpu.memory_space<hbm>> -> memref<4096x8xf32, #tpu.memory_space<hbm>>
      %dma_wait3A_821 = arith.constant 0 : i32
      %dma_wait3A_822 = tpu.memref_slice %arg15[%mul3A_329, %dma_wait3A_821] : memref<73728x8xf32, #tpu.memory_space<vmem_shared>> -> memref<4096x8xf32, #tpu.memory_space<vmem_shared>>
      tpu.wait_dma2 semaphore(%run_scoped3A : memref<!tpu.dma_semaphore, #tpu.memory_space<semaphore_mem>>) src(%dma_wait3A_822 : memref<4096x8xf32, #tpu.memory_space<vmem_shared>>) dst(%dma_wait3A_820 : memref<4096x8xf32, #tpu.memory_space<hbm>>)
      tpu.yield
    }) : () -> ()
    %mul3A_333 = arith.constant 4096 : i32
    %mul3A_334 = arith.muli %arg1, %mul3A_333 : i32
    "tpu.region"() ({
      %run_scoped3A = tpu.sem_alloc : memref<!tpu.dma_semaphore, #tpu.memory_space<semaphore_mem>>
      %dma_start3A_815 = arith.constant 0 : i32
      %dma_start3A_816 = tpu.memref_slice %arg15[%mul3A_334, %dma_start3A_815] : memref<73728x8xf32, #tpu.memory_space<vmem_shared>> -> memref<4096x8xf32, #tpu.memory_space<vmem_shared>>
      %dma_start3A_817 = arith.constant 0 : i32
      %dma_start3A_818 = tpu.memref_slice %arg15[%mul3A_334, %dma_start3A_817] : memref<73728x8xf32, #tpu.memory_space<vmem_shared>> -> memref<4096x8xf32, #tpu.memory_space<vmem_shared>>
      tpu.enqueue_dma source(%arg14 : memref<4096x8xf32, #tpu.memory_space<vmem>>) target(%dma_start3A_818 : memref<4096x8xf32, #tpu.memory_space<vmem_shared>>) target_semaphore(%run_scoped3A : memref<!tpu.dma_semaphore, #tpu.memory_space<semaphore_mem>>)
      %dma_wait3A_819 = arith.constant 0 : i32
      %dma_wait3A_820 = tpu.memref_slice %arg15[%mul3A_334, %dma_wait3A_819] : memref<73728x8xf32, #tpu.memory_space<vmem_shared>> -> memref<4096x8xf32, #tpu.memory_space<vmem_shared>>
      %dma_wait3A_821 = arith.constant 0 : i32
      %dma_wait3A_822 = tpu.memref_slice %arg15[%mul3A_334, %dma_wait3A_821] : memref<73728x8xf32, #tpu.memory_space<vmem_shared>> -> memref<4096x8xf32, #tpu.memory_space<vmem_shared>>
      tpu.wait_dma2 semaphore(%run_scoped3A : memref<!tpu.dma_semaphore, #tpu.memory_space<semaphore_mem>>) src(%arg14 : memref<4096x8xf32, #tpu.memory_space<vmem>>) dst(%dma_wait3A_822 : memref<4096x8xf32, #tpu.memory_space<vmem_shared>>)
      tpu.yield
    }) : () -> ()
    %mul3A_335 = arith.constant 512 : i32
    %mul3A_336 = arith.muli %arg1, %mul3A_335 : i32
    %add3A_337 = arith.constant 65536 : i32
    %add3A_338 = arith.addi %add3A_337, %mul3A_336 : i32
    "tpu.region"() ({
      %run_scoped3A = tpu.sem_alloc : memref<!tpu.dma_semaphore, #tpu.memory_space<semaphore_mem>>
      %dma_start3A_815 = arith.constant 0 : i32
      %dma_start3A_816 = arith.constant 0 : i32
      %dma_start3A_817 = tpu.memref_slice %arg14[%dma_start3A_815, %dma_start3A_816] : memref<4096x8xf32, #tpu.memory_space<vmem>> -> memref<512x8xf32, #tpu.memory_space<vmem>>
      %dma_start3A_818 = arith.constant 0 : i32
      %dma_start3A_819 = tpu.memref_slice %arg15[%add3A_338, %dma_start3A_818] : memref<73728x8xf32, #tpu.memory_space<vmem_shared>> -> memref<512x8xf32, #tpu.memory_space<vmem_shared>>
      %dma_start3A_820 = arith.constant 0 : i32
      %dma_start3A_821 = tpu.memref_slice %arg15[%add3A_338, %dma_start3A_820] : memref<73728x8xf32, #tpu.memory_space<vmem_shared>> -> memref<512x8xf32, #tpu.memory_space<vmem_shared>>
      %dma_start3A_822 = arith.constant 0 : i32
      %dma_start3A_823 = arith.constant 0 : i32
      %dma_start3A_824 = tpu.memref_slice %arg14[%dma_start3A_822, %dma_start3A_823] : memref<4096x8xf32, #tpu.memory_space<vmem>> -> memref<512x8xf32, #tpu.memory_space<vmem>>
      tpu.enqueue_dma source(%dma_start3A_824 : memref<512x8xf32, #tpu.memory_space<vmem>>) target(%dma_start3A_821 : memref<512x8xf32, #tpu.memory_space<vmem_shared>>) target_semaphore(%run_scoped3A : memref<!tpu.dma_semaphore, #tpu.memory_space<semaphore_mem>>)
      %dma_wait3A_825 = arith.constant 0 : i32
      %dma_wait3A_826 = arith.constant 0 : i32
      %dma_wait3A_827 = tpu.memref_slice %arg14[%dma_wait3A_825, %dma_wait3A_826] : memref<4096x8xf32, #tpu.memory_space<vmem>> -> memref<512x8xf32, #tpu.memory_space<vmem>>
      %dma_wait3A_828 = arith.constant 0 : i32
      %dma_wait3A_829 = tpu.memref_slice %arg15[%add3A_338, %dma_wait3A_828] : memref<73728x8xf32, #tpu.memory_space<vmem_shared>> -> memref<512x8xf32, #tpu.memory_space<vmem_shared>>
      %dma_wait3A_830 = arith.constant 0 : i32
      %dma_wait3A_831 = tpu.memref_slice %arg15[%add3A_338, %dma_wait3A_830] : memref<73728x8xf32, #tpu.memory_space<vmem_shared>> -> memref<512x8xf32, #tpu.memory_space<vmem_shared>>
      %dma_wait3A_832 = arith.constant 0 : i32
      %dma_wait3A_833 = arith.constant 0 : i32
      %dma_wait3A_834 = tpu.memref_slice %arg14[%dma_wait3A_832, %dma_wait3A_833] : memref<4096x8xf32, #tpu.memory_space<vmem>> -> memref<512x8xf32, #tpu.memory_space<vmem>>
      tpu.wait_dma2 semaphore(%run_scoped3A : memref<!tpu.dma_semaphore, #tpu.memory_space<semaphore_mem>>) src(%dma_wait3A_834 : memref<512x8xf32, #tpu.memory_space<vmem>>) dst(%dma_wait3A_831 : memref<512x8xf32, #tpu.memory_space<vmem_shared>>)
      tpu.yield
    }) : () -> ()
    %barrier3A_339 = arith.constant 0 : index
    tpu.barrier barrier_id(%barrier3A_339)
    %mul3A_340 = arith.constant 32 : i32
    %mul3A_341 = arith.muli %arg0, %mul3A_340 : i32
    %add3A_342 = arith.constant 13 : i32
    %add3A_343 = arith.addi %mul3A_341, %add3A_342 : i32
    %mul3A_344 = arith.constant 65536 : i32
    %mul3A_345 = arith.muli %add3A_343, %mul3A_344 : i32
    %scan3A_346 = arith.constant 0 : i32
    %scan3A_347 = arith.constant 0 : i32
    %scan3A_348 = arith.constant 256 : i32
    %scan3A_349 = arith.addi %scan3A_347, %scan3A_348 : i32
    %scan3A_350 = arith.constant 1 : i32
    scf.for %scan3A_815 = %scan3A_347 to %scan3A_349 step %scan3A_350  : i32 {
      %mul3A_816 = arith.constant 16 : i32
      %mul3A_817 = arith.muli %scan3A_815, %mul3A_816 : i32
      %get3A = arith.index_cast %mul3A_817 : i32 to index
      %get3A_818 = tpu.vector_load %arg11[%get3A] {strides = array<i32>} : memref<4096xi32, #tpu.memory_space<vmem>>, vector<16xi32>,
      %get3A_819 = vector.shape_cast %get3A_818 : vector<16xi32> to vector<16xi32>
      %iota3A = tpu.iota {dimensions = array<i32: 0>} : vector<16xi32>
      %mul3A_820 = arith.constant 16 : i32
      %mul3A_821 = arith.muli %scan3A_815, %mul3A_820 : i32
      %add3A_822 = arith.addi %mul3A_0, %mul3A_821 : i32
      %add3A_823 = vector.broadcast %add3A_822 : i32 to vector<16xi32>
      %add3A_824 = arith.addi %add3A_823, %iota3A : vector<16xi32>
      %and3A = arith.constant 8191 : i32
      %and3A_825 = vector.broadcast %and3A : i32 to vector<16xi32>
      %and3A_826 = arith.andi %add3A_824, %and3A_825 : vector<16xi32>
      %add3A_827 = arith.constant 65536 : i32
      %add3A_828 = vector.broadcast %add3A_827 : i32 to vector<16xi32>
      %add3A_829 = arith.addi %add3A_828, %and3A_826 : vector<16xi32>
      %ge3A = vector.broadcast %mul3A_345 : i32 to vector<16xi32>
      %ge3A_830 = arith.cmpi sge, %get3A_819, %ge3A : vector<16xi32>
      %add3A_831 = arith.constant 65536 : i32
      %add3A_832 = arith.addi %mul3A_345, %add3A_831 : i32
      %lt3A = vector.broadcast %add3A_832 : i32 to vector<16xi32>
      %lt3A_833 = arith.cmpi slt, %get3A_819, %lt3A : vector<16xi32>
      %and3A_834 = arith.andi %ge3A_830, %lt3A_833 : vector<16xi1>
      %sub3A = vector.broadcast %mul3A_345 : i32 to vector<16xi32>
      %sub3A_835 = arith.subi %get3A_819, %sub3A : vector<16xi32>
      %select_n3A = arith.select %and3A_834, %sub3A_835, %add3A_829 : vector<16xi1>, vector<16xi32>
      %mul3A_836 = arith.constant 16 : i32
      %mul3A_837 = arith.muli %scan3A_815, %mul3A_836 : i32
      %swap3A = arith.index_cast %mul3A_837 : i32 to index
      %swap3A_838 = tpu.vector_load %arg12[%swap3A] {strides = array<i32>} : memref<4096xi32, #tpu.memory_space<vmem>>, vector<16xi32>,
      %swap3A_839 = vector.shape_cast %swap3A_838 : vector<16xi32> to vector<16xi32>
      %swap3A_840 = vector.shape_cast %select_n3A : vector<16xi32> to vector<16xi32>
      tpu.vector_store %arg12[%swap3A], %swap3A_840 {strides = array<i32>} : memref<4096xi32, #tpu.memory_space<vmem>>, vector<16xi32>,
    }
    %scan3A_351 = arith.constant 256 : i32
    "tpu.region"() ({
      %run_scoped3A = tpu.sem_alloc : memref<!tpu.dma_semaphore, #tpu.memory_space<semaphore_mem>>
      %dma_start3A_815 = arith.constant 0 : i32
      %dma_start3A_816 = arith.constant 0 : i32
      %dma_start3A_817 = tpu.memref_slice %arg15[%dma_start3A_815, %dma_start3A_816] : memref<73728x8xf32, #tpu.memory_space<vmem_shared>> -> memref<73728x8xf32, #tpu.memory_space<vmem_shared>>
      tpu.enqueue_indirect_dma source(%arg13 : memref<4096x8xf32, #tpu.memory_space<vmem>>) target(%dma_start3A_817 : memref<73728x8xf32, #tpu.memory_space<vmem_shared>>) offsets(%arg12 : memref<4096xi32, #tpu.memory_space<vmem>>) semaphore(%run_scoped3A : memref<!tpu.dma_semaphore, #tpu.memory_space<semaphore_mem>>) {add = true}
      %dma_wait3A_818 = arith.constant 0 : i32
      %dma_wait3A_819 = arith.constant 0 : i32
      %dma_wait3A_820 = tpu.memref_slice %arg15[%dma_wait3A_818, %dma_wait3A_819] : memref<73728x8xf32, #tpu.memory_space<vmem_shared>> -> memref<73728x8xf32, #tpu.memory_space<vmem_shared>>
      tpu.wait_indirect_dma semaphore(%run_scoped3A : memref<!tpu.dma_semaphore, #tpu.memory_space<semaphore_mem>>) src(%arg13 : memref<4096x8xf32, #tpu.memory_space<vmem>>) dst(%dma_wait3A_820 : memref<73728x8xf32, #tpu.memory_space<vmem_shared>>)
      tpu.yield
    }) : () -> ()
    %barrier3A_352 = arith.constant 0 : index
    tpu.barrier barrier_id(%barrier3A_352)
    %mul3A_353 = arith.constant 4096 : i32
    %mul3A_354 = arith.muli %arg1, %mul3A_353 : i32
    %mul3A_355 = arith.constant 4096 : i32
    %mul3A_356 = arith.muli %arg1, %mul3A_355 : i32
    %add3A_357 = arith.addi %mul3A_345, %mul3A_356 : i32
    "tpu.region"() ({
      %run_scoped3A = tpu.sem_alloc : memref<!tpu.dma_semaphore, #tpu.memory_space<semaphore_mem>>
      %dma_start3A_815 = arith.constant 0 : i32
      %dma_start3A_816 = tpu.memref_slice %arg7[%add3A_357, %dma_start3A_815] : memref<4194304x8xf32, #tpu.memory_space<hbm>> -> memref<4096x8xf32, #tpu.memory_space<hbm>>
      %dma_start3A_817 = arith.constant 0 : i32
      %dma_start3A_818 = tpu.memref_slice %arg15[%mul3A_354, %dma_start3A_817] : memref<73728x8xf32, #tpu.memory_space<vmem_shared>> -> memref<4096x8xf32, #tpu.memory_space<vmem_shared>>
      tpu.enqueue_dma source(%dma_start3A_818 : memref<4096x8xf32, #tpu.memory_space<vmem_shared>>) target(%dma_start3A_816 : memref<4096x8xf32, #tpu.memory_space<hbm>>) target_semaphore(%run_scoped3A : memref<!tpu.dma_semaphore, #tpu.memory_space<semaphore_mem>>)
      %dma_wait3A_819 = arith.constant 0 : i32
      %dma_wait3A_820 = tpu.memref_slice %arg7[%add3A_357, %dma_wait3A_819] : memref<4194304x8xf32, #tpu.memory_space<hbm>> -> memref<4096x8xf32, #tpu.memory_space<hbm>>
      %dma_wait3A_821 = arith.constant 0 : i32
      %dma_wait3A_822 = tpu.memref_slice %arg15[%mul3A_354, %dma_wait3A_821] : memref<73728x8xf32, #tpu.memory_space<vmem_shared>> -> memref<4096x8xf32, #tpu.memory_space<vmem_shared>>
      tpu.wait_dma2 semaphore(%run_scoped3A : memref<!tpu.dma_semaphore, #tpu.memory_space<semaphore_mem>>) src(%dma_wait3A_822 : memref<4096x8xf32, #tpu.memory_space<vmem_shared>>) dst(%dma_wait3A_820 : memref<4096x8xf32, #tpu.memory_space<hbm>>)
      tpu.yield
    }) : () -> ()
    %mul3A_358 = arith.constant 4096 : i32
    %mul3A_359 = arith.muli %arg1, %mul3A_358 : i32
    "tpu.region"() ({
      %run_scoped3A = tpu.sem_alloc : memref<!tpu.dma_semaphore, #tpu.memory_space<semaphore_mem>>
      %dma_start3A_815 = arith.constant 0 : i32
      %dma_start3A_816 = tpu.memref_slice %arg15[%mul3A_359, %dma_start3A_815] : memref<73728x8xf32, #tpu.memory_space<vmem_shared>> -> memref<4096x8xf32, #tpu.memory_space<vmem_shared>>
      %dma_start3A_817 = arith.constant 0 : i32
      %dma_start3A_818 = tpu.memref_slice %arg15[%mul3A_359, %dma_start3A_817] : memref<73728x8xf32, #tpu.memory_space<vmem_shared>> -> memref<4096x8xf32, #tpu.memory_space<vmem_shared>>
      tpu.enqueue_dma source(%arg14 : memref<4096x8xf32, #tpu.memory_space<vmem>>) target(%dma_start3A_818 : memref<4096x8xf32, #tpu.memory_space<vmem_shared>>) target_semaphore(%run_scoped3A : memref<!tpu.dma_semaphore, #tpu.memory_space<semaphore_mem>>)
      %dma_wait3A_819 = arith.constant 0 : i32
      %dma_wait3A_820 = tpu.memref_slice %arg15[%mul3A_359, %dma_wait3A_819] : memref<73728x8xf32, #tpu.memory_space<vmem_shared>> -> memref<4096x8xf32, #tpu.memory_space<vmem_shared>>
      %dma_wait3A_821 = arith.constant 0 : i32
      %dma_wait3A_822 = tpu.memref_slice %arg15[%mul3A_359, %dma_wait3A_821] : memref<73728x8xf32, #tpu.memory_space<vmem_shared>> -> memref<4096x8xf32, #tpu.memory_space<vmem_shared>>
      tpu.wait_dma2 semaphore(%run_scoped3A : memref<!tpu.dma_semaphore, #tpu.memory_space<semaphore_mem>>) src(%arg14 : memref<4096x8xf32, #tpu.memory_space<vmem>>) dst(%dma_wait3A_822 : memref<4096x8xf32, #tpu.memory_space<vmem_shared>>)
      tpu.yield
    }) : () -> ()
    %mul3A_360 = arith.constant 512 : i32
    %mul3A_361 = arith.muli %arg1, %mul3A_360 : i32
    %add3A_362 = arith.constant 65536 : i32
    %add3A_363 = arith.addi %add3A_362, %mul3A_361 : i32
    "tpu.region"() ({
      %run_scoped3A = tpu.sem_alloc : memref<!tpu.dma_semaphore, #tpu.memory_space<semaphore_mem>>
      %dma_start3A_815 = arith.constant 0 : i32
      %dma_start3A_816 = arith.constant 0 : i32
      %dma_start3A_817 = tpu.memref_slice %arg14[%dma_start3A_815, %dma_start3A_816] : memref<4096x8xf32, #tpu.memory_space<vmem>> -> memref<512x8xf32, #tpu.memory_space<vmem>>
      %dma_start3A_818 = arith.constant 0 : i32
      %dma_start3A_819 = tpu.memref_slice %arg15[%add3A_363, %dma_start3A_818] : memref<73728x8xf32, #tpu.memory_space<vmem_shared>> -> memref<512x8xf32, #tpu.memory_space<vmem_shared>>
      %dma_start3A_820 = arith.constant 0 : i32
      %dma_start3A_821 = tpu.memref_slice %arg15[%add3A_363, %dma_start3A_820] : memref<73728x8xf32, #tpu.memory_space<vmem_shared>> -> memref<512x8xf32, #tpu.memory_space<vmem_shared>>
      %dma_start3A_822 = arith.constant 0 : i32
      %dma_start3A_823 = arith.constant 0 : i32
      %dma_start3A_824 = tpu.memref_slice %arg14[%dma_start3A_822, %dma_start3A_823] : memref<4096x8xf32, #tpu.memory_space<vmem>> -> memref<512x8xf32, #tpu.memory_space<vmem>>
      tpu.enqueue_dma source(%dma_start3A_824 : memref<512x8xf32, #tpu.memory_space<vmem>>) target(%dma_start3A_821 : memref<512x8xf32, #tpu.memory_space<vmem_shared>>) target_semaphore(%run_scoped3A : memref<!tpu.dma_semaphore, #tpu.memory_space<semaphore_mem>>)
      %dma_wait3A_825 = arith.constant 0 : i32
      %dma_wait3A_826 = arith.constant 0 : i32
      %dma_wait3A_827 = tpu.memref_slice %arg14[%dma_wait3A_825, %dma_wait3A_826] : memref<4096x8xf32, #tpu.memory_space<vmem>> -> memref<512x8xf32, #tpu.memory_space<vmem>>
      %dma_wait3A_828 = arith.constant 0 : i32
      %dma_wait3A_829 = tpu.memref_slice %arg15[%add3A_363, %dma_wait3A_828] : memref<73728x8xf32, #tpu.memory_space<vmem_shared>> -> memref<512x8xf32, #tpu.memory_space<vmem_shared>>
      %dma_wait3A_830 = arith.constant 0 : i32
      %dma_wait3A_831 = tpu.memref_slice %arg15[%add3A_363, %dma_wait3A_830] : memref<73728x8xf32, #tpu.memory_space<vmem_shared>> -> memref<512x8xf32, #tpu.memory_space<vmem_shared>>
      %dma_wait3A_832 = arith.constant 0 : i32
      %dma_wait3A_833 = arith.constant 0 : i32
      %dma_wait3A_834 = tpu.memref_slice %arg14[%dma_wait3A_832, %dma_wait3A_833] : memref<4096x8xf32, #tpu.memory_space<vmem>> -> memref<512x8xf32, #tpu.memory_space<vmem>>
      tpu.wait_dma2 semaphore(%run_scoped3A : memref<!tpu.dma_semaphore, #tpu.memory_space<semaphore_mem>>) src(%dma_wait3A_834 : memref<512x8xf32, #tpu.memory_space<vmem>>) dst(%dma_wait3A_831 : memref<512x8xf32, #tpu.memory_space<vmem_shared>>)
      tpu.yield
    }) : () -> ()
    %barrier3A_364 = arith.constant 0 : index
    tpu.barrier barrier_id(%barrier3A_364)
    %mul3A_365 = arith.constant 32 : i32
    %mul3A_366 = arith.muli %arg0, %mul3A_365 : i32
    %add3A_367 = arith.constant 14 : i32
    %add3A_368 = arith.addi %mul3A_366, %add3A_367 : i32
    %mul3A_369 = arith.constant 65536 : i32
    %mul3A_370 = arith.muli %add3A_368, %mul3A_369 : i32
    %scan3A_371 = arith.constant 0 : i32
    %scan3A_372 = arith.constant 0 : i32
    %scan3A_373 = arith.constant 256 : i32
    %scan3A_374 = arith.addi %scan3A_372, %scan3A_373 : i32
    %scan3A_375 = arith.constant 1 : i32
    scf.for %scan3A_815 = %scan3A_372 to %scan3A_374 step %scan3A_375  : i32 {
      %mul3A_816 = arith.constant 16 : i32
      %mul3A_817 = arith.muli %scan3A_815, %mul3A_816 : i32
      %get3A = arith.index_cast %mul3A_817 : i32 to index
      %get3A_818 = tpu.vector_load %arg11[%get3A] {strides = array<i32>} : memref<4096xi32, #tpu.memory_space<vmem>>, vector<16xi32>,
      %get3A_819 = vector.shape_cast %get3A_818 : vector<16xi32> to vector<16xi32>
      %iota3A = tpu.iota {dimensions = array<i32: 0>} : vector<16xi32>
      %mul3A_820 = arith.constant 16 : i32
      %mul3A_821 = arith.muli %scan3A_815, %mul3A_820 : i32
      %add3A_822 = arith.addi %mul3A_0, %mul3A_821 : i32
      %add3A_823 = vector.broadcast %add3A_822 : i32 to vector<16xi32>
      %add3A_824 = arith.addi %add3A_823, %iota3A : vector<16xi32>
      %and3A = arith.constant 8191 : i32
      %and3A_825 = vector.broadcast %and3A : i32 to vector<16xi32>
      %and3A_826 = arith.andi %add3A_824, %and3A_825 : vector<16xi32>
      %add3A_827 = arith.constant 65536 : i32
      %add3A_828 = vector.broadcast %add3A_827 : i32 to vector<16xi32>
      %add3A_829 = arith.addi %add3A_828, %and3A_826 : vector<16xi32>
      %ge3A = vector.broadcast %mul3A_370 : i32 to vector<16xi32>
      %ge3A_830 = arith.cmpi sge, %get3A_819, %ge3A : vector<16xi32>
      %add3A_831 = arith.constant 65536 : i32
      %add3A_832 = arith.addi %mul3A_370, %add3A_831 : i32
      %lt3A = vector.broadcast %add3A_832 : i32 to vector<16xi32>
      %lt3A_833 = arith.cmpi slt, %get3A_819, %lt3A : vector<16xi32>
      %and3A_834 = arith.andi %ge3A_830, %lt3A_833 : vector<16xi1>
      %sub3A = vector.broadcast %mul3A_370 : i32 to vector<16xi32>
      %sub3A_835 = arith.subi %get3A_819, %sub3A : vector<16xi32>
      %select_n3A = arith.select %and3A_834, %sub3A_835, %add3A_829 : vector<16xi1>, vector<16xi32>
      %mul3A_836 = arith.constant 16 : i32
      %mul3A_837 = arith.muli %scan3A_815, %mul3A_836 : i32
      %swap3A = arith.index_cast %mul3A_837 : i32 to index
      %swap3A_838 = tpu.vector_load %arg12[%swap3A] {strides = array<i32>} : memref<4096xi32, #tpu.memory_space<vmem>>, vector<16xi32>,
      %swap3A_839 = vector.shape_cast %swap3A_838 : vector<16xi32> to vector<16xi32>
      %swap3A_840 = vector.shape_cast %select_n3A : vector<16xi32> to vector<16xi32>
      tpu.vector_store %arg12[%swap3A], %swap3A_840 {strides = array<i32>} : memref<4096xi32, #tpu.memory_space<vmem>>, vector<16xi32>,
    }
    %scan3A_376 = arith.constant 256 : i32
    "tpu.region"() ({
      %run_scoped3A = tpu.sem_alloc : memref<!tpu.dma_semaphore, #tpu.memory_space<semaphore_mem>>
      %dma_start3A_815 = arith.constant 0 : i32
      %dma_start3A_816 = arith.constant 0 : i32
      %dma_start3A_817 = tpu.memref_slice %arg15[%dma_start3A_815, %dma_start3A_816] : memref<73728x8xf32, #tpu.memory_space<vmem_shared>> -> memref<73728x8xf32, #tpu.memory_space<vmem_shared>>
      tpu.enqueue_indirect_dma source(%arg13 : memref<4096x8xf32, #tpu.memory_space<vmem>>) target(%dma_start3A_817 : memref<73728x8xf32, #tpu.memory_space<vmem_shared>>) offsets(%arg12 : memref<4096xi32, #tpu.memory_space<vmem>>) semaphore(%run_scoped3A : memref<!tpu.dma_semaphore, #tpu.memory_space<semaphore_mem>>) {add = true}
      %dma_wait3A_818 = arith.constant 0 : i32
      %dma_wait3A_819 = arith.constant 0 : i32
      %dma_wait3A_820 = tpu.memref_slice %arg15[%dma_wait3A_818, %dma_wait3A_819] : memref<73728x8xf32, #tpu.memory_space<vmem_shared>> -> memref<73728x8xf32, #tpu.memory_space<vmem_shared>>
      tpu.wait_indirect_dma semaphore(%run_scoped3A : memref<!tpu.dma_semaphore, #tpu.memory_space<semaphore_mem>>) src(%arg13 : memref<4096x8xf32, #tpu.memory_space<vmem>>) dst(%dma_wait3A_820 : memref<73728x8xf32, #tpu.memory_space<vmem_shared>>)
      tpu.yield
    }) : () -> ()
    %barrier3A_377 = arith.constant 0 : index
    tpu.barrier barrier_id(%barrier3A_377)
    %mul3A_378 = arith.constant 4096 : i32
    %mul3A_379 = arith.muli %arg1, %mul3A_378 : i32
    %mul3A_380 = arith.constant 4096 : i32
    %mul3A_381 = arith.muli %arg1, %mul3A_380 : i32
    %add3A_382 = arith.addi %mul3A_370, %mul3A_381 : i32
    "tpu.region"() ({
      %run_scoped3A = tpu.sem_alloc : memref<!tpu.dma_semaphore, #tpu.memory_space<semaphore_mem>>
      %dma_start3A_815 = arith.constant 0 : i32
      %dma_start3A_816 = tpu.memref_slice %arg7[%add3A_382, %dma_start3A_815] : memref<4194304x8xf32, #tpu.memory_space<hbm>> -> memref<4096x8xf32, #tpu.memory_space<hbm>>
      %dma_start3A_817 = arith.constant 0 : i32
      %dma_start3A_818 = tpu.memref_slice %arg15[%mul3A_379, %dma_start3A_817] : memref<73728x8xf32, #tpu.memory_space<vmem_shared>> -> memref<4096x8xf32, #tpu.memory_space<vmem_shared>>
      tpu.enqueue_dma source(%dma_start3A_818 : memref<4096x8xf32, #tpu.memory_space<vmem_shared>>) target(%dma_start3A_816 : memref<4096x8xf32, #tpu.memory_space<hbm>>) target_semaphore(%run_scoped3A : memref<!tpu.dma_semaphore, #tpu.memory_space<semaphore_mem>>)
      %dma_wait3A_819 = arith.constant 0 : i32
      %dma_wait3A_820 = tpu.memref_slice %arg7[%add3A_382, %dma_wait3A_819] : memref<4194304x8xf32, #tpu.memory_space<hbm>> -> memref<4096x8xf32, #tpu.memory_space<hbm>>
      %dma_wait3A_821 = arith.constant 0 : i32
      %dma_wait3A_822 = tpu.memref_slice %arg15[%mul3A_379, %dma_wait3A_821] : memref<73728x8xf32, #tpu.memory_space<vmem_shared>> -> memref<4096x8xf32, #tpu.memory_space<vmem_shared>>
      tpu.wait_dma2 semaphore(%run_scoped3A : memref<!tpu.dma_semaphore, #tpu.memory_space<semaphore_mem>>) src(%dma_wait3A_822 : memref<4096x8xf32, #tpu.memory_space<vmem_shared>>) dst(%dma_wait3A_820 : memref<4096x8xf32, #tpu.memory_space<hbm>>)
      tpu.yield
    }) : () -> ()
    %mul3A_383 = arith.constant 4096 : i32
    %mul3A_384 = arith.muli %arg1, %mul3A_383 : i32
    "tpu.region"() ({
      %run_scoped3A = tpu.sem_alloc : memref<!tpu.dma_semaphore, #tpu.memory_space<semaphore_mem>>
      %dma_start3A_815 = arith.constant 0 : i32
      %dma_start3A_816 = tpu.memref_slice %arg15[%mul3A_384, %dma_start3A_815] : memref<73728x8xf32, #tpu.memory_space<vmem_shared>> -> memref<4096x8xf32, #tpu.memory_space<vmem_shared>>
      %dma_start3A_817 = arith.constant 0 : i32
      %dma_start3A_818 = tpu.memref_slice %arg15[%mul3A_384, %dma_start3A_817] : memref<73728x8xf32, #tpu.memory_space<vmem_shared>> -> memref<4096x8xf32, #tpu.memory_space<vmem_shared>>
      tpu.enqueue_dma source(%arg14 : memref<4096x8xf32, #tpu.memory_space<vmem>>) target(%dma_start3A_818 : memref<4096x8xf32, #tpu.memory_space<vmem_shared>>) target_semaphore(%run_scoped3A : memref<!tpu.dma_semaphore, #tpu.memory_space<semaphore_mem>>)
      %dma_wait3A_819 = arith.constant 0 : i32
      %dma_wait3A_820 = tpu.memref_slice %arg15[%mul3A_384, %dma_wait3A_819] : memref<73728x8xf32, #tpu.memory_space<vmem_shared>> -> memref<4096x8xf32, #tpu.memory_space<vmem_shared>>
      %dma_wait3A_821 = arith.constant 0 : i32
      %dma_wait3A_822 = tpu.memref_slice %arg15[%mul3A_384, %dma_wait3A_821] : memref<73728x8xf32, #tpu.memory_space<vmem_shared>> -> memref<4096x8xf32, #tpu.memory_space<vmem_shared>>
      tpu.wait_dma2 semaphore(%run_scoped3A : memref<!tpu.dma_semaphore, #tpu.memory_space<semaphore_mem>>) src(%arg14 : memref<4096x8xf32, #tpu.memory_space<vmem>>) dst(%dma_wait3A_822 : memref<4096x8xf32, #tpu.memory_space<vmem_shared>>)
      tpu.yield
    }) : () -> ()
    %mul3A_385 = arith.constant 512 : i32
    %mul3A_386 = arith.muli %arg1, %mul3A_385 : i32
    %add3A_387 = arith.constant 65536 : i32
    %add3A_388 = arith.addi %add3A_387, %mul3A_386 : i32
    "tpu.region"() ({
      %run_scoped3A = tpu.sem_alloc : memref<!tpu.dma_semaphore, #tpu.memory_space<semaphore_mem>>
      %dma_start3A_815 = arith.constant 0 : i32
      %dma_start3A_816 = arith.constant 0 : i32
      %dma_start3A_817 = tpu.memref_slice %arg14[%dma_start3A_815, %dma_start3A_816] : memref<4096x8xf32, #tpu.memory_space<vmem>> -> memref<512x8xf32, #tpu.memory_space<vmem>>
      %dma_start3A_818 = arith.constant 0 : i32
      %dma_start3A_819 = tpu.memref_slice %arg15[%add3A_388, %dma_start3A_818] : memref<73728x8xf32, #tpu.memory_space<vmem_shared>> -> memref<512x8xf32, #tpu.memory_space<vmem_shared>>
      %dma_start3A_820 = arith.constant 0 : i32
      %dma_start3A_821 = tpu.memref_slice %arg15[%add3A_388, %dma_start3A_820] : memref<73728x8xf32, #tpu.memory_space<vmem_shared>> -> memref<512x8xf32, #tpu.memory_space<vmem_shared>>
      %dma_start3A_822 = arith.constant 0 : i32
      %dma_start3A_823 = arith.constant 0 : i32
      %dma_start3A_824 = tpu.memref_slice %arg14[%dma_start3A_822, %dma_start3A_823] : memref<4096x8xf32, #tpu.memory_space<vmem>> -> memref<512x8xf32, #tpu.memory_space<vmem>>
      tpu.enqueue_dma source(%dma_start3A_824 : memref<512x8xf32, #tpu.memory_space<vmem>>) target(%dma_start3A_821 : memref<512x8xf32, #tpu.memory_space<vmem_shared>>) target_semaphore(%run_scoped3A : memref<!tpu.dma_semaphore, #tpu.memory_space<semaphore_mem>>)
      %dma_wait3A_825 = arith.constant 0 : i32
      %dma_wait3A_826 = arith.constant 0 : i32
      %dma_wait3A_827 = tpu.memref_slice %arg14[%dma_wait3A_825, %dma_wait3A_826] : memref<4096x8xf32, #tpu.memory_space<vmem>> -> memref<512x8xf32, #tpu.memory_space<vmem>>
      %dma_wait3A_828 = arith.constant 0 : i32
      %dma_wait3A_829 = tpu.memref_slice %arg15[%add3A_388, %dma_wait3A_828] : memref<73728x8xf32, #tpu.memory_space<vmem_shared>> -> memref<512x8xf32, #tpu.memory_space<vmem_shared>>
      %dma_wait3A_830 = arith.constant 0 : i32
      %dma_wait3A_831 = tpu.memref_slice %arg15[%add3A_388, %dma_wait3A_830] : memref<73728x8xf32, #tpu.memory_space<vmem_shared>> -> memref<512x8xf32, #tpu.memory_space<vmem_shared>>
      %dma_wait3A_832 = arith.constant 0 : i32
      %dma_wait3A_833 = arith.constant 0 : i32
      %dma_wait3A_834 = tpu.memref_slice %arg14[%dma_wait3A_832, %dma_wait3A_833] : memref<4096x8xf32, #tpu.memory_space<vmem>> -> memref<512x8xf32, #tpu.memory_space<vmem>>
      tpu.wait_dma2 semaphore(%run_scoped3A : memref<!tpu.dma_semaphore, #tpu.memory_space<semaphore_mem>>) src(%dma_wait3A_834 : memref<512x8xf32, #tpu.memory_space<vmem>>) dst(%dma_wait3A_831 : memref<512x8xf32, #tpu.memory_space<vmem_shared>>)
      tpu.yield
    }) : () -> ()
    %barrier3A_389 = arith.constant 0 : index
    tpu.barrier barrier_id(%barrier3A_389)
    %mul3A_390 = arith.constant 32 : i32
    %mul3A_391 = arith.muli %arg0, %mul3A_390 : i32
    %add3A_392 = arith.constant 15 : i32
    %add3A_393 = arith.addi %mul3A_391, %add3A_392 : i32
    %mul3A_394 = arith.constant 65536 : i32
    %mul3A_395 = arith.muli %add3A_393, %mul3A_394 : i32
    %scan3A_396 = arith.constant 0 : i32
    %scan3A_397 = arith.constant 0 : i32
    %scan3A_398 = arith.constant 256 : i32
    %scan3A_399 = arith.addi %scan3A_397, %scan3A_398 : i32
    %scan3A_400 = arith.constant 1 : i32
    scf.for %scan3A_815 = %scan3A_397 to %scan3A_399 step %scan3A_400  : i32 {
      %mul3A_816 = arith.constant 16 : i32
      %mul3A_817 = arith.muli %scan3A_815, %mul3A_816 : i32
      %get3A = arith.index_cast %mul3A_817 : i32 to index
      %get3A_818 = tpu.vector_load %arg11[%get3A] {strides = array<i32>} : memref<4096xi32, #tpu.memory_space<vmem>>, vector<16xi32>,
      %get3A_819 = vector.shape_cast %get3A_818 : vector<16xi32> to vector<16xi32>
      %iota3A = tpu.iota {dimensions = array<i32: 0>} : vector<16xi32>
      %mul3A_820 = arith.constant 16 : i32
      %mul3A_821 = arith.muli %scan3A_815, %mul3A_820 : i32
      %add3A_822 = arith.addi %mul3A_0, %mul3A_821 : i32
      %add3A_823 = vector.broadcast %add3A_822 : i32 to vector<16xi32>
      %add3A_824 = arith.addi %add3A_823, %iota3A : vector<16xi32>
      %and3A = arith.constant 8191 : i32
      %and3A_825 = vector.broadcast %and3A : i32 to vector<16xi32>
      %and3A_826 = arith.andi %add3A_824, %and3A_825 : vector<16xi32>
      %add3A_827 = arith.constant 65536 : i32
      %add3A_828 = vector.broadcast %add3A_827 : i32 to vector<16xi32>
      %add3A_829 = arith.addi %add3A_828, %and3A_826 : vector<16xi32>
      %ge3A = vector.broadcast %mul3A_395 : i32 to vector<16xi32>
      %ge3A_830 = arith.cmpi sge, %get3A_819, %ge3A : vector<16xi32>
      %add3A_831 = arith.constant 65536 : i32
      %add3A_832 = arith.addi %mul3A_395, %add3A_831 : i32
      %lt3A = vector.broadcast %add3A_832 : i32 to vector<16xi32>
      %lt3A_833 = arith.cmpi slt, %get3A_819, %lt3A : vector<16xi32>
      %and3A_834 = arith.andi %ge3A_830, %lt3A_833 : vector<16xi1>
      %sub3A = vector.broadcast %mul3A_395 : i32 to vector<16xi32>
      %sub3A_835 = arith.subi %get3A_819, %sub3A : vector<16xi32>
      %select_n3A = arith.select %and3A_834, %sub3A_835, %add3A_829 : vector<16xi1>, vector<16xi32>
      %mul3A_836 = arith.constant 16 : i32
      %mul3A_837 = arith.muli %scan3A_815, %mul3A_836 : i32
      %swap3A = arith.index_cast %mul3A_837 : i32 to index
      %swap3A_838 = tpu.vector_load %arg12[%swap3A] {strides = array<i32>} : memref<4096xi32, #tpu.memory_space<vmem>>, vector<16xi32>,
      %swap3A_839 = vector.shape_cast %swap3A_838 : vector<16xi32> to vector<16xi32>
      %swap3A_840 = vector.shape_cast %select_n3A : vector<16xi32> to vector<16xi32>
      tpu.vector_store %arg12[%swap3A], %swap3A_840 {strides = array<i32>} : memref<4096xi32, #tpu.memory_space<vmem>>, vector<16xi32>,
    }
    %scan3A_401 = arith.constant 256 : i32
    "tpu.region"() ({
      %run_scoped3A = tpu.sem_alloc : memref<!tpu.dma_semaphore, #tpu.memory_space<semaphore_mem>>
      %dma_start3A_815 = arith.constant 0 : i32
      %dma_start3A_816 = arith.constant 0 : i32
      %dma_start3A_817 = tpu.memref_slice %arg15[%dma_start3A_815, %dma_start3A_816] : memref<73728x8xf32, #tpu.memory_space<vmem_shared>> -> memref<73728x8xf32, #tpu.memory_space<vmem_shared>>
      tpu.enqueue_indirect_dma source(%arg13 : memref<4096x8xf32, #tpu.memory_space<vmem>>) target(%dma_start3A_817 : memref<73728x8xf32, #tpu.memory_space<vmem_shared>>) offsets(%arg12 : memref<4096xi32, #tpu.memory_space<vmem>>) semaphore(%run_scoped3A : memref<!tpu.dma_semaphore, #tpu.memory_space<semaphore_mem>>) {add = true}
      %dma_wait3A_818 = arith.constant 0 : i32
      %dma_wait3A_819 = arith.constant 0 : i32
      %dma_wait3A_820 = tpu.memref_slice %arg15[%dma_wait3A_818, %dma_wait3A_819] : memref<73728x8xf32, #tpu.memory_space<vmem_shared>> -> memref<73728x8xf32, #tpu.memory_space<vmem_shared>>
      tpu.wait_indirect_dma semaphore(%run_scoped3A : memref<!tpu.dma_semaphore, #tpu.memory_space<semaphore_mem>>) src(%arg13 : memref<4096x8xf32, #tpu.memory_space<vmem>>) dst(%dma_wait3A_820 : memref<73728x8xf32, #tpu.memory_space<vmem_shared>>)
      tpu.yield
    }) : () -> ()
    %barrier3A_402 = arith.constant 0 : index
    tpu.barrier barrier_id(%barrier3A_402)
    %mul3A_403 = arith.constant 4096 : i32
    %mul3A_404 = arith.muli %arg1, %mul3A_403 : i32
    %mul3A_405 = arith.constant 4096 : i32
    %mul3A_406 = arith.muli %arg1, %mul3A_405 : i32
    %add3A_407 = arith.addi %mul3A_395, %mul3A_406 : i32
    "tpu.region"() ({
      %run_scoped3A = tpu.sem_alloc : memref<!tpu.dma_semaphore, #tpu.memory_space<semaphore_mem>>
      %dma_start3A_815 = arith.constant 0 : i32
      %dma_start3A_816 = tpu.memref_slice %arg7[%add3A_407, %dma_start3A_815] : memref<4194304x8xf32, #tpu.memory_space<hbm>> -> memref<4096x8xf32, #tpu.memory_space<hbm>>
      %dma_start3A_817 = arith.constant 0 : i32
      %dma_start3A_818 = tpu.memref_slice %arg15[%mul3A_404, %dma_start3A_817] : memref<73728x8xf32, #tpu.memory_space<vmem_shared>> -> memref<4096x8xf32, #tpu.memory_space<vmem_shared>>
      tpu.enqueue_dma source(%dma_start3A_818 : memref<4096x8xf32, #tpu.memory_space<vmem_shared>>) target(%dma_start3A_816 : memref<4096x8xf32, #tpu.memory_space<hbm>>) target_semaphore(%run_scoped3A : memref<!tpu.dma_semaphore, #tpu.memory_space<semaphore_mem>>)
      %dma_wait3A_819 = arith.constant 0 : i32
      %dma_wait3A_820 = tpu.memref_slice %arg7[%add3A_407, %dma_wait3A_819] : memref<4194304x8xf32, #tpu.memory_space<hbm>> -> memref<4096x8xf32, #tpu.memory_space<hbm>>
      %dma_wait3A_821 = arith.constant 0 : i32
      %dma_wait3A_822 = tpu.memref_slice %arg15[%mul3A_404, %dma_wait3A_821] : memref<73728x8xf32, #tpu.memory_space<vmem_shared>> -> memref<4096x8xf32, #tpu.memory_space<vmem_shared>>
      tpu.wait_dma2 semaphore(%run_scoped3A : memref<!tpu.dma_semaphore, #tpu.memory_space<semaphore_mem>>) src(%dma_wait3A_822 : memref<4096x8xf32, #tpu.memory_space<vmem_shared>>) dst(%dma_wait3A_820 : memref<4096x8xf32, #tpu.memory_space<hbm>>)
      tpu.yield
    }) : () -> ()
    %mul3A_408 = arith.constant 4096 : i32
    %mul3A_409 = arith.muli %arg1, %mul3A_408 : i32
    "tpu.region"() ({
      %run_scoped3A = tpu.sem_alloc : memref<!tpu.dma_semaphore, #tpu.memory_space<semaphore_mem>>
      %dma_start3A_815 = arith.constant 0 : i32
      %dma_start3A_816 = tpu.memref_slice %arg15[%mul3A_409, %dma_start3A_815] : memref<73728x8xf32, #tpu.memory_space<vmem_shared>> -> memref<4096x8xf32, #tpu.memory_space<vmem_shared>>
      %dma_start3A_817 = arith.constant 0 : i32
      %dma_start3A_818 = tpu.memref_slice %arg15[%mul3A_409, %dma_start3A_817] : memref<73728x8xf32, #tpu.memory_space<vmem_shared>> -> memref<4096x8xf32, #tpu.memory_space<vmem_shared>>
      tpu.enqueue_dma source(%arg14 : memref<4096x8xf32, #tpu.memory_space<vmem>>) target(%dma_start3A_818 : memref<4096x8xf32, #tpu.memory_space<vmem_shared>>) target_semaphore(%run_scoped3A : memref<!tpu.dma_semaphore, #tpu.memory_space<semaphore_mem>>)
      %dma_wait3A_819 = arith.constant 0 : i32
      %dma_wait3A_820 = tpu.memref_slice %arg15[%mul3A_409, %dma_wait3A_819] : memref<73728x8xf32, #tpu.memory_space<vmem_shared>> -> memref<4096x8xf32, #tpu.memory_space<vmem_shared>>
      %dma_wait3A_821 = arith.constant 0 : i32
      %dma_wait3A_822 = tpu.memref_slice %arg15[%mul3A_409, %dma_wait3A_821] : memref<73728x8xf32, #tpu.memory_space<vmem_shared>> -> memref<4096x8xf32, #tpu.memory_space<vmem_shared>>
      tpu.wait_dma2 semaphore(%run_scoped3A : memref<!tpu.dma_semaphore, #tpu.memory_space<semaphore_mem>>) src(%arg14 : memref<4096x8xf32, #tpu.memory_space<vmem>>) dst(%dma_wait3A_822 : memref<4096x8xf32, #tpu.memory_space<vmem_shared>>)
      tpu.yield
    }) : () -> ()
    %mul3A_410 = arith.constant 512 : i32
    %mul3A_411 = arith.muli %arg1, %mul3A_410 : i32
    %add3A_412 = arith.constant 65536 : i32
    %add3A_413 = arith.addi %add3A_412, %mul3A_411 : i32
    "tpu.region"() ({
      %run_scoped3A = tpu.sem_alloc : memref<!tpu.dma_semaphore, #tpu.memory_space<semaphore_mem>>
      %dma_start3A_815 = arith.constant 0 : i32
      %dma_start3A_816 = arith.constant 0 : i32
      %dma_start3A_817 = tpu.memref_slice %arg14[%dma_start3A_815, %dma_start3A_816] : memref<4096x8xf32, #tpu.memory_space<vmem>> -> memref<512x8xf32, #tpu.memory_space<vmem>>
      %dma_start3A_818 = arith.constant 0 : i32
      %dma_start3A_819 = tpu.memref_slice %arg15[%add3A_413, %dma_start3A_818] : memref<73728x8xf32, #tpu.memory_space<vmem_shared>> -> memref<512x8xf32, #tpu.memory_space<vmem_shared>>
      %dma_start3A_820 = arith.constant 0 : i32
      %dma_start3A_821 = tpu.memref_slice %arg15[%add3A_413, %dma_start3A_820] : memref<73728x8xf32, #tpu.memory_space<vmem_shared>> -> memref<512x8xf32, #tpu.memory_space<vmem_shared>>
      %dma_start3A_822 = arith.constant 0 : i32
      %dma_start3A_823 = arith.constant 0 : i32
      %dma_start3A_824 = tpu.memref_slice %arg14[%dma_start3A_822, %dma_start3A_823] : memref<4096x8xf32, #tpu.memory_space<vmem>> -> memref<512x8xf32, #tpu.memory_space<vmem>>
      tpu.enqueue_dma source(%dma_start3A_824 : memref<512x8xf32, #tpu.memory_space<vmem>>) target(%dma_start3A_821 : memref<512x8xf32, #tpu.memory_space<vmem_shared>>) target_semaphore(%run_scoped3A : memref<!tpu.dma_semaphore, #tpu.memory_space<semaphore_mem>>)
      %dma_wait3A_825 = arith.constant 0 : i32
      %dma_wait3A_826 = arith.constant 0 : i32
      %dma_wait3A_827 = tpu.memref_slice %arg14[%dma_wait3A_825, %dma_wait3A_826] : memref<4096x8xf32, #tpu.memory_space<vmem>> -> memref<512x8xf32, #tpu.memory_space<vmem>>
      %dma_wait3A_828 = arith.constant 0 : i32
      %dma_wait3A_829 = tpu.memref_slice %arg15[%add3A_413, %dma_wait3A_828] : memref<73728x8xf32, #tpu.memory_space<vmem_shared>> -> memref<512x8xf32, #tpu.memory_space<vmem_shared>>
      %dma_wait3A_830 = arith.constant 0 : i32
      %dma_wait3A_831 = tpu.memref_slice %arg15[%add3A_413, %dma_wait3A_830] : memref<73728x8xf32, #tpu.memory_space<vmem_shared>> -> memref<512x8xf32, #tpu.memory_space<vmem_shared>>
      %dma_wait3A_832 = arith.constant 0 : i32
      %dma_wait3A_833 = arith.constant 0 : i32
      %dma_wait3A_834 = tpu.memref_slice %arg14[%dma_wait3A_832, %dma_wait3A_833] : memref<4096x8xf32, #tpu.memory_space<vmem>> -> memref<512x8xf32, #tpu.memory_space<vmem>>
      tpu.wait_dma2 semaphore(%run_scoped3A : memref<!tpu.dma_semaphore, #tpu.memory_space<semaphore_mem>>) src(%dma_wait3A_834 : memref<512x8xf32, #tpu.memory_space<vmem>>) dst(%dma_wait3A_831 : memref<512x8xf32, #tpu.memory_space<vmem_shared>>)
      tpu.yield
    }) : () -> ()
    %barrier3A_414 = arith.constant 0 : index
    tpu.barrier barrier_id(%barrier3A_414)
    %mul3A_415 = arith.constant 32 : i32
    %mul3A_416 = arith.muli %arg0, %mul3A_415 : i32
    %add3A_417 = arith.constant 16 : i32
    %add3A_418 = arith.addi %mul3A_416, %add3A_417 : i32
    %mul3A_419 = arith.constant 65536 : i32
    %mul3A_420 = arith.muli %add3A_418, %mul3A_419 : i32
    %scan3A_421 = arith.constant 0 : i32
    %scan3A_422 = arith.constant 0 : i32
    %scan3A_423 = arith.constant 256 : i32
    %scan3A_424 = arith.addi %scan3A_422, %scan3A_423 : i32
    %scan3A_425 = arith.constant 1 : i32
    scf.for %scan3A_815 = %scan3A_422 to %scan3A_424 step %scan3A_425  : i32 {
      %mul3A_816 = arith.constant 16 : i32
      %mul3A_817 = arith.muli %scan3A_815, %mul3A_816 : i32
      %get3A = arith.index_cast %mul3A_817 : i32 to index
      %get3A_818 = tpu.vector_load %arg11[%get3A] {strides = array<i32>} : memref<4096xi32, #tpu.memory_space<vmem>>, vector<16xi32>,
      %get3A_819 = vector.shape_cast %get3A_818 : vector<16xi32> to vector<16xi32>
      %iota3A = tpu.iota {dimensions = array<i32: 0>} : vector<16xi32>
      %mul3A_820 = arith.constant 16 : i32
      %mul3A_821 = arith.muli %scan3A_815, %mul3A_820 : i32
      %add3A_822 = arith.addi %mul3A_0, %mul3A_821 : i32
      %add3A_823 = vector.broadcast %add3A_822 : i32 to vector<16xi32>
      %add3A_824 = arith.addi %add3A_823, %iota3A : vector<16xi32>
      %and3A = arith.constant 8191 : i32
      %and3A_825 = vector.broadcast %and3A : i32 to vector<16xi32>
      %and3A_826 = arith.andi %add3A_824, %and3A_825 : vector<16xi32>
      %add3A_827 = arith.constant 65536 : i32
      %add3A_828 = vector.broadcast %add3A_827 : i32 to vector<16xi32>
      %add3A_829 = arith.addi %add3A_828, %and3A_826 : vector<16xi32>
      %ge3A = vector.broadcast %mul3A_420 : i32 to vector<16xi32>
      %ge3A_830 = arith.cmpi sge, %get3A_819, %ge3A : vector<16xi32>
      %add3A_831 = arith.constant 65536 : i32
      %add3A_832 = arith.addi %mul3A_420, %add3A_831 : i32
      %lt3A = vector.broadcast %add3A_832 : i32 to vector<16xi32>
      %lt3A_833 = arith.cmpi slt, %get3A_819, %lt3A : vector<16xi32>
      %and3A_834 = arith.andi %ge3A_830, %lt3A_833 : vector<16xi1>
      %sub3A = vector.broadcast %mul3A_420 : i32 to vector<16xi32>
      %sub3A_835 = arith.subi %get3A_819, %sub3A : vector<16xi32>
      %select_n3A = arith.select %and3A_834, %sub3A_835, %add3A_829 : vector<16xi1>, vector<16xi32>
      %mul3A_836 = arith.constant 16 : i32
      %mul3A_837 = arith.muli %scan3A_815, %mul3A_836 : i32
      %swap3A = arith.index_cast %mul3A_837 : i32 to index
      %swap3A_838 = tpu.vector_load %arg12[%swap3A] {strides = array<i32>} : memref<4096xi32, #tpu.memory_space<vmem>>, vector<16xi32>,
      %swap3A_839 = vector.shape_cast %swap3A_838 : vector<16xi32> to vector<16xi32>
      %swap3A_840 = vector.shape_cast %select_n3A : vector<16xi32> to vector<16xi32>
      tpu.vector_store %arg12[%swap3A], %swap3A_840 {strides = array<i32>} : memref<4096xi32, #tpu.memory_space<vmem>>, vector<16xi32>,
    }
    %scan3A_426 = arith.constant 256 : i32
    "tpu.region"() ({
      %run_scoped3A = tpu.sem_alloc : memref<!tpu.dma_semaphore, #tpu.memory_space<semaphore_mem>>
      %dma_start3A_815 = arith.constant 0 : i32
      %dma_start3A_816 = arith.constant 0 : i32
      %dma_start3A_817 = tpu.memref_slice %arg15[%dma_start3A_815, %dma_start3A_816] : memref<73728x8xf32, #tpu.memory_space<vmem_shared>> -> memref<73728x8xf32, #tpu.memory_space<vmem_shared>>
      tpu.enqueue_indirect_dma source(%arg13 : memref<4096x8xf32, #tpu.memory_space<vmem>>) target(%dma_start3A_817 : memref<73728x8xf32, #tpu.memory_space<vmem_shared>>) offsets(%arg12 : memref<4096xi32, #tpu.memory_space<vmem>>) semaphore(%run_scoped3A : memref<!tpu.dma_semaphore, #tpu.memory_space<semaphore_mem>>) {add = true}
      %dma_wait3A_818 = arith.constant 0 : i32
      %dma_wait3A_819 = arith.constant 0 : i32
      %dma_wait3A_820 = tpu.memref_slice %arg15[%dma_wait3A_818, %dma_wait3A_819] : memref<73728x8xf32, #tpu.memory_space<vmem_shared>> -> memref<73728x8xf32, #tpu.memory_space<vmem_shared>>
      tpu.wait_indirect_dma semaphore(%run_scoped3A : memref<!tpu.dma_semaphore, #tpu.memory_space<semaphore_mem>>) src(%arg13 : memref<4096x8xf32, #tpu.memory_space<vmem>>) dst(%dma_wait3A_820 : memref<73728x8xf32, #tpu.memory_space<vmem_shared>>)
      tpu.yield
    }) : () -> ()
    %barrier3A_427 = arith.constant 0 : index
    tpu.barrier barrier_id(%barrier3A_427)
    %mul3A_428 = arith.constant 4096 : i32
    %mul3A_429 = arith.muli %arg1, %mul3A_428 : i32
    %mul3A_430 = arith.constant 4096 : i32
    %mul3A_431 = arith.muli %arg1, %mul3A_430 : i32
    %add3A_432 = arith.addi %mul3A_420, %mul3A_431 : i32
    "tpu.region"() ({
      %run_scoped3A = tpu.sem_alloc : memref<!tpu.dma_semaphore, #tpu.memory_space<semaphore_mem>>
      %dma_start3A_815 = arith.constant 0 : i32
      %dma_start3A_816 = tpu.memref_slice %arg7[%add3A_432, %dma_start3A_815] : memref<4194304x8xf32, #tpu.memory_space<hbm>> -> memref<4096x8xf32, #tpu.memory_space<hbm>>
      %dma_start3A_817 = arith.constant 0 : i32
      %dma_start3A_818 = tpu.memref_slice %arg15[%mul3A_429, %dma_start3A_817] : memref<73728x8xf32, #tpu.memory_space<vmem_shared>> -> memref<4096x8xf32, #tpu.memory_space<vmem_shared>>
      tpu.enqueue_dma source(%dma_start3A_818 : memref<4096x8xf32, #tpu.memory_space<vmem_shared>>) target(%dma_start3A_816 : memref<4096x8xf32, #tpu.memory_space<hbm>>) target_semaphore(%run_scoped3A : memref<!tpu.dma_semaphore, #tpu.memory_space<semaphore_mem>>)
      %dma_wait3A_819 = arith.constant 0 : i32
      %dma_wait3A_820 = tpu.memref_slice %arg7[%add3A_432, %dma_wait3A_819] : memref<4194304x8xf32, #tpu.memory_space<hbm>> -> memref<4096x8xf32, #tpu.memory_space<hbm>>
      %dma_wait3A_821 = arith.constant 0 : i32
      %dma_wait3A_822 = tpu.memref_slice %arg15[%mul3A_429, %dma_wait3A_821] : memref<73728x8xf32, #tpu.memory_space<vmem_shared>> -> memref<4096x8xf32, #tpu.memory_space<vmem_shared>>
      tpu.wait_dma2 semaphore(%run_scoped3A : memref<!tpu.dma_semaphore, #tpu.memory_space<semaphore_mem>>) src(%dma_wait3A_822 : memref<4096x8xf32, #tpu.memory_space<vmem_shared>>) dst(%dma_wait3A_820 : memref<4096x8xf32, #tpu.memory_space<hbm>>)
      tpu.yield
    }) : () -> ()
    %mul3A_433 = arith.constant 4096 : i32
    %mul3A_434 = arith.muli %arg1, %mul3A_433 : i32
    "tpu.region"() ({
      %run_scoped3A = tpu.sem_alloc : memref<!tpu.dma_semaphore, #tpu.memory_space<semaphore_mem>>
      %dma_start3A_815 = arith.constant 0 : i32
      %dma_start3A_816 = tpu.memref_slice %arg15[%mul3A_434, %dma_start3A_815] : memref<73728x8xf32, #tpu.memory_space<vmem_shared>> -> memref<4096x8xf32, #tpu.memory_space<vmem_shared>>
      %dma_start3A_817 = arith.constant 0 : i32
      %dma_start3A_818 = tpu.memref_slice %arg15[%mul3A_434, %dma_start3A_817] : memref<73728x8xf32, #tpu.memory_space<vmem_shared>> -> memref<4096x8xf32, #tpu.memory_space<vmem_shared>>
      tpu.enqueue_dma source(%arg14 : memref<4096x8xf32, #tpu.memory_space<vmem>>) target(%dma_start3A_818 : memref<4096x8xf32, #tpu.memory_space<vmem_shared>>) target_semaphore(%run_scoped3A : memref<!tpu.dma_semaphore, #tpu.memory_space<semaphore_mem>>)
      %dma_wait3A_819 = arith.constant 0 : i32
      %dma_wait3A_820 = tpu.memref_slice %arg15[%mul3A_434, %dma_wait3A_819] : memref<73728x8xf32, #tpu.memory_space<vmem_shared>> -> memref<4096x8xf32, #tpu.memory_space<vmem_shared>>
      %dma_wait3A_821 = arith.constant 0 : i32
      %dma_wait3A_822 = tpu.memref_slice %arg15[%mul3A_434, %dma_wait3A_821] : memref<73728x8xf32, #tpu.memory_space<vmem_shared>> -> memref<4096x8xf32, #tpu.memory_space<vmem_shared>>
      tpu.wait_dma2 semaphore(%run_scoped3A : memref<!tpu.dma_semaphore, #tpu.memory_space<semaphore_mem>>) src(%arg14 : memref<4096x8xf32, #tpu.memory_space<vmem>>) dst(%dma_wait3A_822 : memref<4096x8xf32, #tpu.memory_space<vmem_shared>>)
      tpu.yield
    }) : () -> ()
    %mul3A_435 = arith.constant 512 : i32
    %mul3A_436 = arith.muli %arg1, %mul3A_435 : i32
    %add3A_437 = arith.constant 65536 : i32
    %add3A_438 = arith.addi %add3A_437, %mul3A_436 : i32
    "tpu.region"() ({
      %run_scoped3A = tpu.sem_alloc : memref<!tpu.dma_semaphore, #tpu.memory_space<semaphore_mem>>
      %dma_start3A_815 = arith.constant 0 : i32
      %dma_start3A_816 = arith.constant 0 : i32
      %dma_start3A_817 = tpu.memref_slice %arg14[%dma_start3A_815, %dma_start3A_816] : memref<4096x8xf32, #tpu.memory_space<vmem>> -> memref<512x8xf32, #tpu.memory_space<vmem>>
      %dma_start3A_818 = arith.constant 0 : i32
      %dma_start3A_819 = tpu.memref_slice %arg15[%add3A_438, %dma_start3A_818] : memref<73728x8xf32, #tpu.memory_space<vmem_shared>> -> memref<512x8xf32, #tpu.memory_space<vmem_shared>>
      %dma_start3A_820 = arith.constant 0 : i32
      %dma_start3A_821 = tpu.memref_slice %arg15[%add3A_438, %dma_start3A_820] : memref<73728x8xf32, #tpu.memory_space<vmem_shared>> -> memref<512x8xf32, #tpu.memory_space<vmem_shared>>
      %dma_start3A_822 = arith.constant 0 : i32
      %dma_start3A_823 = arith.constant 0 : i32
      %dma_start3A_824 = tpu.memref_slice %arg14[%dma_start3A_822, %dma_start3A_823] : memref<4096x8xf32, #tpu.memory_space<vmem>> -> memref<512x8xf32, #tpu.memory_space<vmem>>
      tpu.enqueue_dma source(%dma_start3A_824 : memref<512x8xf32, #tpu.memory_space<vmem>>) target(%dma_start3A_821 : memref<512x8xf32, #tpu.memory_space<vmem_shared>>) target_semaphore(%run_scoped3A : memref<!tpu.dma_semaphore, #tpu.memory_space<semaphore_mem>>)
      %dma_wait3A_825 = arith.constant 0 : i32
      %dma_wait3A_826 = arith.constant 0 : i32
      %dma_wait3A_827 = tpu.memref_slice %arg14[%dma_wait3A_825, %dma_wait3A_826] : memref<4096x8xf32, #tpu.memory_space<vmem>> -> memref<512x8xf32, #tpu.memory_space<vmem>>
      %dma_wait3A_828 = arith.constant 0 : i32
      %dma_wait3A_829 = tpu.memref_slice %arg15[%add3A_438, %dma_wait3A_828] : memref<73728x8xf32, #tpu.memory_space<vmem_shared>> -> memref<512x8xf32, #tpu.memory_space<vmem_shared>>
      %dma_wait3A_830 = arith.constant 0 : i32
      %dma_wait3A_831 = tpu.memref_slice %arg15[%add3A_438, %dma_wait3A_830] : memref<73728x8xf32, #tpu.memory_space<vmem_shared>> -> memref<512x8xf32, #tpu.memory_space<vmem_shared>>
      %dma_wait3A_832 = arith.constant 0 : i32
      %dma_wait3A_833 = arith.constant 0 : i32
      %dma_wait3A_834 = tpu.memref_slice %arg14[%dma_wait3A_832, %dma_wait3A_833] : memref<4096x8xf32, #tpu.memory_space<vmem>> -> memref<512x8xf32, #tpu.memory_space<vmem>>
      tpu.wait_dma2 semaphore(%run_scoped3A : memref<!tpu.dma_semaphore, #tpu.memory_space<semaphore_mem>>) src(%dma_wait3A_834 : memref<512x8xf32, #tpu.memory_space<vmem>>) dst(%dma_wait3A_831 : memref<512x8xf32, #tpu.memory_space<vmem_shared>>)
      tpu.yield
    }) : () -> ()
    %barrier3A_439 = arith.constant 0 : index
    tpu.barrier barrier_id(%barrier3A_439)
    %mul3A_440 = arith.constant 32 : i32
    %mul3A_441 = arith.muli %arg0, %mul3A_440 : i32
    %add3A_442 = arith.constant 17 : i32
    %add3A_443 = arith.addi %mul3A_441, %add3A_442 : i32
    %mul3A_444 = arith.constant 65536 : i32
    %mul3A_445 = arith.muli %add3A_443, %mul3A_444 : i32
    %scan3A_446 = arith.constant 0 : i32
    %scan3A_447 = arith.constant 0 : i32
    %scan3A_448 = arith.constant 256 : i32
    %scan3A_449 = arith.addi %scan3A_447, %scan3A_448 : i32
    %scan3A_450 = arith.constant 1 : i32
    scf.for %scan3A_815 = %scan3A_447 to %scan3A_449 step %scan3A_450  : i32 {
      %mul3A_816 = arith.constant 16 : i32
      %mul3A_817 = arith.muli %scan3A_815, %mul3A_816 : i32
      %get3A = arith.index_cast %mul3A_817 : i32 to index
      %get3A_818 = tpu.vector_load %arg11[%get3A] {strides = array<i32>} : memref<4096xi32, #tpu.memory_space<vmem>>, vector<16xi32>,
      %get3A_819 = vector.shape_cast %get3A_818 : vector<16xi32> to vector<16xi32>
      %iota3A = tpu.iota {dimensions = array<i32: 0>} : vector<16xi32>
      %mul3A_820 = arith.constant 16 : i32
      %mul3A_821 = arith.muli %scan3A_815, %mul3A_820 : i32
      %add3A_822 = arith.addi %mul3A_0, %mul3A_821 : i32
      %add3A_823 = vector.broadcast %add3A_822 : i32 to vector<16xi32>
      %add3A_824 = arith.addi %add3A_823, %iota3A : vector<16xi32>
      %and3A = arith.constant 8191 : i32
      %and3A_825 = vector.broadcast %and3A : i32 to vector<16xi32>
      %and3A_826 = arith.andi %add3A_824, %and3A_825 : vector<16xi32>
      %add3A_827 = arith.constant 65536 : i32
      %add3A_828 = vector.broadcast %add3A_827 : i32 to vector<16xi32>
      %add3A_829 = arith.addi %add3A_828, %and3A_826 : vector<16xi32>
      %ge3A = vector.broadcast %mul3A_445 : i32 to vector<16xi32>
      %ge3A_830 = arith.cmpi sge, %get3A_819, %ge3A : vector<16xi32>
      %add3A_831 = arith.constant 65536 : i32
      %add3A_832 = arith.addi %mul3A_445, %add3A_831 : i32
      %lt3A = vector.broadcast %add3A_832 : i32 to vector<16xi32>
      %lt3A_833 = arith.cmpi slt, %get3A_819, %lt3A : vector<16xi32>
      %and3A_834 = arith.andi %ge3A_830, %lt3A_833 : vector<16xi1>
      %sub3A = vector.broadcast %mul3A_445 : i32 to vector<16xi32>
      %sub3A_835 = arith.subi %get3A_819, %sub3A : vector<16xi32>
      %select_n3A = arith.select %and3A_834, %sub3A_835, %add3A_829 : vector<16xi1>, vector<16xi32>
      %mul3A_836 = arith.constant 16 : i32
      %mul3A_837 = arith.muli %scan3A_815, %mul3A_836 : i32
      %swap3A = arith.index_cast %mul3A_837 : i32 to index
      %swap3A_838 = tpu.vector_load %arg12[%swap3A] {strides = array<i32>} : memref<4096xi32, #tpu.memory_space<vmem>>, vector<16xi32>,
      %swap3A_839 = vector.shape_cast %swap3A_838 : vector<16xi32> to vector<16xi32>
      %swap3A_840 = vector.shape_cast %select_n3A : vector<16xi32> to vector<16xi32>
      tpu.vector_store %arg12[%swap3A], %swap3A_840 {strides = array<i32>} : memref<4096xi32, #tpu.memory_space<vmem>>, vector<16xi32>,
    }
    %scan3A_451 = arith.constant 256 : i32
    "tpu.region"() ({
      %run_scoped3A = tpu.sem_alloc : memref<!tpu.dma_semaphore, #tpu.memory_space<semaphore_mem>>
      %dma_start3A_815 = arith.constant 0 : i32
      %dma_start3A_816 = arith.constant 0 : i32
      %dma_start3A_817 = tpu.memref_slice %arg15[%dma_start3A_815, %dma_start3A_816] : memref<73728x8xf32, #tpu.memory_space<vmem_shared>> -> memref<73728x8xf32, #tpu.memory_space<vmem_shared>>
      tpu.enqueue_indirect_dma source(%arg13 : memref<4096x8xf32, #tpu.memory_space<vmem>>) target(%dma_start3A_817 : memref<73728x8xf32, #tpu.memory_space<vmem_shared>>) offsets(%arg12 : memref<4096xi32, #tpu.memory_space<vmem>>) semaphore(%run_scoped3A : memref<!tpu.dma_semaphore, #tpu.memory_space<semaphore_mem>>) {add = true}
      %dma_wait3A_818 = arith.constant 0 : i32
      %dma_wait3A_819 = arith.constant 0 : i32
      %dma_wait3A_820 = tpu.memref_slice %arg15[%dma_wait3A_818, %dma_wait3A_819] : memref<73728x8xf32, #tpu.memory_space<vmem_shared>> -> memref<73728x8xf32, #tpu.memory_space<vmem_shared>>
      tpu.wait_indirect_dma semaphore(%run_scoped3A : memref<!tpu.dma_semaphore, #tpu.memory_space<semaphore_mem>>) src(%arg13 : memref<4096x8xf32, #tpu.memory_space<vmem>>) dst(%dma_wait3A_820 : memref<73728x8xf32, #tpu.memory_space<vmem_shared>>)
      tpu.yield
    }) : () -> ()
    %barrier3A_452 = arith.constant 0 : index
    tpu.barrier barrier_id(%barrier3A_452)
    %mul3A_453 = arith.constant 4096 : i32
    %mul3A_454 = arith.muli %arg1, %mul3A_453 : i32
    %mul3A_455 = arith.constant 4096 : i32
    %mul3A_456 = arith.muli %arg1, %mul3A_455 : i32
    %add3A_457 = arith.addi %mul3A_445, %mul3A_456 : i32
    "tpu.region"() ({
      %run_scoped3A = tpu.sem_alloc : memref<!tpu.dma_semaphore, #tpu.memory_space<semaphore_mem>>
      %dma_start3A_815 = arith.constant 0 : i32
      %dma_start3A_816 = tpu.memref_slice %arg7[%add3A_457, %dma_start3A_815] : memref<4194304x8xf32, #tpu.memory_space<hbm>> -> memref<4096x8xf32, #tpu.memory_space<hbm>>
      %dma_start3A_817 = arith.constant 0 : i32
      %dma_start3A_818 = tpu.memref_slice %arg15[%mul3A_454, %dma_start3A_817] : memref<73728x8xf32, #tpu.memory_space<vmem_shared>> -> memref<4096x8xf32, #tpu.memory_space<vmem_shared>>
      tpu.enqueue_dma source(%dma_start3A_818 : memref<4096x8xf32, #tpu.memory_space<vmem_shared>>) target(%dma_start3A_816 : memref<4096x8xf32, #tpu.memory_space<hbm>>) target_semaphore(%run_scoped3A : memref<!tpu.dma_semaphore, #tpu.memory_space<semaphore_mem>>)
      %dma_wait3A_819 = arith.constant 0 : i32
      %dma_wait3A_820 = tpu.memref_slice %arg7[%add3A_457, %dma_wait3A_819] : memref<4194304x8xf32, #tpu.memory_space<hbm>> -> memref<4096x8xf32, #tpu.memory_space<hbm>>
      %dma_wait3A_821 = arith.constant 0 : i32
      %dma_wait3A_822 = tpu.memref_slice %arg15[%mul3A_454, %dma_wait3A_821] : memref<73728x8xf32, #tpu.memory_space<vmem_shared>> -> memref<4096x8xf32, #tpu.memory_space<vmem_shared>>
      tpu.wait_dma2 semaphore(%run_scoped3A : memref<!tpu.dma_semaphore, #tpu.memory_space<semaphore_mem>>) src(%dma_wait3A_822 : memref<4096x8xf32, #tpu.memory_space<vmem_shared>>) dst(%dma_wait3A_820 : memref<4096x8xf32, #tpu.memory_space<hbm>>)
      tpu.yield
    }) : () -> ()
    %mul3A_458 = arith.constant 4096 : i32
    %mul3A_459 = arith.muli %arg1, %mul3A_458 : i32
    "tpu.region"() ({
      %run_scoped3A = tpu.sem_alloc : memref<!tpu.dma_semaphore, #tpu.memory_space<semaphore_mem>>
      %dma_start3A_815 = arith.constant 0 : i32
      %dma_start3A_816 = tpu.memref_slice %arg15[%mul3A_459, %dma_start3A_815] : memref<73728x8xf32, #tpu.memory_space<vmem_shared>> -> memref<4096x8xf32, #tpu.memory_space<vmem_shared>>
      %dma_start3A_817 = arith.constant 0 : i32
      %dma_start3A_818 = tpu.memref_slice %arg15[%mul3A_459, %dma_start3A_817] : memref<73728x8xf32, #tpu.memory_space<vmem_shared>> -> memref<4096x8xf32, #tpu.memory_space<vmem_shared>>
      tpu.enqueue_dma source(%arg14 : memref<4096x8xf32, #tpu.memory_space<vmem>>) target(%dma_start3A_818 : memref<4096x8xf32, #tpu.memory_space<vmem_shared>>) target_semaphore(%run_scoped3A : memref<!tpu.dma_semaphore, #tpu.memory_space<semaphore_mem>>)
      %dma_wait3A_819 = arith.constant 0 : i32
      %dma_wait3A_820 = tpu.memref_slice %arg15[%mul3A_459, %dma_wait3A_819] : memref<73728x8xf32, #tpu.memory_space<vmem_shared>> -> memref<4096x8xf32, #tpu.memory_space<vmem_shared>>
      %dma_wait3A_821 = arith.constant 0 : i32
      %dma_wait3A_822 = tpu.memref_slice %arg15[%mul3A_459, %dma_wait3A_821] : memref<73728x8xf32, #tpu.memory_space<vmem_shared>> -> memref<4096x8xf32, #tpu.memory_space<vmem_shared>>
      tpu.wait_dma2 semaphore(%run_scoped3A : memref<!tpu.dma_semaphore, #tpu.memory_space<semaphore_mem>>) src(%arg14 : memref<4096x8xf32, #tpu.memory_space<vmem>>) dst(%dma_wait3A_822 : memref<4096x8xf32, #tpu.memory_space<vmem_shared>>)
      tpu.yield
    }) : () -> ()
    %mul3A_460 = arith.constant 512 : i32
    %mul3A_461 = arith.muli %arg1, %mul3A_460 : i32
    %add3A_462 = arith.constant 65536 : i32
    %add3A_463 = arith.addi %add3A_462, %mul3A_461 : i32
    "tpu.region"() ({
      %run_scoped3A = tpu.sem_alloc : memref<!tpu.dma_semaphore, #tpu.memory_space<semaphore_mem>>
      %dma_start3A_815 = arith.constant 0 : i32
      %dma_start3A_816 = arith.constant 0 : i32
      %dma_start3A_817 = tpu.memref_slice %arg14[%dma_start3A_815, %dma_start3A_816] : memref<4096x8xf32, #tpu.memory_space<vmem>> -> memref<512x8xf32, #tpu.memory_space<vmem>>
      %dma_start3A_818 = arith.constant 0 : i32
      %dma_start3A_819 = tpu.memref_slice %arg15[%add3A_463, %dma_start3A_818] : memref<73728x8xf32, #tpu.memory_space<vmem_shared>> -> memref<512x8xf32, #tpu.memory_space<vmem_shared>>
      %dma_start3A_820 = arith.constant 0 : i32
      %dma_start3A_821 = tpu.memref_slice %arg15[%add3A_463, %dma_start3A_820] : memref<73728x8xf32, #tpu.memory_space<vmem_shared>> -> memref<512x8xf32, #tpu.memory_space<vmem_shared>>
      %dma_start3A_822 = arith.constant 0 : i32
      %dma_start3A_823 = arith.constant 0 : i32
      %dma_start3A_824 = tpu.memref_slice %arg14[%dma_start3A_822, %dma_start3A_823] : memref<4096x8xf32, #tpu.memory_space<vmem>> -> memref<512x8xf32, #tpu.memory_space<vmem>>
      tpu.enqueue_dma source(%dma_start3A_824 : memref<512x8xf32, #tpu.memory_space<vmem>>) target(%dma_start3A_821 : memref<512x8xf32, #tpu.memory_space<vmem_shared>>) target_semaphore(%run_scoped3A : memref<!tpu.dma_semaphore, #tpu.memory_space<semaphore_mem>>)
      %dma_wait3A_825 = arith.constant 0 : i32
      %dma_wait3A_826 = arith.constant 0 : i32
      %dma_wait3A_827 = tpu.memref_slice %arg14[%dma_wait3A_825, %dma_wait3A_826] : memref<4096x8xf32, #tpu.memory_space<vmem>> -> memref<512x8xf32, #tpu.memory_space<vmem>>
      %dma_wait3A_828 = arith.constant 0 : i32
      %dma_wait3A_829 = tpu.memref_slice %arg15[%add3A_463, %dma_wait3A_828] : memref<73728x8xf32, #tpu.memory_space<vmem_shared>> -> memref<512x8xf32, #tpu.memory_space<vmem_shared>>
      %dma_wait3A_830 = arith.constant 0 : i32
      %dma_wait3A_831 = tpu.memref_slice %arg15[%add3A_463, %dma_wait3A_830] : memref<73728x8xf32, #tpu.memory_space<vmem_shared>> -> memref<512x8xf32, #tpu.memory_space<vmem_shared>>
      %dma_wait3A_832 = arith.constant 0 : i32
      %dma_wait3A_833 = arith.constant 0 : i32
      %dma_wait3A_834 = tpu.memref_slice %arg14[%dma_wait3A_832, %dma_wait3A_833] : memref<4096x8xf32, #tpu.memory_space<vmem>> -> memref<512x8xf32, #tpu.memory_space<vmem>>
      tpu.wait_dma2 semaphore(%run_scoped3A : memref<!tpu.dma_semaphore, #tpu.memory_space<semaphore_mem>>) src(%dma_wait3A_834 : memref<512x8xf32, #tpu.memory_space<vmem>>) dst(%dma_wait3A_831 : memref<512x8xf32, #tpu.memory_space<vmem_shared>>)
      tpu.yield
    }) : () -> ()
    %barrier3A_464 = arith.constant 0 : index
    tpu.barrier barrier_id(%barrier3A_464)
    %mul3A_465 = arith.constant 32 : i32
    %mul3A_466 = arith.muli %arg0, %mul3A_465 : i32
    %add3A_467 = arith.constant 18 : i32
    %add3A_468 = arith.addi %mul3A_466, %add3A_467 : i32
    %mul3A_469 = arith.constant 65536 : i32
    %mul3A_470 = arith.muli %add3A_468, %mul3A_469 : i32
    %scan3A_471 = arith.constant 0 : i32
    %scan3A_472 = arith.constant 0 : i32
    %scan3A_473 = arith.constant 256 : i32
    %scan3A_474 = arith.addi %scan3A_472, %scan3A_473 : i32
    %scan3A_475 = arith.constant 1 : i32
    scf.for %scan3A_815 = %scan3A_472 to %scan3A_474 step %scan3A_475  : i32 {
      %mul3A_816 = arith.constant 16 : i32
      %mul3A_817 = arith.muli %scan3A_815, %mul3A_816 : i32
      %get3A = arith.index_cast %mul3A_817 : i32 to index
      %get3A_818 = tpu.vector_load %arg11[%get3A] {strides = array<i32>} : memref<4096xi32, #tpu.memory_space<vmem>>, vector<16xi32>,
      %get3A_819 = vector.shape_cast %get3A_818 : vector<16xi32> to vector<16xi32>
      %iota3A = tpu.iota {dimensions = array<i32: 0>} : vector<16xi32>
      %mul3A_820 = arith.constant 16 : i32
      %mul3A_821 = arith.muli %scan3A_815, %mul3A_820 : i32
      %add3A_822 = arith.addi %mul3A_0, %mul3A_821 : i32
      %add3A_823 = vector.broadcast %add3A_822 : i32 to vector<16xi32>
      %add3A_824 = arith.addi %add3A_823, %iota3A : vector<16xi32>
      %and3A = arith.constant 8191 : i32
      %and3A_825 = vector.broadcast %and3A : i32 to vector<16xi32>
      %and3A_826 = arith.andi %add3A_824, %and3A_825 : vector<16xi32>
      %add3A_827 = arith.constant 65536 : i32
      %add3A_828 = vector.broadcast %add3A_827 : i32 to vector<16xi32>
      %add3A_829 = arith.addi %add3A_828, %and3A_826 : vector<16xi32>
      %ge3A = vector.broadcast %mul3A_470 : i32 to vector<16xi32>
      %ge3A_830 = arith.cmpi sge, %get3A_819, %ge3A : vector<16xi32>
      %add3A_831 = arith.constant 65536 : i32
      %add3A_832 = arith.addi %mul3A_470, %add3A_831 : i32
      %lt3A = vector.broadcast %add3A_832 : i32 to vector<16xi32>
      %lt3A_833 = arith.cmpi slt, %get3A_819, %lt3A : vector<16xi32>
      %and3A_834 = arith.andi %ge3A_830, %lt3A_833 : vector<16xi1>
      %sub3A = vector.broadcast %mul3A_470 : i32 to vector<16xi32>
      %sub3A_835 = arith.subi %get3A_819, %sub3A : vector<16xi32>
      %select_n3A = arith.select %and3A_834, %sub3A_835, %add3A_829 : vector<16xi1>, vector<16xi32>
      %mul3A_836 = arith.constant 16 : i32
      %mul3A_837 = arith.muli %scan3A_815, %mul3A_836 : i32
      %swap3A = arith.index_cast %mul3A_837 : i32 to index
      %swap3A_838 = tpu.vector_load %arg12[%swap3A] {strides = array<i32>} : memref<4096xi32, #tpu.memory_space<vmem>>, vector<16xi32>,
      %swap3A_839 = vector.shape_cast %swap3A_838 : vector<16xi32> to vector<16xi32>
      %swap3A_840 = vector.shape_cast %select_n3A : vector<16xi32> to vector<16xi32>
      tpu.vector_store %arg12[%swap3A], %swap3A_840 {strides = array<i32>} : memref<4096xi32, #tpu.memory_space<vmem>>, vector<16xi32>,
    }
    %scan3A_476 = arith.constant 256 : i32
    "tpu.region"() ({
      %run_scoped3A = tpu.sem_alloc : memref<!tpu.dma_semaphore, #tpu.memory_space<semaphore_mem>>
      %dma_start3A_815 = arith.constant 0 : i32
      %dma_start3A_816 = arith.constant 0 : i32
      %dma_start3A_817 = tpu.memref_slice %arg15[%dma_start3A_815, %dma_start3A_816] : memref<73728x8xf32, #tpu.memory_space<vmem_shared>> -> memref<73728x8xf32, #tpu.memory_space<vmem_shared>>
      tpu.enqueue_indirect_dma source(%arg13 : memref<4096x8xf32, #tpu.memory_space<vmem>>) target(%dma_start3A_817 : memref<73728x8xf32, #tpu.memory_space<vmem_shared>>) offsets(%arg12 : memref<4096xi32, #tpu.memory_space<vmem>>) semaphore(%run_scoped3A : memref<!tpu.dma_semaphore, #tpu.memory_space<semaphore_mem>>) {add = true}
      %dma_wait3A_818 = arith.constant 0 : i32
      %dma_wait3A_819 = arith.constant 0 : i32
      %dma_wait3A_820 = tpu.memref_slice %arg15[%dma_wait3A_818, %dma_wait3A_819] : memref<73728x8xf32, #tpu.memory_space<vmem_shared>> -> memref<73728x8xf32, #tpu.memory_space<vmem_shared>>
      tpu.wait_indirect_dma semaphore(%run_scoped3A : memref<!tpu.dma_semaphore, #tpu.memory_space<semaphore_mem>>) src(%arg13 : memref<4096x8xf32, #tpu.memory_space<vmem>>) dst(%dma_wait3A_820 : memref<73728x8xf32, #tpu.memory_space<vmem_shared>>)
      tpu.yield
    }) : () -> ()
    %barrier3A_477 = arith.constant 0 : index
    tpu.barrier barrier_id(%barrier3A_477)
    %mul3A_478 = arith.constant 4096 : i32
    %mul3A_479 = arith.muli %arg1, %mul3A_478 : i32
    %mul3A_480 = arith.constant 4096 : i32
    %mul3A_481 = arith.muli %arg1, %mul3A_480 : i32
    %add3A_482 = arith.addi %mul3A_470, %mul3A_481 : i32
    "tpu.region"() ({
      %run_scoped3A = tpu.sem_alloc : memref<!tpu.dma_semaphore, #tpu.memory_space<semaphore_mem>>
      %dma_start3A_815 = arith.constant 0 : i32
      %dma_start3A_816 = tpu.memref_slice %arg7[%add3A_482, %dma_start3A_815] : memref<4194304x8xf32, #tpu.memory_space<hbm>> -> memref<4096x8xf32, #tpu.memory_space<hbm>>
      %dma_start3A_817 = arith.constant 0 : i32
      %dma_start3A_818 = tpu.memref_slice %arg15[%mul3A_479, %dma_start3A_817] : memref<73728x8xf32, #tpu.memory_space<vmem_shared>> -> memref<4096x8xf32, #tpu.memory_space<vmem_shared>>
      tpu.enqueue_dma source(%dma_start3A_818 : memref<4096x8xf32, #tpu.memory_space<vmem_shared>>) target(%dma_start3A_816 : memref<4096x8xf32, #tpu.memory_space<hbm>>) target_semaphore(%run_scoped3A : memref<!tpu.dma_semaphore, #tpu.memory_space<semaphore_mem>>)
      %dma_wait3A_819 = arith.constant 0 : i32
      %dma_wait3A_820 = tpu.memref_slice %arg7[%add3A_482, %dma_wait3A_819] : memref<4194304x8xf32, #tpu.memory_space<hbm>> -> memref<4096x8xf32, #tpu.memory_space<hbm>>
      %dma_wait3A_821 = arith.constant 0 : i32
      %dma_wait3A_822 = tpu.memref_slice %arg15[%mul3A_479, %dma_wait3A_821] : memref<73728x8xf32, #tpu.memory_space<vmem_shared>> -> memref<4096x8xf32, #tpu.memory_space<vmem_shared>>
      tpu.wait_dma2 semaphore(%run_scoped3A : memref<!tpu.dma_semaphore, #tpu.memory_space<semaphore_mem>>) src(%dma_wait3A_822 : memref<4096x8xf32, #tpu.memory_space<vmem_shared>>) dst(%dma_wait3A_820 : memref<4096x8xf32, #tpu.memory_space<hbm>>)
      tpu.yield
    }) : () -> ()
    %mul3A_483 = arith.constant 4096 : i32
    %mul3A_484 = arith.muli %arg1, %mul3A_483 : i32
    "tpu.region"() ({
      %run_scoped3A = tpu.sem_alloc : memref<!tpu.dma_semaphore, #tpu.memory_space<semaphore_mem>>
      %dma_start3A_815 = arith.constant 0 : i32
      %dma_start3A_816 = tpu.memref_slice %arg15[%mul3A_484, %dma_start3A_815] : memref<73728x8xf32, #tpu.memory_space<vmem_shared>> -> memref<4096x8xf32, #tpu.memory_space<vmem_shared>>
      %dma_start3A_817 = arith.constant 0 : i32
      %dma_start3A_818 = tpu.memref_slice %arg15[%mul3A_484, %dma_start3A_817] : memref<73728x8xf32, #tpu.memory_space<vmem_shared>> -> memref<4096x8xf32, #tpu.memory_space<vmem_shared>>
      tpu.enqueue_dma source(%arg14 : memref<4096x8xf32, #tpu.memory_space<vmem>>) target(%dma_start3A_818 : memref<4096x8xf32, #tpu.memory_space<vmem_shared>>) target_semaphore(%run_scoped3A : memref<!tpu.dma_semaphore, #tpu.memory_space<semaphore_mem>>)
      %dma_wait3A_819 = arith.constant 0 : i32
      %dma_wait3A_820 = tpu.memref_slice %arg15[%mul3A_484, %dma_wait3A_819] : memref<73728x8xf32, #tpu.memory_space<vmem_shared>> -> memref<4096x8xf32, #tpu.memory_space<vmem_shared>>
      %dma_wait3A_821 = arith.constant 0 : i32
      %dma_wait3A_822 = tpu.memref_slice %arg15[%mul3A_484, %dma_wait3A_821] : memref<73728x8xf32, #tpu.memory_space<vmem_shared>> -> memref<4096x8xf32, #tpu.memory_space<vmem_shared>>
      tpu.wait_dma2 semaphore(%run_scoped3A : memref<!tpu.dma_semaphore, #tpu.memory_space<semaphore_mem>>) src(%arg14 : memref<4096x8xf32, #tpu.memory_space<vmem>>) dst(%dma_wait3A_822 : memref<4096x8xf32, #tpu.memory_space<vmem_shared>>)
      tpu.yield
    }) : () -> ()
    %mul3A_485 = arith.constant 512 : i32
    %mul3A_486 = arith.muli %arg1, %mul3A_485 : i32
    %add3A_487 = arith.constant 65536 : i32
    %add3A_488 = arith.addi %add3A_487, %mul3A_486 : i32
    "tpu.region"() ({
      %run_scoped3A = tpu.sem_alloc : memref<!tpu.dma_semaphore, #tpu.memory_space<semaphore_mem>>
      %dma_start3A_815 = arith.constant 0 : i32
      %dma_start3A_816 = arith.constant 0 : i32
      %dma_start3A_817 = tpu.memref_slice %arg14[%dma_start3A_815, %dma_start3A_816] : memref<4096x8xf32, #tpu.memory_space<vmem>> -> memref<512x8xf32, #tpu.memory_space<vmem>>
      %dma_start3A_818 = arith.constant 0 : i32
      %dma_start3A_819 = tpu.memref_slice %arg15[%add3A_488, %dma_start3A_818] : memref<73728x8xf32, #tpu.memory_space<vmem_shared>> -> memref<512x8xf32, #tpu.memory_space<vmem_shared>>
      %dma_start3A_820 = arith.constant 0 : i32
      %dma_start3A_821 = tpu.memref_slice %arg15[%add3A_488, %dma_start3A_820] : memref<73728x8xf32, #tpu.memory_space<vmem_shared>> -> memref<512x8xf32, #tpu.memory_space<vmem_shared>>
      %dma_start3A_822 = arith.constant 0 : i32
      %dma_start3A_823 = arith.constant 0 : i32
      %dma_start3A_824 = tpu.memref_slice %arg14[%dma_start3A_822, %dma_start3A_823] : memref<4096x8xf32, #tpu.memory_space<vmem>> -> memref<512x8xf32, #tpu.memory_space<vmem>>
      tpu.enqueue_dma source(%dma_start3A_824 : memref<512x8xf32, #tpu.memory_space<vmem>>) target(%dma_start3A_821 : memref<512x8xf32, #tpu.memory_space<vmem_shared>>) target_semaphore(%run_scoped3A : memref<!tpu.dma_semaphore, #tpu.memory_space<semaphore_mem>>)
      %dma_wait3A_825 = arith.constant 0 : i32
      %dma_wait3A_826 = arith.constant 0 : i32
      %dma_wait3A_827 = tpu.memref_slice %arg14[%dma_wait3A_825, %dma_wait3A_826] : memref<4096x8xf32, #tpu.memory_space<vmem>> -> memref<512x8xf32, #tpu.memory_space<vmem>>
      %dma_wait3A_828 = arith.constant 0 : i32
      %dma_wait3A_829 = tpu.memref_slice %arg15[%add3A_488, %dma_wait3A_828] : memref<73728x8xf32, #tpu.memory_space<vmem_shared>> -> memref<512x8xf32, #tpu.memory_space<vmem_shared>>
      %dma_wait3A_830 = arith.constant 0 : i32
      %dma_wait3A_831 = tpu.memref_slice %arg15[%add3A_488, %dma_wait3A_830] : memref<73728x8xf32, #tpu.memory_space<vmem_shared>> -> memref<512x8xf32, #tpu.memory_space<vmem_shared>>
      %dma_wait3A_832 = arith.constant 0 : i32
      %dma_wait3A_833 = arith.constant 0 : i32
      %dma_wait3A_834 = tpu.memref_slice %arg14[%dma_wait3A_832, %dma_wait3A_833] : memref<4096x8xf32, #tpu.memory_space<vmem>> -> memref<512x8xf32, #tpu.memory_space<vmem>>
      tpu.wait_dma2 semaphore(%run_scoped3A : memref<!tpu.dma_semaphore, #tpu.memory_space<semaphore_mem>>) src(%dma_wait3A_834 : memref<512x8xf32, #tpu.memory_space<vmem>>) dst(%dma_wait3A_831 : memref<512x8xf32, #tpu.memory_space<vmem_shared>>)
      tpu.yield
    }) : () -> ()
    %barrier3A_489 = arith.constant 0 : index
    tpu.barrier barrier_id(%barrier3A_489)
    %mul3A_490 = arith.constant 32 : i32
    %mul3A_491 = arith.muli %arg0, %mul3A_490 : i32
    %add3A_492 = arith.constant 19 : i32
    %add3A_493 = arith.addi %mul3A_491, %add3A_492 : i32
    %mul3A_494 = arith.constant 65536 : i32
    %mul3A_495 = arith.muli %add3A_493, %mul3A_494 : i32
    %scan3A_496 = arith.constant 0 : i32
    %scan3A_497 = arith.constant 0 : i32
    %scan3A_498 = arith.constant 256 : i32
    %scan3A_499 = arith.addi %scan3A_497, %scan3A_498 : i32
    %scan3A_500 = arith.constant 1 : i32
    scf.for %scan3A_815 = %scan3A_497 to %scan3A_499 step %scan3A_500  : i32 {
      %mul3A_816 = arith.constant 16 : i32
      %mul3A_817 = arith.muli %scan3A_815, %mul3A_816 : i32
      %get3A = arith.index_cast %mul3A_817 : i32 to index
      %get3A_818 = tpu.vector_load %arg11[%get3A] {strides = array<i32>} : memref<4096xi32, #tpu.memory_space<vmem>>, vector<16xi32>,
      %get3A_819 = vector.shape_cast %get3A_818 : vector<16xi32> to vector<16xi32>
      %iota3A = tpu.iota {dimensions = array<i32: 0>} : vector<16xi32>
      %mul3A_820 = arith.constant 16 : i32
      %mul3A_821 = arith.muli %scan3A_815, %mul3A_820 : i32
      %add3A_822 = arith.addi %mul3A_0, %mul3A_821 : i32
      %add3A_823 = vector.broadcast %add3A_822 : i32 to vector<16xi32>
      %add3A_824 = arith.addi %add3A_823, %iota3A : vector<16xi32>
      %and3A = arith.constant 8191 : i32
      %and3A_825 = vector.broadcast %and3A : i32 to vector<16xi32>
      %and3A_826 = arith.andi %add3A_824, %and3A_825 : vector<16xi32>
      %add3A_827 = arith.constant 65536 : i32
      %add3A_828 = vector.broadcast %add3A_827 : i32 to vector<16xi32>
      %add3A_829 = arith.addi %add3A_828, %and3A_826 : vector<16xi32>
      %ge3A = vector.broadcast %mul3A_495 : i32 to vector<16xi32>
      %ge3A_830 = arith.cmpi sge, %get3A_819, %ge3A : vector<16xi32>
      %add3A_831 = arith.constant 65536 : i32
      %add3A_832 = arith.addi %mul3A_495, %add3A_831 : i32
      %lt3A = vector.broadcast %add3A_832 : i32 to vector<16xi32>
      %lt3A_833 = arith.cmpi slt, %get3A_819, %lt3A : vector<16xi32>
      %and3A_834 = arith.andi %ge3A_830, %lt3A_833 : vector<16xi1>
      %sub3A = vector.broadcast %mul3A_495 : i32 to vector<16xi32>
      %sub3A_835 = arith.subi %get3A_819, %sub3A : vector<16xi32>
      %select_n3A = arith.select %and3A_834, %sub3A_835, %add3A_829 : vector<16xi1>, vector<16xi32>
      %mul3A_836 = arith.constant 16 : i32
      %mul3A_837 = arith.muli %scan3A_815, %mul3A_836 : i32
      %swap3A = arith.index_cast %mul3A_837 : i32 to index
      %swap3A_838 = tpu.vector_load %arg12[%swap3A] {strides = array<i32>} : memref<4096xi32, #tpu.memory_space<vmem>>, vector<16xi32>,
      %swap3A_839 = vector.shape_cast %swap3A_838 : vector<16xi32> to vector<16xi32>
      %swap3A_840 = vector.shape_cast %select_n3A : vector<16xi32> to vector<16xi32>
      tpu.vector_store %arg12[%swap3A], %swap3A_840 {strides = array<i32>} : memref<4096xi32, #tpu.memory_space<vmem>>, vector<16xi32>,
    }
    %scan3A_501 = arith.constant 256 : i32
    "tpu.region"() ({
      %run_scoped3A = tpu.sem_alloc : memref<!tpu.dma_semaphore, #tpu.memory_space<semaphore_mem>>
      %dma_start3A_815 = arith.constant 0 : i32
      %dma_start3A_816 = arith.constant 0 : i32
      %dma_start3A_817 = tpu.memref_slice %arg15[%dma_start3A_815, %dma_start3A_816] : memref<73728x8xf32, #tpu.memory_space<vmem_shared>> -> memref<73728x8xf32, #tpu.memory_space<vmem_shared>>
      tpu.enqueue_indirect_dma source(%arg13 : memref<4096x8xf32, #tpu.memory_space<vmem>>) target(%dma_start3A_817 : memref<73728x8xf32, #tpu.memory_space<vmem_shared>>) offsets(%arg12 : memref<4096xi32, #tpu.memory_space<vmem>>) semaphore(%run_scoped3A : memref<!tpu.dma_semaphore, #tpu.memory_space<semaphore_mem>>) {add = true}
      %dma_wait3A_818 = arith.constant 0 : i32
      %dma_wait3A_819 = arith.constant 0 : i32
      %dma_wait3A_820 = tpu.memref_slice %arg15[%dma_wait3A_818, %dma_wait3A_819] : memref<73728x8xf32, #tpu.memory_space<vmem_shared>> -> memref<73728x8xf32, #tpu.memory_space<vmem_shared>>
      tpu.wait_indirect_dma semaphore(%run_scoped3A : memref<!tpu.dma_semaphore, #tpu.memory_space<semaphore_mem>>) src(%arg13 : memref<4096x8xf32, #tpu.memory_space<vmem>>) dst(%dma_wait3A_820 : memref<73728x8xf32, #tpu.memory_space<vmem_shared>>)
      tpu.yield
    }) : () -> ()
    %barrier3A_502 = arith.constant 0 : index
    tpu.barrier barrier_id(%barrier3A_502)
    %mul3A_503 = arith.constant 4096 : i32
    %mul3A_504 = arith.muli %arg1, %mul3A_503 : i32
    %mul3A_505 = arith.constant 4096 : i32
    %mul3A_506 = arith.muli %arg1, %mul3A_505 : i32
    %add3A_507 = arith.addi %mul3A_495, %mul3A_506 : i32
    "tpu.region"() ({
      %run_scoped3A = tpu.sem_alloc : memref<!tpu.dma_semaphore, #tpu.memory_space<semaphore_mem>>
      %dma_start3A_815 = arith.constant 0 : i32
      %dma_start3A_816 = tpu.memref_slice %arg7[%add3A_507, %dma_start3A_815] : memref<4194304x8xf32, #tpu.memory_space<hbm>> -> memref<4096x8xf32, #tpu.memory_space<hbm>>
      %dma_start3A_817 = arith.constant 0 : i32
      %dma_start3A_818 = tpu.memref_slice %arg15[%mul3A_504, %dma_start3A_817] : memref<73728x8xf32, #tpu.memory_space<vmem_shared>> -> memref<4096x8xf32, #tpu.memory_space<vmem_shared>>
      tpu.enqueue_dma source(%dma_start3A_818 : memref<4096x8xf32, #tpu.memory_space<vmem_shared>>) target(%dma_start3A_816 : memref<4096x8xf32, #tpu.memory_space<hbm>>) target_semaphore(%run_scoped3A : memref<!tpu.dma_semaphore, #tpu.memory_space<semaphore_mem>>)
      %dma_wait3A_819 = arith.constant 0 : i32
      %dma_wait3A_820 = tpu.memref_slice %arg7[%add3A_507, %dma_wait3A_819] : memref<4194304x8xf32, #tpu.memory_space<hbm>> -> memref<4096x8xf32, #tpu.memory_space<hbm>>
      %dma_wait3A_821 = arith.constant 0 : i32
      %dma_wait3A_822 = tpu.memref_slice %arg15[%mul3A_504, %dma_wait3A_821] : memref<73728x8xf32, #tpu.memory_space<vmem_shared>> -> memref<4096x8xf32, #tpu.memory_space<vmem_shared>>
      tpu.wait_dma2 semaphore(%run_scoped3A : memref<!tpu.dma_semaphore, #tpu.memory_space<semaphore_mem>>) src(%dma_wait3A_822 : memref<4096x8xf32, #tpu.memory_space<vmem_shared>>) dst(%dma_wait3A_820 : memref<4096x8xf32, #tpu.memory_space<hbm>>)
      tpu.yield
    }) : () -> ()
    %mul3A_508 = arith.constant 4096 : i32
    %mul3A_509 = arith.muli %arg1, %mul3A_508 : i32
    "tpu.region"() ({
      %run_scoped3A = tpu.sem_alloc : memref<!tpu.dma_semaphore, #tpu.memory_space<semaphore_mem>>
      %dma_start3A_815 = arith.constant 0 : i32
      %dma_start3A_816 = tpu.memref_slice %arg15[%mul3A_509, %dma_start3A_815] : memref<73728x8xf32, #tpu.memory_space<vmem_shared>> -> memref<4096x8xf32, #tpu.memory_space<vmem_shared>>
      %dma_start3A_817 = arith.constant 0 : i32
      %dma_start3A_818 = tpu.memref_slice %arg15[%mul3A_509, %dma_start3A_817] : memref<73728x8xf32, #tpu.memory_space<vmem_shared>> -> memref<4096x8xf32, #tpu.memory_space<vmem_shared>>
      tpu.enqueue_dma source(%arg14 : memref<4096x8xf32, #tpu.memory_space<vmem>>) target(%dma_start3A_818 : memref<4096x8xf32, #tpu.memory_space<vmem_shared>>) target_semaphore(%run_scoped3A : memref<!tpu.dma_semaphore, #tpu.memory_space<semaphore_mem>>)
      %dma_wait3A_819 = arith.constant 0 : i32
      %dma_wait3A_820 = tpu.memref_slice %arg15[%mul3A_509, %dma_wait3A_819] : memref<73728x8xf32, #tpu.memory_space<vmem_shared>> -> memref<4096x8xf32, #tpu.memory_space<vmem_shared>>
      %dma_wait3A_821 = arith.constant 0 : i32
      %dma_wait3A_822 = tpu.memref_slice %arg15[%mul3A_509, %dma_wait3A_821] : memref<73728x8xf32, #tpu.memory_space<vmem_shared>> -> memref<4096x8xf32, #tpu.memory_space<vmem_shared>>
      tpu.wait_dma2 semaphore(%run_scoped3A : memref<!tpu.dma_semaphore, #tpu.memory_space<semaphore_mem>>) src(%arg14 : memref<4096x8xf32, #tpu.memory_space<vmem>>) dst(%dma_wait3A_822 : memref<4096x8xf32, #tpu.memory_space<vmem_shared>>)
      tpu.yield
    }) : () -> ()
    %mul3A_510 = arith.constant 512 : i32
    %mul3A_511 = arith.muli %arg1, %mul3A_510 : i32
    %add3A_512 = arith.constant 65536 : i32
    %add3A_513 = arith.addi %add3A_512, %mul3A_511 : i32
    "tpu.region"() ({
      %run_scoped3A = tpu.sem_alloc : memref<!tpu.dma_semaphore, #tpu.memory_space<semaphore_mem>>
      %dma_start3A_815 = arith.constant 0 : i32
      %dma_start3A_816 = arith.constant 0 : i32
      %dma_start3A_817 = tpu.memref_slice %arg14[%dma_start3A_815, %dma_start3A_816] : memref<4096x8xf32, #tpu.memory_space<vmem>> -> memref<512x8xf32, #tpu.memory_space<vmem>>
      %dma_start3A_818 = arith.constant 0 : i32
      %dma_start3A_819 = tpu.memref_slice %arg15[%add3A_513, %dma_start3A_818] : memref<73728x8xf32, #tpu.memory_space<vmem_shared>> -> memref<512x8xf32, #tpu.memory_space<vmem_shared>>
      %dma_start3A_820 = arith.constant 0 : i32
      %dma_start3A_821 = tpu.memref_slice %arg15[%add3A_513, %dma_start3A_820] : memref<73728x8xf32, #tpu.memory_space<vmem_shared>> -> memref<512x8xf32, #tpu.memory_space<vmem_shared>>
      %dma_start3A_822 = arith.constant 0 : i32
      %dma_start3A_823 = arith.constant 0 : i32
      %dma_start3A_824 = tpu.memref_slice %arg14[%dma_start3A_822, %dma_start3A_823] : memref<4096x8xf32, #tpu.memory_space<vmem>> -> memref<512x8xf32, #tpu.memory_space<vmem>>
      tpu.enqueue_dma source(%dma_start3A_824 : memref<512x8xf32, #tpu.memory_space<vmem>>) target(%dma_start3A_821 : memref<512x8xf32, #tpu.memory_space<vmem_shared>>) target_semaphore(%run_scoped3A : memref<!tpu.dma_semaphore, #tpu.memory_space<semaphore_mem>>)
      %dma_wait3A_825 = arith.constant 0 : i32
      %dma_wait3A_826 = arith.constant 0 : i32
      %dma_wait3A_827 = tpu.memref_slice %arg14[%dma_wait3A_825, %dma_wait3A_826] : memref<4096x8xf32, #tpu.memory_space<vmem>> -> memref<512x8xf32, #tpu.memory_space<vmem>>
      %dma_wait3A_828 = arith.constant 0 : i32
      %dma_wait3A_829 = tpu.memref_slice %arg15[%add3A_513, %dma_wait3A_828] : memref<73728x8xf32, #tpu.memory_space<vmem_shared>> -> memref<512x8xf32, #tpu.memory_space<vmem_shared>>
      %dma_wait3A_830 = arith.constant 0 : i32
      %dma_wait3A_831 = tpu.memref_slice %arg15[%add3A_513, %dma_wait3A_830] : memref<73728x8xf32, #tpu.memory_space<vmem_shared>> -> memref<512x8xf32, #tpu.memory_space<vmem_shared>>
      %dma_wait3A_832 = arith.constant 0 : i32
      %dma_wait3A_833 = arith.constant 0 : i32
      %dma_wait3A_834 = tpu.memref_slice %arg14[%dma_wait3A_832, %dma_wait3A_833] : memref<4096x8xf32, #tpu.memory_space<vmem>> -> memref<512x8xf32, #tpu.memory_space<vmem>>
      tpu.wait_dma2 semaphore(%run_scoped3A : memref<!tpu.dma_semaphore, #tpu.memory_space<semaphore_mem>>) src(%dma_wait3A_834 : memref<512x8xf32, #tpu.memory_space<vmem>>) dst(%dma_wait3A_831 : memref<512x8xf32, #tpu.memory_space<vmem_shared>>)
      tpu.yield
    }) : () -> ()
    %barrier3A_514 = arith.constant 0 : index
    tpu.barrier barrier_id(%barrier3A_514)
    %mul3A_515 = arith.constant 32 : i32
    %mul3A_516 = arith.muli %arg0, %mul3A_515 : i32
    %add3A_517 = arith.constant 20 : i32
    %add3A_518 = arith.addi %mul3A_516, %add3A_517 : i32
    %mul3A_519 = arith.constant 65536 : i32
    %mul3A_520 = arith.muli %add3A_518, %mul3A_519 : i32
    %scan3A_521 = arith.constant 0 : i32
    %scan3A_522 = arith.constant 0 : i32
    %scan3A_523 = arith.constant 256 : i32
    %scan3A_524 = arith.addi %scan3A_522, %scan3A_523 : i32
    %scan3A_525 = arith.constant 1 : i32
    scf.for %scan3A_815 = %scan3A_522 to %scan3A_524 step %scan3A_525  : i32 {
      %mul3A_816 = arith.constant 16 : i32
      %mul3A_817 = arith.muli %scan3A_815, %mul3A_816 : i32
      %get3A = arith.index_cast %mul3A_817 : i32 to index
      %get3A_818 = tpu.vector_load %arg11[%get3A] {strides = array<i32>} : memref<4096xi32, #tpu.memory_space<vmem>>, vector<16xi32>,
      %get3A_819 = vector.shape_cast %get3A_818 : vector<16xi32> to vector<16xi32>
      %iota3A = tpu.iota {dimensions = array<i32: 0>} : vector<16xi32>
      %mul3A_820 = arith.constant 16 : i32
      %mul3A_821 = arith.muli %scan3A_815, %mul3A_820 : i32
      %add3A_822 = arith.addi %mul3A_0, %mul3A_821 : i32
      %add3A_823 = vector.broadcast %add3A_822 : i32 to vector<16xi32>
      %add3A_824 = arith.addi %add3A_823, %iota3A : vector<16xi32>
      %and3A = arith.constant 8191 : i32
      %and3A_825 = vector.broadcast %and3A : i32 to vector<16xi32>
      %and3A_826 = arith.andi %add3A_824, %and3A_825 : vector<16xi32>
      %add3A_827 = arith.constant 65536 : i32
      %add3A_828 = vector.broadcast %add3A_827 : i32 to vector<16xi32>
      %add3A_829 = arith.addi %add3A_828, %and3A_826 : vector<16xi32>
      %ge3A = vector.broadcast %mul3A_520 : i32 to vector<16xi32>
      %ge3A_830 = arith.cmpi sge, %get3A_819, %ge3A : vector<16xi32>
      %add3A_831 = arith.constant 65536 : i32
      %add3A_832 = arith.addi %mul3A_520, %add3A_831 : i32
      %lt3A = vector.broadcast %add3A_832 : i32 to vector<16xi32>
      %lt3A_833 = arith.cmpi slt, %get3A_819, %lt3A : vector<16xi32>
      %and3A_834 = arith.andi %ge3A_830, %lt3A_833 : vector<16xi1>
      %sub3A = vector.broadcast %mul3A_520 : i32 to vector<16xi32>
      %sub3A_835 = arith.subi %get3A_819, %sub3A : vector<16xi32>
      %select_n3A = arith.select %and3A_834, %sub3A_835, %add3A_829 : vector<16xi1>, vector<16xi32>
      %mul3A_836 = arith.constant 16 : i32
      %mul3A_837 = arith.muli %scan3A_815, %mul3A_836 : i32
      %swap3A = arith.index_cast %mul3A_837 : i32 to index
      %swap3A_838 = tpu.vector_load %arg12[%swap3A] {strides = array<i32>} : memref<4096xi32, #tpu.memory_space<vmem>>, vector<16xi32>,
      %swap3A_839 = vector.shape_cast %swap3A_838 : vector<16xi32> to vector<16xi32>
      %swap3A_840 = vector.shape_cast %select_n3A : vector<16xi32> to vector<16xi32>
      tpu.vector_store %arg12[%swap3A], %swap3A_840 {strides = array<i32>} : memref<4096xi32, #tpu.memory_space<vmem>>, vector<16xi32>,
    }
    %scan3A_526 = arith.constant 256 : i32
    "tpu.region"() ({
      %run_scoped3A = tpu.sem_alloc : memref<!tpu.dma_semaphore, #tpu.memory_space<semaphore_mem>>
      %dma_start3A_815 = arith.constant 0 : i32
      %dma_start3A_816 = arith.constant 0 : i32
      %dma_start3A_817 = tpu.memref_slice %arg15[%dma_start3A_815, %dma_start3A_816] : memref<73728x8xf32, #tpu.memory_space<vmem_shared>> -> memref<73728x8xf32, #tpu.memory_space<vmem_shared>>
      tpu.enqueue_indirect_dma source(%arg13 : memref<4096x8xf32, #tpu.memory_space<vmem>>) target(%dma_start3A_817 : memref<73728x8xf32, #tpu.memory_space<vmem_shared>>) offsets(%arg12 : memref<4096xi32, #tpu.memory_space<vmem>>) semaphore(%run_scoped3A : memref<!tpu.dma_semaphore, #tpu.memory_space<semaphore_mem>>) {add = true}
      %dma_wait3A_818 = arith.constant 0 : i32
      %dma_wait3A_819 = arith.constant 0 : i32
      %dma_wait3A_820 = tpu.memref_slice %arg15[%dma_wait3A_818, %dma_wait3A_819] : memref<73728x8xf32, #tpu.memory_space<vmem_shared>> -> memref<73728x8xf32, #tpu.memory_space<vmem_shared>>
      tpu.wait_indirect_dma semaphore(%run_scoped3A : memref<!tpu.dma_semaphore, #tpu.memory_space<semaphore_mem>>) src(%arg13 : memref<4096x8xf32, #tpu.memory_space<vmem>>) dst(%dma_wait3A_820 : memref<73728x8xf32, #tpu.memory_space<vmem_shared>>)
      tpu.yield
    }) : () -> ()
    %barrier3A_527 = arith.constant 0 : index
    tpu.barrier barrier_id(%barrier3A_527)
    %mul3A_528 = arith.constant 4096 : i32
    %mul3A_529 = arith.muli %arg1, %mul3A_528 : i32
    %mul3A_530 = arith.constant 4096 : i32
    %mul3A_531 = arith.muli %arg1, %mul3A_530 : i32
    %add3A_532 = arith.addi %mul3A_520, %mul3A_531 : i32
    "tpu.region"() ({
      %run_scoped3A = tpu.sem_alloc : memref<!tpu.dma_semaphore, #tpu.memory_space<semaphore_mem>>
      %dma_start3A_815 = arith.constant 0 : i32
      %dma_start3A_816 = tpu.memref_slice %arg7[%add3A_532, %dma_start3A_815] : memref<4194304x8xf32, #tpu.memory_space<hbm>> -> memref<4096x8xf32, #tpu.memory_space<hbm>>
      %dma_start3A_817 = arith.constant 0 : i32
      %dma_start3A_818 = tpu.memref_slice %arg15[%mul3A_529, %dma_start3A_817] : memref<73728x8xf32, #tpu.memory_space<vmem_shared>> -> memref<4096x8xf32, #tpu.memory_space<vmem_shared>>
      tpu.enqueue_dma source(%dma_start3A_818 : memref<4096x8xf32, #tpu.memory_space<vmem_shared>>) target(%dma_start3A_816 : memref<4096x8xf32, #tpu.memory_space<hbm>>) target_semaphore(%run_scoped3A : memref<!tpu.dma_semaphore, #tpu.memory_space<semaphore_mem>>)
      %dma_wait3A_819 = arith.constant 0 : i32
      %dma_wait3A_820 = tpu.memref_slice %arg7[%add3A_532, %dma_wait3A_819] : memref<4194304x8xf32, #tpu.memory_space<hbm>> -> memref<4096x8xf32, #tpu.memory_space<hbm>>
      %dma_wait3A_821 = arith.constant 0 : i32
      %dma_wait3A_822 = tpu.memref_slice %arg15[%mul3A_529, %dma_wait3A_821] : memref<73728x8xf32, #tpu.memory_space<vmem_shared>> -> memref<4096x8xf32, #tpu.memory_space<vmem_shared>>
      tpu.wait_dma2 semaphore(%run_scoped3A : memref<!tpu.dma_semaphore, #tpu.memory_space<semaphore_mem>>) src(%dma_wait3A_822 : memref<4096x8xf32, #tpu.memory_space<vmem_shared>>) dst(%dma_wait3A_820 : memref<4096x8xf32, #tpu.memory_space<hbm>>)
      tpu.yield
    }) : () -> ()
    %mul3A_533 = arith.constant 4096 : i32
    %mul3A_534 = arith.muli %arg1, %mul3A_533 : i32
    "tpu.region"() ({
      %run_scoped3A = tpu.sem_alloc : memref<!tpu.dma_semaphore, #tpu.memory_space<semaphore_mem>>
      %dma_start3A_815 = arith.constant 0 : i32
      %dma_start3A_816 = tpu.memref_slice %arg15[%mul3A_534, %dma_start3A_815] : memref<73728x8xf32, #tpu.memory_space<vmem_shared>> -> memref<4096x8xf32, #tpu.memory_space<vmem_shared>>
      %dma_start3A_817 = arith.constant 0 : i32
      %dma_start3A_818 = tpu.memref_slice %arg15[%mul3A_534, %dma_start3A_817] : memref<73728x8xf32, #tpu.memory_space<vmem_shared>> -> memref<4096x8xf32, #tpu.memory_space<vmem_shared>>
      tpu.enqueue_dma source(%arg14 : memref<4096x8xf32, #tpu.memory_space<vmem>>) target(%dma_start3A_818 : memref<4096x8xf32, #tpu.memory_space<vmem_shared>>) target_semaphore(%run_scoped3A : memref<!tpu.dma_semaphore, #tpu.memory_space<semaphore_mem>>)
      %dma_wait3A_819 = arith.constant 0 : i32
      %dma_wait3A_820 = tpu.memref_slice %arg15[%mul3A_534, %dma_wait3A_819] : memref<73728x8xf32, #tpu.memory_space<vmem_shared>> -> memref<4096x8xf32, #tpu.memory_space<vmem_shared>>
      %dma_wait3A_821 = arith.constant 0 : i32
      %dma_wait3A_822 = tpu.memref_slice %arg15[%mul3A_534, %dma_wait3A_821] : memref<73728x8xf32, #tpu.memory_space<vmem_shared>> -> memref<4096x8xf32, #tpu.memory_space<vmem_shared>>
      tpu.wait_dma2 semaphore(%run_scoped3A : memref<!tpu.dma_semaphore, #tpu.memory_space<semaphore_mem>>) src(%arg14 : memref<4096x8xf32, #tpu.memory_space<vmem>>) dst(%dma_wait3A_822 : memref<4096x8xf32, #tpu.memory_space<vmem_shared>>)
      tpu.yield
    }) : () -> ()
    %mul3A_535 = arith.constant 512 : i32
    %mul3A_536 = arith.muli %arg1, %mul3A_535 : i32
    %add3A_537 = arith.constant 65536 : i32
    %add3A_538 = arith.addi %add3A_537, %mul3A_536 : i32
    "tpu.region"() ({
      %run_scoped3A = tpu.sem_alloc : memref<!tpu.dma_semaphore, #tpu.memory_space<semaphore_mem>>
      %dma_start3A_815 = arith.constant 0 : i32
      %dma_start3A_816 = arith.constant 0 : i32
      %dma_start3A_817 = tpu.memref_slice %arg14[%dma_start3A_815, %dma_start3A_816] : memref<4096x8xf32, #tpu.memory_space<vmem>> -> memref<512x8xf32, #tpu.memory_space<vmem>>
      %dma_start3A_818 = arith.constant 0 : i32
      %dma_start3A_819 = tpu.memref_slice %arg15[%add3A_538, %dma_start3A_818] : memref<73728x8xf32, #tpu.memory_space<vmem_shared>> -> memref<512x8xf32, #tpu.memory_space<vmem_shared>>
      %dma_start3A_820 = arith.constant 0 : i32
      %dma_start3A_821 = tpu.memref_slice %arg15[%add3A_538, %dma_start3A_820] : memref<73728x8xf32, #tpu.memory_space<vmem_shared>> -> memref<512x8xf32, #tpu.memory_space<vmem_shared>>
      %dma_start3A_822 = arith.constant 0 : i32
      %dma_start3A_823 = arith.constant 0 : i32
      %dma_start3A_824 = tpu.memref_slice %arg14[%dma_start3A_822, %dma_start3A_823] : memref<4096x8xf32, #tpu.memory_space<vmem>> -> memref<512x8xf32, #tpu.memory_space<vmem>>
      tpu.enqueue_dma source(%dma_start3A_824 : memref<512x8xf32, #tpu.memory_space<vmem>>) target(%dma_start3A_821 : memref<512x8xf32, #tpu.memory_space<vmem_shared>>) target_semaphore(%run_scoped3A : memref<!tpu.dma_semaphore, #tpu.memory_space<semaphore_mem>>)
      %dma_wait3A_825 = arith.constant 0 : i32
      %dma_wait3A_826 = arith.constant 0 : i32
      %dma_wait3A_827 = tpu.memref_slice %arg14[%dma_wait3A_825, %dma_wait3A_826] : memref<4096x8xf32, #tpu.memory_space<vmem>> -> memref<512x8xf32, #tpu.memory_space<vmem>>
      %dma_wait3A_828 = arith.constant 0 : i32
      %dma_wait3A_829 = tpu.memref_slice %arg15[%add3A_538, %dma_wait3A_828] : memref<73728x8xf32, #tpu.memory_space<vmem_shared>> -> memref<512x8xf32, #tpu.memory_space<vmem_shared>>
      %dma_wait3A_830 = arith.constant 0 : i32
      %dma_wait3A_831 = tpu.memref_slice %arg15[%add3A_538, %dma_wait3A_830] : memref<73728x8xf32, #tpu.memory_space<vmem_shared>> -> memref<512x8xf32, #tpu.memory_space<vmem_shared>>
      %dma_wait3A_832 = arith.constant 0 : i32
      %dma_wait3A_833 = arith.constant 0 : i32
      %dma_wait3A_834 = tpu.memref_slice %arg14[%dma_wait3A_832, %dma_wait3A_833] : memref<4096x8xf32, #tpu.memory_space<vmem>> -> memref<512x8xf32, #tpu.memory_space<vmem>>
      tpu.wait_dma2 semaphore(%run_scoped3A : memref<!tpu.dma_semaphore, #tpu.memory_space<semaphore_mem>>) src(%dma_wait3A_834 : memref<512x8xf32, #tpu.memory_space<vmem>>) dst(%dma_wait3A_831 : memref<512x8xf32, #tpu.memory_space<vmem_shared>>)
      tpu.yield
    }) : () -> ()
    %barrier3A_539 = arith.constant 0 : index
    tpu.barrier barrier_id(%barrier3A_539)
    %mul3A_540 = arith.constant 32 : i32
    %mul3A_541 = arith.muli %arg0, %mul3A_540 : i32
    %add3A_542 = arith.constant 21 : i32
    %add3A_543 = arith.addi %mul3A_541, %add3A_542 : i32
    %mul3A_544 = arith.constant 65536 : i32
    %mul3A_545 = arith.muli %add3A_543, %mul3A_544 : i32
    %scan3A_546 = arith.constant 0 : i32
    %scan3A_547 = arith.constant 0 : i32
    %scan3A_548 = arith.constant 256 : i32
    %scan3A_549 = arith.addi %scan3A_547, %scan3A_548 : i32
    %scan3A_550 = arith.constant 1 : i32
    scf.for %scan3A_815 = %scan3A_547 to %scan3A_549 step %scan3A_550  : i32 {
      %mul3A_816 = arith.constant 16 : i32
      %mul3A_817 = arith.muli %scan3A_815, %mul3A_816 : i32
      %get3A = arith.index_cast %mul3A_817 : i32 to index
      %get3A_818 = tpu.vector_load %arg11[%get3A] {strides = array<i32>} : memref<4096xi32, #tpu.memory_space<vmem>>, vector<16xi32>,
      %get3A_819 = vector.shape_cast %get3A_818 : vector<16xi32> to vector<16xi32>
      %iota3A = tpu.iota {dimensions = array<i32: 0>} : vector<16xi32>
      %mul3A_820 = arith.constant 16 : i32
      %mul3A_821 = arith.muli %scan3A_815, %mul3A_820 : i32
      %add3A_822 = arith.addi %mul3A_0, %mul3A_821 : i32
      %add3A_823 = vector.broadcast %add3A_822 : i32 to vector<16xi32>
      %add3A_824 = arith.addi %add3A_823, %iota3A : vector<16xi32>
      %and3A = arith.constant 8191 : i32
      %and3A_825 = vector.broadcast %and3A : i32 to vector<16xi32>
      %and3A_826 = arith.andi %add3A_824, %and3A_825 : vector<16xi32>
      %add3A_827 = arith.constant 65536 : i32
      %add3A_828 = vector.broadcast %add3A_827 : i32 to vector<16xi32>
      %add3A_829 = arith.addi %add3A_828, %and3A_826 : vector<16xi32>
      %ge3A = vector.broadcast %mul3A_545 : i32 to vector<16xi32>
      %ge3A_830 = arith.cmpi sge, %get3A_819, %ge3A : vector<16xi32>
      %add3A_831 = arith.constant 65536 : i32
      %add3A_832 = arith.addi %mul3A_545, %add3A_831 : i32
      %lt3A = vector.broadcast %add3A_832 : i32 to vector<16xi32>
      %lt3A_833 = arith.cmpi slt, %get3A_819, %lt3A : vector<16xi32>
      %and3A_834 = arith.andi %ge3A_830, %lt3A_833 : vector<16xi1>
      %sub3A = vector.broadcast %mul3A_545 : i32 to vector<16xi32>
      %sub3A_835 = arith.subi %get3A_819, %sub3A : vector<16xi32>
      %select_n3A = arith.select %and3A_834, %sub3A_835, %add3A_829 : vector<16xi1>, vector<16xi32>
      %mul3A_836 = arith.constant 16 : i32
      %mul3A_837 = arith.muli %scan3A_815, %mul3A_836 : i32
      %swap3A = arith.index_cast %mul3A_837 : i32 to index
      %swap3A_838 = tpu.vector_load %arg12[%swap3A] {strides = array<i32>} : memref<4096xi32, #tpu.memory_space<vmem>>, vector<16xi32>,
      %swap3A_839 = vector.shape_cast %swap3A_838 : vector<16xi32> to vector<16xi32>
      %swap3A_840 = vector.shape_cast %select_n3A : vector<16xi32> to vector<16xi32>
      tpu.vector_store %arg12[%swap3A], %swap3A_840 {strides = array<i32>} : memref<4096xi32, #tpu.memory_space<vmem>>, vector<16xi32>,
    }
    %scan3A_551 = arith.constant 256 : i32
    "tpu.region"() ({
      %run_scoped3A = tpu.sem_alloc : memref<!tpu.dma_semaphore, #tpu.memory_space<semaphore_mem>>
      %dma_start3A_815 = arith.constant 0 : i32
      %dma_start3A_816 = arith.constant 0 : i32
      %dma_start3A_817 = tpu.memref_slice %arg15[%dma_start3A_815, %dma_start3A_816] : memref<73728x8xf32, #tpu.memory_space<vmem_shared>> -> memref<73728x8xf32, #tpu.memory_space<vmem_shared>>
      tpu.enqueue_indirect_dma source(%arg13 : memref<4096x8xf32, #tpu.memory_space<vmem>>) target(%dma_start3A_817 : memref<73728x8xf32, #tpu.memory_space<vmem_shared>>) offsets(%arg12 : memref<4096xi32, #tpu.memory_space<vmem>>) semaphore(%run_scoped3A : memref<!tpu.dma_semaphore, #tpu.memory_space<semaphore_mem>>) {add = true}
      %dma_wait3A_818 = arith.constant 0 : i32
      %dma_wait3A_819 = arith.constant 0 : i32
      %dma_wait3A_820 = tpu.memref_slice %arg15[%dma_wait3A_818, %dma_wait3A_819] : memref<73728x8xf32, #tpu.memory_space<vmem_shared>> -> memref<73728x8xf32, #tpu.memory_space<vmem_shared>>
      tpu.wait_indirect_dma semaphore(%run_scoped3A : memref<!tpu.dma_semaphore, #tpu.memory_space<semaphore_mem>>) src(%arg13 : memref<4096x8xf32, #tpu.memory_space<vmem>>) dst(%dma_wait3A_820 : memref<73728x8xf32, #tpu.memory_space<vmem_shared>>)
      tpu.yield
    }) : () -> ()
    %barrier3A_552 = arith.constant 0 : index
    tpu.barrier barrier_id(%barrier3A_552)
    %mul3A_553 = arith.constant 4096 : i32
    %mul3A_554 = arith.muli %arg1, %mul3A_553 : i32
    %mul3A_555 = arith.constant 4096 : i32
    %mul3A_556 = arith.muli %arg1, %mul3A_555 : i32
    %add3A_557 = arith.addi %mul3A_545, %mul3A_556 : i32
    "tpu.region"() ({
      %run_scoped3A = tpu.sem_alloc : memref<!tpu.dma_semaphore, #tpu.memory_space<semaphore_mem>>
      %dma_start3A_815 = arith.constant 0 : i32
      %dma_start3A_816 = tpu.memref_slice %arg7[%add3A_557, %dma_start3A_815] : memref<4194304x8xf32, #tpu.memory_space<hbm>> -> memref<4096x8xf32, #tpu.memory_space<hbm>>
      %dma_start3A_817 = arith.constant 0 : i32
      %dma_start3A_818 = tpu.memref_slice %arg15[%mul3A_554, %dma_start3A_817] : memref<73728x8xf32, #tpu.memory_space<vmem_shared>> -> memref<4096x8xf32, #tpu.memory_space<vmem_shared>>
      tpu.enqueue_dma source(%dma_start3A_818 : memref<4096x8xf32, #tpu.memory_space<vmem_shared>>) target(%dma_start3A_816 : memref<4096x8xf32, #tpu.memory_space<hbm>>) target_semaphore(%run_scoped3A : memref<!tpu.dma_semaphore, #tpu.memory_space<semaphore_mem>>)
      %dma_wait3A_819 = arith.constant 0 : i32
      %dma_wait3A_820 = tpu.memref_slice %arg7[%add3A_557, %dma_wait3A_819] : memref<4194304x8xf32, #tpu.memory_space<hbm>> -> memref<4096x8xf32, #tpu.memory_space<hbm>>
      %dma_wait3A_821 = arith.constant 0 : i32
      %dma_wait3A_822 = tpu.memref_slice %arg15[%mul3A_554, %dma_wait3A_821] : memref<73728x8xf32, #tpu.memory_space<vmem_shared>> -> memref<4096x8xf32, #tpu.memory_space<vmem_shared>>
      tpu.wait_dma2 semaphore(%run_scoped3A : memref<!tpu.dma_semaphore, #tpu.memory_space<semaphore_mem>>) src(%dma_wait3A_822 : memref<4096x8xf32, #tpu.memory_space<vmem_shared>>) dst(%dma_wait3A_820 : memref<4096x8xf32, #tpu.memory_space<hbm>>)
      tpu.yield
    }) : () -> ()
    %mul3A_558 = arith.constant 4096 : i32
    %mul3A_559 = arith.muli %arg1, %mul3A_558 : i32
    "tpu.region"() ({
      %run_scoped3A = tpu.sem_alloc : memref<!tpu.dma_semaphore, #tpu.memory_space<semaphore_mem>>
      %dma_start3A_815 = arith.constant 0 : i32
      %dma_start3A_816 = tpu.memref_slice %arg15[%mul3A_559, %dma_start3A_815] : memref<73728x8xf32, #tpu.memory_space<vmem_shared>> -> memref<4096x8xf32, #tpu.memory_space<vmem_shared>>
      %dma_start3A_817 = arith.constant 0 : i32
      %dma_start3A_818 = tpu.memref_slice %arg15[%mul3A_559, %dma_start3A_817] : memref<73728x8xf32, #tpu.memory_space<vmem_shared>> -> memref<4096x8xf32, #tpu.memory_space<vmem_shared>>
      tpu.enqueue_dma source(%arg14 : memref<4096x8xf32, #tpu.memory_space<vmem>>) target(%dma_start3A_818 : memref<4096x8xf32, #tpu.memory_space<vmem_shared>>) target_semaphore(%run_scoped3A : memref<!tpu.dma_semaphore, #tpu.memory_space<semaphore_mem>>)
      %dma_wait3A_819 = arith.constant 0 : i32
      %dma_wait3A_820 = tpu.memref_slice %arg15[%mul3A_559, %dma_wait3A_819] : memref<73728x8xf32, #tpu.memory_space<vmem_shared>> -> memref<4096x8xf32, #tpu.memory_space<vmem_shared>>
      %dma_wait3A_821 = arith.constant 0 : i32
      %dma_wait3A_822 = tpu.memref_slice %arg15[%mul3A_559, %dma_wait3A_821] : memref<73728x8xf32, #tpu.memory_space<vmem_shared>> -> memref<4096x8xf32, #tpu.memory_space<vmem_shared>>
      tpu.wait_dma2 semaphore(%run_scoped3A : memref<!tpu.dma_semaphore, #tpu.memory_space<semaphore_mem>>) src(%arg14 : memref<4096x8xf32, #tpu.memory_space<vmem>>) dst(%dma_wait3A_822 : memref<4096x8xf32, #tpu.memory_space<vmem_shared>>)
      tpu.yield
    }) : () -> ()
    %mul3A_560 = arith.constant 512 : i32
    %mul3A_561 = arith.muli %arg1, %mul3A_560 : i32
    %add3A_562 = arith.constant 65536 : i32
    %add3A_563 = arith.addi %add3A_562, %mul3A_561 : i32
    "tpu.region"() ({
      %run_scoped3A = tpu.sem_alloc : memref<!tpu.dma_semaphore, #tpu.memory_space<semaphore_mem>>
      %dma_start3A_815 = arith.constant 0 : i32
      %dma_start3A_816 = arith.constant 0 : i32
      %dma_start3A_817 = tpu.memref_slice %arg14[%dma_start3A_815, %dma_start3A_816] : memref<4096x8xf32, #tpu.memory_space<vmem>> -> memref<512x8xf32, #tpu.memory_space<vmem>>
      %dma_start3A_818 = arith.constant 0 : i32
      %dma_start3A_819 = tpu.memref_slice %arg15[%add3A_563, %dma_start3A_818] : memref<73728x8xf32, #tpu.memory_space<vmem_shared>> -> memref<512x8xf32, #tpu.memory_space<vmem_shared>>
      %dma_start3A_820 = arith.constant 0 : i32
      %dma_start3A_821 = tpu.memref_slice %arg15[%add3A_563, %dma_start3A_820] : memref<73728x8xf32, #tpu.memory_space<vmem_shared>> -> memref<512x8xf32, #tpu.memory_space<vmem_shared>>
      %dma_start3A_822 = arith.constant 0 : i32
      %dma_start3A_823 = arith.constant 0 : i32
      %dma_start3A_824 = tpu.memref_slice %arg14[%dma_start3A_822, %dma_start3A_823] : memref<4096x8xf32, #tpu.memory_space<vmem>> -> memref<512x8xf32, #tpu.memory_space<vmem>>
      tpu.enqueue_dma source(%dma_start3A_824 : memref<512x8xf32, #tpu.memory_space<vmem>>) target(%dma_start3A_821 : memref<512x8xf32, #tpu.memory_space<vmem_shared>>) target_semaphore(%run_scoped3A : memref<!tpu.dma_semaphore, #tpu.memory_space<semaphore_mem>>)
      %dma_wait3A_825 = arith.constant 0 : i32
      %dma_wait3A_826 = arith.constant 0 : i32
      %dma_wait3A_827 = tpu.memref_slice %arg14[%dma_wait3A_825, %dma_wait3A_826] : memref<4096x8xf32, #tpu.memory_space<vmem>> -> memref<512x8xf32, #tpu.memory_space<vmem>>
      %dma_wait3A_828 = arith.constant 0 : i32
      %dma_wait3A_829 = tpu.memref_slice %arg15[%add3A_563, %dma_wait3A_828] : memref<73728x8xf32, #tpu.memory_space<vmem_shared>> -> memref<512x8xf32, #tpu.memory_space<vmem_shared>>
      %dma_wait3A_830 = arith.constant 0 : i32
      %dma_wait3A_831 = tpu.memref_slice %arg15[%add3A_563, %dma_wait3A_830] : memref<73728x8xf32, #tpu.memory_space<vmem_shared>> -> memref<512x8xf32, #tpu.memory_space<vmem_shared>>
      %dma_wait3A_832 = arith.constant 0 : i32
      %dma_wait3A_833 = arith.constant 0 : i32
      %dma_wait3A_834 = tpu.memref_slice %arg14[%dma_wait3A_832, %dma_wait3A_833] : memref<4096x8xf32, #tpu.memory_space<vmem>> -> memref<512x8xf32, #tpu.memory_space<vmem>>
      tpu.wait_dma2 semaphore(%run_scoped3A : memref<!tpu.dma_semaphore, #tpu.memory_space<semaphore_mem>>) src(%dma_wait3A_834 : memref<512x8xf32, #tpu.memory_space<vmem>>) dst(%dma_wait3A_831 : memref<512x8xf32, #tpu.memory_space<vmem_shared>>)
      tpu.yield
    }) : () -> ()
    %barrier3A_564 = arith.constant 0 : index
    tpu.barrier barrier_id(%barrier3A_564)
    %mul3A_565 = arith.constant 32 : i32
    %mul3A_566 = arith.muli %arg0, %mul3A_565 : i32
    %add3A_567 = arith.constant 22 : i32
    %add3A_568 = arith.addi %mul3A_566, %add3A_567 : i32
    %mul3A_569 = arith.constant 65536 : i32
    %mul3A_570 = arith.muli %add3A_568, %mul3A_569 : i32
    %scan3A_571 = arith.constant 0 : i32
    %scan3A_572 = arith.constant 0 : i32
    %scan3A_573 = arith.constant 256 : i32
    %scan3A_574 = arith.addi %scan3A_572, %scan3A_573 : i32
    %scan3A_575 = arith.constant 1 : i32
    scf.for %scan3A_815 = %scan3A_572 to %scan3A_574 step %scan3A_575  : i32 {
      %mul3A_816 = arith.constant 16 : i32
      %mul3A_817 = arith.muli %scan3A_815, %mul3A_816 : i32
      %get3A = arith.index_cast %mul3A_817 : i32 to index
      %get3A_818 = tpu.vector_load %arg11[%get3A] {strides = array<i32>} : memref<4096xi32, #tpu.memory_space<vmem>>, vector<16xi32>,
      %get3A_819 = vector.shape_cast %get3A_818 : vector<16xi32> to vector<16xi32>
      %iota3A = tpu.iota {dimensions = array<i32: 0>} : vector<16xi32>
      %mul3A_820 = arith.constant 16 : i32
      %mul3A_821 = arith.muli %scan3A_815, %mul3A_820 : i32
      %add3A_822 = arith.addi %mul3A_0, %mul3A_821 : i32
      %add3A_823 = vector.broadcast %add3A_822 : i32 to vector<16xi32>
      %add3A_824 = arith.addi %add3A_823, %iota3A : vector<16xi32>
      %and3A = arith.constant 8191 : i32
      %and3A_825 = vector.broadcast %and3A : i32 to vector<16xi32>
      %and3A_826 = arith.andi %add3A_824, %and3A_825 : vector<16xi32>
      %add3A_827 = arith.constant 65536 : i32
      %add3A_828 = vector.broadcast %add3A_827 : i32 to vector<16xi32>
      %add3A_829 = arith.addi %add3A_828, %and3A_826 : vector<16xi32>
      %ge3A = vector.broadcast %mul3A_570 : i32 to vector<16xi32>
      %ge3A_830 = arith.cmpi sge, %get3A_819, %ge3A : vector<16xi32>
      %add3A_831 = arith.constant 65536 : i32
      %add3A_832 = arith.addi %mul3A_570, %add3A_831 : i32
      %lt3A = vector.broadcast %add3A_832 : i32 to vector<16xi32>
      %lt3A_833 = arith.cmpi slt, %get3A_819, %lt3A : vector<16xi32>
      %and3A_834 = arith.andi %ge3A_830, %lt3A_833 : vector<16xi1>
      %sub3A = vector.broadcast %mul3A_570 : i32 to vector<16xi32>
      %sub3A_835 = arith.subi %get3A_819, %sub3A : vector<16xi32>
      %select_n3A = arith.select %and3A_834, %sub3A_835, %add3A_829 : vector<16xi1>, vector<16xi32>
      %mul3A_836 = arith.constant 16 : i32
      %mul3A_837 = arith.muli %scan3A_815, %mul3A_836 : i32
      %swap3A = arith.index_cast %mul3A_837 : i32 to index
      %swap3A_838 = tpu.vector_load %arg12[%swap3A] {strides = array<i32>} : memref<4096xi32, #tpu.memory_space<vmem>>, vector<16xi32>,
      %swap3A_839 = vector.shape_cast %swap3A_838 : vector<16xi32> to vector<16xi32>
      %swap3A_840 = vector.shape_cast %select_n3A : vector<16xi32> to vector<16xi32>
      tpu.vector_store %arg12[%swap3A], %swap3A_840 {strides = array<i32>} : memref<4096xi32, #tpu.memory_space<vmem>>, vector<16xi32>,
    }
    %scan3A_576 = arith.constant 256 : i32
    "tpu.region"() ({
      %run_scoped3A = tpu.sem_alloc : memref<!tpu.dma_semaphore, #tpu.memory_space<semaphore_mem>>
      %dma_start3A_815 = arith.constant 0 : i32
      %dma_start3A_816 = arith.constant 0 : i32
      %dma_start3A_817 = tpu.memref_slice %arg15[%dma_start3A_815, %dma_start3A_816] : memref<73728x8xf32, #tpu.memory_space<vmem_shared>> -> memref<73728x8xf32, #tpu.memory_space<vmem_shared>>
      tpu.enqueue_indirect_dma source(%arg13 : memref<4096x8xf32, #tpu.memory_space<vmem>>) target(%dma_start3A_817 : memref<73728x8xf32, #tpu.memory_space<vmem_shared>>) offsets(%arg12 : memref<4096xi32, #tpu.memory_space<vmem>>) semaphore(%run_scoped3A : memref<!tpu.dma_semaphore, #tpu.memory_space<semaphore_mem>>) {add = true}
      %dma_wait3A_818 = arith.constant 0 : i32
      %dma_wait3A_819 = arith.constant 0 : i32
      %dma_wait3A_820 = tpu.memref_slice %arg15[%dma_wait3A_818, %dma_wait3A_819] : memref<73728x8xf32, #tpu.memory_space<vmem_shared>> -> memref<73728x8xf32, #tpu.memory_space<vmem_shared>>
      tpu.wait_indirect_dma semaphore(%run_scoped3A : memref<!tpu.dma_semaphore, #tpu.memory_space<semaphore_mem>>) src(%arg13 : memref<4096x8xf32, #tpu.memory_space<vmem>>) dst(%dma_wait3A_820 : memref<73728x8xf32, #tpu.memory_space<vmem_shared>>)
      tpu.yield
    }) : () -> ()
    %barrier3A_577 = arith.constant 0 : index
    tpu.barrier barrier_id(%barrier3A_577)
    %mul3A_578 = arith.constant 4096 : i32
    %mul3A_579 = arith.muli %arg1, %mul3A_578 : i32
    %mul3A_580 = arith.constant 4096 : i32
    %mul3A_581 = arith.muli %arg1, %mul3A_580 : i32
    %add3A_582 = arith.addi %mul3A_570, %mul3A_581 : i32
    "tpu.region"() ({
      %run_scoped3A = tpu.sem_alloc : memref<!tpu.dma_semaphore, #tpu.memory_space<semaphore_mem>>
      %dma_start3A_815 = arith.constant 0 : i32
      %dma_start3A_816 = tpu.memref_slice %arg7[%add3A_582, %dma_start3A_815] : memref<4194304x8xf32, #tpu.memory_space<hbm>> -> memref<4096x8xf32, #tpu.memory_space<hbm>>
      %dma_start3A_817 = arith.constant 0 : i32
      %dma_start3A_818 = tpu.memref_slice %arg15[%mul3A_579, %dma_start3A_817] : memref<73728x8xf32, #tpu.memory_space<vmem_shared>> -> memref<4096x8xf32, #tpu.memory_space<vmem_shared>>
      tpu.enqueue_dma source(%dma_start3A_818 : memref<4096x8xf32, #tpu.memory_space<vmem_shared>>) target(%dma_start3A_816 : memref<4096x8xf32, #tpu.memory_space<hbm>>) target_semaphore(%run_scoped3A : memref<!tpu.dma_semaphore, #tpu.memory_space<semaphore_mem>>)
      %dma_wait3A_819 = arith.constant 0 : i32
      %dma_wait3A_820 = tpu.memref_slice %arg7[%add3A_582, %dma_wait3A_819] : memref<4194304x8xf32, #tpu.memory_space<hbm>> -> memref<4096x8xf32, #tpu.memory_space<hbm>>
      %dma_wait3A_821 = arith.constant 0 : i32
      %dma_wait3A_822 = tpu.memref_slice %arg15[%mul3A_579, %dma_wait3A_821] : memref<73728x8xf32, #tpu.memory_space<vmem_shared>> -> memref<4096x8xf32, #tpu.memory_space<vmem_shared>>
      tpu.wait_dma2 semaphore(%run_scoped3A : memref<!tpu.dma_semaphore, #tpu.memory_space<semaphore_mem>>) src(%dma_wait3A_822 : memref<4096x8xf32, #tpu.memory_space<vmem_shared>>) dst(%dma_wait3A_820 : memref<4096x8xf32, #tpu.memory_space<hbm>>)
      tpu.yield
    }) : () -> ()
    %mul3A_583 = arith.constant 4096 : i32
    %mul3A_584 = arith.muli %arg1, %mul3A_583 : i32
    "tpu.region"() ({
      %run_scoped3A = tpu.sem_alloc : memref<!tpu.dma_semaphore, #tpu.memory_space<semaphore_mem>>
      %dma_start3A_815 = arith.constant 0 : i32
      %dma_start3A_816 = tpu.memref_slice %arg15[%mul3A_584, %dma_start3A_815] : memref<73728x8xf32, #tpu.memory_space<vmem_shared>> -> memref<4096x8xf32, #tpu.memory_space<vmem_shared>>
      %dma_start3A_817 = arith.constant 0 : i32
      %dma_start3A_818 = tpu.memref_slice %arg15[%mul3A_584, %dma_start3A_817] : memref<73728x8xf32, #tpu.memory_space<vmem_shared>> -> memref<4096x8xf32, #tpu.memory_space<vmem_shared>>
      tpu.enqueue_dma source(%arg14 : memref<4096x8xf32, #tpu.memory_space<vmem>>) target(%dma_start3A_818 : memref<4096x8xf32, #tpu.memory_space<vmem_shared>>) target_semaphore(%run_scoped3A : memref<!tpu.dma_semaphore, #tpu.memory_space<semaphore_mem>>)
      %dma_wait3A_819 = arith.constant 0 : i32
      %dma_wait3A_820 = tpu.memref_slice %arg15[%mul3A_584, %dma_wait3A_819] : memref<73728x8xf32, #tpu.memory_space<vmem_shared>> -> memref<4096x8xf32, #tpu.memory_space<vmem_shared>>
      %dma_wait3A_821 = arith.constant 0 : i32
      %dma_wait3A_822 = tpu.memref_slice %arg15[%mul3A_584, %dma_wait3A_821] : memref<73728x8xf32, #tpu.memory_space<vmem_shared>> -> memref<4096x8xf32, #tpu.memory_space<vmem_shared>>
      tpu.wait_dma2 semaphore(%run_scoped3A : memref<!tpu.dma_semaphore, #tpu.memory_space<semaphore_mem>>) src(%arg14 : memref<4096x8xf32, #tpu.memory_space<vmem>>) dst(%dma_wait3A_822 : memref<4096x8xf32, #tpu.memory_space<vmem_shared>>)
      tpu.yield
    }) : () -> ()
    %mul3A_585 = arith.constant 512 : i32
    %mul3A_586 = arith.muli %arg1, %mul3A_585 : i32
    %add3A_587 = arith.constant 65536 : i32
    %add3A_588 = arith.addi %add3A_587, %mul3A_586 : i32
    "tpu.region"() ({
      %run_scoped3A = tpu.sem_alloc : memref<!tpu.dma_semaphore, #tpu.memory_space<semaphore_mem>>
      %dma_start3A_815 = arith.constant 0 : i32
      %dma_start3A_816 = arith.constant 0 : i32
      %dma_start3A_817 = tpu.memref_slice %arg14[%dma_start3A_815, %dma_start3A_816] : memref<4096x8xf32, #tpu.memory_space<vmem>> -> memref<512x8xf32, #tpu.memory_space<vmem>>
      %dma_start3A_818 = arith.constant 0 : i32
      %dma_start3A_819 = tpu.memref_slice %arg15[%add3A_588, %dma_start3A_818] : memref<73728x8xf32, #tpu.memory_space<vmem_shared>> -> memref<512x8xf32, #tpu.memory_space<vmem_shared>>
      %dma_start3A_820 = arith.constant 0 : i32
      %dma_start3A_821 = tpu.memref_slice %arg15[%add3A_588, %dma_start3A_820] : memref<73728x8xf32, #tpu.memory_space<vmem_shared>> -> memref<512x8xf32, #tpu.memory_space<vmem_shared>>
      %dma_start3A_822 = arith.constant 0 : i32
      %dma_start3A_823 = arith.constant 0 : i32
      %dma_start3A_824 = tpu.memref_slice %arg14[%dma_start3A_822, %dma_start3A_823] : memref<4096x8xf32, #tpu.memory_space<vmem>> -> memref<512x8xf32, #tpu.memory_space<vmem>>
      tpu.enqueue_dma source(%dma_start3A_824 : memref<512x8xf32, #tpu.memory_space<vmem>>) target(%dma_start3A_821 : memref<512x8xf32, #tpu.memory_space<vmem_shared>>) target_semaphore(%run_scoped3A : memref<!tpu.dma_semaphore, #tpu.memory_space<semaphore_mem>>)
      %dma_wait3A_825 = arith.constant 0 : i32
      %dma_wait3A_826 = arith.constant 0 : i32
      %dma_wait3A_827 = tpu.memref_slice %arg14[%dma_wait3A_825, %dma_wait3A_826] : memref<4096x8xf32, #tpu.memory_space<vmem>> -> memref<512x8xf32, #tpu.memory_space<vmem>>
      %dma_wait3A_828 = arith.constant 0 : i32
      %dma_wait3A_829 = tpu.memref_slice %arg15[%add3A_588, %dma_wait3A_828] : memref<73728x8xf32, #tpu.memory_space<vmem_shared>> -> memref<512x8xf32, #tpu.memory_space<vmem_shared>>
      %dma_wait3A_830 = arith.constant 0 : i32
      %dma_wait3A_831 = tpu.memref_slice %arg15[%add3A_588, %dma_wait3A_830] : memref<73728x8xf32, #tpu.memory_space<vmem_shared>> -> memref<512x8xf32, #tpu.memory_space<vmem_shared>>
      %dma_wait3A_832 = arith.constant 0 : i32
      %dma_wait3A_833 = arith.constant 0 : i32
      %dma_wait3A_834 = tpu.memref_slice %arg14[%dma_wait3A_832, %dma_wait3A_833] : memref<4096x8xf32, #tpu.memory_space<vmem>> -> memref<512x8xf32, #tpu.memory_space<vmem>>
      tpu.wait_dma2 semaphore(%run_scoped3A : memref<!tpu.dma_semaphore, #tpu.memory_space<semaphore_mem>>) src(%dma_wait3A_834 : memref<512x8xf32, #tpu.memory_space<vmem>>) dst(%dma_wait3A_831 : memref<512x8xf32, #tpu.memory_space<vmem_shared>>)
      tpu.yield
    }) : () -> ()
    %barrier3A_589 = arith.constant 0 : index
    tpu.barrier barrier_id(%barrier3A_589)
    %mul3A_590 = arith.constant 32 : i32
    %mul3A_591 = arith.muli %arg0, %mul3A_590 : i32
    %add3A_592 = arith.constant 23 : i32
    %add3A_593 = arith.addi %mul3A_591, %add3A_592 : i32
    %mul3A_594 = arith.constant 65536 : i32
    %mul3A_595 = arith.muli %add3A_593, %mul3A_594 : i32
    %scan3A_596 = arith.constant 0 : i32
    %scan3A_597 = arith.constant 0 : i32
    %scan3A_598 = arith.constant 256 : i32
    %scan3A_599 = arith.addi %scan3A_597, %scan3A_598 : i32
    %scan3A_600 = arith.constant 1 : i32
    scf.for %scan3A_815 = %scan3A_597 to %scan3A_599 step %scan3A_600  : i32 {
      %mul3A_816 = arith.constant 16 : i32
      %mul3A_817 = arith.muli %scan3A_815, %mul3A_816 : i32
      %get3A = arith.index_cast %mul3A_817 : i32 to index
      %get3A_818 = tpu.vector_load %arg11[%get3A] {strides = array<i32>} : memref<4096xi32, #tpu.memory_space<vmem>>, vector<16xi32>,
      %get3A_819 = vector.shape_cast %get3A_818 : vector<16xi32> to vector<16xi32>
      %iota3A = tpu.iota {dimensions = array<i32: 0>} : vector<16xi32>
      %mul3A_820 = arith.constant 16 : i32
      %mul3A_821 = arith.muli %scan3A_815, %mul3A_820 : i32
      %add3A_822 = arith.addi %mul3A_0, %mul3A_821 : i32
      %add3A_823 = vector.broadcast %add3A_822 : i32 to vector<16xi32>
      %add3A_824 = arith.addi %add3A_823, %iota3A : vector<16xi32>
      %and3A = arith.constant 8191 : i32
      %and3A_825 = vector.broadcast %and3A : i32 to vector<16xi32>
      %and3A_826 = arith.andi %add3A_824, %and3A_825 : vector<16xi32>
      %add3A_827 = arith.constant 65536 : i32
      %add3A_828 = vector.broadcast %add3A_827 : i32 to vector<16xi32>
      %add3A_829 = arith.addi %add3A_828, %and3A_826 : vector<16xi32>
      %ge3A = vector.broadcast %mul3A_595 : i32 to vector<16xi32>
      %ge3A_830 = arith.cmpi sge, %get3A_819, %ge3A : vector<16xi32>
      %add3A_831 = arith.constant 65536 : i32
      %add3A_832 = arith.addi %mul3A_595, %add3A_831 : i32
      %lt3A = vector.broadcast %add3A_832 : i32 to vector<16xi32>
      %lt3A_833 = arith.cmpi slt, %get3A_819, %lt3A : vector<16xi32>
      %and3A_834 = arith.andi %ge3A_830, %lt3A_833 : vector<16xi1>
      %sub3A = vector.broadcast %mul3A_595 : i32 to vector<16xi32>
      %sub3A_835 = arith.subi %get3A_819, %sub3A : vector<16xi32>
      %select_n3A = arith.select %and3A_834, %sub3A_835, %add3A_829 : vector<16xi1>, vector<16xi32>
      %mul3A_836 = arith.constant 16 : i32
      %mul3A_837 = arith.muli %scan3A_815, %mul3A_836 : i32
      %swap3A = arith.index_cast %mul3A_837 : i32 to index
      %swap3A_838 = tpu.vector_load %arg12[%swap3A] {strides = array<i32>} : memref<4096xi32, #tpu.memory_space<vmem>>, vector<16xi32>,
      %swap3A_839 = vector.shape_cast %swap3A_838 : vector<16xi32> to vector<16xi32>
      %swap3A_840 = vector.shape_cast %select_n3A : vector<16xi32> to vector<16xi32>
      tpu.vector_store %arg12[%swap3A], %swap3A_840 {strides = array<i32>} : memref<4096xi32, #tpu.memory_space<vmem>>, vector<16xi32>,
    }
    %scan3A_601 = arith.constant 256 : i32
    "tpu.region"() ({
      %run_scoped3A = tpu.sem_alloc : memref<!tpu.dma_semaphore, #tpu.memory_space<semaphore_mem>>
      %dma_start3A_815 = arith.constant 0 : i32
      %dma_start3A_816 = arith.constant 0 : i32
      %dma_start3A_817 = tpu.memref_slice %arg15[%dma_start3A_815, %dma_start3A_816] : memref<73728x8xf32, #tpu.memory_space<vmem_shared>> -> memref<73728x8xf32, #tpu.memory_space<vmem_shared>>
      tpu.enqueue_indirect_dma source(%arg13 : memref<4096x8xf32, #tpu.memory_space<vmem>>) target(%dma_start3A_817 : memref<73728x8xf32, #tpu.memory_space<vmem_shared>>) offsets(%arg12 : memref<4096xi32, #tpu.memory_space<vmem>>) semaphore(%run_scoped3A : memref<!tpu.dma_semaphore, #tpu.memory_space<semaphore_mem>>) {add = true}
      %dma_wait3A_818 = arith.constant 0 : i32
      %dma_wait3A_819 = arith.constant 0 : i32
      %dma_wait3A_820 = tpu.memref_slice %arg15[%dma_wait3A_818, %dma_wait3A_819] : memref<73728x8xf32, #tpu.memory_space<vmem_shared>> -> memref<73728x8xf32, #tpu.memory_space<vmem_shared>>
      tpu.wait_indirect_dma semaphore(%run_scoped3A : memref<!tpu.dma_semaphore, #tpu.memory_space<semaphore_mem>>) src(%arg13 : memref<4096x8xf32, #tpu.memory_space<vmem>>) dst(%dma_wait3A_820 : memref<73728x8xf32, #tpu.memory_space<vmem_shared>>)
      tpu.yield
    }) : () -> ()
    %barrier3A_602 = arith.constant 0 : index
    tpu.barrier barrier_id(%barrier3A_602)
    %mul3A_603 = arith.constant 4096 : i32
    %mul3A_604 = arith.muli %arg1, %mul3A_603 : i32
    %mul3A_605 = arith.constant 4096 : i32
    %mul3A_606 = arith.muli %arg1, %mul3A_605 : i32
    %add3A_607 = arith.addi %mul3A_595, %mul3A_606 : i32
    "tpu.region"() ({
      %run_scoped3A = tpu.sem_alloc : memref<!tpu.dma_semaphore, #tpu.memory_space<semaphore_mem>>
      %dma_start3A_815 = arith.constant 0 : i32
      %dma_start3A_816 = tpu.memref_slice %arg7[%add3A_607, %dma_start3A_815] : memref<4194304x8xf32, #tpu.memory_space<hbm>> -> memref<4096x8xf32, #tpu.memory_space<hbm>>
      %dma_start3A_817 = arith.constant 0 : i32
      %dma_start3A_818 = tpu.memref_slice %arg15[%mul3A_604, %dma_start3A_817] : memref<73728x8xf32, #tpu.memory_space<vmem_shared>> -> memref<4096x8xf32, #tpu.memory_space<vmem_shared>>
      tpu.enqueue_dma source(%dma_start3A_818 : memref<4096x8xf32, #tpu.memory_space<vmem_shared>>) target(%dma_start3A_816 : memref<4096x8xf32, #tpu.memory_space<hbm>>) target_semaphore(%run_scoped3A : memref<!tpu.dma_semaphore, #tpu.memory_space<semaphore_mem>>)
      %dma_wait3A_819 = arith.constant 0 : i32
      %dma_wait3A_820 = tpu.memref_slice %arg7[%add3A_607, %dma_wait3A_819] : memref<4194304x8xf32, #tpu.memory_space<hbm>> -> memref<4096x8xf32, #tpu.memory_space<hbm>>
      %dma_wait3A_821 = arith.constant 0 : i32
      %dma_wait3A_822 = tpu.memref_slice %arg15[%mul3A_604, %dma_wait3A_821] : memref<73728x8xf32, #tpu.memory_space<vmem_shared>> -> memref<4096x8xf32, #tpu.memory_space<vmem_shared>>
      tpu.wait_dma2 semaphore(%run_scoped3A : memref<!tpu.dma_semaphore, #tpu.memory_space<semaphore_mem>>) src(%dma_wait3A_822 : memref<4096x8xf32, #tpu.memory_space<vmem_shared>>) dst(%dma_wait3A_820 : memref<4096x8xf32, #tpu.memory_space<hbm>>)
      tpu.yield
    }) : () -> ()
    %mul3A_608 = arith.constant 4096 : i32
    %mul3A_609 = arith.muli %arg1, %mul3A_608 : i32
    "tpu.region"() ({
      %run_scoped3A = tpu.sem_alloc : memref<!tpu.dma_semaphore, #tpu.memory_space<semaphore_mem>>
      %dma_start3A_815 = arith.constant 0 : i32
      %dma_start3A_816 = tpu.memref_slice %arg15[%mul3A_609, %dma_start3A_815] : memref<73728x8xf32, #tpu.memory_space<vmem_shared>> -> memref<4096x8xf32, #tpu.memory_space<vmem_shared>>
      %dma_start3A_817 = arith.constant 0 : i32
      %dma_start3A_818 = tpu.memref_slice %arg15[%mul3A_609, %dma_start3A_817] : memref<73728x8xf32, #tpu.memory_space<vmem_shared>> -> memref<4096x8xf32, #tpu.memory_space<vmem_shared>>
      tpu.enqueue_dma source(%arg14 : memref<4096x8xf32, #tpu.memory_space<vmem>>) target(%dma_start3A_818 : memref<4096x8xf32, #tpu.memory_space<vmem_shared>>) target_semaphore(%run_scoped3A : memref<!tpu.dma_semaphore, #tpu.memory_space<semaphore_mem>>)
      %dma_wait3A_819 = arith.constant 0 : i32
      %dma_wait3A_820 = tpu.memref_slice %arg15[%mul3A_609, %dma_wait3A_819] : memref<73728x8xf32, #tpu.memory_space<vmem_shared>> -> memref<4096x8xf32, #tpu.memory_space<vmem_shared>>
      %dma_wait3A_821 = arith.constant 0 : i32
      %dma_wait3A_822 = tpu.memref_slice %arg15[%mul3A_609, %dma_wait3A_821] : memref<73728x8xf32, #tpu.memory_space<vmem_shared>> -> memref<4096x8xf32, #tpu.memory_space<vmem_shared>>
      tpu.wait_dma2 semaphore(%run_scoped3A : memref<!tpu.dma_semaphore, #tpu.memory_space<semaphore_mem>>) src(%arg14 : memref<4096x8xf32, #tpu.memory_space<vmem>>) dst(%dma_wait3A_822 : memref<4096x8xf32, #tpu.memory_space<vmem_shared>>)
      tpu.yield
    }) : () -> ()
    %mul3A_610 = arith.constant 512 : i32
    %mul3A_611 = arith.muli %arg1, %mul3A_610 : i32
    %add3A_612 = arith.constant 65536 : i32
    %add3A_613 = arith.addi %add3A_612, %mul3A_611 : i32
    "tpu.region"() ({
      %run_scoped3A = tpu.sem_alloc : memref<!tpu.dma_semaphore, #tpu.memory_space<semaphore_mem>>
      %dma_start3A_815 = arith.constant 0 : i32
      %dma_start3A_816 = arith.constant 0 : i32
      %dma_start3A_817 = tpu.memref_slice %arg14[%dma_start3A_815, %dma_start3A_816] : memref<4096x8xf32, #tpu.memory_space<vmem>> -> memref<512x8xf32, #tpu.memory_space<vmem>>
      %dma_start3A_818 = arith.constant 0 : i32
      %dma_start3A_819 = tpu.memref_slice %arg15[%add3A_613, %dma_start3A_818] : memref<73728x8xf32, #tpu.memory_space<vmem_shared>> -> memref<512x8xf32, #tpu.memory_space<vmem_shared>>
      %dma_start3A_820 = arith.constant 0 : i32
      %dma_start3A_821 = tpu.memref_slice %arg15[%add3A_613, %dma_start3A_820] : memref<73728x8xf32, #tpu.memory_space<vmem_shared>> -> memref<512x8xf32, #tpu.memory_space<vmem_shared>>
      %dma_start3A_822 = arith.constant 0 : i32
      %dma_start3A_823 = arith.constant 0 : i32
      %dma_start3A_824 = tpu.memref_slice %arg14[%dma_start3A_822, %dma_start3A_823] : memref<4096x8xf32, #tpu.memory_space<vmem>> -> memref<512x8xf32, #tpu.memory_space<vmem>>
      tpu.enqueue_dma source(%dma_start3A_824 : memref<512x8xf32, #tpu.memory_space<vmem>>) target(%dma_start3A_821 : memref<512x8xf32, #tpu.memory_space<vmem_shared>>) target_semaphore(%run_scoped3A : memref<!tpu.dma_semaphore, #tpu.memory_space<semaphore_mem>>)
      %dma_wait3A_825 = arith.constant 0 : i32
      %dma_wait3A_826 = arith.constant 0 : i32
      %dma_wait3A_827 = tpu.memref_slice %arg14[%dma_wait3A_825, %dma_wait3A_826] : memref<4096x8xf32, #tpu.memory_space<vmem>> -> memref<512x8xf32, #tpu.memory_space<vmem>>
      %dma_wait3A_828 = arith.constant 0 : i32
      %dma_wait3A_829 = tpu.memref_slice %arg15[%add3A_613, %dma_wait3A_828] : memref<73728x8xf32, #tpu.memory_space<vmem_shared>> -> memref<512x8xf32, #tpu.memory_space<vmem_shared>>
      %dma_wait3A_830 = arith.constant 0 : i32
      %dma_wait3A_831 = tpu.memref_slice %arg15[%add3A_613, %dma_wait3A_830] : memref<73728x8xf32, #tpu.memory_space<vmem_shared>> -> memref<512x8xf32, #tpu.memory_space<vmem_shared>>
      %dma_wait3A_832 = arith.constant 0 : i32
      %dma_wait3A_833 = arith.constant 0 : i32
      %dma_wait3A_834 = tpu.memref_slice %arg14[%dma_wait3A_832, %dma_wait3A_833] : memref<4096x8xf32, #tpu.memory_space<vmem>> -> memref<512x8xf32, #tpu.memory_space<vmem>>
      tpu.wait_dma2 semaphore(%run_scoped3A : memref<!tpu.dma_semaphore, #tpu.memory_space<semaphore_mem>>) src(%dma_wait3A_834 : memref<512x8xf32, #tpu.memory_space<vmem>>) dst(%dma_wait3A_831 : memref<512x8xf32, #tpu.memory_space<vmem_shared>>)
      tpu.yield
    }) : () -> ()
    %barrier3A_614 = arith.constant 0 : index
    tpu.barrier barrier_id(%barrier3A_614)
    %mul3A_615 = arith.constant 32 : i32
    %mul3A_616 = arith.muli %arg0, %mul3A_615 : i32
    %add3A_617 = arith.constant 24 : i32
    %add3A_618 = arith.addi %mul3A_616, %add3A_617 : i32
    %mul3A_619 = arith.constant 65536 : i32
    %mul3A_620 = arith.muli %add3A_618, %mul3A_619 : i32
    %scan3A_621 = arith.constant 0 : i32
    %scan3A_622 = arith.constant 0 : i32
    %scan3A_623 = arith.constant 256 : i32
    %scan3A_624 = arith.addi %scan3A_622, %scan3A_623 : i32
    %scan3A_625 = arith.constant 1 : i32
    scf.for %scan3A_815 = %scan3A_622 to %scan3A_624 step %scan3A_625  : i32 {
      %mul3A_816 = arith.constant 16 : i32
      %mul3A_817 = arith.muli %scan3A_815, %mul3A_816 : i32
      %get3A = arith.index_cast %mul3A_817 : i32 to index
      %get3A_818 = tpu.vector_load %arg11[%get3A] {strides = array<i32>} : memref<4096xi32, #tpu.memory_space<vmem>>, vector<16xi32>,
      %get3A_819 = vector.shape_cast %get3A_818 : vector<16xi32> to vector<16xi32>
      %iota3A = tpu.iota {dimensions = array<i32: 0>} : vector<16xi32>
      %mul3A_820 = arith.constant 16 : i32
      %mul3A_821 = arith.muli %scan3A_815, %mul3A_820 : i32
      %add3A_822 = arith.addi %mul3A_0, %mul3A_821 : i32
      %add3A_823 = vector.broadcast %add3A_822 : i32 to vector<16xi32>
      %add3A_824 = arith.addi %add3A_823, %iota3A : vector<16xi32>
      %and3A = arith.constant 8191 : i32
      %and3A_825 = vector.broadcast %and3A : i32 to vector<16xi32>
      %and3A_826 = arith.andi %add3A_824, %and3A_825 : vector<16xi32>
      %add3A_827 = arith.constant 65536 : i32
      %add3A_828 = vector.broadcast %add3A_827 : i32 to vector<16xi32>
      %add3A_829 = arith.addi %add3A_828, %and3A_826 : vector<16xi32>
      %ge3A = vector.broadcast %mul3A_620 : i32 to vector<16xi32>
      %ge3A_830 = arith.cmpi sge, %get3A_819, %ge3A : vector<16xi32>
      %add3A_831 = arith.constant 65536 : i32
      %add3A_832 = arith.addi %mul3A_620, %add3A_831 : i32
      %lt3A = vector.broadcast %add3A_832 : i32 to vector<16xi32>
      %lt3A_833 = arith.cmpi slt, %get3A_819, %lt3A : vector<16xi32>
      %and3A_834 = arith.andi %ge3A_830, %lt3A_833 : vector<16xi1>
      %sub3A = vector.broadcast %mul3A_620 : i32 to vector<16xi32>
      %sub3A_835 = arith.subi %get3A_819, %sub3A : vector<16xi32>
      %select_n3A = arith.select %and3A_834, %sub3A_835, %add3A_829 : vector<16xi1>, vector<16xi32>
      %mul3A_836 = arith.constant 16 : i32
      %mul3A_837 = arith.muli %scan3A_815, %mul3A_836 : i32
      %swap3A = arith.index_cast %mul3A_837 : i32 to index
      %swap3A_838 = tpu.vector_load %arg12[%swap3A] {strides = array<i32>} : memref<4096xi32, #tpu.memory_space<vmem>>, vector<16xi32>,
      %swap3A_839 = vector.shape_cast %swap3A_838 : vector<16xi32> to vector<16xi32>
      %swap3A_840 = vector.shape_cast %select_n3A : vector<16xi32> to vector<16xi32>
      tpu.vector_store %arg12[%swap3A], %swap3A_840 {strides = array<i32>} : memref<4096xi32, #tpu.memory_space<vmem>>, vector<16xi32>,
    }
    %scan3A_626 = arith.constant 256 : i32
    "tpu.region"() ({
      %run_scoped3A = tpu.sem_alloc : memref<!tpu.dma_semaphore, #tpu.memory_space<semaphore_mem>>
      %dma_start3A_815 = arith.constant 0 : i32
      %dma_start3A_816 = arith.constant 0 : i32
      %dma_start3A_817 = tpu.memref_slice %arg15[%dma_start3A_815, %dma_start3A_816] : memref<73728x8xf32, #tpu.memory_space<vmem_shared>> -> memref<73728x8xf32, #tpu.memory_space<vmem_shared>>
      tpu.enqueue_indirect_dma source(%arg13 : memref<4096x8xf32, #tpu.memory_space<vmem>>) target(%dma_start3A_817 : memref<73728x8xf32, #tpu.memory_space<vmem_shared>>) offsets(%arg12 : memref<4096xi32, #tpu.memory_space<vmem>>) semaphore(%run_scoped3A : memref<!tpu.dma_semaphore, #tpu.memory_space<semaphore_mem>>) {add = true}
      %dma_wait3A_818 = arith.constant 0 : i32
      %dma_wait3A_819 = arith.constant 0 : i32
      %dma_wait3A_820 = tpu.memref_slice %arg15[%dma_wait3A_818, %dma_wait3A_819] : memref<73728x8xf32, #tpu.memory_space<vmem_shared>> -> memref<73728x8xf32, #tpu.memory_space<vmem_shared>>
      tpu.wait_indirect_dma semaphore(%run_scoped3A : memref<!tpu.dma_semaphore, #tpu.memory_space<semaphore_mem>>) src(%arg13 : memref<4096x8xf32, #tpu.memory_space<vmem>>) dst(%dma_wait3A_820 : memref<73728x8xf32, #tpu.memory_space<vmem_shared>>)
      tpu.yield
    }) : () -> ()
    %barrier3A_627 = arith.constant 0 : index
    tpu.barrier barrier_id(%barrier3A_627)
    %mul3A_628 = arith.constant 4096 : i32
    %mul3A_629 = arith.muli %arg1, %mul3A_628 : i32
    %mul3A_630 = arith.constant 4096 : i32
    %mul3A_631 = arith.muli %arg1, %mul3A_630 : i32
    %add3A_632 = arith.addi %mul3A_620, %mul3A_631 : i32
    "tpu.region"() ({
      %run_scoped3A = tpu.sem_alloc : memref<!tpu.dma_semaphore, #tpu.memory_space<semaphore_mem>>
      %dma_start3A_815 = arith.constant 0 : i32
      %dma_start3A_816 = tpu.memref_slice %arg7[%add3A_632, %dma_start3A_815] : memref<4194304x8xf32, #tpu.memory_space<hbm>> -> memref<4096x8xf32, #tpu.memory_space<hbm>>
      %dma_start3A_817 = arith.constant 0 : i32
      %dma_start3A_818 = tpu.memref_slice %arg15[%mul3A_629, %dma_start3A_817] : memref<73728x8xf32, #tpu.memory_space<vmem_shared>> -> memref<4096x8xf32, #tpu.memory_space<vmem_shared>>
      tpu.enqueue_dma source(%dma_start3A_818 : memref<4096x8xf32, #tpu.memory_space<vmem_shared>>) target(%dma_start3A_816 : memref<4096x8xf32, #tpu.memory_space<hbm>>) target_semaphore(%run_scoped3A : memref<!tpu.dma_semaphore, #tpu.memory_space<semaphore_mem>>)
      %dma_wait3A_819 = arith.constant 0 : i32
      %dma_wait3A_820 = tpu.memref_slice %arg7[%add3A_632, %dma_wait3A_819] : memref<4194304x8xf32, #tpu.memory_space<hbm>> -> memref<4096x8xf32, #tpu.memory_space<hbm>>
      %dma_wait3A_821 = arith.constant 0 : i32
      %dma_wait3A_822 = tpu.memref_slice %arg15[%mul3A_629, %dma_wait3A_821] : memref<73728x8xf32, #tpu.memory_space<vmem_shared>> -> memref<4096x8xf32, #tpu.memory_space<vmem_shared>>
      tpu.wait_dma2 semaphore(%run_scoped3A : memref<!tpu.dma_semaphore, #tpu.memory_space<semaphore_mem>>) src(%dma_wait3A_822 : memref<4096x8xf32, #tpu.memory_space<vmem_shared>>) dst(%dma_wait3A_820 : memref<4096x8xf32, #tpu.memory_space<hbm>>)
      tpu.yield
    }) : () -> ()
    %mul3A_633 = arith.constant 4096 : i32
    %mul3A_634 = arith.muli %arg1, %mul3A_633 : i32
    "tpu.region"() ({
      %run_scoped3A = tpu.sem_alloc : memref<!tpu.dma_semaphore, #tpu.memory_space<semaphore_mem>>
      %dma_start3A_815 = arith.constant 0 : i32
      %dma_start3A_816 = tpu.memref_slice %arg15[%mul3A_634, %dma_start3A_815] : memref<73728x8xf32, #tpu.memory_space<vmem_shared>> -> memref<4096x8xf32, #tpu.memory_space<vmem_shared>>
      %dma_start3A_817 = arith.constant 0 : i32
      %dma_start3A_818 = tpu.memref_slice %arg15[%mul3A_634, %dma_start3A_817] : memref<73728x8xf32, #tpu.memory_space<vmem_shared>> -> memref<4096x8xf32, #tpu.memory_space<vmem_shared>>
      tpu.enqueue_dma source(%arg14 : memref<4096x8xf32, #tpu.memory_space<vmem>>) target(%dma_start3A_818 : memref<4096x8xf32, #tpu.memory_space<vmem_shared>>) target_semaphore(%run_scoped3A : memref<!tpu.dma_semaphore, #tpu.memory_space<semaphore_mem>>)
      %dma_wait3A_819 = arith.constant 0 : i32
      %dma_wait3A_820 = tpu.memref_slice %arg15[%mul3A_634, %dma_wait3A_819] : memref<73728x8xf32, #tpu.memory_space<vmem_shared>> -> memref<4096x8xf32, #tpu.memory_space<vmem_shared>>
      %dma_wait3A_821 = arith.constant 0 : i32
      %dma_wait3A_822 = tpu.memref_slice %arg15[%mul3A_634, %dma_wait3A_821] : memref<73728x8xf32, #tpu.memory_space<vmem_shared>> -> memref<4096x8xf32, #tpu.memory_space<vmem_shared>>
      tpu.wait_dma2 semaphore(%run_scoped3A : memref<!tpu.dma_semaphore, #tpu.memory_space<semaphore_mem>>) src(%arg14 : memref<4096x8xf32, #tpu.memory_space<vmem>>) dst(%dma_wait3A_822 : memref<4096x8xf32, #tpu.memory_space<vmem_shared>>)
      tpu.yield
    }) : () -> ()
    %mul3A_635 = arith.constant 512 : i32
    %mul3A_636 = arith.muli %arg1, %mul3A_635 : i32
    %add3A_637 = arith.constant 65536 : i32
    %add3A_638 = arith.addi %add3A_637, %mul3A_636 : i32
    "tpu.region"() ({
      %run_scoped3A = tpu.sem_alloc : memref<!tpu.dma_semaphore, #tpu.memory_space<semaphore_mem>>
      %dma_start3A_815 = arith.constant 0 : i32
      %dma_start3A_816 = arith.constant 0 : i32
      %dma_start3A_817 = tpu.memref_slice %arg14[%dma_start3A_815, %dma_start3A_816] : memref<4096x8xf32, #tpu.memory_space<vmem>> -> memref<512x8xf32, #tpu.memory_space<vmem>>
      %dma_start3A_818 = arith.constant 0 : i32
      %dma_start3A_819 = tpu.memref_slice %arg15[%add3A_638, %dma_start3A_818] : memref<73728x8xf32, #tpu.memory_space<vmem_shared>> -> memref<512x8xf32, #tpu.memory_space<vmem_shared>>
      %dma_start3A_820 = arith.constant 0 : i32
      %dma_start3A_821 = tpu.memref_slice %arg15[%add3A_638, %dma_start3A_820] : memref<73728x8xf32, #tpu.memory_space<vmem_shared>> -> memref<512x8xf32, #tpu.memory_space<vmem_shared>>
      %dma_start3A_822 = arith.constant 0 : i32
      %dma_start3A_823 = arith.constant 0 : i32
      %dma_start3A_824 = tpu.memref_slice %arg14[%dma_start3A_822, %dma_start3A_823] : memref<4096x8xf32, #tpu.memory_space<vmem>> -> memref<512x8xf32, #tpu.memory_space<vmem>>
      tpu.enqueue_dma source(%dma_start3A_824 : memref<512x8xf32, #tpu.memory_space<vmem>>) target(%dma_start3A_821 : memref<512x8xf32, #tpu.memory_space<vmem_shared>>) target_semaphore(%run_scoped3A : memref<!tpu.dma_semaphore, #tpu.memory_space<semaphore_mem>>)
      %dma_wait3A_825 = arith.constant 0 : i32
      %dma_wait3A_826 = arith.constant 0 : i32
      %dma_wait3A_827 = tpu.memref_slice %arg14[%dma_wait3A_825, %dma_wait3A_826] : memref<4096x8xf32, #tpu.memory_space<vmem>> -> memref<512x8xf32, #tpu.memory_space<vmem>>
      %dma_wait3A_828 = arith.constant 0 : i32
      %dma_wait3A_829 = tpu.memref_slice %arg15[%add3A_638, %dma_wait3A_828] : memref<73728x8xf32, #tpu.memory_space<vmem_shared>> -> memref<512x8xf32, #tpu.memory_space<vmem_shared>>
      %dma_wait3A_830 = arith.constant 0 : i32
      %dma_wait3A_831 = tpu.memref_slice %arg15[%add3A_638, %dma_wait3A_830] : memref<73728x8xf32, #tpu.memory_space<vmem_shared>> -> memref<512x8xf32, #tpu.memory_space<vmem_shared>>
      %dma_wait3A_832 = arith.constant 0 : i32
      %dma_wait3A_833 = arith.constant 0 : i32
      %dma_wait3A_834 = tpu.memref_slice %arg14[%dma_wait3A_832, %dma_wait3A_833] : memref<4096x8xf32, #tpu.memory_space<vmem>> -> memref<512x8xf32, #tpu.memory_space<vmem>>
      tpu.wait_dma2 semaphore(%run_scoped3A : memref<!tpu.dma_semaphore, #tpu.memory_space<semaphore_mem>>) src(%dma_wait3A_834 : memref<512x8xf32, #tpu.memory_space<vmem>>) dst(%dma_wait3A_831 : memref<512x8xf32, #tpu.memory_space<vmem_shared>>)
      tpu.yield
    }) : () -> ()
    %barrier3A_639 = arith.constant 0 : index
    tpu.barrier barrier_id(%barrier3A_639)
    %mul3A_640 = arith.constant 32 : i32
    %mul3A_641 = arith.muli %arg0, %mul3A_640 : i32
    %add3A_642 = arith.constant 25 : i32
    %add3A_643 = arith.addi %mul3A_641, %add3A_642 : i32
    %mul3A_644 = arith.constant 65536 : i32
    %mul3A_645 = arith.muli %add3A_643, %mul3A_644 : i32
    %scan3A_646 = arith.constant 0 : i32
    %scan3A_647 = arith.constant 0 : i32
    %scan3A_648 = arith.constant 256 : i32
    %scan3A_649 = arith.addi %scan3A_647, %scan3A_648 : i32
    %scan3A_650 = arith.constant 1 : i32
    scf.for %scan3A_815 = %scan3A_647 to %scan3A_649 step %scan3A_650  : i32 {
      %mul3A_816 = arith.constant 16 : i32
      %mul3A_817 = arith.muli %scan3A_815, %mul3A_816 : i32
      %get3A = arith.index_cast %mul3A_817 : i32 to index
      %get3A_818 = tpu.vector_load %arg11[%get3A] {strides = array<i32>} : memref<4096xi32, #tpu.memory_space<vmem>>, vector<16xi32>,
      %get3A_819 = vector.shape_cast %get3A_818 : vector<16xi32> to vector<16xi32>
      %iota3A = tpu.iota {dimensions = array<i32: 0>} : vector<16xi32>
      %mul3A_820 = arith.constant 16 : i32
      %mul3A_821 = arith.muli %scan3A_815, %mul3A_820 : i32
      %add3A_822 = arith.addi %mul3A_0, %mul3A_821 : i32
      %add3A_823 = vector.broadcast %add3A_822 : i32 to vector<16xi32>
      %add3A_824 = arith.addi %add3A_823, %iota3A : vector<16xi32>
      %and3A = arith.constant 8191 : i32
      %and3A_825 = vector.broadcast %and3A : i32 to vector<16xi32>
      %and3A_826 = arith.andi %add3A_824, %and3A_825 : vector<16xi32>
      %add3A_827 = arith.constant 65536 : i32
      %add3A_828 = vector.broadcast %add3A_827 : i32 to vector<16xi32>
      %add3A_829 = arith.addi %add3A_828, %and3A_826 : vector<16xi32>
      %ge3A = vector.broadcast %mul3A_645 : i32 to vector<16xi32>
      %ge3A_830 = arith.cmpi sge, %get3A_819, %ge3A : vector<16xi32>
      %add3A_831 = arith.constant 65536 : i32
      %add3A_832 = arith.addi %mul3A_645, %add3A_831 : i32
      %lt3A = vector.broadcast %add3A_832 : i32 to vector<16xi32>
      %lt3A_833 = arith.cmpi slt, %get3A_819, %lt3A : vector<16xi32>
      %and3A_834 = arith.andi %ge3A_830, %lt3A_833 : vector<16xi1>
      %sub3A = vector.broadcast %mul3A_645 : i32 to vector<16xi32>
      %sub3A_835 = arith.subi %get3A_819, %sub3A : vector<16xi32>
      %select_n3A = arith.select %and3A_834, %sub3A_835, %add3A_829 : vector<16xi1>, vector<16xi32>
      %mul3A_836 = arith.constant 16 : i32
      %mul3A_837 = arith.muli %scan3A_815, %mul3A_836 : i32
      %swap3A = arith.index_cast %mul3A_837 : i32 to index
      %swap3A_838 = tpu.vector_load %arg12[%swap3A] {strides = array<i32>} : memref<4096xi32, #tpu.memory_space<vmem>>, vector<16xi32>,
      %swap3A_839 = vector.shape_cast %swap3A_838 : vector<16xi32> to vector<16xi32>
      %swap3A_840 = vector.shape_cast %select_n3A : vector<16xi32> to vector<16xi32>
      tpu.vector_store %arg12[%swap3A], %swap3A_840 {strides = array<i32>} : memref<4096xi32, #tpu.memory_space<vmem>>, vector<16xi32>,
    }
    %scan3A_651 = arith.constant 256 : i32
    "tpu.region"() ({
      %run_scoped3A = tpu.sem_alloc : memref<!tpu.dma_semaphore, #tpu.memory_space<semaphore_mem>>
      %dma_start3A_815 = arith.constant 0 : i32
      %dma_start3A_816 = arith.constant 0 : i32
      %dma_start3A_817 = tpu.memref_slice %arg15[%dma_start3A_815, %dma_start3A_816] : memref<73728x8xf32, #tpu.memory_space<vmem_shared>> -> memref<73728x8xf32, #tpu.memory_space<vmem_shared>>
      tpu.enqueue_indirect_dma source(%arg13 : memref<4096x8xf32, #tpu.memory_space<vmem>>) target(%dma_start3A_817 : memref<73728x8xf32, #tpu.memory_space<vmem_shared>>) offsets(%arg12 : memref<4096xi32, #tpu.memory_space<vmem>>) semaphore(%run_scoped3A : memref<!tpu.dma_semaphore, #tpu.memory_space<semaphore_mem>>) {add = true}
      %dma_wait3A_818 = arith.constant 0 : i32
      %dma_wait3A_819 = arith.constant 0 : i32
      %dma_wait3A_820 = tpu.memref_slice %arg15[%dma_wait3A_818, %dma_wait3A_819] : memref<73728x8xf32, #tpu.memory_space<vmem_shared>> -> memref<73728x8xf32, #tpu.memory_space<vmem_shared>>
      tpu.wait_indirect_dma semaphore(%run_scoped3A : memref<!tpu.dma_semaphore, #tpu.memory_space<semaphore_mem>>) src(%arg13 : memref<4096x8xf32, #tpu.memory_space<vmem>>) dst(%dma_wait3A_820 : memref<73728x8xf32, #tpu.memory_space<vmem_shared>>)
      tpu.yield
    }) : () -> ()
    %barrier3A_652 = arith.constant 0 : index
    tpu.barrier barrier_id(%barrier3A_652)
    %mul3A_653 = arith.constant 4096 : i32
    %mul3A_654 = arith.muli %arg1, %mul3A_653 : i32
    %mul3A_655 = arith.constant 4096 : i32
    %mul3A_656 = arith.muli %arg1, %mul3A_655 : i32
    %add3A_657 = arith.addi %mul3A_645, %mul3A_656 : i32
    "tpu.region"() ({
      %run_scoped3A = tpu.sem_alloc : memref<!tpu.dma_semaphore, #tpu.memory_space<semaphore_mem>>
      %dma_start3A_815 = arith.constant 0 : i32
      %dma_start3A_816 = tpu.memref_slice %arg7[%add3A_657, %dma_start3A_815] : memref<4194304x8xf32, #tpu.memory_space<hbm>> -> memref<4096x8xf32, #tpu.memory_space<hbm>>
      %dma_start3A_817 = arith.constant 0 : i32
      %dma_start3A_818 = tpu.memref_slice %arg15[%mul3A_654, %dma_start3A_817] : memref<73728x8xf32, #tpu.memory_space<vmem_shared>> -> memref<4096x8xf32, #tpu.memory_space<vmem_shared>>
      tpu.enqueue_dma source(%dma_start3A_818 : memref<4096x8xf32, #tpu.memory_space<vmem_shared>>) target(%dma_start3A_816 : memref<4096x8xf32, #tpu.memory_space<hbm>>) target_semaphore(%run_scoped3A : memref<!tpu.dma_semaphore, #tpu.memory_space<semaphore_mem>>)
      %dma_wait3A_819 = arith.constant 0 : i32
      %dma_wait3A_820 = tpu.memref_slice %arg7[%add3A_657, %dma_wait3A_819] : memref<4194304x8xf32, #tpu.memory_space<hbm>> -> memref<4096x8xf32, #tpu.memory_space<hbm>>
      %dma_wait3A_821 = arith.constant 0 : i32
      %dma_wait3A_822 = tpu.memref_slice %arg15[%mul3A_654, %dma_wait3A_821] : memref<73728x8xf32, #tpu.memory_space<vmem_shared>> -> memref<4096x8xf32, #tpu.memory_space<vmem_shared>>
      tpu.wait_dma2 semaphore(%run_scoped3A : memref<!tpu.dma_semaphore, #tpu.memory_space<semaphore_mem>>) src(%dma_wait3A_822 : memref<4096x8xf32, #tpu.memory_space<vmem_shared>>) dst(%dma_wait3A_820 : memref<4096x8xf32, #tpu.memory_space<hbm>>)
      tpu.yield
    }) : () -> ()
    %mul3A_658 = arith.constant 4096 : i32
    %mul3A_659 = arith.muli %arg1, %mul3A_658 : i32
    "tpu.region"() ({
      %run_scoped3A = tpu.sem_alloc : memref<!tpu.dma_semaphore, #tpu.memory_space<semaphore_mem>>
      %dma_start3A_815 = arith.constant 0 : i32
      %dma_start3A_816 = tpu.memref_slice %arg15[%mul3A_659, %dma_start3A_815] : memref<73728x8xf32, #tpu.memory_space<vmem_shared>> -> memref<4096x8xf32, #tpu.memory_space<vmem_shared>>
      %dma_start3A_817 = arith.constant 0 : i32
      %dma_start3A_818 = tpu.memref_slice %arg15[%mul3A_659, %dma_start3A_817] : memref<73728x8xf32, #tpu.memory_space<vmem_shared>> -> memref<4096x8xf32, #tpu.memory_space<vmem_shared>>
      tpu.enqueue_dma source(%arg14 : memref<4096x8xf32, #tpu.memory_space<vmem>>) target(%dma_start3A_818 : memref<4096x8xf32, #tpu.memory_space<vmem_shared>>) target_semaphore(%run_scoped3A : memref<!tpu.dma_semaphore, #tpu.memory_space<semaphore_mem>>)
      %dma_wait3A_819 = arith.constant 0 : i32
      %dma_wait3A_820 = tpu.memref_slice %arg15[%mul3A_659, %dma_wait3A_819] : memref<73728x8xf32, #tpu.memory_space<vmem_shared>> -> memref<4096x8xf32, #tpu.memory_space<vmem_shared>>
      %dma_wait3A_821 = arith.constant 0 : i32
      %dma_wait3A_822 = tpu.memref_slice %arg15[%mul3A_659, %dma_wait3A_821] : memref<73728x8xf32, #tpu.memory_space<vmem_shared>> -> memref<4096x8xf32, #tpu.memory_space<vmem_shared>>
      tpu.wait_dma2 semaphore(%run_scoped3A : memref<!tpu.dma_semaphore, #tpu.memory_space<semaphore_mem>>) src(%arg14 : memref<4096x8xf32, #tpu.memory_space<vmem>>) dst(%dma_wait3A_822 : memref<4096x8xf32, #tpu.memory_space<vmem_shared>>)
      tpu.yield
    }) : () -> ()
    %mul3A_660 = arith.constant 512 : i32
    %mul3A_661 = arith.muli %arg1, %mul3A_660 : i32
    %add3A_662 = arith.constant 65536 : i32
    %add3A_663 = arith.addi %add3A_662, %mul3A_661 : i32
    "tpu.region"() ({
      %run_scoped3A = tpu.sem_alloc : memref<!tpu.dma_semaphore, #tpu.memory_space<semaphore_mem>>
      %dma_start3A_815 = arith.constant 0 : i32
      %dma_start3A_816 = arith.constant 0 : i32
      %dma_start3A_817 = tpu.memref_slice %arg14[%dma_start3A_815, %dma_start3A_816] : memref<4096x8xf32, #tpu.memory_space<vmem>> -> memref<512x8xf32, #tpu.memory_space<vmem>>
      %dma_start3A_818 = arith.constant 0 : i32
      %dma_start3A_819 = tpu.memref_slice %arg15[%add3A_663, %dma_start3A_818] : memref<73728x8xf32, #tpu.memory_space<vmem_shared>> -> memref<512x8xf32, #tpu.memory_space<vmem_shared>>
      %dma_start3A_820 = arith.constant 0 : i32
      %dma_start3A_821 = tpu.memref_slice %arg15[%add3A_663, %dma_start3A_820] : memref<73728x8xf32, #tpu.memory_space<vmem_shared>> -> memref<512x8xf32, #tpu.memory_space<vmem_shared>>
      %dma_start3A_822 = arith.constant 0 : i32
      %dma_start3A_823 = arith.constant 0 : i32
      %dma_start3A_824 = tpu.memref_slice %arg14[%dma_start3A_822, %dma_start3A_823] : memref<4096x8xf32, #tpu.memory_space<vmem>> -> memref<512x8xf32, #tpu.memory_space<vmem>>
      tpu.enqueue_dma source(%dma_start3A_824 : memref<512x8xf32, #tpu.memory_space<vmem>>) target(%dma_start3A_821 : memref<512x8xf32, #tpu.memory_space<vmem_shared>>) target_semaphore(%run_scoped3A : memref<!tpu.dma_semaphore, #tpu.memory_space<semaphore_mem>>)
      %dma_wait3A_825 = arith.constant 0 : i32
      %dma_wait3A_826 = arith.constant 0 : i32
      %dma_wait3A_827 = tpu.memref_slice %arg14[%dma_wait3A_825, %dma_wait3A_826] : memref<4096x8xf32, #tpu.memory_space<vmem>> -> memref<512x8xf32, #tpu.memory_space<vmem>>
      %dma_wait3A_828 = arith.constant 0 : i32
      %dma_wait3A_829 = tpu.memref_slice %arg15[%add3A_663, %dma_wait3A_828] : memref<73728x8xf32, #tpu.memory_space<vmem_shared>> -> memref<512x8xf32, #tpu.memory_space<vmem_shared>>
      %dma_wait3A_830 = arith.constant 0 : i32
      %dma_wait3A_831 = tpu.memref_slice %arg15[%add3A_663, %dma_wait3A_830] : memref<73728x8xf32, #tpu.memory_space<vmem_shared>> -> memref<512x8xf32, #tpu.memory_space<vmem_shared>>
      %dma_wait3A_832 = arith.constant 0 : i32
      %dma_wait3A_833 = arith.constant 0 : i32
      %dma_wait3A_834 = tpu.memref_slice %arg14[%dma_wait3A_832, %dma_wait3A_833] : memref<4096x8xf32, #tpu.memory_space<vmem>> -> memref<512x8xf32, #tpu.memory_space<vmem>>
      tpu.wait_dma2 semaphore(%run_scoped3A : memref<!tpu.dma_semaphore, #tpu.memory_space<semaphore_mem>>) src(%dma_wait3A_834 : memref<512x8xf32, #tpu.memory_space<vmem>>) dst(%dma_wait3A_831 : memref<512x8xf32, #tpu.memory_space<vmem_shared>>)
      tpu.yield
    }) : () -> ()
    %barrier3A_664 = arith.constant 0 : index
    tpu.barrier barrier_id(%barrier3A_664)
    %mul3A_665 = arith.constant 32 : i32
    %mul3A_666 = arith.muli %arg0, %mul3A_665 : i32
    %add3A_667 = arith.constant 26 : i32
    %add3A_668 = arith.addi %mul3A_666, %add3A_667 : i32
    %mul3A_669 = arith.constant 65536 : i32
    %mul3A_670 = arith.muli %add3A_668, %mul3A_669 : i32
    %scan3A_671 = arith.constant 0 : i32
    %scan3A_672 = arith.constant 0 : i32
    %scan3A_673 = arith.constant 256 : i32
    %scan3A_674 = arith.addi %scan3A_672, %scan3A_673 : i32
    %scan3A_675 = arith.constant 1 : i32
    scf.for %scan3A_815 = %scan3A_672 to %scan3A_674 step %scan3A_675  : i32 {
      %mul3A_816 = arith.constant 16 : i32
      %mul3A_817 = arith.muli %scan3A_815, %mul3A_816 : i32
      %get3A = arith.index_cast %mul3A_817 : i32 to index
      %get3A_818 = tpu.vector_load %arg11[%get3A] {strides = array<i32>} : memref<4096xi32, #tpu.memory_space<vmem>>, vector<16xi32>,
      %get3A_819 = vector.shape_cast %get3A_818 : vector<16xi32> to vector<16xi32>
      %iota3A = tpu.iota {dimensions = array<i32: 0>} : vector<16xi32>
      %mul3A_820 = arith.constant 16 : i32
      %mul3A_821 = arith.muli %scan3A_815, %mul3A_820 : i32
      %add3A_822 = arith.addi %mul3A_0, %mul3A_821 : i32
      %add3A_823 = vector.broadcast %add3A_822 : i32 to vector<16xi32>
      %add3A_824 = arith.addi %add3A_823, %iota3A : vector<16xi32>
      %and3A = arith.constant 8191 : i32
      %and3A_825 = vector.broadcast %and3A : i32 to vector<16xi32>
      %and3A_826 = arith.andi %add3A_824, %and3A_825 : vector<16xi32>
      %add3A_827 = arith.constant 65536 : i32
      %add3A_828 = vector.broadcast %add3A_827 : i32 to vector<16xi32>
      %add3A_829 = arith.addi %add3A_828, %and3A_826 : vector<16xi32>
      %ge3A = vector.broadcast %mul3A_670 : i32 to vector<16xi32>
      %ge3A_830 = arith.cmpi sge, %get3A_819, %ge3A : vector<16xi32>
      %add3A_831 = arith.constant 65536 : i32
      %add3A_832 = arith.addi %mul3A_670, %add3A_831 : i32
      %lt3A = vector.broadcast %add3A_832 : i32 to vector<16xi32>
      %lt3A_833 = arith.cmpi slt, %get3A_819, %lt3A : vector<16xi32>
      %and3A_834 = arith.andi %ge3A_830, %lt3A_833 : vector<16xi1>
      %sub3A = vector.broadcast %mul3A_670 : i32 to vector<16xi32>
      %sub3A_835 = arith.subi %get3A_819, %sub3A : vector<16xi32>
      %select_n3A = arith.select %and3A_834, %sub3A_835, %add3A_829 : vector<16xi1>, vector<16xi32>
      %mul3A_836 = arith.constant 16 : i32
      %mul3A_837 = arith.muli %scan3A_815, %mul3A_836 : i32
      %swap3A = arith.index_cast %mul3A_837 : i32 to index
      %swap3A_838 = tpu.vector_load %arg12[%swap3A] {strides = array<i32>} : memref<4096xi32, #tpu.memory_space<vmem>>, vector<16xi32>,
      %swap3A_839 = vector.shape_cast %swap3A_838 : vector<16xi32> to vector<16xi32>
      %swap3A_840 = vector.shape_cast %select_n3A : vector<16xi32> to vector<16xi32>
      tpu.vector_store %arg12[%swap3A], %swap3A_840 {strides = array<i32>} : memref<4096xi32, #tpu.memory_space<vmem>>, vector<16xi32>,
    }
    %scan3A_676 = arith.constant 256 : i32
    "tpu.region"() ({
      %run_scoped3A = tpu.sem_alloc : memref<!tpu.dma_semaphore, #tpu.memory_space<semaphore_mem>>
      %dma_start3A_815 = arith.constant 0 : i32
      %dma_start3A_816 = arith.constant 0 : i32
      %dma_start3A_817 = tpu.memref_slice %arg15[%dma_start3A_815, %dma_start3A_816] : memref<73728x8xf32, #tpu.memory_space<vmem_shared>> -> memref<73728x8xf32, #tpu.memory_space<vmem_shared>>
      tpu.enqueue_indirect_dma source(%arg13 : memref<4096x8xf32, #tpu.memory_space<vmem>>) target(%dma_start3A_817 : memref<73728x8xf32, #tpu.memory_space<vmem_shared>>) offsets(%arg12 : memref<4096xi32, #tpu.memory_space<vmem>>) semaphore(%run_scoped3A : memref<!tpu.dma_semaphore, #tpu.memory_space<semaphore_mem>>) {add = true}
      %dma_wait3A_818 = arith.constant 0 : i32
      %dma_wait3A_819 = arith.constant 0 : i32
      %dma_wait3A_820 = tpu.memref_slice %arg15[%dma_wait3A_818, %dma_wait3A_819] : memref<73728x8xf32, #tpu.memory_space<vmem_shared>> -> memref<73728x8xf32, #tpu.memory_space<vmem_shared>>
      tpu.wait_indirect_dma semaphore(%run_scoped3A : memref<!tpu.dma_semaphore, #tpu.memory_space<semaphore_mem>>) src(%arg13 : memref<4096x8xf32, #tpu.memory_space<vmem>>) dst(%dma_wait3A_820 : memref<73728x8xf32, #tpu.memory_space<vmem_shared>>)
      tpu.yield
    }) : () -> ()
    %barrier3A_677 = arith.constant 0 : index
    tpu.barrier barrier_id(%barrier3A_677)
    %mul3A_678 = arith.constant 4096 : i32
    %mul3A_679 = arith.muli %arg1, %mul3A_678 : i32
    %mul3A_680 = arith.constant 4096 : i32
    %mul3A_681 = arith.muli %arg1, %mul3A_680 : i32
    %add3A_682 = arith.addi %mul3A_670, %mul3A_681 : i32
    "tpu.region"() ({
      %run_scoped3A = tpu.sem_alloc : memref<!tpu.dma_semaphore, #tpu.memory_space<semaphore_mem>>
      %dma_start3A_815 = arith.constant 0 : i32
      %dma_start3A_816 = tpu.memref_slice %arg7[%add3A_682, %dma_start3A_815] : memref<4194304x8xf32, #tpu.memory_space<hbm>> -> memref<4096x8xf32, #tpu.memory_space<hbm>>
      %dma_start3A_817 = arith.constant 0 : i32
      %dma_start3A_818 = tpu.memref_slice %arg15[%mul3A_679, %dma_start3A_817] : memref<73728x8xf32, #tpu.memory_space<vmem_shared>> -> memref<4096x8xf32, #tpu.memory_space<vmem_shared>>
      tpu.enqueue_dma source(%dma_start3A_818 : memref<4096x8xf32, #tpu.memory_space<vmem_shared>>) target(%dma_start3A_816 : memref<4096x8xf32, #tpu.memory_space<hbm>>) target_semaphore(%run_scoped3A : memref<!tpu.dma_semaphore, #tpu.memory_space<semaphore_mem>>)
      %dma_wait3A_819 = arith.constant 0 : i32
      %dma_wait3A_820 = tpu.memref_slice %arg7[%add3A_682, %dma_wait3A_819] : memref<4194304x8xf32, #tpu.memory_space<hbm>> -> memref<4096x8xf32, #tpu.memory_space<hbm>>
      %dma_wait3A_821 = arith.constant 0 : i32
      %dma_wait3A_822 = tpu.memref_slice %arg15[%mul3A_679, %dma_wait3A_821] : memref<73728x8xf32, #tpu.memory_space<vmem_shared>> -> memref<4096x8xf32, #tpu.memory_space<vmem_shared>>
      tpu.wait_dma2 semaphore(%run_scoped3A : memref<!tpu.dma_semaphore, #tpu.memory_space<semaphore_mem>>) src(%dma_wait3A_822 : memref<4096x8xf32, #tpu.memory_space<vmem_shared>>) dst(%dma_wait3A_820 : memref<4096x8xf32, #tpu.memory_space<hbm>>)
      tpu.yield
    }) : () -> ()
    %mul3A_683 = arith.constant 4096 : i32
    %mul3A_684 = arith.muli %arg1, %mul3A_683 : i32
    "tpu.region"() ({
      %run_scoped3A = tpu.sem_alloc : memref<!tpu.dma_semaphore, #tpu.memory_space<semaphore_mem>>
      %dma_start3A_815 = arith.constant 0 : i32
      %dma_start3A_816 = tpu.memref_slice %arg15[%mul3A_684, %dma_start3A_815] : memref<73728x8xf32, #tpu.memory_space<vmem_shared>> -> memref<4096x8xf32, #tpu.memory_space<vmem_shared>>
      %dma_start3A_817 = arith.constant 0 : i32
      %dma_start3A_818 = tpu.memref_slice %arg15[%mul3A_684, %dma_start3A_817] : memref<73728x8xf32, #tpu.memory_space<vmem_shared>> -> memref<4096x8xf32, #tpu.memory_space<vmem_shared>>
      tpu.enqueue_dma source(%arg14 : memref<4096x8xf32, #tpu.memory_space<vmem>>) target(%dma_start3A_818 : memref<4096x8xf32, #tpu.memory_space<vmem_shared>>) target_semaphore(%run_scoped3A : memref<!tpu.dma_semaphore, #tpu.memory_space<semaphore_mem>>)
      %dma_wait3A_819 = arith.constant 0 : i32
      %dma_wait3A_820 = tpu.memref_slice %arg15[%mul3A_684, %dma_wait3A_819] : memref<73728x8xf32, #tpu.memory_space<vmem_shared>> -> memref<4096x8xf32, #tpu.memory_space<vmem_shared>>
      %dma_wait3A_821 = arith.constant 0 : i32
      %dma_wait3A_822 = tpu.memref_slice %arg15[%mul3A_684, %dma_wait3A_821] : memref<73728x8xf32, #tpu.memory_space<vmem_shared>> -> memref<4096x8xf32, #tpu.memory_space<vmem_shared>>
      tpu.wait_dma2 semaphore(%run_scoped3A : memref<!tpu.dma_semaphore, #tpu.memory_space<semaphore_mem>>) src(%arg14 : memref<4096x8xf32, #tpu.memory_space<vmem>>) dst(%dma_wait3A_822 : memref<4096x8xf32, #tpu.memory_space<vmem_shared>>)
      tpu.yield
    }) : () -> ()
    %mul3A_685 = arith.constant 512 : i32
    %mul3A_686 = arith.muli %arg1, %mul3A_685 : i32
    %add3A_687 = arith.constant 65536 : i32
    %add3A_688 = arith.addi %add3A_687, %mul3A_686 : i32
    "tpu.region"() ({
      %run_scoped3A = tpu.sem_alloc : memref<!tpu.dma_semaphore, #tpu.memory_space<semaphore_mem>>
      %dma_start3A_815 = arith.constant 0 : i32
      %dma_start3A_816 = arith.constant 0 : i32
      %dma_start3A_817 = tpu.memref_slice %arg14[%dma_start3A_815, %dma_start3A_816] : memref<4096x8xf32, #tpu.memory_space<vmem>> -> memref<512x8xf32, #tpu.memory_space<vmem>>
      %dma_start3A_818 = arith.constant 0 : i32
      %dma_start3A_819 = tpu.memref_slice %arg15[%add3A_688, %dma_start3A_818] : memref<73728x8xf32, #tpu.memory_space<vmem_shared>> -> memref<512x8xf32, #tpu.memory_space<vmem_shared>>
      %dma_start3A_820 = arith.constant 0 : i32
      %dma_start3A_821 = tpu.memref_slice %arg15[%add3A_688, %dma_start3A_820] : memref<73728x8xf32, #tpu.memory_space<vmem_shared>> -> memref<512x8xf32, #tpu.memory_space<vmem_shared>>
      %dma_start3A_822 = arith.constant 0 : i32
      %dma_start3A_823 = arith.constant 0 : i32
      %dma_start3A_824 = tpu.memref_slice %arg14[%dma_start3A_822, %dma_start3A_823] : memref<4096x8xf32, #tpu.memory_space<vmem>> -> memref<512x8xf32, #tpu.memory_space<vmem>>
      tpu.enqueue_dma source(%dma_start3A_824 : memref<512x8xf32, #tpu.memory_space<vmem>>) target(%dma_start3A_821 : memref<512x8xf32, #tpu.memory_space<vmem_shared>>) target_semaphore(%run_scoped3A : memref<!tpu.dma_semaphore, #tpu.memory_space<semaphore_mem>>)
      %dma_wait3A_825 = arith.constant 0 : i32
      %dma_wait3A_826 = arith.constant 0 : i32
      %dma_wait3A_827 = tpu.memref_slice %arg14[%dma_wait3A_825, %dma_wait3A_826] : memref<4096x8xf32, #tpu.memory_space<vmem>> -> memref<512x8xf32, #tpu.memory_space<vmem>>
      %dma_wait3A_828 = arith.constant 0 : i32
      %dma_wait3A_829 = tpu.memref_slice %arg15[%add3A_688, %dma_wait3A_828] : memref<73728x8xf32, #tpu.memory_space<vmem_shared>> -> memref<512x8xf32, #tpu.memory_space<vmem_shared>>
      %dma_wait3A_830 = arith.constant 0 : i32
      %dma_wait3A_831 = tpu.memref_slice %arg15[%add3A_688, %dma_wait3A_830] : memref<73728x8xf32, #tpu.memory_space<vmem_shared>> -> memref<512x8xf32, #tpu.memory_space<vmem_shared>>
      %dma_wait3A_832 = arith.constant 0 : i32
      %dma_wait3A_833 = arith.constant 0 : i32
      %dma_wait3A_834 = tpu.memref_slice %arg14[%dma_wait3A_832, %dma_wait3A_833] : memref<4096x8xf32, #tpu.memory_space<vmem>> -> memref<512x8xf32, #tpu.memory_space<vmem>>
      tpu.wait_dma2 semaphore(%run_scoped3A : memref<!tpu.dma_semaphore, #tpu.memory_space<semaphore_mem>>) src(%dma_wait3A_834 : memref<512x8xf32, #tpu.memory_space<vmem>>) dst(%dma_wait3A_831 : memref<512x8xf32, #tpu.memory_space<vmem_shared>>)
      tpu.yield
    }) : () -> ()
    %barrier3A_689 = arith.constant 0 : index
    tpu.barrier barrier_id(%barrier3A_689)
    %mul3A_690 = arith.constant 32 : i32
    %mul3A_691 = arith.muli %arg0, %mul3A_690 : i32
    %add3A_692 = arith.constant 27 : i32
    %add3A_693 = arith.addi %mul3A_691, %add3A_692 : i32
    %mul3A_694 = arith.constant 65536 : i32
    %mul3A_695 = arith.muli %add3A_693, %mul3A_694 : i32
    %scan3A_696 = arith.constant 0 : i32
    %scan3A_697 = arith.constant 0 : i32
    %scan3A_698 = arith.constant 256 : i32
    %scan3A_699 = arith.addi %scan3A_697, %scan3A_698 : i32
    %scan3A_700 = arith.constant 1 : i32
    scf.for %scan3A_815 = %scan3A_697 to %scan3A_699 step %scan3A_700  : i32 {
      %mul3A_816 = arith.constant 16 : i32
      %mul3A_817 = arith.muli %scan3A_815, %mul3A_816 : i32
      %get3A = arith.index_cast %mul3A_817 : i32 to index
      %get3A_818 = tpu.vector_load %arg11[%get3A] {strides = array<i32>} : memref<4096xi32, #tpu.memory_space<vmem>>, vector<16xi32>,
      %get3A_819 = vector.shape_cast %get3A_818 : vector<16xi32> to vector<16xi32>
      %iota3A = tpu.iota {dimensions = array<i32: 0>} : vector<16xi32>
      %mul3A_820 = arith.constant 16 : i32
      %mul3A_821 = arith.muli %scan3A_815, %mul3A_820 : i32
      %add3A_822 = arith.addi %mul3A_0, %mul3A_821 : i32
      %add3A_823 = vector.broadcast %add3A_822 : i32 to vector<16xi32>
      %add3A_824 = arith.addi %add3A_823, %iota3A : vector<16xi32>
      %and3A = arith.constant 8191 : i32
      %and3A_825 = vector.broadcast %and3A : i32 to vector<16xi32>
      %and3A_826 = arith.andi %add3A_824, %and3A_825 : vector<16xi32>
      %add3A_827 = arith.constant 65536 : i32
      %add3A_828 = vector.broadcast %add3A_827 : i32 to vector<16xi32>
      %add3A_829 = arith.addi %add3A_828, %and3A_826 : vector<16xi32>
      %ge3A = vector.broadcast %mul3A_695 : i32 to vector<16xi32>
      %ge3A_830 = arith.cmpi sge, %get3A_819, %ge3A : vector<16xi32>
      %add3A_831 = arith.constant 65536 : i32
      %add3A_832 = arith.addi %mul3A_695, %add3A_831 : i32
      %lt3A = vector.broadcast %add3A_832 : i32 to vector<16xi32>
      %lt3A_833 = arith.cmpi slt, %get3A_819, %lt3A : vector<16xi32>
      %and3A_834 = arith.andi %ge3A_830, %lt3A_833 : vector<16xi1>
      %sub3A = vector.broadcast %mul3A_695 : i32 to vector<16xi32>
      %sub3A_835 = arith.subi %get3A_819, %sub3A : vector<16xi32>
      %select_n3A = arith.select %and3A_834, %sub3A_835, %add3A_829 : vector<16xi1>, vector<16xi32>
      %mul3A_836 = arith.constant 16 : i32
      %mul3A_837 = arith.muli %scan3A_815, %mul3A_836 : i32
      %swap3A = arith.index_cast %mul3A_837 : i32 to index
      %swap3A_838 = tpu.vector_load %arg12[%swap3A] {strides = array<i32>} : memref<4096xi32, #tpu.memory_space<vmem>>, vector<16xi32>,
      %swap3A_839 = vector.shape_cast %swap3A_838 : vector<16xi32> to vector<16xi32>
      %swap3A_840 = vector.shape_cast %select_n3A : vector<16xi32> to vector<16xi32>
      tpu.vector_store %arg12[%swap3A], %swap3A_840 {strides = array<i32>} : memref<4096xi32, #tpu.memory_space<vmem>>, vector<16xi32>,
    }
    %scan3A_701 = arith.constant 256 : i32
    "tpu.region"() ({
      %run_scoped3A = tpu.sem_alloc : memref<!tpu.dma_semaphore, #tpu.memory_space<semaphore_mem>>
      %dma_start3A_815 = arith.constant 0 : i32
      %dma_start3A_816 = arith.constant 0 : i32
      %dma_start3A_817 = tpu.memref_slice %arg15[%dma_start3A_815, %dma_start3A_816] : memref<73728x8xf32, #tpu.memory_space<vmem_shared>> -> memref<73728x8xf32, #tpu.memory_space<vmem_shared>>
      tpu.enqueue_indirect_dma source(%arg13 : memref<4096x8xf32, #tpu.memory_space<vmem>>) target(%dma_start3A_817 : memref<73728x8xf32, #tpu.memory_space<vmem_shared>>) offsets(%arg12 : memref<4096xi32, #tpu.memory_space<vmem>>) semaphore(%run_scoped3A : memref<!tpu.dma_semaphore, #tpu.memory_space<semaphore_mem>>) {add = true}
      %dma_wait3A_818 = arith.constant 0 : i32
      %dma_wait3A_819 = arith.constant 0 : i32
      %dma_wait3A_820 = tpu.memref_slice %arg15[%dma_wait3A_818, %dma_wait3A_819] : memref<73728x8xf32, #tpu.memory_space<vmem_shared>> -> memref<73728x8xf32, #tpu.memory_space<vmem_shared>>
      tpu.wait_indirect_dma semaphore(%run_scoped3A : memref<!tpu.dma_semaphore, #tpu.memory_space<semaphore_mem>>) src(%arg13 : memref<4096x8xf32, #tpu.memory_space<vmem>>) dst(%dma_wait3A_820 : memref<73728x8xf32, #tpu.memory_space<vmem_shared>>)
      tpu.yield
    }) : () -> ()
    %barrier3A_702 = arith.constant 0 : index
    tpu.barrier barrier_id(%barrier3A_702)
    %mul3A_703 = arith.constant 4096 : i32
    %mul3A_704 = arith.muli %arg1, %mul3A_703 : i32
    %mul3A_705 = arith.constant 4096 : i32
    %mul3A_706 = arith.muli %arg1, %mul3A_705 : i32
    %add3A_707 = arith.addi %mul3A_695, %mul3A_706 : i32
    "tpu.region"() ({
      %run_scoped3A = tpu.sem_alloc : memref<!tpu.dma_semaphore, #tpu.memory_space<semaphore_mem>>
      %dma_start3A_815 = arith.constant 0 : i32
      %dma_start3A_816 = tpu.memref_slice %arg7[%add3A_707, %dma_start3A_815] : memref<4194304x8xf32, #tpu.memory_space<hbm>> -> memref<4096x8xf32, #tpu.memory_space<hbm>>
      %dma_start3A_817 = arith.constant 0 : i32
      %dma_start3A_818 = tpu.memref_slice %arg15[%mul3A_704, %dma_start3A_817] : memref<73728x8xf32, #tpu.memory_space<vmem_shared>> -> memref<4096x8xf32, #tpu.memory_space<vmem_shared>>
      tpu.enqueue_dma source(%dma_start3A_818 : memref<4096x8xf32, #tpu.memory_space<vmem_shared>>) target(%dma_start3A_816 : memref<4096x8xf32, #tpu.memory_space<hbm>>) target_semaphore(%run_scoped3A : memref<!tpu.dma_semaphore, #tpu.memory_space<semaphore_mem>>)
      %dma_wait3A_819 = arith.constant 0 : i32
      %dma_wait3A_820 = tpu.memref_slice %arg7[%add3A_707, %dma_wait3A_819] : memref<4194304x8xf32, #tpu.memory_space<hbm>> -> memref<4096x8xf32, #tpu.memory_space<hbm>>
      %dma_wait3A_821 = arith.constant 0 : i32
      %dma_wait3A_822 = tpu.memref_slice %arg15[%mul3A_704, %dma_wait3A_821] : memref<73728x8xf32, #tpu.memory_space<vmem_shared>> -> memref<4096x8xf32, #tpu.memory_space<vmem_shared>>
      tpu.wait_dma2 semaphore(%run_scoped3A : memref<!tpu.dma_semaphore, #tpu.memory_space<semaphore_mem>>) src(%dma_wait3A_822 : memref<4096x8xf32, #tpu.memory_space<vmem_shared>>) dst(%dma_wait3A_820 : memref<4096x8xf32, #tpu.memory_space<hbm>>)
      tpu.yield
    }) : () -> ()
    %mul3A_708 = arith.constant 4096 : i32
    %mul3A_709 = arith.muli %arg1, %mul3A_708 : i32
    "tpu.region"() ({
      %run_scoped3A = tpu.sem_alloc : memref<!tpu.dma_semaphore, #tpu.memory_space<semaphore_mem>>
      %dma_start3A_815 = arith.constant 0 : i32
      %dma_start3A_816 = tpu.memref_slice %arg15[%mul3A_709, %dma_start3A_815] : memref<73728x8xf32, #tpu.memory_space<vmem_shared>> -> memref<4096x8xf32, #tpu.memory_space<vmem_shared>>
      %dma_start3A_817 = arith.constant 0 : i32
      %dma_start3A_818 = tpu.memref_slice %arg15[%mul3A_709, %dma_start3A_817] : memref<73728x8xf32, #tpu.memory_space<vmem_shared>> -> memref<4096x8xf32, #tpu.memory_space<vmem_shared>>
      tpu.enqueue_dma source(%arg14 : memref<4096x8xf32, #tpu.memory_space<vmem>>) target(%dma_start3A_818 : memref<4096x8xf32, #tpu.memory_space<vmem_shared>>) target_semaphore(%run_scoped3A : memref<!tpu.dma_semaphore, #tpu.memory_space<semaphore_mem>>)
      %dma_wait3A_819 = arith.constant 0 : i32
      %dma_wait3A_820 = tpu.memref_slice %arg15[%mul3A_709, %dma_wait3A_819] : memref<73728x8xf32, #tpu.memory_space<vmem_shared>> -> memref<4096x8xf32, #tpu.memory_space<vmem_shared>>
      %dma_wait3A_821 = arith.constant 0 : i32
      %dma_wait3A_822 = tpu.memref_slice %arg15[%mul3A_709, %dma_wait3A_821] : memref<73728x8xf32, #tpu.memory_space<vmem_shared>> -> memref<4096x8xf32, #tpu.memory_space<vmem_shared>>
      tpu.wait_dma2 semaphore(%run_scoped3A : memref<!tpu.dma_semaphore, #tpu.memory_space<semaphore_mem>>) src(%arg14 : memref<4096x8xf32, #tpu.memory_space<vmem>>) dst(%dma_wait3A_822 : memref<4096x8xf32, #tpu.memory_space<vmem_shared>>)
      tpu.yield
    }) : () -> ()
    %mul3A_710 = arith.constant 512 : i32
    %mul3A_711 = arith.muli %arg1, %mul3A_710 : i32
    %add3A_712 = arith.constant 65536 : i32
    %add3A_713 = arith.addi %add3A_712, %mul3A_711 : i32
    "tpu.region"() ({
      %run_scoped3A = tpu.sem_alloc : memref<!tpu.dma_semaphore, #tpu.memory_space<semaphore_mem>>
      %dma_start3A_815 = arith.constant 0 : i32
      %dma_start3A_816 = arith.constant 0 : i32
      %dma_start3A_817 = tpu.memref_slice %arg14[%dma_start3A_815, %dma_start3A_816] : memref<4096x8xf32, #tpu.memory_space<vmem>> -> memref<512x8xf32, #tpu.memory_space<vmem>>
      %dma_start3A_818 = arith.constant 0 : i32
      %dma_start3A_819 = tpu.memref_slice %arg15[%add3A_713, %dma_start3A_818] : memref<73728x8xf32, #tpu.memory_space<vmem_shared>> -> memref<512x8xf32, #tpu.memory_space<vmem_shared>>
      %dma_start3A_820 = arith.constant 0 : i32
      %dma_start3A_821 = tpu.memref_slice %arg15[%add3A_713, %dma_start3A_820] : memref<73728x8xf32, #tpu.memory_space<vmem_shared>> -> memref<512x8xf32, #tpu.memory_space<vmem_shared>>
      %dma_start3A_822 = arith.constant 0 : i32
      %dma_start3A_823 = arith.constant 0 : i32
      %dma_start3A_824 = tpu.memref_slice %arg14[%dma_start3A_822, %dma_start3A_823] : memref<4096x8xf32, #tpu.memory_space<vmem>> -> memref<512x8xf32, #tpu.memory_space<vmem>>
      tpu.enqueue_dma source(%dma_start3A_824 : memref<512x8xf32, #tpu.memory_space<vmem>>) target(%dma_start3A_821 : memref<512x8xf32, #tpu.memory_space<vmem_shared>>) target_semaphore(%run_scoped3A : memref<!tpu.dma_semaphore, #tpu.memory_space<semaphore_mem>>)
      %dma_wait3A_825 = arith.constant 0 : i32
      %dma_wait3A_826 = arith.constant 0 : i32
      %dma_wait3A_827 = tpu.memref_slice %arg14[%dma_wait3A_825, %dma_wait3A_826] : memref<4096x8xf32, #tpu.memory_space<vmem>> -> memref<512x8xf32, #tpu.memory_space<vmem>>
      %dma_wait3A_828 = arith.constant 0 : i32
      %dma_wait3A_829 = tpu.memref_slice %arg15[%add3A_713, %dma_wait3A_828] : memref<73728x8xf32, #tpu.memory_space<vmem_shared>> -> memref<512x8xf32, #tpu.memory_space<vmem_shared>>
      %dma_wait3A_830 = arith.constant 0 : i32
      %dma_wait3A_831 = tpu.memref_slice %arg15[%add3A_713, %dma_wait3A_830] : memref<73728x8xf32, #tpu.memory_space<vmem_shared>> -> memref<512x8xf32, #tpu.memory_space<vmem_shared>>
      %dma_wait3A_832 = arith.constant 0 : i32
      %dma_wait3A_833 = arith.constant 0 : i32
      %dma_wait3A_834 = tpu.memref_slice %arg14[%dma_wait3A_832, %dma_wait3A_833] : memref<4096x8xf32, #tpu.memory_space<vmem>> -> memref<512x8xf32, #tpu.memory_space<vmem>>
      tpu.wait_dma2 semaphore(%run_scoped3A : memref<!tpu.dma_semaphore, #tpu.memory_space<semaphore_mem>>) src(%dma_wait3A_834 : memref<512x8xf32, #tpu.memory_space<vmem>>) dst(%dma_wait3A_831 : memref<512x8xf32, #tpu.memory_space<vmem_shared>>)
      tpu.yield
    }) : () -> ()
    %barrier3A_714 = arith.constant 0 : index
    tpu.barrier barrier_id(%barrier3A_714)
    %mul3A_715 = arith.constant 32 : i32
    %mul3A_716 = arith.muli %arg0, %mul3A_715 : i32
    %add3A_717 = arith.constant 28 : i32
    %add3A_718 = arith.addi %mul3A_716, %add3A_717 : i32
    %mul3A_719 = arith.constant 65536 : i32
    %mul3A_720 = arith.muli %add3A_718, %mul3A_719 : i32
    %scan3A_721 = arith.constant 0 : i32
    %scan3A_722 = arith.constant 0 : i32
    %scan3A_723 = arith.constant 256 : i32
    %scan3A_724 = arith.addi %scan3A_722, %scan3A_723 : i32
    %scan3A_725 = arith.constant 1 : i32
    scf.for %scan3A_815 = %scan3A_722 to %scan3A_724 step %scan3A_725  : i32 {
      %mul3A_816 = arith.constant 16 : i32
      %mul3A_817 = arith.muli %scan3A_815, %mul3A_816 : i32
      %get3A = arith.index_cast %mul3A_817 : i32 to index
      %get3A_818 = tpu.vector_load %arg11[%get3A] {strides = array<i32>} : memref<4096xi32, #tpu.memory_space<vmem>>, vector<16xi32>,
      %get3A_819 = vector.shape_cast %get3A_818 : vector<16xi32> to vector<16xi32>
      %iota3A = tpu.iota {dimensions = array<i32: 0>} : vector<16xi32>
      %mul3A_820 = arith.constant 16 : i32
      %mul3A_821 = arith.muli %scan3A_815, %mul3A_820 : i32
      %add3A_822 = arith.addi %mul3A_0, %mul3A_821 : i32
      %add3A_823 = vector.broadcast %add3A_822 : i32 to vector<16xi32>
      %add3A_824 = arith.addi %add3A_823, %iota3A : vector<16xi32>
      %and3A = arith.constant 8191 : i32
      %and3A_825 = vector.broadcast %and3A : i32 to vector<16xi32>
      %and3A_826 = arith.andi %add3A_824, %and3A_825 : vector<16xi32>
      %add3A_827 = arith.constant 65536 : i32
      %add3A_828 = vector.broadcast %add3A_827 : i32 to vector<16xi32>
      %add3A_829 = arith.addi %add3A_828, %and3A_826 : vector<16xi32>
      %ge3A = vector.broadcast %mul3A_720 : i32 to vector<16xi32>
      %ge3A_830 = arith.cmpi sge, %get3A_819, %ge3A : vector<16xi32>
      %add3A_831 = arith.constant 65536 : i32
      %add3A_832 = arith.addi %mul3A_720, %add3A_831 : i32
      %lt3A = vector.broadcast %add3A_832 : i32 to vector<16xi32>
      %lt3A_833 = arith.cmpi slt, %get3A_819, %lt3A : vector<16xi32>
      %and3A_834 = arith.andi %ge3A_830, %lt3A_833 : vector<16xi1>
      %sub3A = vector.broadcast %mul3A_720 : i32 to vector<16xi32>
      %sub3A_835 = arith.subi %get3A_819, %sub3A : vector<16xi32>
      %select_n3A = arith.select %and3A_834, %sub3A_835, %add3A_829 : vector<16xi1>, vector<16xi32>
      %mul3A_836 = arith.constant 16 : i32
      %mul3A_837 = arith.muli %scan3A_815, %mul3A_836 : i32
      %swap3A = arith.index_cast %mul3A_837 : i32 to index
      %swap3A_838 = tpu.vector_load %arg12[%swap3A] {strides = array<i32>} : memref<4096xi32, #tpu.memory_space<vmem>>, vector<16xi32>,
      %swap3A_839 = vector.shape_cast %swap3A_838 : vector<16xi32> to vector<16xi32>
      %swap3A_840 = vector.shape_cast %select_n3A : vector<16xi32> to vector<16xi32>
      tpu.vector_store %arg12[%swap3A], %swap3A_840 {strides = array<i32>} : memref<4096xi32, #tpu.memory_space<vmem>>, vector<16xi32>,
    }
    %scan3A_726 = arith.constant 256 : i32
    "tpu.region"() ({
      %run_scoped3A = tpu.sem_alloc : memref<!tpu.dma_semaphore, #tpu.memory_space<semaphore_mem>>
      %dma_start3A_815 = arith.constant 0 : i32
      %dma_start3A_816 = arith.constant 0 : i32
      %dma_start3A_817 = tpu.memref_slice %arg15[%dma_start3A_815, %dma_start3A_816] : memref<73728x8xf32, #tpu.memory_space<vmem_shared>> -> memref<73728x8xf32, #tpu.memory_space<vmem_shared>>
      tpu.enqueue_indirect_dma source(%arg13 : memref<4096x8xf32, #tpu.memory_space<vmem>>) target(%dma_start3A_817 : memref<73728x8xf32, #tpu.memory_space<vmem_shared>>) offsets(%arg12 : memref<4096xi32, #tpu.memory_space<vmem>>) semaphore(%run_scoped3A : memref<!tpu.dma_semaphore, #tpu.memory_space<semaphore_mem>>) {add = true}
      %dma_wait3A_818 = arith.constant 0 : i32
      %dma_wait3A_819 = arith.constant 0 : i32
      %dma_wait3A_820 = tpu.memref_slice %arg15[%dma_wait3A_818, %dma_wait3A_819] : memref<73728x8xf32, #tpu.memory_space<vmem_shared>> -> memref<73728x8xf32, #tpu.memory_space<vmem_shared>>
      tpu.wait_indirect_dma semaphore(%run_scoped3A : memref<!tpu.dma_semaphore, #tpu.memory_space<semaphore_mem>>) src(%arg13 : memref<4096x8xf32, #tpu.memory_space<vmem>>) dst(%dma_wait3A_820 : memref<73728x8xf32, #tpu.memory_space<vmem_shared>>)
      tpu.yield
    }) : () -> ()
    %barrier3A_727 = arith.constant 0 : index
    tpu.barrier barrier_id(%barrier3A_727)
    %mul3A_728 = arith.constant 4096 : i32
    %mul3A_729 = arith.muli %arg1, %mul3A_728 : i32
    %mul3A_730 = arith.constant 4096 : i32
    %mul3A_731 = arith.muli %arg1, %mul3A_730 : i32
    %add3A_732 = arith.addi %mul3A_720, %mul3A_731 : i32
    "tpu.region"() ({
      %run_scoped3A = tpu.sem_alloc : memref<!tpu.dma_semaphore, #tpu.memory_space<semaphore_mem>>
      %dma_start3A_815 = arith.constant 0 : i32
      %dma_start3A_816 = tpu.memref_slice %arg7[%add3A_732, %dma_start3A_815] : memref<4194304x8xf32, #tpu.memory_space<hbm>> -> memref<4096x8xf32, #tpu.memory_space<hbm>>
      %dma_start3A_817 = arith.constant 0 : i32
      %dma_start3A_818 = tpu.memref_slice %arg15[%mul3A_729, %dma_start3A_817] : memref<73728x8xf32, #tpu.memory_space<vmem_shared>> -> memref<4096x8xf32, #tpu.memory_space<vmem_shared>>
      tpu.enqueue_dma source(%dma_start3A_818 : memref<4096x8xf32, #tpu.memory_space<vmem_shared>>) target(%dma_start3A_816 : memref<4096x8xf32, #tpu.memory_space<hbm>>) target_semaphore(%run_scoped3A : memref<!tpu.dma_semaphore, #tpu.memory_space<semaphore_mem>>)
      %dma_wait3A_819 = arith.constant 0 : i32
      %dma_wait3A_820 = tpu.memref_slice %arg7[%add3A_732, %dma_wait3A_819] : memref<4194304x8xf32, #tpu.memory_space<hbm>> -> memref<4096x8xf32, #tpu.memory_space<hbm>>
      %dma_wait3A_821 = arith.constant 0 : i32
      %dma_wait3A_822 = tpu.memref_slice %arg15[%mul3A_729, %dma_wait3A_821] : memref<73728x8xf32, #tpu.memory_space<vmem_shared>> -> memref<4096x8xf32, #tpu.memory_space<vmem_shared>>
      tpu.wait_dma2 semaphore(%run_scoped3A : memref<!tpu.dma_semaphore, #tpu.memory_space<semaphore_mem>>) src(%dma_wait3A_822 : memref<4096x8xf32, #tpu.memory_space<vmem_shared>>) dst(%dma_wait3A_820 : memref<4096x8xf32, #tpu.memory_space<hbm>>)
      tpu.yield
    }) : () -> ()
    %mul3A_733 = arith.constant 4096 : i32
    %mul3A_734 = arith.muli %arg1, %mul3A_733 : i32
    "tpu.region"() ({
      %run_scoped3A = tpu.sem_alloc : memref<!tpu.dma_semaphore, #tpu.memory_space<semaphore_mem>>
      %dma_start3A_815 = arith.constant 0 : i32
      %dma_start3A_816 = tpu.memref_slice %arg15[%mul3A_734, %dma_start3A_815] : memref<73728x8xf32, #tpu.memory_space<vmem_shared>> -> memref<4096x8xf32, #tpu.memory_space<vmem_shared>>
      %dma_start3A_817 = arith.constant 0 : i32
      %dma_start3A_818 = tpu.memref_slice %arg15[%mul3A_734, %dma_start3A_817] : memref<73728x8xf32, #tpu.memory_space<vmem_shared>> -> memref<4096x8xf32, #tpu.memory_space<vmem_shared>>
      tpu.enqueue_dma source(%arg14 : memref<4096x8xf32, #tpu.memory_space<vmem>>) target(%dma_start3A_818 : memref<4096x8xf32, #tpu.memory_space<vmem_shared>>) target_semaphore(%run_scoped3A : memref<!tpu.dma_semaphore, #tpu.memory_space<semaphore_mem>>)
      %dma_wait3A_819 = arith.constant 0 : i32
      %dma_wait3A_820 = tpu.memref_slice %arg15[%mul3A_734, %dma_wait3A_819] : memref<73728x8xf32, #tpu.memory_space<vmem_shared>> -> memref<4096x8xf32, #tpu.memory_space<vmem_shared>>
      %dma_wait3A_821 = arith.constant 0 : i32
      %dma_wait3A_822 = tpu.memref_slice %arg15[%mul3A_734, %dma_wait3A_821] : memref<73728x8xf32, #tpu.memory_space<vmem_shared>> -> memref<4096x8xf32, #tpu.memory_space<vmem_shared>>
      tpu.wait_dma2 semaphore(%run_scoped3A : memref<!tpu.dma_semaphore, #tpu.memory_space<semaphore_mem>>) src(%arg14 : memref<4096x8xf32, #tpu.memory_space<vmem>>) dst(%dma_wait3A_822 : memref<4096x8xf32, #tpu.memory_space<vmem_shared>>)
      tpu.yield
    }) : () -> ()
    %mul3A_735 = arith.constant 512 : i32
    %mul3A_736 = arith.muli %arg1, %mul3A_735 : i32
    %add3A_737 = arith.constant 65536 : i32
    %add3A_738 = arith.addi %add3A_737, %mul3A_736 : i32
    "tpu.region"() ({
      %run_scoped3A = tpu.sem_alloc : memref<!tpu.dma_semaphore, #tpu.memory_space<semaphore_mem>>
      %dma_start3A_815 = arith.constant 0 : i32
      %dma_start3A_816 = arith.constant 0 : i32
      %dma_start3A_817 = tpu.memref_slice %arg14[%dma_start3A_815, %dma_start3A_816] : memref<4096x8xf32, #tpu.memory_space<vmem>> -> memref<512x8xf32, #tpu.memory_space<vmem>>
      %dma_start3A_818 = arith.constant 0 : i32
      %dma_start3A_819 = tpu.memref_slice %arg15[%add3A_738, %dma_start3A_818] : memref<73728x8xf32, #tpu.memory_space<vmem_shared>> -> memref<512x8xf32, #tpu.memory_space<vmem_shared>>
      %dma_start3A_820 = arith.constant 0 : i32
      %dma_start3A_821 = tpu.memref_slice %arg15[%add3A_738, %dma_start3A_820] : memref<73728x8xf32, #tpu.memory_space<vmem_shared>> -> memref<512x8xf32, #tpu.memory_space<vmem_shared>>
      %dma_start3A_822 = arith.constant 0 : i32
      %dma_start3A_823 = arith.constant 0 : i32
      %dma_start3A_824 = tpu.memref_slice %arg14[%dma_start3A_822, %dma_start3A_823] : memref<4096x8xf32, #tpu.memory_space<vmem>> -> memref<512x8xf32, #tpu.memory_space<vmem>>
      tpu.enqueue_dma source(%dma_start3A_824 : memref<512x8xf32, #tpu.memory_space<vmem>>) target(%dma_start3A_821 : memref<512x8xf32, #tpu.memory_space<vmem_shared>>) target_semaphore(%run_scoped3A : memref<!tpu.dma_semaphore, #tpu.memory_space<semaphore_mem>>)
      %dma_wait3A_825 = arith.constant 0 : i32
      %dma_wait3A_826 = arith.constant 0 : i32
      %dma_wait3A_827 = tpu.memref_slice %arg14[%dma_wait3A_825, %dma_wait3A_826] : memref<4096x8xf32, #tpu.memory_space<vmem>> -> memref<512x8xf32, #tpu.memory_space<vmem>>
      %dma_wait3A_828 = arith.constant 0 : i32
      %dma_wait3A_829 = tpu.memref_slice %arg15[%add3A_738, %dma_wait3A_828] : memref<73728x8xf32, #tpu.memory_space<vmem_shared>> -> memref<512x8xf32, #tpu.memory_space<vmem_shared>>
      %dma_wait3A_830 = arith.constant 0 : i32
      %dma_wait3A_831 = tpu.memref_slice %arg15[%add3A_738, %dma_wait3A_830] : memref<73728x8xf32, #tpu.memory_space<vmem_shared>> -> memref<512x8xf32, #tpu.memory_space<vmem_shared>>
      %dma_wait3A_832 = arith.constant 0 : i32
      %dma_wait3A_833 = arith.constant 0 : i32
      %dma_wait3A_834 = tpu.memref_slice %arg14[%dma_wait3A_832, %dma_wait3A_833] : memref<4096x8xf32, #tpu.memory_space<vmem>> -> memref<512x8xf32, #tpu.memory_space<vmem>>
      tpu.wait_dma2 semaphore(%run_scoped3A : memref<!tpu.dma_semaphore, #tpu.memory_space<semaphore_mem>>) src(%dma_wait3A_834 : memref<512x8xf32, #tpu.memory_space<vmem>>) dst(%dma_wait3A_831 : memref<512x8xf32, #tpu.memory_space<vmem_shared>>)
      tpu.yield
    }) : () -> ()
    %barrier3A_739 = arith.constant 0 : index
    tpu.barrier barrier_id(%barrier3A_739)
    %mul3A_740 = arith.constant 32 : i32
    %mul3A_741 = arith.muli %arg0, %mul3A_740 : i32
    %add3A_742 = arith.constant 29 : i32
    %add3A_743 = arith.addi %mul3A_741, %add3A_742 : i32
    %mul3A_744 = arith.constant 65536 : i32
    %mul3A_745 = arith.muli %add3A_743, %mul3A_744 : i32
    %scan3A_746 = arith.constant 0 : i32
    %scan3A_747 = arith.constant 0 : i32
    %scan3A_748 = arith.constant 256 : i32
    %scan3A_749 = arith.addi %scan3A_747, %scan3A_748 : i32
    %scan3A_750 = arith.constant 1 : i32
    scf.for %scan3A_815 = %scan3A_747 to %scan3A_749 step %scan3A_750  : i32 {
      %mul3A_816 = arith.constant 16 : i32
      %mul3A_817 = arith.muli %scan3A_815, %mul3A_816 : i32
      %get3A = arith.index_cast %mul3A_817 : i32 to index
      %get3A_818 = tpu.vector_load %arg11[%get3A] {strides = array<i32>} : memref<4096xi32, #tpu.memory_space<vmem>>, vector<16xi32>,
      %get3A_819 = vector.shape_cast %get3A_818 : vector<16xi32> to vector<16xi32>
      %iota3A = tpu.iota {dimensions = array<i32: 0>} : vector<16xi32>
      %mul3A_820 = arith.constant 16 : i32
      %mul3A_821 = arith.muli %scan3A_815, %mul3A_820 : i32
      %add3A_822 = arith.addi %mul3A_0, %mul3A_821 : i32
      %add3A_823 = vector.broadcast %add3A_822 : i32 to vector<16xi32>
      %add3A_824 = arith.addi %add3A_823, %iota3A : vector<16xi32>
      %and3A = arith.constant 8191 : i32
      %and3A_825 = vector.broadcast %and3A : i32 to vector<16xi32>
      %and3A_826 = arith.andi %add3A_824, %and3A_825 : vector<16xi32>
      %add3A_827 = arith.constant 65536 : i32
      %add3A_828 = vector.broadcast %add3A_827 : i32 to vector<16xi32>
      %add3A_829 = arith.addi %add3A_828, %and3A_826 : vector<16xi32>
      %ge3A = vector.broadcast %mul3A_745 : i32 to vector<16xi32>
      %ge3A_830 = arith.cmpi sge, %get3A_819, %ge3A : vector<16xi32>
      %add3A_831 = arith.constant 65536 : i32
      %add3A_832 = arith.addi %mul3A_745, %add3A_831 : i32
      %lt3A = vector.broadcast %add3A_832 : i32 to vector<16xi32>
      %lt3A_833 = arith.cmpi slt, %get3A_819, %lt3A : vector<16xi32>
      %and3A_834 = arith.andi %ge3A_830, %lt3A_833 : vector<16xi1>
      %sub3A = vector.broadcast %mul3A_745 : i32 to vector<16xi32>
      %sub3A_835 = arith.subi %get3A_819, %sub3A : vector<16xi32>
      %select_n3A = arith.select %and3A_834, %sub3A_835, %add3A_829 : vector<16xi1>, vector<16xi32>
      %mul3A_836 = arith.constant 16 : i32
      %mul3A_837 = arith.muli %scan3A_815, %mul3A_836 : i32
      %swap3A = arith.index_cast %mul3A_837 : i32 to index
      %swap3A_838 = tpu.vector_load %arg12[%swap3A] {strides = array<i32>} : memref<4096xi32, #tpu.memory_space<vmem>>, vector<16xi32>,
      %swap3A_839 = vector.shape_cast %swap3A_838 : vector<16xi32> to vector<16xi32>
      %swap3A_840 = vector.shape_cast %select_n3A : vector<16xi32> to vector<16xi32>
      tpu.vector_store %arg12[%swap3A], %swap3A_840 {strides = array<i32>} : memref<4096xi32, #tpu.memory_space<vmem>>, vector<16xi32>,
    }
    %scan3A_751 = arith.constant 256 : i32
    "tpu.region"() ({
      %run_scoped3A = tpu.sem_alloc : memref<!tpu.dma_semaphore, #tpu.memory_space<semaphore_mem>>
      %dma_start3A_815 = arith.constant 0 : i32
      %dma_start3A_816 = arith.constant 0 : i32
      %dma_start3A_817 = tpu.memref_slice %arg15[%dma_start3A_815, %dma_start3A_816] : memref<73728x8xf32, #tpu.memory_space<vmem_shared>> -> memref<73728x8xf32, #tpu.memory_space<vmem_shared>>
      tpu.enqueue_indirect_dma source(%arg13 : memref<4096x8xf32, #tpu.memory_space<vmem>>) target(%dma_start3A_817 : memref<73728x8xf32, #tpu.memory_space<vmem_shared>>) offsets(%arg12 : memref<4096xi32, #tpu.memory_space<vmem>>) semaphore(%run_scoped3A : memref<!tpu.dma_semaphore, #tpu.memory_space<semaphore_mem>>) {add = true}
      %dma_wait3A_818 = arith.constant 0 : i32
      %dma_wait3A_819 = arith.constant 0 : i32
      %dma_wait3A_820 = tpu.memref_slice %arg15[%dma_wait3A_818, %dma_wait3A_819] : memref<73728x8xf32, #tpu.memory_space<vmem_shared>> -> memref<73728x8xf32, #tpu.memory_space<vmem_shared>>
      tpu.wait_indirect_dma semaphore(%run_scoped3A : memref<!tpu.dma_semaphore, #tpu.memory_space<semaphore_mem>>) src(%arg13 : memref<4096x8xf32, #tpu.memory_space<vmem>>) dst(%dma_wait3A_820 : memref<73728x8xf32, #tpu.memory_space<vmem_shared>>)
      tpu.yield
    }) : () -> ()
    %barrier3A_752 = arith.constant 0 : index
    tpu.barrier barrier_id(%barrier3A_752)
    %mul3A_753 = arith.constant 4096 : i32
    %mul3A_754 = arith.muli %arg1, %mul3A_753 : i32
    %mul3A_755 = arith.constant 4096 : i32
    %mul3A_756 = arith.muli %arg1, %mul3A_755 : i32
    %add3A_757 = arith.addi %mul3A_745, %mul3A_756 : i32
    "tpu.region"() ({
      %run_scoped3A = tpu.sem_alloc : memref<!tpu.dma_semaphore, #tpu.memory_space<semaphore_mem>>
      %dma_start3A_815 = arith.constant 0 : i32
      %dma_start3A_816 = tpu.memref_slice %arg7[%add3A_757, %dma_start3A_815] : memref<4194304x8xf32, #tpu.memory_space<hbm>> -> memref<4096x8xf32, #tpu.memory_space<hbm>>
      %dma_start3A_817 = arith.constant 0 : i32
      %dma_start3A_818 = tpu.memref_slice %arg15[%mul3A_754, %dma_start3A_817] : memref<73728x8xf32, #tpu.memory_space<vmem_shared>> -> memref<4096x8xf32, #tpu.memory_space<vmem_shared>>
      tpu.enqueue_dma source(%dma_start3A_818 : memref<4096x8xf32, #tpu.memory_space<vmem_shared>>) target(%dma_start3A_816 : memref<4096x8xf32, #tpu.memory_space<hbm>>) target_semaphore(%run_scoped3A : memref<!tpu.dma_semaphore, #tpu.memory_space<semaphore_mem>>)
      %dma_wait3A_819 = arith.constant 0 : i32
      %dma_wait3A_820 = tpu.memref_slice %arg7[%add3A_757, %dma_wait3A_819] : memref<4194304x8xf32, #tpu.memory_space<hbm>> -> memref<4096x8xf32, #tpu.memory_space<hbm>>
      %dma_wait3A_821 = arith.constant 0 : i32
      %dma_wait3A_822 = tpu.memref_slice %arg15[%mul3A_754, %dma_wait3A_821] : memref<73728x8xf32, #tpu.memory_space<vmem_shared>> -> memref<4096x8xf32, #tpu.memory_space<vmem_shared>>
      tpu.wait_dma2 semaphore(%run_scoped3A : memref<!tpu.dma_semaphore, #tpu.memory_space<semaphore_mem>>) src(%dma_wait3A_822 : memref<4096x8xf32, #tpu.memory_space<vmem_shared>>) dst(%dma_wait3A_820 : memref<4096x8xf32, #tpu.memory_space<hbm>>)
      tpu.yield
    }) : () -> ()
    %mul3A_758 = arith.constant 4096 : i32
    %mul3A_759 = arith.muli %arg1, %mul3A_758 : i32
    "tpu.region"() ({
      %run_scoped3A = tpu.sem_alloc : memref<!tpu.dma_semaphore, #tpu.memory_space<semaphore_mem>>
      %dma_start3A_815 = arith.constant 0 : i32
      %dma_start3A_816 = tpu.memref_slice %arg15[%mul3A_759, %dma_start3A_815] : memref<73728x8xf32, #tpu.memory_space<vmem_shared>> -> memref<4096x8xf32, #tpu.memory_space<vmem_shared>>
      %dma_start3A_817 = arith.constant 0 : i32
      %dma_start3A_818 = tpu.memref_slice %arg15[%mul3A_759, %dma_start3A_817] : memref<73728x8xf32, #tpu.memory_space<vmem_shared>> -> memref<4096x8xf32, #tpu.memory_space<vmem_shared>>
      tpu.enqueue_dma source(%arg14 : memref<4096x8xf32, #tpu.memory_space<vmem>>) target(%dma_start3A_818 : memref<4096x8xf32, #tpu.memory_space<vmem_shared>>) target_semaphore(%run_scoped3A : memref<!tpu.dma_semaphore, #tpu.memory_space<semaphore_mem>>)
      %dma_wait3A_819 = arith.constant 0 : i32
      %dma_wait3A_820 = tpu.memref_slice %arg15[%mul3A_759, %dma_wait3A_819] : memref<73728x8xf32, #tpu.memory_space<vmem_shared>> -> memref<4096x8xf32, #tpu.memory_space<vmem_shared>>
      %dma_wait3A_821 = arith.constant 0 : i32
      %dma_wait3A_822 = tpu.memref_slice %arg15[%mul3A_759, %dma_wait3A_821] : memref<73728x8xf32, #tpu.memory_space<vmem_shared>> -> memref<4096x8xf32, #tpu.memory_space<vmem_shared>>
      tpu.wait_dma2 semaphore(%run_scoped3A : memref<!tpu.dma_semaphore, #tpu.memory_space<semaphore_mem>>) src(%arg14 : memref<4096x8xf32, #tpu.memory_space<vmem>>) dst(%dma_wait3A_822 : memref<4096x8xf32, #tpu.memory_space<vmem_shared>>)
      tpu.yield
    }) : () -> ()
    %mul3A_760 = arith.constant 512 : i32
    %mul3A_761 = arith.muli %arg1, %mul3A_760 : i32
    %add3A_762 = arith.constant 65536 : i32
    %add3A_763 = arith.addi %add3A_762, %mul3A_761 : i32
    "tpu.region"() ({
      %run_scoped3A = tpu.sem_alloc : memref<!tpu.dma_semaphore, #tpu.memory_space<semaphore_mem>>
      %dma_start3A_815 = arith.constant 0 : i32
      %dma_start3A_816 = arith.constant 0 : i32
      %dma_start3A_817 = tpu.memref_slice %arg14[%dma_start3A_815, %dma_start3A_816] : memref<4096x8xf32, #tpu.memory_space<vmem>> -> memref<512x8xf32, #tpu.memory_space<vmem>>
      %dma_start3A_818 = arith.constant 0 : i32
      %dma_start3A_819 = tpu.memref_slice %arg15[%add3A_763, %dma_start3A_818] : memref<73728x8xf32, #tpu.memory_space<vmem_shared>> -> memref<512x8xf32, #tpu.memory_space<vmem_shared>>
      %dma_start3A_820 = arith.constant 0 : i32
      %dma_start3A_821 = tpu.memref_slice %arg15[%add3A_763, %dma_start3A_820] : memref<73728x8xf32, #tpu.memory_space<vmem_shared>> -> memref<512x8xf32, #tpu.memory_space<vmem_shared>>
      %dma_start3A_822 = arith.constant 0 : i32
      %dma_start3A_823 = arith.constant 0 : i32
      %dma_start3A_824 = tpu.memref_slice %arg14[%dma_start3A_822, %dma_start3A_823] : memref<4096x8xf32, #tpu.memory_space<vmem>> -> memref<512x8xf32, #tpu.memory_space<vmem>>
      tpu.enqueue_dma source(%dma_start3A_824 : memref<512x8xf32, #tpu.memory_space<vmem>>) target(%dma_start3A_821 : memref<512x8xf32, #tpu.memory_space<vmem_shared>>) target_semaphore(%run_scoped3A : memref<!tpu.dma_semaphore, #tpu.memory_space<semaphore_mem>>)
      %dma_wait3A_825 = arith.constant 0 : i32
      %dma_wait3A_826 = arith.constant 0 : i32
      %dma_wait3A_827 = tpu.memref_slice %arg14[%dma_wait3A_825, %dma_wait3A_826] : memref<4096x8xf32, #tpu.memory_space<vmem>> -> memref<512x8xf32, #tpu.memory_space<vmem>>
      %dma_wait3A_828 = arith.constant 0 : i32
      %dma_wait3A_829 = tpu.memref_slice %arg15[%add3A_763, %dma_wait3A_828] : memref<73728x8xf32, #tpu.memory_space<vmem_shared>> -> memref<512x8xf32, #tpu.memory_space<vmem_shared>>
      %dma_wait3A_830 = arith.constant 0 : i32
      %dma_wait3A_831 = tpu.memref_slice %arg15[%add3A_763, %dma_wait3A_830] : memref<73728x8xf32, #tpu.memory_space<vmem_shared>> -> memref<512x8xf32, #tpu.memory_space<vmem_shared>>
      %dma_wait3A_832 = arith.constant 0 : i32
      %dma_wait3A_833 = arith.constant 0 : i32
      %dma_wait3A_834 = tpu.memref_slice %arg14[%dma_wait3A_832, %dma_wait3A_833] : memref<4096x8xf32, #tpu.memory_space<vmem>> -> memref<512x8xf32, #tpu.memory_space<vmem>>
      tpu.wait_dma2 semaphore(%run_scoped3A : memref<!tpu.dma_semaphore, #tpu.memory_space<semaphore_mem>>) src(%dma_wait3A_834 : memref<512x8xf32, #tpu.memory_space<vmem>>) dst(%dma_wait3A_831 : memref<512x8xf32, #tpu.memory_space<vmem_shared>>)
      tpu.yield
    }) : () -> ()
    %barrier3A_764 = arith.constant 0 : index
    tpu.barrier barrier_id(%barrier3A_764)
    %mul3A_765 = arith.constant 32 : i32
    %mul3A_766 = arith.muli %arg0, %mul3A_765 : i32
    %add3A_767 = arith.constant 30 : i32
    %add3A_768 = arith.addi %mul3A_766, %add3A_767 : i32
    %mul3A_769 = arith.constant 65536 : i32
    %mul3A_770 = arith.muli %add3A_768, %mul3A_769 : i32
    %scan3A_771 = arith.constant 0 : i32
    %scan3A_772 = arith.constant 0 : i32
    %scan3A_773 = arith.constant 256 : i32
    %scan3A_774 = arith.addi %scan3A_772, %scan3A_773 : i32
    %scan3A_775 = arith.constant 1 : i32
    scf.for %scan3A_815 = %scan3A_772 to %scan3A_774 step %scan3A_775  : i32 {
      %mul3A_816 = arith.constant 16 : i32
      %mul3A_817 = arith.muli %scan3A_815, %mul3A_816 : i32
      %get3A = arith.index_cast %mul3A_817 : i32 to index
      %get3A_818 = tpu.vector_load %arg11[%get3A] {strides = array<i32>} : memref<4096xi32, #tpu.memory_space<vmem>>, vector<16xi32>,
      %get3A_819 = vector.shape_cast %get3A_818 : vector<16xi32> to vector<16xi32>
      %iota3A = tpu.iota {dimensions = array<i32: 0>} : vector<16xi32>
      %mul3A_820 = arith.constant 16 : i32
      %mul3A_821 = arith.muli %scan3A_815, %mul3A_820 : i32
      %add3A_822 = arith.addi %mul3A_0, %mul3A_821 : i32
      %add3A_823 = vector.broadcast %add3A_822 : i32 to vector<16xi32>
      %add3A_824 = arith.addi %add3A_823, %iota3A : vector<16xi32>
      %and3A = arith.constant 8191 : i32
      %and3A_825 = vector.broadcast %and3A : i32 to vector<16xi32>
      %and3A_826 = arith.andi %add3A_824, %and3A_825 : vector<16xi32>
      %add3A_827 = arith.constant 65536 : i32
      %add3A_828 = vector.broadcast %add3A_827 : i32 to vector<16xi32>
      %add3A_829 = arith.addi %add3A_828, %and3A_826 : vector<16xi32>
      %ge3A = vector.broadcast %mul3A_770 : i32 to vector<16xi32>
      %ge3A_830 = arith.cmpi sge, %get3A_819, %ge3A : vector<16xi32>
      %add3A_831 = arith.constant 65536 : i32
      %add3A_832 = arith.addi %mul3A_770, %add3A_831 : i32
      %lt3A = vector.broadcast %add3A_832 : i32 to vector<16xi32>
      %lt3A_833 = arith.cmpi slt, %get3A_819, %lt3A : vector<16xi32>
      %and3A_834 = arith.andi %ge3A_830, %lt3A_833 : vector<16xi1>
      %sub3A = vector.broadcast %mul3A_770 : i32 to vector<16xi32>
      %sub3A_835 = arith.subi %get3A_819, %sub3A : vector<16xi32>
      %select_n3A = arith.select %and3A_834, %sub3A_835, %add3A_829 : vector<16xi1>, vector<16xi32>
      %mul3A_836 = arith.constant 16 : i32
      %mul3A_837 = arith.muli %scan3A_815, %mul3A_836 : i32
      %swap3A = arith.index_cast %mul3A_837 : i32 to index
      %swap3A_838 = tpu.vector_load %arg12[%swap3A] {strides = array<i32>} : memref<4096xi32, #tpu.memory_space<vmem>>, vector<16xi32>,
      %swap3A_839 = vector.shape_cast %swap3A_838 : vector<16xi32> to vector<16xi32>
      %swap3A_840 = vector.shape_cast %select_n3A : vector<16xi32> to vector<16xi32>
      tpu.vector_store %arg12[%swap3A], %swap3A_840 {strides = array<i32>} : memref<4096xi32, #tpu.memory_space<vmem>>, vector<16xi32>,
    }
    %scan3A_776 = arith.constant 256 : i32
    "tpu.region"() ({
      %run_scoped3A = tpu.sem_alloc : memref<!tpu.dma_semaphore, #tpu.memory_space<semaphore_mem>>
      %dma_start3A_815 = arith.constant 0 : i32
      %dma_start3A_816 = arith.constant 0 : i32
      %dma_start3A_817 = tpu.memref_slice %arg15[%dma_start3A_815, %dma_start3A_816] : memref<73728x8xf32, #tpu.memory_space<vmem_shared>> -> memref<73728x8xf32, #tpu.memory_space<vmem_shared>>
      tpu.enqueue_indirect_dma source(%arg13 : memref<4096x8xf32, #tpu.memory_space<vmem>>) target(%dma_start3A_817 : memref<73728x8xf32, #tpu.memory_space<vmem_shared>>) offsets(%arg12 : memref<4096xi32, #tpu.memory_space<vmem>>) semaphore(%run_scoped3A : memref<!tpu.dma_semaphore, #tpu.memory_space<semaphore_mem>>) {add = true}
      %dma_wait3A_818 = arith.constant 0 : i32
      %dma_wait3A_819 = arith.constant 0 : i32
      %dma_wait3A_820 = tpu.memref_slice %arg15[%dma_wait3A_818, %dma_wait3A_819] : memref<73728x8xf32, #tpu.memory_space<vmem_shared>> -> memref<73728x8xf32, #tpu.memory_space<vmem_shared>>
      tpu.wait_indirect_dma semaphore(%run_scoped3A : memref<!tpu.dma_semaphore, #tpu.memory_space<semaphore_mem>>) src(%arg13 : memref<4096x8xf32, #tpu.memory_space<vmem>>) dst(%dma_wait3A_820 : memref<73728x8xf32, #tpu.memory_space<vmem_shared>>)
      tpu.yield
    }) : () -> ()
    %barrier3A_777 = arith.constant 0 : index
    tpu.barrier barrier_id(%barrier3A_777)
    %mul3A_778 = arith.constant 4096 : i32
    %mul3A_779 = arith.muli %arg1, %mul3A_778 : i32
    %mul3A_780 = arith.constant 4096 : i32
    %mul3A_781 = arith.muli %arg1, %mul3A_780 : i32
    %add3A_782 = arith.addi %mul3A_770, %mul3A_781 : i32
    "tpu.region"() ({
      %run_scoped3A = tpu.sem_alloc : memref<!tpu.dma_semaphore, #tpu.memory_space<semaphore_mem>>
      %dma_start3A_815 = arith.constant 0 : i32
      %dma_start3A_816 = tpu.memref_slice %arg7[%add3A_782, %dma_start3A_815] : memref<4194304x8xf32, #tpu.memory_space<hbm>> -> memref<4096x8xf32, #tpu.memory_space<hbm>>
      %dma_start3A_817 = arith.constant 0 : i32
      %dma_start3A_818 = tpu.memref_slice %arg15[%mul3A_779, %dma_start3A_817] : memref<73728x8xf32, #tpu.memory_space<vmem_shared>> -> memref<4096x8xf32, #tpu.memory_space<vmem_shared>>
      tpu.enqueue_dma source(%dma_start3A_818 : memref<4096x8xf32, #tpu.memory_space<vmem_shared>>) target(%dma_start3A_816 : memref<4096x8xf32, #tpu.memory_space<hbm>>) target_semaphore(%run_scoped3A : memref<!tpu.dma_semaphore, #tpu.memory_space<semaphore_mem>>)
      %dma_wait3A_819 = arith.constant 0 : i32
      %dma_wait3A_820 = tpu.memref_slice %arg7[%add3A_782, %dma_wait3A_819] : memref<4194304x8xf32, #tpu.memory_space<hbm>> -> memref<4096x8xf32, #tpu.memory_space<hbm>>
      %dma_wait3A_821 = arith.constant 0 : i32
      %dma_wait3A_822 = tpu.memref_slice %arg15[%mul3A_779, %dma_wait3A_821] : memref<73728x8xf32, #tpu.memory_space<vmem_shared>> -> memref<4096x8xf32, #tpu.memory_space<vmem_shared>>
      tpu.wait_dma2 semaphore(%run_scoped3A : memref<!tpu.dma_semaphore, #tpu.memory_space<semaphore_mem>>) src(%dma_wait3A_822 : memref<4096x8xf32, #tpu.memory_space<vmem_shared>>) dst(%dma_wait3A_820 : memref<4096x8xf32, #tpu.memory_space<hbm>>)
      tpu.yield
    }) : () -> ()
    %mul3A_783 = arith.constant 4096 : i32
    %mul3A_784 = arith.muli %arg1, %mul3A_783 : i32
    "tpu.region"() ({
      %run_scoped3A = tpu.sem_alloc : memref<!tpu.dma_semaphore, #tpu.memory_space<semaphore_mem>>
      %dma_start3A_815 = arith.constant 0 : i32
      %dma_start3A_816 = tpu.memref_slice %arg15[%mul3A_784, %dma_start3A_815] : memref<73728x8xf32, #tpu.memory_space<vmem_shared>> -> memref<4096x8xf32, #tpu.memory_space<vmem_shared>>
      %dma_start3A_817 = arith.constant 0 : i32
      %dma_start3A_818 = tpu.memref_slice %arg15[%mul3A_784, %dma_start3A_817] : memref<73728x8xf32, #tpu.memory_space<vmem_shared>> -> memref<4096x8xf32, #tpu.memory_space<vmem_shared>>
      tpu.enqueue_dma source(%arg14 : memref<4096x8xf32, #tpu.memory_space<vmem>>) target(%dma_start3A_818 : memref<4096x8xf32, #tpu.memory_space<vmem_shared>>) target_semaphore(%run_scoped3A : memref<!tpu.dma_semaphore, #tpu.memory_space<semaphore_mem>>)
      %dma_wait3A_819 = arith.constant 0 : i32
      %dma_wait3A_820 = tpu.memref_slice %arg15[%mul3A_784, %dma_wait3A_819] : memref<73728x8xf32, #tpu.memory_space<vmem_shared>> -> memref<4096x8xf32, #tpu.memory_space<vmem_shared>>
      %dma_wait3A_821 = arith.constant 0 : i32
      %dma_wait3A_822 = tpu.memref_slice %arg15[%mul3A_784, %dma_wait3A_821] : memref<73728x8xf32, #tpu.memory_space<vmem_shared>> -> memref<4096x8xf32, #tpu.memory_space<vmem_shared>>
      tpu.wait_dma2 semaphore(%run_scoped3A : memref<!tpu.dma_semaphore, #tpu.memory_space<semaphore_mem>>) src(%arg14 : memref<4096x8xf32, #tpu.memory_space<vmem>>) dst(%dma_wait3A_822 : memref<4096x8xf32, #tpu.memory_space<vmem_shared>>)
      tpu.yield
    }) : () -> ()
    %mul3A_785 = arith.constant 512 : i32
    %mul3A_786 = arith.muli %arg1, %mul3A_785 : i32
    %add3A_787 = arith.constant 65536 : i32
    %add3A_788 = arith.addi %add3A_787, %mul3A_786 : i32
    "tpu.region"() ({
      %run_scoped3A = tpu.sem_alloc : memref<!tpu.dma_semaphore, #tpu.memory_space<semaphore_mem>>
      %dma_start3A_815 = arith.constant 0 : i32
      %dma_start3A_816 = arith.constant 0 : i32
      %dma_start3A_817 = tpu.memref_slice %arg14[%dma_start3A_815, %dma_start3A_816] : memref<4096x8xf32, #tpu.memory_space<vmem>> -> memref<512x8xf32, #tpu.memory_space<vmem>>
      %dma_start3A_818 = arith.constant 0 : i32
      %dma_start3A_819 = tpu.memref_slice %arg15[%add3A_788, %dma_start3A_818] : memref<73728x8xf32, #tpu.memory_space<vmem_shared>> -> memref<512x8xf32, #tpu.memory_space<vmem_shared>>
      %dma_start3A_820 = arith.constant 0 : i32
      %dma_start3A_821 = tpu.memref_slice %arg15[%add3A_788, %dma_start3A_820] : memref<73728x8xf32, #tpu.memory_space<vmem_shared>> -> memref<512x8xf32, #tpu.memory_space<vmem_shared>>
      %dma_start3A_822 = arith.constant 0 : i32
      %dma_start3A_823 = arith.constant 0 : i32
      %dma_start3A_824 = tpu.memref_slice %arg14[%dma_start3A_822, %dma_start3A_823] : memref<4096x8xf32, #tpu.memory_space<vmem>> -> memref<512x8xf32, #tpu.memory_space<vmem>>
      tpu.enqueue_dma source(%dma_start3A_824 : memref<512x8xf32, #tpu.memory_space<vmem>>) target(%dma_start3A_821 : memref<512x8xf32, #tpu.memory_space<vmem_shared>>) target_semaphore(%run_scoped3A : memref<!tpu.dma_semaphore, #tpu.memory_space<semaphore_mem>>)
      %dma_wait3A_825 = arith.constant 0 : i32
      %dma_wait3A_826 = arith.constant 0 : i32
      %dma_wait3A_827 = tpu.memref_slice %arg14[%dma_wait3A_825, %dma_wait3A_826] : memref<4096x8xf32, #tpu.memory_space<vmem>> -> memref<512x8xf32, #tpu.memory_space<vmem>>
      %dma_wait3A_828 = arith.constant 0 : i32
      %dma_wait3A_829 = tpu.memref_slice %arg15[%add3A_788, %dma_wait3A_828] : memref<73728x8xf32, #tpu.memory_space<vmem_shared>> -> memref<512x8xf32, #tpu.memory_space<vmem_shared>>
      %dma_wait3A_830 = arith.constant 0 : i32
      %dma_wait3A_831 = tpu.memref_slice %arg15[%add3A_788, %dma_wait3A_830] : memref<73728x8xf32, #tpu.memory_space<vmem_shared>> -> memref<512x8xf32, #tpu.memory_space<vmem_shared>>
      %dma_wait3A_832 = arith.constant 0 : i32
      %dma_wait3A_833 = arith.constant 0 : i32
      %dma_wait3A_834 = tpu.memref_slice %arg14[%dma_wait3A_832, %dma_wait3A_833] : memref<4096x8xf32, #tpu.memory_space<vmem>> -> memref<512x8xf32, #tpu.memory_space<vmem>>
      tpu.wait_dma2 semaphore(%run_scoped3A : memref<!tpu.dma_semaphore, #tpu.memory_space<semaphore_mem>>) src(%dma_wait3A_834 : memref<512x8xf32, #tpu.memory_space<vmem>>) dst(%dma_wait3A_831 : memref<512x8xf32, #tpu.memory_space<vmem_shared>>)
      tpu.yield
    }) : () -> ()
    %barrier3A_789 = arith.constant 0 : index
    tpu.barrier barrier_id(%barrier3A_789)
    %mul3A_790 = arith.constant 32 : i32
    %mul3A_791 = arith.muli %arg0, %mul3A_790 : i32
    %add3A_792 = arith.constant 31 : i32
    %add3A_793 = arith.addi %mul3A_791, %add3A_792 : i32
    %mul3A_794 = arith.constant 65536 : i32
    %mul3A_795 = arith.muli %add3A_793, %mul3A_794 : i32
    %scan3A_796 = arith.constant 0 : i32
    %scan3A_797 = arith.constant 0 : i32
    %scan3A_798 = arith.constant 256 : i32
    %scan3A_799 = arith.addi %scan3A_797, %scan3A_798 : i32
    %scan3A_800 = arith.constant 1 : i32
    scf.for %scan3A_815 = %scan3A_797 to %scan3A_799 step %scan3A_800  : i32 {
      %mul3A_816 = arith.constant 16 : i32
      %mul3A_817 = arith.muli %scan3A_815, %mul3A_816 : i32
      %get3A = arith.index_cast %mul3A_817 : i32 to index
      %get3A_818 = tpu.vector_load %arg11[%get3A] {strides = array<i32>} : memref<4096xi32, #tpu.memory_space<vmem>>, vector<16xi32>,
      %get3A_819 = vector.shape_cast %get3A_818 : vector<16xi32> to vector<16xi32>
      %iota3A = tpu.iota {dimensions = array<i32: 0>} : vector<16xi32>
      %mul3A_820 = arith.constant 16 : i32
      %mul3A_821 = arith.muli %scan3A_815, %mul3A_820 : i32
      %add3A_822 = arith.addi %mul3A_0, %mul3A_821 : i32
      %add3A_823 = vector.broadcast %add3A_822 : i32 to vector<16xi32>
      %add3A_824 = arith.addi %add3A_823, %iota3A : vector<16xi32>
      %and3A = arith.constant 8191 : i32
      %and3A_825 = vector.broadcast %and3A : i32 to vector<16xi32>
      %and3A_826 = arith.andi %add3A_824, %and3A_825 : vector<16xi32>
      %add3A_827 = arith.constant 65536 : i32
      %add3A_828 = vector.broadcast %add3A_827 : i32 to vector<16xi32>
      %add3A_829 = arith.addi %add3A_828, %and3A_826 : vector<16xi32>
      %ge3A = vector.broadcast %mul3A_795 : i32 to vector<16xi32>
      %ge3A_830 = arith.cmpi sge, %get3A_819, %ge3A : vector<16xi32>
      %add3A_831 = arith.constant 65536 : i32
      %add3A_832 = arith.addi %mul3A_795, %add3A_831 : i32
      %lt3A = vector.broadcast %add3A_832 : i32 to vector<16xi32>
      %lt3A_833 = arith.cmpi slt, %get3A_819, %lt3A : vector<16xi32>
      %and3A_834 = arith.andi %ge3A_830, %lt3A_833 : vector<16xi1>
      %sub3A = vector.broadcast %mul3A_795 : i32 to vector<16xi32>
      %sub3A_835 = arith.subi %get3A_819, %sub3A : vector<16xi32>
      %select_n3A = arith.select %and3A_834, %sub3A_835, %add3A_829 : vector<16xi1>, vector<16xi32>
      %mul3A_836 = arith.constant 16 : i32
      %mul3A_837 = arith.muli %scan3A_815, %mul3A_836 : i32
      %swap3A = arith.index_cast %mul3A_837 : i32 to index
      %swap3A_838 = tpu.vector_load %arg12[%swap3A] {strides = array<i32>} : memref<4096xi32, #tpu.memory_space<vmem>>, vector<16xi32>,
      %swap3A_839 = vector.shape_cast %swap3A_838 : vector<16xi32> to vector<16xi32>
      %swap3A_840 = vector.shape_cast %select_n3A : vector<16xi32> to vector<16xi32>
      tpu.vector_store %arg12[%swap3A], %swap3A_840 {strides = array<i32>} : memref<4096xi32, #tpu.memory_space<vmem>>, vector<16xi32>,
    }
    %scan3A_801 = arith.constant 256 : i32
    "tpu.region"() ({
      %run_scoped3A = tpu.sem_alloc : memref<!tpu.dma_semaphore, #tpu.memory_space<semaphore_mem>>
      %dma_start3A_815 = arith.constant 0 : i32
      %dma_start3A_816 = arith.constant 0 : i32
      %dma_start3A_817 = tpu.memref_slice %arg15[%dma_start3A_815, %dma_start3A_816] : memref<73728x8xf32, #tpu.memory_space<vmem_shared>> -> memref<73728x8xf32, #tpu.memory_space<vmem_shared>>
      tpu.enqueue_indirect_dma source(%arg13 : memref<4096x8xf32, #tpu.memory_space<vmem>>) target(%dma_start3A_817 : memref<73728x8xf32, #tpu.memory_space<vmem_shared>>) offsets(%arg12 : memref<4096xi32, #tpu.memory_space<vmem>>) semaphore(%run_scoped3A : memref<!tpu.dma_semaphore, #tpu.memory_space<semaphore_mem>>) {add = true}
      %dma_wait3A_818 = arith.constant 0 : i32
      %dma_wait3A_819 = arith.constant 0 : i32
      %dma_wait3A_820 = tpu.memref_slice %arg15[%dma_wait3A_818, %dma_wait3A_819] : memref<73728x8xf32, #tpu.memory_space<vmem_shared>> -> memref<73728x8xf32, #tpu.memory_space<vmem_shared>>
      tpu.wait_indirect_dma semaphore(%run_scoped3A : memref<!tpu.dma_semaphore, #tpu.memory_space<semaphore_mem>>) src(%arg13 : memref<4096x8xf32, #tpu.memory_space<vmem>>) dst(%dma_wait3A_820 : memref<73728x8xf32, #tpu.memory_space<vmem_shared>>)
      tpu.yield
    }) : () -> ()
    %barrier3A_802 = arith.constant 0 : index
    tpu.barrier barrier_id(%barrier3A_802)
    %mul3A_803 = arith.constant 4096 : i32
    %mul3A_804 = arith.muli %arg1, %mul3A_803 : i32
    %mul3A_805 = arith.constant 4096 : i32
    %mul3A_806 = arith.muli %arg1, %mul3A_805 : i32
    %add3A_807 = arith.addi %mul3A_795, %mul3A_806 : i32
    "tpu.region"() ({
      %run_scoped3A = tpu.sem_alloc : memref<!tpu.dma_semaphore, #tpu.memory_space<semaphore_mem>>
      %dma_start3A_815 = arith.constant 0 : i32
      %dma_start3A_816 = tpu.memref_slice %arg7[%add3A_807, %dma_start3A_815] : memref<4194304x8xf32, #tpu.memory_space<hbm>> -> memref<4096x8xf32, #tpu.memory_space<hbm>>
      %dma_start3A_817 = arith.constant 0 : i32
      %dma_start3A_818 = tpu.memref_slice %arg15[%mul3A_804, %dma_start3A_817] : memref<73728x8xf32, #tpu.memory_space<vmem_shared>> -> memref<4096x8xf32, #tpu.memory_space<vmem_shared>>
      tpu.enqueue_dma source(%dma_start3A_818 : memref<4096x8xf32, #tpu.memory_space<vmem_shared>>) target(%dma_start3A_816 : memref<4096x8xf32, #tpu.memory_space<hbm>>) target_semaphore(%run_scoped3A : memref<!tpu.dma_semaphore, #tpu.memory_space<semaphore_mem>>)
      %dma_wait3A_819 = arith.constant 0 : i32
      %dma_wait3A_820 = tpu.memref_slice %arg7[%add3A_807, %dma_wait3A_819] : memref<4194304x8xf32, #tpu.memory_space<hbm>> -> memref<4096x8xf32, #tpu.memory_space<hbm>>
      %dma_wait3A_821 = arith.constant 0 : i32
      %dma_wait3A_822 = tpu.memref_slice %arg15[%mul3A_804, %dma_wait3A_821] : memref<73728x8xf32, #tpu.memory_space<vmem_shared>> -> memref<4096x8xf32, #tpu.memory_space<vmem_shared>>
      tpu.wait_dma2 semaphore(%run_scoped3A : memref<!tpu.dma_semaphore, #tpu.memory_space<semaphore_mem>>) src(%dma_wait3A_822 : memref<4096x8xf32, #tpu.memory_space<vmem_shared>>) dst(%dma_wait3A_820 : memref<4096x8xf32, #tpu.memory_space<hbm>>)
      tpu.yield
    }) : () -> ()
    %mul3A_808 = arith.constant 4096 : i32
    %mul3A_809 = arith.muli %arg1, %mul3A_808 : i32
    "tpu.region"() ({
      %run_scoped3A = tpu.sem_alloc : memref<!tpu.dma_semaphore, #tpu.memory_space<semaphore_mem>>
      %dma_start3A_815 = arith.constant 0 : i32
      %dma_start3A_816 = tpu.memref_slice %arg15[%mul3A_809, %dma_start3A_815] : memref<73728x8xf32, #tpu.memory_space<vmem_shared>> -> memref<4096x8xf32, #tpu.memory_space<vmem_shared>>
      %dma_start3A_817 = arith.constant 0 : i32
      %dma_start3A_818 = tpu.memref_slice %arg15[%mul3A_809, %dma_start3A_817] : memref<73728x8xf32, #tpu.memory_space<vmem_shared>> -> memref<4096x8xf32, #tpu.memory_space<vmem_shared>>
      tpu.enqueue_dma source(%arg14 : memref<4096x8xf32, #tpu.memory_space<vmem>>) target(%dma_start3A_818 : memref<4096x8xf32, #tpu.memory_space<vmem_shared>>) target_semaphore(%run_scoped3A : memref<!tpu.dma_semaphore, #tpu.memory_space<semaphore_mem>>)
      %dma_wait3A_819 = arith.constant 0 : i32
      %dma_wait3A_820 = tpu.memref_slice %arg15[%mul3A_809, %dma_wait3A_819] : memref<73728x8xf32, #tpu.memory_space<vmem_shared>> -> memref<4096x8xf32, #tpu.memory_space<vmem_shared>>
      %dma_wait3A_821 = arith.constant 0 : i32
      %dma_wait3A_822 = tpu.memref_slice %arg15[%mul3A_809, %dma_wait3A_821] : memref<73728x8xf32, #tpu.memory_space<vmem_shared>> -> memref<4096x8xf32, #tpu.memory_space<vmem_shared>>
      tpu.wait_dma2 semaphore(%run_scoped3A : memref<!tpu.dma_semaphore, #tpu.memory_space<semaphore_mem>>) src(%arg14 : memref<4096x8xf32, #tpu.memory_space<vmem>>) dst(%dma_wait3A_822 : memref<4096x8xf32, #tpu.memory_space<vmem_shared>>)
      tpu.yield
    }) : () -> ()
    %mul3A_810 = arith.constant 512 : i32
    %mul3A_811 = arith.muli %arg1, %mul3A_810 : i32
    %add3A_812 = arith.constant 65536 : i32
    %add3A_813 = arith.addi %add3A_812, %mul3A_811 : i32
    "tpu.region"() ({
      %run_scoped3A = tpu.sem_alloc : memref<!tpu.dma_semaphore, #tpu.memory_space<semaphore_mem>>
      %dma_start3A_815 = arith.constant 0 : i32
      %dma_start3A_816 = arith.constant 0 : i32
      %dma_start3A_817 = tpu.memref_slice %arg14[%dma_start3A_815, %dma_start3A_816] : memref<4096x8xf32, #tpu.memory_space<vmem>> -> memref<512x8xf32, #tpu.memory_space<vmem>>
      %dma_start3A_818 = arith.constant 0 : i32
      %dma_start3A_819 = tpu.memref_slice %arg15[%add3A_813, %dma_start3A_818] : memref<73728x8xf32, #tpu.memory_space<vmem_shared>> -> memref<512x8xf32, #tpu.memory_space<vmem_shared>>
      %dma_start3A_820 = arith.constant 0 : i32
      %dma_start3A_821 = tpu.memref_slice %arg15[%add3A_813, %dma_start3A_820] : memref<73728x8xf32, #tpu.memory_space<vmem_shared>> -> memref<512x8xf32, #tpu.memory_space<vmem_shared>>
      %dma_start3A_822 = arith.constant 0 : i32
      %dma_start3A_823 = arith.constant 0 : i32
      %dma_start3A_824 = tpu.memref_slice %arg14[%dma_start3A_822, %dma_start3A_823] : memref<4096x8xf32, #tpu.memory_space<vmem>> -> memref<512x8xf32, #tpu.memory_space<vmem>>
      tpu.enqueue_dma source(%dma_start3A_824 : memref<512x8xf32, #tpu.memory_space<vmem>>) target(%dma_start3A_821 : memref<512x8xf32, #tpu.memory_space<vmem_shared>>) target_semaphore(%run_scoped3A : memref<!tpu.dma_semaphore, #tpu.memory_space<semaphore_mem>>)
      %dma_wait3A_825 = arith.constant 0 : i32
      %dma_wait3A_826 = arith.constant 0 : i32
      %dma_wait3A_827 = tpu.memref_slice %arg14[%dma_wait3A_825, %dma_wait3A_826] : memref<4096x8xf32, #tpu.memory_space<vmem>> -> memref<512x8xf32, #tpu.memory_space<vmem>>
      %dma_wait3A_828 = arith.constant 0 : i32
      %dma_wait3A_829 = tpu.memref_slice %arg15[%add3A_813, %dma_wait3A_828] : memref<73728x8xf32, #tpu.memory_space<vmem_shared>> -> memref<512x8xf32, #tpu.memory_space<vmem_shared>>
      %dma_wait3A_830 = arith.constant 0 : i32
      %dma_wait3A_831 = tpu.memref_slice %arg15[%add3A_813, %dma_wait3A_830] : memref<73728x8xf32, #tpu.memory_space<vmem_shared>> -> memref<512x8xf32, #tpu.memory_space<vmem_shared>>
      %dma_wait3A_832 = arith.constant 0 : i32
      %dma_wait3A_833 = arith.constant 0 : i32
      %dma_wait3A_834 = tpu.memref_slice %arg14[%dma_wait3A_832, %dma_wait3A_833] : memref<4096x8xf32, #tpu.memory_space<vmem>> -> memref<512x8xf32, #tpu.memory_space<vmem>>
      tpu.wait_dma2 semaphore(%run_scoped3A : memref<!tpu.dma_semaphore, #tpu.memory_space<semaphore_mem>>) src(%dma_wait3A_834 : memref<512x8xf32, #tpu.memory_space<vmem>>) dst(%dma_wait3A_831 : memref<512x8xf32, #tpu.memory_space<vmem_shared>>)
      tpu.yield
    }) : () -> ()
    %barrier3A_814 = arith.constant 0 : index
    tpu.barrier barrier_id(%barrier3A_814)
    return
  }
}

</mosaic_0001>

<sc_bundles>
// kernel: kernel.3.cloned.1.call-start
scs
__scs_entry_jumppad:
0x0: {  	(pc) =	sbr.rel $0x88, $3  }
0x1: {  	(tag) =	ssettag $0x0;
	lr =	simm.s32 $0x1  }
0x2: {  	[smem:$0x3F9E] =	sst lr;
	_ =	strace $0xD0000000  }
0x3: {  	_ = 	snop  }
0x4: {  	_ = 	snop  }
0x5: {  	_ = 	snop  }
0x6: {  	_ = 	snop  }
0x7: {  	_ = 	snop  }
__scs_overlays_trampoline_lowered:
0x8: {  	[smem:$0x3FAD] =	sst s0  }
0x9: {  	[smem:$0x3FAE] =	sst s1  }
0xa: {  	[smem:$0x3FAF] =	sst s2  }
0xb: {  	[smem:$0x3FB0] =	sst s3  }
0xc: {  	[smem:$0x3FB1] =	sst s4  }
0xd: {  	[smem:$0x3FB2] =	sst s5  }
0xe: {  	[smem:$0x3FB3] =	sst s6  }
0xf: {  	[smem:$0x3FB4] =	sst s7  }
0x10: {  	[smem:$0x3FB5] =	sst s8  }
0x11: {  	[smem:$0x3FB6] =	sst s9;
	s0 =	simm.s32 @!p0 $0x0  }
0x12: {  	s1 =	sld [smem:$0x3F9C];
	s0 =	simm.s32 @p0 $0x1  }
0x13: {  	[smem:$0x3FB7] =	sst s0;
	s0 =	simm.s32 @!p1 $0x0  }
0x14: {  	s2 =	sld [smem:$0x3F9B];
	s0 =	simm.s32 @p1 $0x1  }
0x15: {  	[smem:$0x3FB8] =	sst s0;
	s0 =	simm.s32 @!p2 $0x0  }
0x16: {  	s3 =	sld [smem:$0x3FDB];
	s0 =	simm.s32 @p2 $0x1  }
0x17: {  	s4 =	simm.s32 $0x1BF5;
	[smem:$0x3FBA] =	sst s0  }
0x18: {  	s0 =	sld [smem:$0x3F9D];
	_ =	swait.ge [sflag:s4], $0x0  }
0x19: {  	s7 =	sld [smem:$0x3F9E]  }
0x1a: {  	s8 =	sadd.s32 $0xFFFFE003, lr  }
0x1b: {  	s9 =	sadd.s32 $0xFFFFFEF7, lr;
	s5 =	simm.s32 $0xFFFFFFFF;
	p2 =	slt.u32 s8, $0xFFFFF086  }
0x1c: {  	p1 =	slt.u32 s9, $0xF7A;
	s5 =	simm.s32 @!p2 $0x0  }
0x1d: {  	s5 =	simm.s32 @p1 $0x1;
	p0 =	seq.s32 s7, s2  }
0x1e: {  	s7 =	smul.u32 @!p0 $0xF7A, s2;
	p2 =	seq.s32 @!p0 s5, $0x0  }
0x1f: {  	s9 =	smul.u32 $0xF7A, s1;
	s8 =	simm.s32 @!p0 $0x1BF5;
	p2 =	por !p2, p0  }
0x20: {  	[sflag:s8] =	ssyncset.s32 @!p0 $0xFFFFF086;
	s6 =	sadd.s32 @!p0 s3, s7;
	s7 =	simm.s32 @!p0 $0x108  }
0x21: {  	s3 =	sadd.s32 s3, s9;
	s6 =	sadd.s32 @!p0 $0x88, s6;
	s7 =	simm.s32 @p2 $0x1082  }
0x22: {  	[simem:s7], [sflag:s8] =	dma.local @!p0 [hbm:s6], $0xF7A  }
0x23: {  	s9 =	sor.u32 $0xD0000000, s2;
	s6 =	simm.s32 $0x108;
	_ =	swait.ge @!p0 [sflag:s8], $0x0  }
0x24: {  	s3 =	sadd.s32 $0x88, s3;
	s6 =	simm.s32 @!p1 $0x1082;
	[sflag:s4] =	ssyncset.s32 $0xFFFFF086  }
0x25: {  	[simem:s6], [sflag:s4] =	dma.local [hbm:s3], $0xF7A  }
0x26: {  	[smem:$0x3F9E] =	sst s1;
	(tag) =	ssettag s2;
	_ =	strace s9  }
0x27: {  	s1 =	sld [smem:$0x3FAE]  }
0x28: {  	s2 =	sld [smem:$0x3FAF]  }
0x29: {  	s4 =	sld [smem:$0x3FB1]  }
0x2a: {  	p0 =	seq.s32 s5, $0x0;
	s5 =	sld [smem:$0x3FB2]  }
0x2b: {  	s6 =	sld [smem:$0x3FB3]  }
0x2c: {  	s7 =	sld [smem:$0x3FB4]  }
0x2d: {  	s3 =	simm.s32 $0x108;
	s8 =	sld [smem:$0x3FB5]  }
0x2e: {  	s3 =	simm.s32 @!p0 $0x1082;
	s9 =	sld [smem:$0x3FB6]  }
0x2f: {  	lr =	sadd.s32 s0, s3;
	s0 =	sld [smem:$0x3FAD]  }
0x30: {  	s3 =	sld [smem:$0x3FB0]  }
0x31: {  	[smem:$0x3FB9] =	sst s10  }
0x32: {  	s10 =	sld [smem:$0x3FB7];
	_ =	sdelay $0x3  }
0x33: {  	p0 =	seq.s32 s10, $0x1;
	s10 =	sld [smem:$0x3FB9];
	_ =	sdelay $0x3  }
0x34: {  	[smem:$0x3FB9] =	sst s10  }
0x35: {  	s10 =	sld [smem:$0x3FB8];
	_ =	sdelay $0x3  }
0x36: {  	p1 =	seq.s32 s10, $0x1;
	s10 =	sld [smem:$0x3FB9];
	_ =	sdelay $0x3  }
0x37: {  	[smem:$0x3FB9] =	sst s10  }
0x38: {  	s10 =	sld [smem:$0x3FBA]  }
0x39: {  	_ = 	snop;
	(pc) =	sbr.ind lr, $3  }
0x3a: {  	_ = 	snop  }
0x3b: {  	_ = 	snop  }
0x3c: {  	p2 =	seq.s32 s10, $0x1;
	s10 =	sld [smem:$0x3FB9]  }
0x3d: {  	_ =	shalt  }
0x3e: {  	_ =	shalt  }
0x3f: {  	_ =	shalt  }
0x40: {  	_ =	shalt  }
0x41: {  	_ =	shalt  }
0x42: {  	_ =	shalt  }
0x43: {  	_ =	shalt  }
0x44: {  	_ =	shalt  }
0x45: {  	_ =	shalt  }
0x46: {  	_ =	shalt  }
0x47: {  	_ =	shalt  }
0x48: {  	_ =	shalt  }
0x49: {  	_ =	shalt  }
0x4a: {  	_ =	shalt  }
0x4b: {  	_ =	shalt  }
0x4c: {  	_ =	shalt  }
0x4d: {  	_ =	shalt  }
0x4e: {  	_ =	shalt  }
0x4f: {  	_ =	shalt  }
0x50: {  	_ =	shalt  }
0x51: {  	_ =	shalt  }
0x52: {  	_ =	shalt  }
0x53: {  	_ =	shalt  }
0x54: {  	_ =	shalt  }
0x55: {  	_ =	shalt  }
0x56: {  	_ =	shalt  }
0x57: {  	_ =	shalt  }
0x58: {  	_ =	shalt  }
0x59: {  	_ =	shalt  }
0x5a: {  	_ =	shalt  }
0x5b: {  	_ =	shalt  }
0x5c: {  	_ =	shalt  }
0x5d: {  	_ =	shalt  }
0x5e: {  	_ =	shalt  }
0x5f: {  	_ =	shalt  }
0x60: {  	_ =	shalt  }
0x61: {  	_ =	shalt  }
0x62: {  	_ =	shalt  }
0x63: {  	_ =	shalt  }
0x64: {  	_ =	shalt  }
0x65: {  	_ =	shalt  }
0x66: {  	_ =	shalt  }
0x67: {  	_ =	shalt  }
0x68: {  	_ =	shalt  }
0x69: {  	_ =	shalt  }
0x6a: {  	_ =	shalt  }
0x6b: {  	_ =	shalt  }
0x6c: {  	_ =	shalt  }
0x6d: {  	_ =	shalt  }
0x6e: {  	_ =	shalt  }
0x6f: {  	_ =	shalt  }
0x70: {  	_ =	shalt  }
0x71: {  	_ =	shalt  }
0x72: {  	_ =	shalt  }
0x73: {  	_ =	shalt  }
0x74: {  	_ =	shalt  }
0x75: {  	_ =	shalt  }
0x76: {  	_ =	shalt  }
0x77: {  	_ =	shalt  }
0x78: {  	_ =	shalt  }
0x79: {  	_ =	shalt  }
0x7a: {  	_ =	shalt  }
0x7b: {  	_ =	shalt  }
0x7c: {  	_ =	shalt  }
0x7d: {  	_ =	shalt  }
0x7e: {  	_ =	shalt  }
0x7f: {  	_ =	shalt  }
0x80: {  	_ =	shalt  }
0x81: {  	_ =	shalt  }
0x82: {  	_ =	shalt  }
0x83: {  	_ =	shalt  }
0x84: {  	_ =	shalt  }
0x85: {  	_ =	shalt  }
0x86: {  	_ =	shalt  }
0x87: {  	_ =	shalt  }
.Lfunc_end0:
.L_simem_size_0:
called_computation.1_lowered:
.L_overlay_start_0:
0x88: {  	s2 =	sld [smem:$0x3FD9]  }
0x89: {  	s3 =	sld [smem:$0x3FFE];
	_ =	sdelay $0x1  }
0x8a: {  	s1 =	srdreg.scid  }
0x8b: {  	s0 =	sand.u32 $0x1, s1  }
0x8c: {  	s17 =	sshll.u32 s0, $0xA;
	s2 =	sadd.s32 s3, s2  }
0x8d: {  	s2 =	sadd.s32 s2, s17  }
0x8e: {  	[smem:$0x3FC5] =	sst s2  }
0x8f: {  	_ = 	snop  }
0x90: {  	s2 =	sld [smem:$0x3FC9]  }
0x91: {  	s18 =	sld [smem:$0x3FD0];
	(tm) =	ssettm $0x1  }
0x92: {  	s4 =	sld [smem:$0x3FFB];
	_ =	sdelay $0x3  }
0x93: {  	_ =	strace s4  }
0x94: {  	s4 =	sld [smem:$0x3FFC];
	_ =	sdelay $0x3  }
0x95: {  	_ =	strace s4  }
0x96: {  	s4 =	sld [smem:$0x3FFD];
	_ =	sdelay $0x3  }
0x97: {  	_ =	strace s4  }
0x98: {  	_ =	strace $0x8FFFFFFF  }
0x99: {  	s19 =	sld [smem:$0x3FDB];
	_ =	sdelay $0x1  }
0x9a: {  	s5 =	simm.s32 $_scs_section_size  }
0x9b: {  	s6 =	simm.s32 $_size__tile_overlayer_lowered;
	s7 =	simm.s32 $_tile_overlayer_lowered  }
0x9c: {  	s22 =	simm.s32 $0x1BFF;
	s21 =	sshll.u32 s7, $0x1;
	s4 =	sadd.s32 s5, s19  }
0x9d: {  	s8 =	simm.s32 $0x0;
	s20 =	sshll.u32 s6, $0x1;
	s6 =	sadd.s32 s21, s4  }
0x9e: {  	[timem:s8], [sflag:s22] =	dma.local [hbm:s6], s20  }
0x9f: {  	_ =	swait.ge [sflag:s22], s20  }
0xa0: {  	s5 =	ssub.s32 $0x0, s20;
	[sflag:s22] =	ssyncset.done $0x0  }
0xa1: {  	[sflag:s22] =	ssyncadd.s32 s5;
	_ =	sdelay $0x1  }
0xa2: {  	s23 =	simm.s32 $0x1B8B  }
0xa3: {  	_ =	swait.ge [sflag:s23], $0x1  }
0xa4: {  	[sflag:s23] =	ssyncset.done $0x0  }
0xa5: {  	s25 =	simm.s32 $0x1B8E;
	s24 =	sld [smem:$0x3FFE];
	[sflag:s23] =	ssyncadd.s32 $0xFFFFFFFF  }
0xa6: {  	s26 =	simm.s32 $execute0_lowered;
	[smem:$0x3FD2] =	sst s25  }
0xa7: {  	s6 =	sshll.u32 s26, $0x1;
	_ =	strace $0x80000046;
	[dreg:$0x1] =	wrdreg $0xFFFFFFFF  }
0xa8: {  	s28 =	simm.s32 $_size_execute0_lowered;
	s4 =	sadd.s32 s4, s6;
	[dreg:$0x0] =	wrdreg $0x0  }
0xa9: {  	s6 =	sshll.u32 s28, $0x1;
	[dreg:$0x2] =	wrdreg s4  }
0xaa: {  	[dreg:$0x3] =	wrdreg s6  }
0xab: {  	[dreg:$0x4] =	wrdreg $0xC0  }
0xac: {  	_ =	task [dreg:s8], $0x5FFFF  }
0xad: {  	[dreg:$0x1] =	wrdreg $0xFFFFFFFF  }
0xae: {  	[dreg:$0x0] =	wrdreg $0x60  }
0xaf: {  	[dreg:$0x2] =	wrdreg s2  }
0xb0: {  	[dreg:$0x3] =	wrdreg s24  }
0xb1: {  	[dreg:$0x4] =	wrdreg s18  }
0xb2: {  	[dreg:$0x5] =	wrdreg $0x150000  }
0xb3: {  	[dreg:$0x6] =	wrdreg $0x9  }
0xb4: {  	_ =	task.clear_ibuf [dreg:s8], $0x7FFFF;
	_ =	strace $0x90000046  }
0xb5: {  	s29 =	simm.s32 $0x9;
	_ =	strace $0x80000048  }
0xb6: {  	_ =	swait.ge [sflag:s29], $0x1  }
0xb7: {  	[sflag:s29] =	ssyncadd.s32 $0xFFFFFFFF  }
0xb8: {  	_ =	strace $0x90000048  }
0xb9: {  	_ =	sfence  }
0xba: {  	s30 =	sld [smem:$0x0];
	_ =	sdelay $0x2  }
0xbb: {  	s31 =	sshll.u32 s1, $0xD;
	s1 =	sshrl.u32 s1, $0x2  }
0xbc: {  	s3 =	sand.u32 $0x4000, s31;
	s1 =	sadd.s32 s1, s30  }
0xbd: {  	s0 =	sor.u32 s3, s0;
	s1 =	sshll.u32 s1, $0x11  }
0xbe: {  	s0 =	sor.u32 s1, s0  }
0xbf: {  	s0 =	sadd.s32 $0x8F2B, s0  }
0xc0: {  	[sflag:s0] =	ssyncadd.remote.s32 $0x1  }
0xc1: {  	_ =	sfence.sel $0xFFFF  }
0xc2: {  	[dreg:$0x0] =	wrdreg $0xFFFFFFFF;
	(pc) =	sbr.abs _section_cstart, $3  }
0xc3: {  	[dreg:$0x1] =	wrdreg $0xFFFFFFFF  }
0xc4: {  	_ =	task.clear_ibuf [dreg:s8], $0x2FFFF;
	_ =	strace $0x9FFFFFFF  }
0xc5: {  	(tm) =	ssettm $0x7FFFFFFF  }
tec
execute0_lowered:
.L_overlay_start_1:
0x0: {  	(tag) =	ssettag $0x1  }
0x1: {  	s0 =	rddreg [dreg:$0x0]  }
0x2: {  	s1 =	rddreg [dreg:$0x1]  }
0x3: {  	s4 =	rddreg [dreg:$0x2]  }
0x4: {  	s2 =	rddreg [dreg:$0x3];
	s3 =	simm.s32 $0x0;
	s10 =	stileid.u32  }
0x5: {  	s5 =	srdreg.scid;
	[smem:$0x7FF] =	sst s3  }
0x6: {  	s6 =	sshll.u32 s10, $0x9;
	s5 =	sand.u32 $0x1, s5;
	s8 =	sadd.s32 $0xA00, s1  }
0x7: {  	s9 =	smul.u32 $0x24000, s10;
	_ =	strace $0x80000047;
	s7 =	sadd.s32 s6, s1  }
0x8: {  	[dreg:$0x5] =	wrdreg s8;
	s12 =	ssub.s32 $0x2, s5;
	s1 =	sadd.s32 $0x4C00, s1  }
0x9: {  	s0 =	sadd.s32 s0, s6;
	s5 =	sshll.u32 s5, $0x15;
	[dreg:$0x6] =	wrdreg s1  }
0xa: {  	s13 =	sshrl.u32 s12, $0x1;
	[dreg:$0x7] =	wrdreg s0;
	s14 =	sadd.s32 $0x2C00, s7  }
0xb: {  	s15 =	sshrl.u32 s9, $0x2;
	s16 =	sadd.s32 $0xC00, s7;
	[dreg:$0x8] =	wrdreg s14  }
0xc: {  	s30 =	sor.u32 $0x110000, s5;
	s26 =	sor.u32 $0x160000, s5;
	[dreg:$0x9] =	wrdreg s16  }
0xd: {  	s1 =	ssub.s32 s12, s13;
	s0 =	sadd.s32 s15, s2;
	[smem:$0x7F3] =	sst s26  }
0xe: {  	s15 =	sor.u32 $0x90000, s5;
	s26 =	sor.u32 $0x190000, s5;
	[smem:$0x7FB] =	sst s1  }
0xf: {  	s1 =	sshll.u32 s10, $0xC;
	[smem:$0x7FC] =	sst s0;
	s0 =	sor.u32 $0x10000, s5  }
0x10: {  	[smem:$0x7F4] =	sst s26;
	s26 =	sor.u32 $0x1A0000, s5;
	s19 =	sadd.s32 s4, s1  }
0x11: {  	s4 =	sor.u32 $0x20000, s5;
	[smem:$0x7F5] =	sst s26;
	s26 =	sor.u32 $0x1B0000, s5  }
0x12: {  	s20 =	sadd.s32 s5, s19;
	s22 =	sadd.s32 s4, s19;
	[smem:$0x7F6] =	sst s26  }
0x13: {  	v17 =	vmov s30;
	v9 =	vmov s15;
	v2 =	vmov s4;
	s4 =	sadd.s32 s15, s19;
	s15 =	sadd.s32 s30, s19;
	s30 =	sld [smem:$0x7FC]  }
0x14: {  	s21 =	sadd.s32 s0, s19;
	[dreg:$0xa] =	wrdreg s20  }
0x15: {  	s6 =	sor.u32 $0x30000, s5;
	[dreg:$0xb] =	wrdreg s21  }
0x16: {  	s7 =	sor.u32 $0x40000, s5;
	s23 =	sadd.s32 s6, s19;
	[dreg:$0xc] =	wrdreg s22  }
0x17: {  	s8 =	sor.u32 $0x50000, s5;
	s24 =	sadd.s32 s7, s19;
	[dreg:$0xd] =	wrdreg s23  }
0x18: {  	s25 =	sadd.s32 s8, s19;
	[dreg:$0xe] =	wrdreg s24  }
0x19: {  	s17 =	sshll.u32 s10, $0xF;
	s26 =	sor.u32 $0x1C0000, s5;
	[dreg:$0xf] =	wrdreg s25  }
0x1a: {  	s12 =	sadd.s32 s17, s2;
	s17 =	sor.u32 $0xB0000, s5;
	[smem:$0x7F7] =	sst s26  }
0x1b: {  	v3 =	vmov s6;
	s6 =	sadd.s32 s17, s19;
	[dreg:$0x13] =	wrdreg s4  }
0x1c: {  	s10 =	sor.u32 $0x130000, s5;
	[dreg:$0x15] =	wrdreg s6  }
0x1d: {  	s9 =	sor.u32 $0x60000, s5;
	v11 =	vmov s17;
	s17 =	sadd.s32 s10, s19;
	[dreg:$0x1b] =	wrdreg s15  }
0x1e: {  	s11 =	sor.u32 $0x70000, s5;
	s18 =	sadd.s32 s1, s2;
	[dreg:$0x1d] =	wrdreg s17  }
0x1f: {  	s31 =	sor.u32 $0x120000, s5;
	s13 =	sadd.s32 $0x80000, s18;
	s4 =	sld [smem:$0x7F5]  }
0x20: {  	s18 =	sor.u32 $0xC0000, s5;
	s26 =	sor.u32 $0x1D0000, s5;
	s6 =	sld [smem:$0x7F6]  }
0x21: {  	s28 =	sor.u32 $0x170000, s5;
	v4 =	vmov s7;
	s7 =	sadd.s32 s18, s19;
	[smem:$0x7F8] =	sst s26  }
0x22: {  	s29 =	sor.u32 $0x180000, s5;
	s14 =	sor.u32 $0x80000, s5;
	[dreg:$0x16] =	wrdreg s7  }
0x23: {  	v19 =	vmov s10;
	s20 =	sor.u32 $0xD0000, s5;
	s26 =	sor.u32 $0x1E0000, s5;
	s10 =	sld [smem:$0x7F7]  }
0x24: {  	v5 =	vmov s8;
	s24 =	sor.u32 $0x140000, s5;
	s8 =	sadd.s32 s20, s19;
	[smem:$0x7F9] =	sst s26  }
0x25: {  	s16 =	sor.u32 $0xA0000, s5;
	v12 =	vmov s18;
	s18 =	sadd.s32 s24, s19;
	[dreg:$0x17] =	wrdreg s8  }
0x26: {  	s21 =	sor.u32 $0xE0000, s5;
	s22 =	sor.u32 $0xF0000, s5;
	[dreg:$0x1e] =	wrdreg s18  }
0x27: {  	s23 =	sor.u32 $0x100000, s5;
	v20 =	vmov s24;
	s26 =	sor.u32 $0x1F0000, s5;
	s24 =	sld [smem:$0x7F8]  }
0x28: {  	s25 =	sor.u32 $0x150000, s5;
	[smem:$0x7FA] =	sst s26;
	s26 =	sadd.s32 $0x200000, s5  }
0x29: {  	v0 =	vmov s5;
	v18 =	vmov s31;
	v10 =	vmov s16;
	s5 =	sadd.s32 s16, s19;
	s16 =	sadd.s32 s31, s19;
	s31 =	sld [smem:$0x7F4]  }
0x2a: {  	[smem:$0x7FD] =	sst s26  }
0x2b: {  	[dreg:$0x14] =	wrdreg s5  }
0x2c: {  	s26 =	sadd.s32 s9, s19;
	[dreg:$0x1c] =	wrdreg s16  }
0x2d: {  	v6 =	vmov s9;
	s9 =	sadd.s32 s21, s19;
	[dreg:$0x10] =	wrdreg s26  }
0x2e: {  	s26 =	sadd.s32 s11, s19;
	[dreg:$0x18] =	wrdreg s9  }
0x2f: {  	v7 =	vmov s11;
	v15 =	vmov s22;
	v21 =	vmov s25;
	s11 =	sadd.s32 s22, s19;
	s22 =	sadd.s32 s25, s19;
	s25 =	sld [smem:$0x7F9]  }
0x30: {  	v24 =	vmov s29;
	s9 =	sadd.s32 s29, s19;
	s29 =	sld [smem:$0x7FB]  }
0x31: {  	s8 =	sadd.s32 s28, s19;
	[dreg:$0x11] =	wrdreg s26  }
0x32: {  	v23 =	vmov s28;
	s28 =	simm.s32 $0x0;
	s26 =	sadd.s32 s14, s19;
	[dreg:$0x19] =	wrdreg s11  }
0x33: {  	s15 =	sadd.s32 s6, s19;
	s16 =	sadd.s32 s10, s19;
	[dreg:$0x12] =	wrdreg s26  }
0x34: {  	v14 =	vmov s21;
	s5 =	smov.u32 s30;
	s21 =	sadd.s32 $0x8000, s30;
	s26 =	sld [smem:$0x7F3]  }
0x35: {  	v28 =	vmov s10;
	s10 =	simm.s32 $0x4000;
	s17 =	sadd.s32 s24, s19;
	[dreg:$0x1f] =	wrdreg s22  }
0x36: {  	v29 =	vmov s24;
	s24 =	simm.s32 $0xD000;
	s11 =	sadd.s32 s31, s19;
	v25 =	vmov s31;
	s31 =	sld [smem:$0x7FD]  }
0x37: {  	v8 =	vmov s14;
	s14 =	sadd.s32 s23, s19;
	s7 =	sadd.s32 s26, s19;
	v22 =	vmov s26;
	s26 =	sld [smem:$0x7FA]  }
0x38: {  	v33 =	vlaneseq.u32;
	v1 =	vmov s0;
	v16 =	vmov s23;
	s22 =	simm.s32 $0x2;
	s23 =	simm.s32 $0x1000;
	[dreg:$0x1a] =	wrdreg s14  }
0x39: {  	v13 =	vmov s20;
	v26 =	vmov s4;
	v27 =	vmov s6;
	s14 =	sadd.s32 s4, s19;
	s18 =	sadd.s32 s25, s19;
	s20 =	smax.u32 s29, $0x1  }
0x3a: {  	v30 =	vmov s25;
	s25 =	simm.s32 $0x5000;
	v32 =	vmov s31;
	s19 =	sadd.s32 s26, s19;
	v31 =	vmov s26;
	s26 =	simm.s32 $0x1  }
.LBB2_1:
0x3b: {  	s0 =	rddreg [dreg:$0x7]  }
0x3c: {  	[tilespmem:s3], [sflag:$0x2] =	stream.linear.gather [hbm4b:s0+s3], $0x1000, $0x38;
	[tilespmem:$0x1E000] =	vst v63  }
0x3d: {  	_ =	swait.ge [sflag:s22], $0x1000  }
0x3e: {  	[sflag:s22] =	ssyncset.done $0x0  }
0x3f: {  	s6 =	rddreg [dreg:$0x8];
	[sflag:s22] =	ssyncadd.s32 $0xFFFFF000  }
0x40: {  	[tilespmem:s23], [sflag:$0x2] =	stream.linear.gather [hbm4b:s6+s3], $0x1000, $0x38;
	[tilespmem:$0x1E000] =	vst v63  }
0x41: {  	_ =	swait.ge [sflag:s22], $0x1000  }
0x42: {  	[sflag:s22] =	ssyncset.done $0x0  }
0x43: {  	s4 =	simm.s32 $0x2000;
	s29 =	rddreg [dreg:$0x9];
	[sflag:s22] =	ssyncadd.s32 $0xFFFFF000  }
0x44: {  	[tilespmem:s4], [sflag:$0x2] =	stream.linear.gather [hbm4b:s29+s3], $0x1000, $0x38;
	[tilespmem:$0x1E000] =	vst v63  }
0x45: {  	_ =	swait.ge [sflag:s22], $0x1000  }
0x46: {  	[sflag:s22] =	ssyncset.done $0x0  }
0x47: {  	s30 =	rddreg [dreg:$0x6];
	[sflag:s22] =	ssyncadd.s32 $0xFFFFF000  }
0x48: {  	[tilespmem:s24], [sflag:$0x2] =	stream.linear.gather [hbm4b:s30+s3], $0x8000, $0x38;
	[tilespmem:$0x1E000] =	vst v63  }
0x49: {  	_ =	swait.ge [sflag:s22], $0x8000  }
0x4a: {  	[sflag:s22] =	ssyncset.done $0x0  }
0x4b: {  	s31 =	rddreg [dreg:$0x5];
	[sflag:s22] =	ssyncadd.s32 $0xFFFF8000  }
0x4c: {  	[tilespmem:s25], [sflag:$0x1] =	stream.indirect.gather [hbm4b:s31+s23], $0x8, s3, s23, $0xb8;
	[tilespmem:$0x1E000] =	vst v63  }
0x4d: {  	_ =	swait.ge [sflag:s26], $0x8000  }
0x4e: {  	[sflag:s26] =	ssyncset.done $0x0  }
0x4f: {  	s0 =	simm.s32 $0x0;
	[sflag:s26] =	ssyncadd.s32 $0xFFFF8000  }
0x50: {  	v34 =	vld [tilespmem:s0+$0x1000]  }
0x51: {  	s6 =	simm.s32 $0x40;
	v35 =	vld [tilespmem:s0+$0x2000]  }
.LBB2_2:
0x52: {  	p0 =	sne.s32 s6, $0x3FC0  }
.Ltmp0:
0x53: {  	_ = 	snop;
	(pc) =	sbr.rel @p0 .LBB2_2-.Ltmp0, $4  }
0x54: {  	_ = 	snop  }
0x55: {  	s29 =	sshra.s32 s6, $0x2;
	s6 =	sadd.s32 $0x40, s6;
	v36 =	vshll.u32 v34, $0xB  }
0x56: {  	v34 =	vld [tilespmem:s29+$0x1000];
	v36 =	vadd.s32 v35, v36  }
0x57: {  	v35 =	vld [tilespmem:s29+$0x2000];
	[tilespmem:s0+$0x3000] =	vst v36;
	s0 =	smov.u32 s29  }
0x58: {  	_ =	sdelay $0x2  }
0x59: {  	v34 =	vshll.u32 v34, $0xB  }
0x5a: {  	v34 =	vadd.s32 v35, v34  }
0x5b: {  	[tilespmem:s0+$0x3000] =	vst v34  }
0x5c: {  	[spmem:s5] =	stream.linear.scatter [tilespmem:s24], [sflag:$0x2], $0x8000, $0x38;
	[tilespmem:$0x1E000] =	vst v63  }
0x5d: {  	_ =	swait.ge [sflag:s22], $0x8000  }
0x5e: {  	[sflag:s22] =	ssyncset.done $0x0  }
0x5f: {  	[sflag:s22] =	ssyncadd.s32 $0xFFFF8000  }
0x60: {  	[spmem:s21] =	stream.linear.scatter [tilespmem:s24], [sflag:$0x2], $0x1000, $0x38;
	[tilespmem:$0x1E000] =	vst v63  }
0x61: {  	_ =	swait.ge [sflag:s22], $0x1000  }
0x62: {  	[sflag:s22] =	ssyncset.done $0x0  }
0x63: {  	[sflag:s22] =	ssyncadd.s32 $0xFFFFF000  }
0x64: {  	s29 =	simm.s32 $0x0;
	[bflag:$0x0] =	sbarrier.arrive $0xFFFF  }
0x65: {  	v34 =	vld [tilespmem:s29+$0x3000];
	_ =	sdelay $0x3  }
0x66: {  	s30 =	simm.s32 $0x40;
	v35 =	vor.u32 s1, v33;
	s0 =	smov.u32 s1  }
.LBB2_4:
0x67: {  	s6 =	sshra.s32 s30, $0x2;
	p0 =	sne.s32 s30, $0x3FC0;
	s30 =	sadd.s32 $0x40, s30;
	v35 =	vand.u32 $0x1FFF, v35;
	vm0 =	vge.s32 v34, v0;
	vm1 =	vlt.s32 v34, v1  }
.Ltmp1:
0x68: {  	v36 =	vsub.s32 v34, v0;
	v35 =	vor.u32 $0x10000, v35;
	vm0 =	vmand vm0, vm1;
	v34 =	vld [tilespmem:s6+$0x3000];
	(pc) =	sbr.rel @p0 .LBB2_4-.Ltmp1, $4  }
0x69: {  	v35 =	vsel vm0, v36, v35  }
0x6a: {  	[tilespmem:s29+$0x4000] =	vst v35;
	s29 =	smov.u32 s6  }
0x6b: {  	s0 =	sadd.s32 $0x10, s0  }
0x6c: {  	v35 =	vor.u32 s0, v33  }
0x6d: {  	v35 =	vand.u32 $0x1FFF, v35;
	vm0 =	vge.s32 v34, v0;
	vm1 =	vlt.s32 v34, v1  }
0x6e: {  	v63 =	vsub.s32 v34, v0;
	v35 =	vor.u32 $0x10000, v35;
	vm0 =	vmand vm0, vm1  }
0x6f: {  	v34 =	vsel vm0, v63, v35  }
0x70: {  	[tilespmem:s29+$0x4000] =	vst v34  }
0x71: {  	[spmem:s2] =	stream.indirect.scatter.add.f32 [tilespmem:s25], [sflag:$0x2], $0x8, s10, s23, $0xb8;
	[tilespmem:$0x1E000] =	vst v63  }
0x72: {  	_ =	swait.ge [sflag:s22], $0x8000  }
0x73: {  	[sflag:s22] =	ssyncset.done $0x0  }
0x74: {  	s0 =	stileid.u32;
	[sflag:s22] =	ssyncadd.s32 $0xFFFF8000  }
0x75: {  	s0 =	sshll.u32 s0, $0x6;
	[bflag:$0x0] =	sbarrier.arrive $0xFFFF  }
0x76: {  	s30 =	sshrl.u32 s12, $0x3;
	s29 =	sor.u32 $0x1C02, s0;
	s6 =	rddreg [dreg:$0xa]  }
0x77: {  	[hbm:s6], [sflag:s29] =	dma.local [spmem:s30], $0x1000  }
0x78: {  	_ =	swait.ge [sflag:s22], $0x1000  }
0x79: {  	[sflag:s22] =	ssyncset.done $0x0  }
0x7a: {  	[sflag:s22] =	ssyncadd.s32 $0xFFFFF000  }
0x7b: {  	[spmem:s12] =	stream.linear.scatter [tilespmem:s24], [sflag:$0x2], $0x8000, $0x38;
	[tilespmem:$0x1E000] =	vst v63  }
0x7c: {  	_ =	swait.ge [sflag:s22], $0x8000  }
0x7d: {  	[sflag:s22] =	ssyncset.done $0x0  }
0x7e: {  	[sflag:s22] =	ssyncadd.s32 $0xFFFF8000  }
0x7f: {  	[spmem:s13] =	stream.linear.scatter [tilespmem:s24], [sflag:$0x2], $0x1000, $0x38;
	[tilespmem:$0x1E000] =	vst v63  }
0x80: {  	_ =	swait.ge [sflag:s22], $0x1000  }
0x81: {  	[sflag:s22] =	ssyncset.done $0x0  }
0x82: {  	[sflag:s22] =	ssyncadd.s32 $0xFFFFF000  }
0x83: {  	s31 =	simm.s32 $0x0;
	[bflag:$0x0] =	sbarrier.arrive $0xFFFF  }
0x84: {  	v34 =	vld [tilespmem:s31+$0x3000];
	_ =	sdelay $0x3  }
0x85: {  	v35 =	vor.u32 s1, v33;
	s0 =	simm.s32 $0x40;
	s6 =	smov.u32 s1  }
.LBB2_6:
0x86: {  	s4 =	sshra.s32 s0, $0x2;
	p0 =	sne.s32 s0, $0x3FC0;
	s0 =	sadd.s32 $0x40, s0;
	v35 =	vand.u32 $0x1FFF, v35;
	vm0 =	vge.s32 v34, v1;
	vm1 =	vlt.s32 v34, v2  }
.Ltmp2:
0x87: {  	v36 =	vsub.s32 v34, v1;
	v35 =	vor.u32 $0x10000, v35;
	vm0 =	vmand vm0, vm1;
	v34 =	vld [tilespmem:s4+$0x3000];
	(pc) =	sbr.rel @p0 .LBB2_6-.Ltmp2, $4  }
0x88: {  	v35 =	vsel vm0, v36, v35  }
0x89: {  	[tilespmem:s31+$0x4000] =	vst v35;
	s31 =	smov.u32 s4  }
0x8a: {  	s6 =	sadd.s32 $0x10, s6  }
0x8b: {  	v35 =	vor.u32 s6, v33  }
0x8c: {  	v35 =	vand.u32 $0x1FFF, v35;
	vm0 =	vge.s32 v34, v1;
	vm1 =	vlt.s32 v34, v2  }
0x8d: {  	v63 =	vsub.s32 v34, v1;
	v35 =	vor.u32 $0x10000, v35;
	vm0 =	vmand vm0, vm1  }
0x8e: {  	v34 =	vsel vm0, v63, v35  }
0x8f: {  	[tilespmem:s31+$0x4000] =	vst v34  }
0x90: {  	[spmem:s2] =	stream.indirect.scatter.add.f32 [tilespmem:s25], [sflag:$0x2], $0x8, s10, s23, $0xb8;
	[tilespmem:$0x1E000] =	vst v63  }
0x91: {  	_ =	swait.ge [sflag:s22], $0x8000  }
0x92: {  	[sflag:s22] =	ssyncset.done $0x0  }
0x93: {  	[sflag:s22] =	ssyncadd.s32 $0xFFFF8000  }
0x94: {  	[bflag:$0x0] =	sbarrier.arrive $0xFFFF  }
0x95: {  	s0 =	rddreg [dreg:$0xb]  }
0x96: {  	[hbm:s0], [sflag:s29] =	dma.local [spmem:s30], $0x1000  }
0x97: {  	_ =	swait.ge [sflag:s22], $0x1000  }
0x98: {  	[sflag:s22] =	ssyncset.done $0x0  }
0x99: {  	[sflag:s22] =	ssyncadd.s32 $0xFFFFF000  }
0x9a: {  	[spmem:s12] =	stream.linear.scatter [tilespmem:s24], [sflag:$0x2], $0x8000, $0x38;
	[tilespmem:$0x1E000] =	vst v63  }
0x9b: {  	_ =	swait.ge [sflag:s22], $0x8000  }
0x9c: {  	[sflag:s22] =	ssyncset.done $0x0  }
0x9d: {  	[sflag:s22] =	ssyncadd.s32 $0xFFFF8000  }
0x9e: {  	[spmem:s13] =	stream.linear.scatter [tilespmem:s24], [sflag:$0x2], $0x1000, $0x38;
	[tilespmem:$0x1E000] =	vst v63  }
0x9f: {  	_ =	swait.ge [sflag:s22], $0x1000  }
0xa0: {  	[sflag:s22] =	ssyncset.done $0x0  }
0xa1: {  	[sflag:s22] =	ssyncadd.s32 $0xFFFFF000  }
0xa2: {  	s31 =	simm.s32 $0x0;
	[bflag:$0x0] =	sbarrier.arrive $0xFFFF  }
0xa3: {  	v34 =	vld [tilespmem:s31+$0x3000];
	_ =	sdelay $0x3  }
0xa4: {  	s6 =	smov.u32 s1;
	v35 =	vor.u32 s1, v33;
	s0 =	simm.s32 $0x40  }
.LBB2_8:
0xa5: {  	s4 =	sshra.s32 s0, $0x2;
	p0 =	sne.s32 s0, $0x3FC0;
	s0 =	sadd.s32 $0x40, s0;
	v35 =	vand.u32 $0x1FFF, v35;
	vm0 =	vge.s32 v34, v2;
	vm1 =	vlt.s32 v34, v3  }
.Ltmp3:
0xa6: {  	v36 =	vsub.s32 v34, v2;
	v35 =	vor.u32 $0x10000, v35;
	vm0 =	vmand vm0, vm1;
	v34 =	vld [tilespmem:s4+$0x3000];
	(pc) =	sbr.rel @p0 .LBB2_8-.Ltmp3, $4  }
0xa7: {  	v35 =	vsel vm0, v36, v35  }
0xa8: {  	[tilespmem:s31+$0x4000] =	vst v35;
	s31 =	smov.u32 s4  }
0xa9: {  	s6 =	sadd.s32 $0x10, s6  }
0xaa: {  	v35 =	vor.u32 s6, v33  }
0xab: {  	v35 =	vand.u32 $0x1FFF, v35;
	vm0 =	vge.s32 v34, v2;
	vm1 =	vlt.s32 v34, v3  }
0xac: {  	v63 =	vsub.s32 v34, v2;
	v35 =	vor.u32 $0x10000, v35;
	vm0 =	vmand vm0, vm1  }
0xad: {  	v34 =	vsel vm0, v63, v35  }
0xae: {  	[tilespmem:s31+$0x4000] =	vst v34  }
0xaf: {  	[spmem:s2] =	stream.indirect.scatter.add.f32 [tilespmem:s25], [sflag:$0x2], $0x8, s10, s23, $0xb8;
	[tilespmem:$0x1E000] =	vst v63  }
0xb0: {  	_ =	swait.ge [sflag:s22], $0x8000  }
0xb1: {  	[sflag:s22] =	ssyncset.done $0x0  }
0xb2: {  	[sflag:s22] =	ssyncadd.s32 $0xFFFF8000  }
0xb3: {  	[bflag:$0x0] =	sbarrier.arrive $0xFFFF  }
0xb4: {  	s0 =	rddreg [dreg:$0xc]  }
0xb5: {  	[hbm:s0], [sflag:s29] =	dma.local [spmem:s30], $0x1000  }
0xb6: {  	_ =	swait.ge [sflag:s22], $0x1000  }
0xb7: {  	[sflag:s22] =	ssyncset.done $0x0  }
0xb8: {  	[sflag:s22] =	ssyncadd.s32 $0xFFFFF000  }
0xb9: {  	[spmem:s12] =	stream.linear.scatter [tilespmem:s24], [sflag:$0x2], $0x8000, $0x38;
	[tilespmem:$0x1E000] =	vst v63  }
0xba: {  	_ =	swait.ge [sflag:s22], $0x8000  }
0xbb: {  	[sflag:s22] =	ssyncset.done $0x0  }
0xbc: {  	[sflag:s22] =	ssyncadd.s32 $0xFFFF8000  }
0xbd: {  	[spmem:s13] =	stream.linear.scatter [tilespmem:s24], [sflag:$0x2], $0x1000, $0x38;
	[tilespmem:$0x1E000] =	vst v63  }
0xbe: {  	_ =	swait.ge [sflag:s22], $0x1000  }
0xbf: {  	[sflag:s22] =	ssyncset.done $0x0  }
0xc0: {  	[sflag:s22] =	ssyncadd.s32 $0xFFFFF000  }
0xc1: {  	s31 =	simm.s32 $0x0;
	[bflag:$0x0] =	sbarrier.arrive $0xFFFF  }
0xc2: {  	v34 =	vld [tilespmem:s31+$0x3000];
	_ =	sdelay $0x3  }
0xc3: {  	s6 =	smov.u32 s1;
	v35 =	vor.u32 s1, v33;
	s0 =	simm.s32 $0x40  }
.LBB2_10:
0xc4: {  	s4 =	sshra.s32 s0, $0x2;
	p0 =	sne.s32 s0, $0x3FC0;
	s0 =	sadd.s32 $0x40, s0;
	v35 =	vand.u32 $0x1FFF, v35;
	vm0 =	vge.s32 v34, v3;
	vm1 =	vlt.s32 v34, v4  }
.Ltmp4:
0xc5: {  	v36 =	vsub.s32 v34, v3;
	v35 =	vor.u32 $0x10000, v35;
	vm0 =	vmand vm0, vm1;
	v34 =	vld [tilespmem:s4+$0x3000];
	(pc) =	sbr.rel @p0 .LBB2_10-.Ltmp4, $4  }
0xc6: {  	v35 =	vsel vm0, v36, v35  }
0xc7: {  	[tilespmem:s31+$0x4000] =	vst v35;
	s31 =	smov.u32 s4  }
0xc8: {  	s6 =	sadd.s32 $0x10, s6  }
0xc9: {  	v35 =	vor.u32 s6, v33  }
0xca: {  	v35 =	vand.u32 $0x1FFF, v35;
	vm0 =	vge.s32 v34, v3;
	vm1 =	vlt.s32 v34, v4  }
0xcb: {  	v63 =	vsub.s32 v34, v3;
	v35 =	vor.u32 $0x10000, v35;
	vm0 =	vmand vm0, vm1  }
0xcc: {  	v34 =	vsel vm0, v63, v35  }
0xcd: {  	[tilespmem:s31+$0x4000] =	vst v34  }
0xce: {  	[spmem:s2] =	stream.indirect.scatter.add.f32 [tilespmem:s25], [sflag:$0x2], $0x8, s10, s23, $0xb8;
	[tilespmem:$0x1E000] =	vst v63  }
0xcf: {  	_ =	swait.ge [sflag:s22], $0x8000  }
0xd0: {  	[sflag:s22] =	ssyncset.done $0x0  }
0xd1: {  	[sflag:s22] =	ssyncadd.s32 $0xFFFF8000  }
0xd2: {  	[bflag:$0x0] =	sbarrier.arrive $0xFFFF  }
0xd3: {  	s0 =	rddreg [dreg:$0xd]  }
0xd4: {  	[hbm:s0], [sflag:s29] =	dma.local [spmem:s30], $0x1000  }
0xd5: {  	_ =	swait.ge [sflag:s22], $0x1000  }
0xd6: {  	[sflag:s22] =	ssyncset.done $0x0  }
0xd7: {  	[sflag:s22] =	ssyncadd.s32 $0xFFFFF000  }
0xd8: {  	[spmem:s12] =	stream.linear.scatter [tilespmem:s24], [sflag:$0x2], $0x8000, $0x38;
	[tilespmem:$0x1E000] =	vst v63  }
0xd9: {  	_ =	swait.ge [sflag:s22], $0x8000  }
0xda: {  	[sflag:s22] =	ssyncset.done $0x0  }
0xdb: {  	[sflag:s22] =	ssyncadd.s32 $0xFFFF8000  }
0xdc: {  	[spmem:s13] =	stream.linear.scatter [tilespmem:s24], [sflag:$0x2], $0x1000, $0x38;
	[tilespmem:$0x1E000] =	vst v63  }
0xdd: {  	_ =	swait.ge [sflag:s22], $0x1000  }
0xde: {  	[sflag:s22] =	ssyncset.done $0x0  }
0xdf: {  	[sflag:s22] =	ssyncadd.s32 $0xFFFFF000  }
0xe0: {  	s31 =	simm.s32 $0x0;
	[bflag:$0x0] =	sbarrier.arrive $0xFFFF  }
0xe1: {  	v34 =	vld [tilespmem:s31+$0x3000];
	_ =	sdelay $0x3  }
0xe2: {  	s6 =	smov.u32 s1;
	v35 =	vor.u32 s1, v33;
	s0 =	simm.s32 $0x40  }
.LBB2_12:
0xe3: {  	s4 =	sshra.s32 s0, $0x2;
	p0 =	sne.s32 s0, $0x3FC0;
	s0 =	sadd.s32 $0x40, s0;
	v35 =	vand.u32 $0x1FFF, v35;
	vm0 =	vge.s32 v34, v4;
	vm1 =	vlt.s32 v34, v5  }
.Ltmp5:
0xe4: {  	v36 =	vsub.s32 v34, v4;
	v35 =	vor.u32 $0x10000, v35;
	vm0 =	vmand vm0, vm1;
	v34 =	vld [tilespmem:s4+$0x3000];
	(pc) =	sbr.rel @p0 .LBB2_12-.Ltmp5, $4  }
0xe5: {  	v35 =	vsel vm0, v36, v35  }
0xe6: {  	[tilespmem:s31+$0x4000] =	vst v35;
	s31 =	smov.u32 s4  }
0xe7: {  	s6 =	sadd.s32 $0x10, s6  }
0xe8: {  	v35 =	vor.u32 s6, v33  }
0xe9: {  	v35 =	vand.u32 $0x1FFF, v35;
	vm0 =	vge.s32 v34, v4;
	vm1 =	vlt.s32 v34, v5  }
0xea: {  	v63 =	vsub.s32 v34, v4;
	v35 =	vor.u32 $0x10000, v35;
	vm0 =	vmand vm0, vm1  }
0xeb: {  	v34 =	vsel vm0, v63, v35  }
0xec: {  	[tilespmem:s31+$0x4000] =	vst v34  }
0xed: {  	[spmem:s2] =	stream.indirect.scatter.add.f32 [tilespmem:s25], [sflag:$0x2], $0x8, s10, s23, $0xb8;
	[tilespmem:$0x1E000] =	vst v63  }
0xee: {  	_ =	swait.ge [sflag:s22], $0x8000  }
0xef: {  	[sflag:s22] =	ssyncset.done $0x0  }
0xf0: {  	[sflag:s22] =	ssyncadd.s32 $0xFFFF8000  }
0xf1: {  	[bflag:$0x0] =	sbarrier.arrive $0xFFFF  }
0xf2: {  	s0 =	rddreg [dreg:$0xe]  }
0xf3: {  	[hbm:s0], [sflag:s29] =	dma.local [spmem:s30], $0x1000  }
0xf4: {  	_ =	swait.ge [sflag:s22], $0x1000  }
0xf5: {  	[sflag:s22] =	ssyncset.done $0x0  }
0xf6: {  	[sflag:s22] =	ssyncadd.s32 $0xFFFFF000  }
0xf7: {  	[spmem:s12] =	stream.linear.scatter [tilespmem:s24], [sflag:$0x2], $0x8000, $0x38;
	[tilespmem:$0x1E000] =	vst v63  }
0xf8: {  	_ =	swait.ge [sflag:s22], $0x8000  }
0xf9: {  	[sflag:s22] =	ssyncset.done $0x0  }
0xfa: {  	[sflag:s22] =	ssyncadd.s32 $0xFFFF8000  }
0xfb: {  	[spmem:s13] =	stream.linear.scatter [tilespmem:s24], [sflag:$0x2], $0x1000, $0x38;
	[tilespmem:$0x1E000] =	vst v63  }
0xfc: {  	_ =	swait.ge [sflag:s22], $0x1000  }
0xfd: {  	[sflag:s22] =	ssyncset.done $0x0  }
0xfe: {  	[sflag:s22] =	ssyncadd.s32 $0xFFFFF000  }
0xff: {  	s31 =	simm.s32 $0x0;
	[bflag:$0x0] =	sbarrier.arrive $0xFFFF  }
0x100: {  	v34 =	vld [tilespmem:s31+$0x3000];
	_ =	sdelay $0x3  }
0x101: {  	s6 =	smov.u32 s1;
	v35 =	vor.u32 s1, v33;
	s0 =	simm.s32 $0x40  }
.LBB2_14:
0x102: {  	s4 =	sshra.s32 s0, $0x2;
	p0 =	sne.s32 s0, $0x3FC0;
	s0 =	sadd.s32 $0x40, s0;
	v35 =	vand.u32 $0x1FFF, v35;
	vm0 =	vge.s32 v34, v5;
	vm1 =	vlt.s32 v34, v6  }
.Ltmp6:
0x103: {  	v36 =	vsub.s32 v34, v5;
	v35 =	vor.u32 $0x10000, v35;
	vm0 =	vmand vm0, vm1;
	v34 =	vld [tilespmem:s4+$0x3000];
	(pc) =	sbr.rel @p0 .LBB2_14-.Ltmp6, $4  }
0x104: {  	v35 =	vsel vm0, v36, v35  }
0x105: {  	[tilespmem:s31+$0x4000] =	vst v35;
	s31 =	smov.u32 s4  }
0x106: {  	s6 =	sadd.s32 $0x10, s6  }
0x107: {  	v35 =	vor.u32 s6, v33  }
0x108: {  	v35 =	vand.u32 $0x1FFF, v35;
	vm0 =	vge.s32 v34, v5;
	vm1 =	vlt.s32 v34, v6  }
0x109: {  	v63 =	vsub.s32 v34, v5;
	v35 =	vor.u32 $0x10000, v35;
	vm0 =	vmand vm0, vm1  }
0x10a: {  	v34 =	vsel vm0, v63, v35  }
0x10b: {  	[tilespmem:s31+$0x4000] =	vst v34  }
0x10c: {  	[spmem:s2] =	stream.indirect.scatter.add.f32 [tilespmem:s25], [sflag:$0x2], $0x8, s10, s23, $0xb8;
	[tilespmem:$0x1E000] =	vst v63  }
0x10d: {  	_ =	swait.ge [sflag:s22], $0x8000  }
0x10e: {  	[sflag:s22] =	ssyncset.done $0x0  }
0x10f: {  	[sflag:s22] =	ssyncadd.s32 $0xFFFF8000  }
0x110: {  	[bflag:$0x0] =	sbarrier.arrive $0xFFFF  }
0x111: {  	s0 =	rddreg [dreg:$0xf]  }
0x112: {  	[hbm:s0], [sflag:s29] =	dma.local [spmem:s30], $0x1000  }
0x113: {  	_ =	swait.ge [sflag:s22], $0x1000  }
0x114: {  	[sflag:s22] =	ssyncset.done $0x0  }
0x115: {  	[sflag:s22] =	ssyncadd.s32 $0xFFFFF000  }
0x116: {  	[spmem:s12] =	stream.linear.scatter [tilespmem:s24], [sflag:$0x2], $0x8000, $0x38;
	[tilespmem:$0x1E000] =	vst v63  }
0x117: {  	_ =	swait.ge [sflag:s22], $0x8000  }
0x118: {  	[sflag:s22] =	ssyncset.done $0x0  }
0x119: {  	[sflag:s22] =	ssyncadd.s32 $0xFFFF8000  }
0x11a: {  	[spmem:s13] =	stream.linear.scatter [tilespmem:s24], [sflag:$0x2], $0x1000, $0x38;
	[tilespmem:$0x1E000] =	vst v63  }
0x11b: {  	_ =	swait.ge [sflag:s22], $0x1000  }
0x11c: {  	[sflag:s22] =	ssyncset.done $0x0  }
0x11d: {  	[sflag:s22] =	ssyncadd.s32 $0xFFFFF000  }
0x11e: {  	s31 =	simm.s32 $0x0;
	[bflag:$0x0] =	sbarrier.arrive $0xFFFF  }
0x11f: {  	v34 =	vld [tilespmem:s31+$0x3000];
	_ =	sdelay $0x3  }
0x120: {  	s6 =	smov.u32 s1;
	v35 =	vor.u32 s1, v33;
	s0 =	simm.s32 $0x40  }
.LBB2_16:
0x121: {  	s4 =	sshra.s32 s0, $0x2;
	p0 =	sne.s32 s0, $0x3FC0;
	s0 =	sadd.s32 $0x40, s0;
	v35 =	vand.u32 $0x1FFF, v35;
	vm0 =	vge.s32 v34, v6;
	vm1 =	vlt.s32 v34, v7  }
.Ltmp7:
0x122: {  	v36 =	vsub.s32 v34, v6;
	v35 =	vor.u32 $0x10000, v35;
	vm0 =	vmand vm0, vm1;
	v34 =	vld [tilespmem:s4+$0x3000];
	(pc) =	sbr.rel @p0 .LBB2_16-.Ltmp7, $4  }
0x123: {  	v35 =	vsel vm0, v36, v35  }
0x124: {  	[tilespmem:s31+$0x4000] =	vst v35;
	s31 =	smov.u32 s4  }
0x125: {  	s6 =	sadd.s32 $0x10, s6  }
0x126: {  	v35 =	vor.u32 s6, v33  }
0x127: {  	v35 =	vand.u32 $0x1FFF, v35;
	vm0 =	vge.s32 v34, v6;
	vm1 =	vlt.s32 v34, v7  }
0x128: {  	v63 =	vsub.s32 v34, v6;
	v35 =	vor.u32 $0x10000, v35;
	vm0 =	vmand vm0, vm1  }
0x129: {  	v34 =	vsel vm0, v63, v35  }
0x12a: {  	[tilespmem:s31+$0x4000] =	vst v34  }
0x12b: {  	[spmem:s2] =	stream.indirect.scatter.add.f32 [tilespmem:s25], [sflag:$0x2], $0x8, s10, s23, $0xb8;
	[tilespmem:$0x1E000] =	vst v63  }
0x12c: {  	_ =	swait.ge [sflag:s22], $0x8000  }
0x12d: {  	[sflag:s22] =	ssyncset.done $0x0  }
0x12e: {  	[sflag:s22] =	ssyncadd.s32 $0xFFFF8000  }
0x12f: {  	[bflag:$0x0] =	sbarrier.arrive $0xFFFF  }
0x130: {  	s0 =	rddreg [dreg:$0x10]  }
0x131: {  	[hbm:s0], [sflag:s29] =	dma.local [spmem:s30], $0x1000  }
0x132: {  	_ =	swait.ge [sflag:s22], $0x1000  }
0x133: {  	[sflag:s22] =	ssyncset.done $0x0  }
0x134: {  	[sflag:s22] =	ssyncadd.s32 $0xFFFFF000  }
0x135: {  	[spmem:s12] =	stream.linear.scatter [tilespmem:s24], [sflag:$0x2], $0x8000, $0x38;
	[tilespmem:$0x1E000] =	vst v63  }
0x136: {  	_ =	swait.ge [sflag:s22], $0x8000  }
0x137: {  	[sflag:s22] =	ssyncset.done $0x0  }
0x138: {  	[sflag:s22] =	ssyncadd.s32 $0xFFFF8000  }
0x139: {  	[spmem:s13] =	stream.linear.scatter [tilespmem:s24], [sflag:$0x2], $0x1000, $0x38;
	[tilespmem:$0x1E000] =	vst v63  }
0x13a: {  	_ =	swait.ge [sflag:s22], $0x1000  }
0x13b: {  	[sflag:s22] =	ssyncset.done $0x0  }
0x13c: {  	[sflag:s22] =	ssyncadd.s32 $0xFFFFF000  }
0x13d: {  	s31 =	simm.s32 $0x0;
	[bflag:$0x0] =	sbarrier.arrive $0xFFFF  }
0x13e: {  	v34 =	vld [tilespmem:s31+$0x3000];
	_ =	sdelay $0x3  }
0x13f: {  	s6 =	smov.u32 s1;
	v35 =	vor.u32 s1, v33;
	s0 =	simm.s32 $0x40  }
.LBB2_18:
0x140: {  	s4 =	sshra.s32 s0, $0x2;
	p0 =	sne.s32 s0, $0x3FC0;
	s0 =	sadd.s32 $0x40, s0;
	v35 =	vand.u32 $0x1FFF, v35;
	vm0 =	vge.s32 v34, v7;
	vm1 =	vlt.s32 v34, v8  }
.Ltmp8:
0x141: {  	v36 =	vsub.s32 v34, v7;
	v35 =	vor.u32 $0x10000, v35;
	vm0 =	vmand vm0, vm1;
	v34 =	vld [tilespmem:s4+$0x3000];
	(pc) =	sbr.rel @p0 .LBB2_18-.Ltmp8, $4  }
0x142: {  	v35 =	vsel vm0, v36, v35  }
0x143: {  	[tilespmem:s31+$0x4000] =	vst v35;
	s31 =	smov.u32 s4  }
0x144: {  	s6 =	sadd.s32 $0x10, s6  }
0x145: {  	v35 =	vor.u32 s6, v33  }
0x146: {  	v35 =	vand.u32 $0x1FFF, v35;
	vm0 =	vge.s32 v34, v7;
	vm1 =	vlt.s32 v34, v8  }
0x147: {  	v63 =	vsub.s32 v34, v7;
	v35 =	vor.u32 $0x10000, v35;
	vm0 =	vmand vm0, vm1  }
0x148: {  	v34 =	vsel vm0, v63, v35  }
0x149: {  	[tilespmem:s31+$0x4000] =	vst v34  }
0x14a: {  	[spmem:s2] =	stream.indirect.scatter.add.f32 [tilespmem:s25], [sflag:$0x2], $0x8, s10, s23, $0xb8;
	[tilespmem:$0x1E000] =	vst v63  }
0x14b: {  	_ =	swait.ge [sflag:s22], $0x8000  }
0x14c: {  	[sflag:s22] =	ssyncset.done $0x0  }
0x14d: {  	[sflag:s22] =	ssyncadd.s32 $0xFFFF8000  }
0x14e: {  	[bflag:$0x0] =	sbarrier.arrive $0xFFFF  }
0x14f: {  	s0 =	rddreg [dreg:$0x11]  }
0x150: {  	[hbm:s0], [sflag:s29] =	dma.local [spmem:s30], $0x1000  }
0x151: {  	_ =	swait.ge [sflag:s22], $0x1000  }
0x152: {  	[sflag:s22] =	ssyncset.done $0x0  }
0x153: {  	[sflag:s22] =	ssyncadd.s32 $0xFFFFF000  }
0x154: {  	[spmem:s12] =	stream.linear.scatter [tilespmem:s24], [sflag:$0x2], $0x8000, $0x38;
	[tilespmem:$0x1E000] =	vst v63  }
0x155: {  	_ =	swait.ge [sflag:s22], $0x8000  }
0x156: {  	[sflag:s22] =	ssyncset.done $0x0  }
0x157: {  	[sflag:s22] =	ssyncadd.s32 $0xFFFF8000  }
0x158: {  	[spmem:s13] =	stream.linear.scatter [tilespmem:s24], [sflag:$0x2], $0x1000, $0x38;
	[tilespmem:$0x1E000] =	vst v63  }
0x159: {  	_ =	swait.ge [sflag:s22], $0x1000  }
0x15a: {  	[sflag:s22] =	ssyncset.done $0x0  }
0x15b: {  	[sflag:s22] =	ssyncadd.s32 $0xFFFFF000  }
0x15c: {  	s31 =	simm.s32 $0x0;
	[bflag:$0x0] =	sbarrier.arrive $0xFFFF  }
0x15d: {  	v34 =	vld [tilespmem:s31+$0x3000];
	_ =	sdelay $0x3  }
0x15e: {  	s6 =	smov.u32 s1;
	v35 =	vor.u32 s1, v33;
	s0 =	simm.s32 $0x40  }
.LBB2_20:
0x15f: {  	s4 =	sshra.s32 s0, $0x2;
	p0 =	sne.s32 s0, $0x3FC0;
	s0 =	sadd.s32 $0x40, s0;
	v35 =	vand.u32 $0x1FFF, v35;
	vm0 =	vge.s32 v34, v8;
	vm1 =	vlt.s32 v34, v9  }
.Ltmp9:
0x160: {  	v36 =	vsub.s32 v34, v8;
	v35 =	vor.u32 $0x10000, v35;
	vm0 =	vmand vm0, vm1;
	v34 =	vld [tilespmem:s4+$0x3000];
	(pc) =	sbr.rel @p0 .LBB2_20-.Ltmp9, $4  }
0x161: {  	v35 =	vsel vm0, v36, v35  }
0x162: {  	[tilespmem:s31+$0x4000] =	vst v35;
	s31 =	smov.u32 s4  }
0x163: {  	s6 =	sadd.s32 $0x10, s6  }
0x164: {  	v35 =	vor.u32 s6, v33  }
0x165: {  	v35 =	vand.u32 $0x1FFF, v35;
	vm0 =	vge.s32 v34, v8;
	vm1 =	vlt.s32 v34, v9  }
0x166: {  	v63 =	vsub.s32 v34, v8;
	v35 =	vor.u32 $0x10000, v35;
	vm0 =	vmand vm0, vm1  }
0x167: {  	v34 =	vsel vm0, v63, v35  }
0x168: {  	[tilespmem:s31+$0x4000] =	vst v34  }
0x169: {  	[spmem:s2] =	stream.indirect.scatter.add.f32 [tilespmem:s25], [sflag:$0x2], $0x8, s10, s23, $0xb8;
	[tilespmem:$0x1E000] =	vst v63  }
0x16a: {  	_ =	swait.ge [sflag:s22], $0x8000  }
0x16b: {  	[sflag:s22] =	ssyncset.done $0x0  }
0x16c: {  	[sflag:s22] =	ssyncadd.s32 $0xFFFF8000  }
0x16d: {  	[bflag:$0x0] =	sbarrier.arrive $0xFFFF  }
0x16e: {  	s0 =	rddreg [dreg:$0x12]  }
0x16f: {  	[hbm:s0], [sflag:s29] =	dma.local [spmem:s30], $0x1000  }
0x170: {  	_ =	swait.ge [sflag:s22], $0x1000  }
0x171: {  	[sflag:s22] =	ssyncset.done $0x0  }
0x172: {  	[sflag:s22] =	ssyncadd.s32 $0xFFFFF000  }
0x173: {  	[spmem:s12] =	stream.linear.scatter [tilespmem:s24], [sflag:$0x2], $0x8000, $0x38;
	[tilespmem:$0x1E000] =	vst v63  }
0x174: {  	_ =	swait.ge [sflag:s22], $0x8000  }
0x175: {  	[sflag:s22] =	ssyncset.done $0x0  }
0x176: {  	[sflag:s22] =	ssyncadd.s32 $0xFFFF8000  }
0x177: {  	[spmem:s13] =	stream.linear.scatter [tilespmem:s24], [sflag:$0x2], $0x1000, $0x38;
	[tilespmem:$0x1E000] =	vst v63  }
0x178: {  	_ =	swait.ge [sflag:s22], $0x1000  }
0x179: {  	[sflag:s22] =	ssyncset.done $0x0  }
0x17a: {  	[sflag:s22] =	ssyncadd.s32 $0xFFFFF000  }
0x17b: {  	s31 =	simm.s32 $0x0;
	[bflag:$0x0] =	sbarrier.arrive $0xFFFF  }
0x17c: {  	v34 =	vld [tilespmem:s31+$0x3000];
	_ =	sdelay $0x3  }
0x17d: {  	s6 =	smov.u32 s1;
	v35 =	vor.u32 s1, v33;
	s0 =	simm.s32 $0x40  }
.LBB2_22:
0x17e: {  	s4 =	sshra.s32 s0, $0x2;
	p0 =	sne.s32 s0, $0x3FC0;
	s0 =	sadd.s32 $0x40, s0;
	v35 =	vand.u32 $0x1FFF, v35;
	vm0 =	vge.s32 v34, v9;
	vm1 =	vlt.s32 v34, v10  }
.Ltmp10:
0x17f: {  	v36 =	vsub.s32 v34, v9;
	v35 =	vor.u32 $0x10000, v35;
	vm0 =	vmand vm0, vm1;
	v34 =	vld [tilespmem:s4+$0x3000];
	(pc) =	sbr.rel @p0 .LBB2_22-.Ltmp10, $4  }
0x180: {  	v35 =	vsel vm0, v36, v35  }
0x181: {  	[tilespmem:s31+$0x4000] =	vst v35;
	s31 =	smov.u32 s4  }
0x182: {  	s6 =	sadd.s32 $0x10, s6  }
0x183: {  	v35 =	vor.u32 s6, v33  }
0x184: {  	v35 =	vand.u32 $0x1FFF, v35;
	vm0 =	vge.s32 v34, v9;
	vm1 =	vlt.s32 v34, v10  }
0x185: {  	v63 =	vsub.s32 v34, v9;
	v35 =	vor.u32 $0x10000, v35;
	vm0 =	vmand vm0, vm1  }
0x186: {  	v34 =	vsel vm0, v63, v35  }
0x187: {  	[tilespmem:s31+$0x4000] =	vst v34  }
0x188: {  	[spmem:s2] =	stream.indirect.scatter.add.f32 [tilespmem:s25], [sflag:$0x2], $0x8, s10, s23, $0xb8;
	[tilespmem:$0x1E000] =	vst v63  }
0x189: {  	_ =	swait.ge [sflag:s22], $0x8000  }
0x18a: {  	[sflag:s22] =	ssyncset.done $0x0  }
0x18b: {  	[sflag:s22] =	ssyncadd.s32 $0xFFFF8000  }
0x18c: {  	[bflag:$0x0] =	sbarrier.arrive $0xFFFF  }
0x18d: {  	s0 =	rddreg [dreg:$0x13]  }
0x18e: {  	[hbm:s0], [sflag:s29] =	dma.local [spmem:s30], $0x1000  }
0x18f: {  	_ =	swait.ge [sflag:s22], $0x1000  }
0x190: {  	[sflag:s22] =	ssyncset.done $0x0  }
0x191: {  	[sflag:s22] =	ssyncadd.s32 $0xFFFFF000  }
0x192: {  	[spmem:s12] =	stream.linear.scatter [tilespmem:s24], [sflag:$0x2], $0x8000, $0x38;
	[tilespmem:$0x1E000] =	vst v63  }
0x193: {  	_ =	swait.ge [sflag:s22], $0x8000  }
0x194: {  	[sflag:s22] =	ssyncset.done $0x0  }
0x195: {  	[sflag:s22] =	ssyncadd.s32 $0xFFFF8000  }
0x196: {  	[spmem:s13] =	stream.linear.scatter [tilespmem:s24], [sflag:$0x2], $0x1000, $0x38;
	[tilespmem:$0x1E000] =	vst v63  }
0x197: {  	_ =	swait.ge [sflag:s22], $0x1000  }
0x198: {  	[sflag:s22] =	ssyncset.done $0x0  }
0x199: {  	[sflag:s22] =	ssyncadd.s32 $0xFFFFF000  }
0x19a: {  	s31 =	simm.s32 $0x0;
	[bflag:$0x0] =	sbarrier.arrive $0xFFFF  }
0x19b: {  	v34 =	vld [tilespmem:s31+$0x3000];
	_ =	sdelay $0x3  }
0x19c: {  	s6 =	smov.u32 s1;
	v35 =	vor.u32 s1, v33;
	s0 =	simm.s32 $0x40  }
.LBB2_24:
0x19d: {  	s4 =	sshra.s32 s0, $0x2;
	p0 =	sne.s32 s0, $0x3FC0;
	s0 =	sadd.s32 $0x40, s0;
	v35 =	vand.u32 $0x1FFF, v35;
	vm0 =	vge.s32 v34, v10;
	vm1 =	vlt.s32 v34, v11  }
.Ltmp11:
0x19e: {  	v36 =	vsub.s32 v34, v10;
	v35 =	vor.u32 $0x10000, v35;
	vm0 =	vmand vm0, vm1;
	v34 =	vld [tilespmem:s4+$0x3000];
	(pc) =	sbr.rel @p0 .LBB2_24-.Ltmp11, $4  }
0x19f: {  	v35 =	vsel vm0, v36, v35  }
0x1a0: {  	[tilespmem:s31+$0x4000] =	vst v35;
	s31 =	smov.u32 s4  }
0x1a1: {  	s6 =	sadd.s32 $0x10, s6  }
0x1a2: {  	v35 =	vor.u32 s6, v33  }
0x1a3: {  	v35 =	vand.u32 $0x1FFF, v35;
	vm0 =	vge.s32 v34, v10;
	vm1 =	vlt.s32 v34, v11  }
0x1a4: {  	v63 =	vsub.s32 v34, v10;
	v35 =	vor.u32 $0x10000, v35;
	vm0 =	vmand vm0, vm1  }
0x1a5: {  	v34 =	vsel vm0, v63, v35  }
0x1a6: {  	[tilespmem:s31+$0x4000] =	vst v34  }
0x1a7: {  	[spmem:s2] =	stream.indirect.scatter.add.f32 [tilespmem:s25], [sflag:$0x2], $0x8, s10, s23, $0xb8;
	[tilespmem:$0x1E000] =	vst v63  }
0x1a8: {  	_ =	swait.ge [sflag:s22], $0x8000  }
0x1a9: {  	[sflag:s22] =	ssyncset.done $0x0  }
0x1aa: {  	[sflag:s22] =	ssyncadd.s32 $0xFFFF8000  }
0x1ab: {  	[bflag:$0x0] =	sbarrier.arrive $0xFFFF  }
0x1ac: {  	s0 =	rddreg [dreg:$0x14]  }
0x1ad: {  	[hbm:s0], [sflag:s29] =	dma.local [spmem:s30], $0x1000  }
0x1ae: {  	_ =	swait.ge [sflag:s22], $0x1000  }
0x1af: {  	[sflag:s22] =	ssyncset.done $0x0  }
0x1b0: {  	[sflag:s22] =	ssyncadd.s32 $0xFFFFF000  }
0x1b1: {  	[spmem:s12] =	stream.linear.scatter [tilespmem:s24], [sflag:$0x2], $0x8000, $0x38;
	[tilespmem:$0x1E000] =	vst v63  }
0x1b2: {  	_ =	swait.ge [sflag:s22], $0x8000  }
0x1b3: {  	[sflag:s22] =	ssyncset.done $0x0  }
0x1b4: {  	[sflag:s22] =	ssyncadd.s32 $0xFFFF8000  }
0x1b5: {  	[spmem:s13] =	stream.linear.scatter [tilespmem:s24], [sflag:$0x2], $0x1000, $0x38;
	[tilespmem:$0x1E000] =	vst v63  }
0x1b6: {  	_ =	swait.ge [sflag:s22], $0x1000  }
0x1b7: {  	[sflag:s22] =	ssyncset.done $0x0  }
0x1b8: {  	[sflag:s22] =	ssyncadd.s32 $0xFFFFF000  }
0x1b9: {  	s31 =	simm.s32 $0x0;
	[bflag:$0x0] =	sbarrier.arrive $0xFFFF  }
0x1ba: {  	v34 =	vld [tilespmem:s31+$0x3000];
	_ =	sdelay $0x3  }
0x1bb: {  	s6 =	smov.u32 s1;
	v35 =	vor.u32 s1, v33;
	s0 =	simm.s32 $0x40  }
.LBB2_26:
0x1bc: {  	s4 =	sshra.s32 s0, $0x2;
	p0 =	sne.s32 s0, $0x3FC0;
	s0 =	sadd.s32 $0x40, s0;
	v35 =	vand.u32 $0x1FFF, v35;
	vm0 =	vge.s32 v34, v11;
	vm1 =	vlt.s32 v34, v12  }
.Ltmp12:
0x1bd: {  	v36 =	vsub.s32 v34, v11;
	v35 =	vor.u32 $0x10000, v35;
	vm0 =	vmand vm0, vm1;
	v34 =	vld [tilespmem:s4+$0x3000];
	(pc) =	sbr.rel @p0 .LBB2_26-.Ltmp12, $4  }
0x1be: {  	v35 =	vsel vm0, v36, v35  }
0x1bf: {  	[tilespmem:s31+$0x4000] =	vst v35;
	s31 =	smov.u32 s4  }
0x1c0: {  	s6 =	sadd.s32 $0x10, s6  }
0x1c1: {  	v35 =	vor.u32 s6, v33  }
0x1c2: {  	v35 =	vand.u32 $0x1FFF, v35;
	vm0 =	vge.s32 v34, v11;
	vm1 =	vlt.s32 v34, v12  }
0x1c3: {  	v63 =	vsub.s32 v34, v11;
	v35 =	vor.u32 $0x10000, v35;
	vm0 =	vmand vm0, vm1  }
0x1c4: {  	v34 =	vsel vm0, v63, v35  }
0x1c5: {  	[tilespmem:s31+$0x4000] =	vst v34  }
0x1c6: {  	[spmem:s2] =	stream.indirect.scatter.add.f32 [tilespmem:s25], [sflag:$0x2], $0x8, s10, s23, $0xb8;
	[tilespmem:$0x1E000] =	vst v63  }
0x1c7: {  	_ =	swait.ge [sflag:s22], $0x8000  }
0x1c8: {  	[sflag:s22] =	ssyncset.done $0x0  }
0x1c9: {  	[sflag:s22] =	ssyncadd.s32 $0xFFFF8000  }
0x1ca: {  	[bflag:$0x0] =	sbarrier.arrive $0xFFFF  }
0x1cb: {  	s0 =	rddreg [dreg:$0x15]  }
0x1cc: {  	[hbm:s0], [sflag:s29] =	dma.local [spmem:s30], $0x1000  }
0x1cd: {  	_ =	swait.ge [sflag:s22], $0x1000  }
0x1ce: {  	[sflag:s22] =	ssyncset.done $0x0  }
0x1cf: {  	[sflag:s22] =	ssyncadd.s32 $0xFFFFF000  }
0x1d0: {  	[spmem:s12] =	stream.linear.scatter [tilespmem:s24], [sflag:$0x2], $0x8000, $0x38;
	[tilespmem:$0x1E000] =	vst v63  }
0x1d1: {  	_ =	swait.ge [sflag:s22], $0x8000  }
0x1d2: {  	[sflag:s22] =	ssyncset.done $0x0  }
0x1d3: {  	[sflag:s22] =	ssyncadd.s32 $0xFFFF8000  }
0x1d4: {  	[spmem:s13] =	stream.linear.scatter [tilespmem:s24], [sflag:$0x2], $0x1000, $0x38;
	[tilespmem:$0x1E000] =	vst v63  }
0x1d5: {  	_ =	swait.ge [sflag:s22], $0x1000  }
0x1d6: {  	[sflag:s22] =	ssyncset.done $0x0  }
0x1d7: {  	[sflag:s22] =	ssyncadd.s32 $0xFFFFF000  }
0x1d8: {  	s31 =	simm.s32 $0x0;
	[bflag:$0x0] =	sbarrier.arrive $0xFFFF  }
0x1d9: {  	v34 =	vld [tilespmem:s31+$0x3000];
	_ =	sdelay $0x3  }
0x1da: {  	s6 =	smov.u32 s1;
	v35 =	vor.u32 s1, v33;
	s0 =	simm.s32 $0x40  }
.LBB2_28:
0x1db: {  	s4 =	sshra.s32 s0, $0x2;
	p0 =	sne.s32 s0, $0x3FC0;
	s0 =	sadd.s32 $0x40, s0;
	v35 =	vand.u32 $0x1FFF, v35;
	vm0 =	vge.s32 v34, v12;
	vm1 =	vlt.s32 v34, v13  }
.Ltmp13:
0x1dc: {  	v36 =	vsub.s32 v34, v12;
	v35 =	vor.u32 $0x10000, v35;
	vm0 =	vmand vm0, vm1;
	v34 =	vld [tilespmem:s4+$0x3000];
	(pc) =	sbr.rel @p0 .LBB2_28-.Ltmp13, $4  }
0x1dd: {  	v35 =	vsel vm0, v36, v35  }
0x1de: {  	[tilespmem:s31+$0x4000] =	vst v35;
	s31 =	smov.u32 s4  }
0x1df: {  	s6 =	sadd.s32 $0x10, s6  }
0x1e0: {  	v35 =	vor.u32 s6, v33  }
0x1e1: {  	v35 =	vand.u32 $0x1FFF, v35;
	vm0 =	vge.s32 v34, v12;
	vm1 =	vlt.s32 v34, v13  }
0x1e2: {  	v63 =	vsub.s32 v34, v12;
	v35 =	vor.u32 $0x10000, v35;
	vm0 =	vmand vm0, vm1  }
0x1e3: {  	v34 =	vsel vm0, v63, v35  }
0x1e4: {  	[tilespmem:s31+$0x4000] =	vst v34  }
0x1e5: {  	[spmem:s2] =	stream.indirect.scatter.add.f32 [tilespmem:s25], [sflag:$0x2], $0x8, s10, s23, $0xb8;
	[tilespmem:$0x1E000] =	vst v63  }
0x1e6: {  	_ =	swait.ge [sflag:s22], $0x8000  }
0x1e7: {  	[sflag:s22] =	ssyncset.done $0x0  }
0x1e8: {  	[sflag:s22] =	ssyncadd.s32 $0xFFFF8000  }
0x1e9: {  	[bflag:$0x0] =	sbarrier.arrive $0xFFFF  }
0x1ea: {  	s0 =	rddreg [dreg:$0x16]  }
0x1eb: {  	[hbm:s0], [sflag:s29] =	dma.local [spmem:s30], $0x1000  }
0x1ec: {  	_ =	swait.ge [sflag:s22], $0x1000  }
0x1ed: {  	[sflag:s22] =	ssyncset.done $0x0  }
0x1ee: {  	[sflag:s22] =	ssyncadd.s32 $0xFFFFF000  }
0x1ef: {  	[spmem:s12] =	stream.linear.scatter [tilespmem:s24], [sflag:$0x2], $0x8000, $0x38;
	[tilespmem:$0x1E000] =	vst v63  }
0x1f0: {  	_ =	swait.ge [sflag:s22], $0x8000  }
0x1f1: {  	[sflag:s22] =	ssyncset.done $0x0  }
0x1f2: {  	[sflag:s22] =	ssyncadd.s32 $0xFFFF8000  }
0x1f3: {  	[spmem:s13] =	stream.linear.scatter [tilespmem:s24], [sflag:$0x2], $0x1000, $0x38;
	[tilespmem:$0x1E000] =	vst v63  }
0x1f4: {  	_ =	swait.ge [sflag:s22], $0x1000  }
0x1f5: {  	[sflag:s22] =	ssyncset.done $0x0  }
0x1f6: {  	[sflag:s22] =	ssyncadd.s32 $0xFFFFF000  }
0x1f7: {  	s31 =	simm.s32 $0x0;
	[bflag:$0x0] =	sbarrier.arrive $0xFFFF  }
0x1f8: {  	v34 =	vld [tilespmem:s31+$0x3000];
	_ =	sdelay $0x3  }
0x1f9: {  	s6 =	smov.u32 s1;
	v35 =	vor.u32 s1, v33;
	s0 =	simm.s32 $0x40  }
.LBB2_30:
0x1fa: {  	s4 =	sshra.s32 s0, $0x2;
	p0 =	sne.s32 s0, $0x3FC0;
	s0 =	sadd.s32 $0x40, s0;
	v35 =	vand.u32 $0x1FFF, v35;
	vm0 =	vge.s32 v34, v13;
	vm1 =	vlt.s32 v34, v14  }
.Ltmp14:
0x1fb: {  	v36 =	vsub.s32 v34, v13;
	v35 =	vor.u32 $0x10000, v35;
	vm0 =	vmand vm0, vm1;
	v34 =	vld [tilespmem:s4+$0x3000];
	(pc) =	sbr.rel @p0 .LBB2_30-.Ltmp14, $4  }
0x1fc: {  	v35 =	vsel vm0, v36, v35  }
0x1fd: {  	[tilespmem:s31+$0x4000] =	vst v35;
	s31 =	smov.u32 s4  }
0x1fe: {  	s6 =	sadd.s32 $0x10, s6  }
0x1ff: {  	v35 =	vor.u32 s6, v33  }
0x200: {  	v35 =	vand.u32 $0x1FFF, v35;
	vm0 =	vge.s32 v34, v13;
	vm1 =	vlt.s32 v34, v14  }
0x201: {  	v63 =	vsub.s32 v34, v13;
	v35 =	vor.u32 $0x10000, v35;
	vm0 =	vmand vm0, vm1  }
0x202: {  	v34 =	vsel vm0, v63, v35  }
0x203: {  	[tilespmem:s31+$0x4000] =	vst v34  }
0x204: {  	[spmem:s2] =	stream.indirect.scatter.add.f32 [tilespmem:s25], [sflag:$0x2], $0x8, s10, s23, $0xb8;
	[tilespmem:$0x1E000] =	vst v63  }
0x205: {  	_ =	swait.ge [sflag:s22], $0x8000  }
0x206: {  	[sflag:s22] =	ssyncset.done $0x0  }
0x207: {  	[sflag:s22] =	ssyncadd.s32 $0xFFFF8000  }
0x208: {  	[bflag:$0x0] =	sbarrier.arrive $0xFFFF  }
0x209: {  	s0 =	rddreg [dreg:$0x17]  }
0x20a: {  	[hbm:s0], [sflag:s29] =	dma.local [spmem:s30], $0x1000  }
0x20b: {  	_ =	swait.ge [sflag:s22], $0x1000  }
0x20c: {  	[sflag:s22] =	ssyncset.done $0x0  }
0x20d: {  	[sflag:s22] =	ssyncadd.s32 $0xFFFFF000  }
0x20e: {  	[spmem:s12] =	stream.linear.scatter [tilespmem:s24], [sflag:$0x2], $0x8000, $0x38;
	[tilespmem:$0x1E000] =	vst v63  }
0x20f: {  	_ =	swait.ge [sflag:s22], $0x8000  }
0x210: {  	[sflag:s22] =	ssyncset.done $0x0  }
0x211: {  	[sflag:s22] =	ssyncadd.s32 $0xFFFF8000  }
0x212: {  	[spmem:s13] =	stream.linear.scatter [tilespmem:s24], [sflag:$0x2], $0x1000, $0x38;
	[tilespmem:$0x1E000] =	vst v63  }
0x213: {  	_ =	swait.ge [sflag:s22], $0x1000  }
0x214: {  	[sflag:s22] =	ssyncset.done $0x0  }
0x215: {  	[sflag:s22] =	ssyncadd.s32 $0xFFFFF000  }
0x216: {  	s31 =	simm.s32 $0x0;
	[bflag:$0x0] =	sbarrier.arrive $0xFFFF  }
0x217: {  	v34 =	vld [tilespmem:s31+$0x3000];
	_ =	sdelay $0x3  }
0x218: {  	s6 =	smov.u32 s1;
	v35 =	vor.u32 s1, v33;
	s0 =	simm.s32 $0x40  }
.LBB2_32:
0x219: {  	s4 =	sshra.s32 s0, $0x2;
	p0 =	sne.s32 s0, $0x3FC0;
	s0 =	sadd.s32 $0x40, s0;
	v35 =	vand.u32 $0x1FFF, v35;
	vm0 =	vge.s32 v34, v14;
	vm1 =	vlt.s32 v34, v15  }
.Ltmp15:
0x21a: {  	v36 =	vsub.s32 v34, v14;
	v35 =	vor.u32 $0x10000, v35;
	vm0 =	vmand vm0, vm1;
	v34 =	vld [tilespmem:s4+$0x3000];
	(pc) =	sbr.rel @p0 .LBB2_32-.Ltmp15, $4  }
0x21b: {  	v35 =	vsel vm0, v36, v35  }
0x21c: {  	[tilespmem:s31+$0x4000] =	vst v35;
	s31 =	smov.u32 s4  }
0x21d: {  	s6 =	sadd.s32 $0x10, s6  }
0x21e: {  	v35 =	vor.u32 s6, v33  }
0x21f: {  	v35 =	vand.u32 $0x1FFF, v35;
	vm0 =	vge.s32 v34, v14;
	vm1 =	vlt.s32 v34, v15  }
0x220: {  	v63 =	vsub.s32 v34, v14;
	v35 =	vor.u32 $0x10000, v35;
	vm0 =	vmand vm0, vm1  }
0x221: {  	v34 =	vsel vm0, v63, v35  }
0x222: {  	[tilespmem:s31+$0x4000] =	vst v34  }
0x223: {  	[spmem:s2] =	stream.indirect.scatter.add.f32 [tilespmem:s25], [sflag:$0x2], $0x8, s10, s23, $0xb8;
	[tilespmem:$0x1E000] =	vst v63  }
0x224: {  	_ =	swait.ge [sflag:s22], $0x8000  }
0x225: {  	[sflag:s22] =	ssyncset.done $0x0  }
0x226: {  	[sflag:s22] =	ssyncadd.s32 $0xFFFF8000  }
0x227: {  	[bflag:$0x0] =	sbarrier.arrive $0xFFFF  }
0x228: {  	s0 =	rddreg [dreg:$0x18]  }
0x229: {  	[hbm:s0], [sflag:s29] =	dma.local [spmem:s30], $0x1000  }
0x22a: {  	_ =	swait.ge [sflag:s22], $0x1000  }
0x22b: {  	[sflag:s22] =	ssyncset.done $0x0  }
0x22c: {  	[sflag:s22] =	ssyncadd.s32 $0xFFFFF000  }
0x22d: {  	[spmem:s12] =	stream.linear.scatter [tilespmem:s24], [sflag:$0x2], $0x8000, $0x38;
	[tilespmem:$0x1E000] =	vst v63  }
0x22e: {  	_ =	swait.ge [sflag:s22], $0x8000  }
0x22f: {  	[sflag:s22] =	ssyncset.done $0x0  }
0x230: {  	[sflag:s22] =	ssyncadd.s32 $0xFFFF8000  }
0x231: {  	[spmem:s13] =	stream.linear.scatter [tilespmem:s24], [sflag:$0x2], $0x1000, $0x38;
	[tilespmem:$0x1E000] =	vst v63  }
0x232: {  	_ =	swait.ge [sflag:s22], $0x1000  }
0x233: {  	[sflag:s22] =	ssyncset.done $0x0  }
0x234: {  	[sflag:s22] =	ssyncadd.s32 $0xFFFFF000  }
0x235: {  	s31 =	simm.s32 $0x0;
	[bflag:$0x0] =	sbarrier.arrive $0xFFFF  }
0x236: {  	v34 =	vld [tilespmem:s31+$0x3000];
	_ =	sdelay $0x3  }
0x237: {  	s6 =	smov.u32 s1;
	v35 =	vor.u32 s1, v33;
	s0 =	simm.s32 $0x40  }
.LBB2_34:
0x238: {  	s4 =	sshra.s32 s0, $0x2;
	p0 =	sne.s32 s0, $0x3FC0;
	s0 =	sadd.s32 $0x40, s0;
	v35 =	vand.u32 $0x1FFF, v35;
	vm0 =	vge.s32 v34, v15;
	vm1 =	vlt.s32 v34, v16  }
.Ltmp16:
0x239: {  	v36 =	vsub.s32 v34, v15;
	v35 =	vor.u32 $0x10000, v35;
	vm0 =	vmand vm0, vm1;
	v34 =	vld [tilespmem:s4+$0x3000];
	(pc) =	sbr.rel @p0 .LBB2_34-.Ltmp16, $4  }
0x23a: {  	v35 =	vsel vm0, v36, v35  }
0x23b: {  	[tilespmem:s31+$0x4000] =	vst v35;
	s31 =	smov.u32 s4  }
0x23c: {  	s6 =	sadd.s32 $0x10, s6  }
0x23d: {  	v35 =	vor.u32 s6, v33  }
0x23e: {  	v35 =	vand.u32 $0x1FFF, v35;
	vm0 =	vge.s32 v34, v15;
	vm1 =	vlt.s32 v34, v16  }
0x23f: {  	v63 =	vsub.s32 v34, v15;
	v35 =	vor.u32 $0x10000, v35;
	vm0 =	vmand vm0, vm1  }
0x240: {  	v34 =	vsel vm0, v63, v35  }
0x241: {  	[tilespmem:s31+$0x4000] =	vst v34  }
0x242: {  	[spmem:s2] =	stream.indirect.scatter.add.f32 [tilespmem:s25], [sflag:$0x2], $0x8, s10, s23, $0xb8;
	[tilespmem:$0x1E000] =	vst v63  }
0x243: {  	_ =	swait.ge [sflag:s22], $0x8000  }
0x244: {  	[sflag:s22] =	ssyncset.done $0x0  }
0x245: {  	[sflag:s22] =	ssyncadd.s32 $0xFFFF8000  }
0x246: {  	[bflag:$0x0] =	sbarrier.arrive $0xFFFF  }
0x247: {  	s0 =	rddreg [dreg:$0x19]  }
0x248: {  	[hbm:s0], [sflag:s29] =	dma.local [spmem:s30], $0x1000  }
0x249: {  	_ =	swait.ge [sflag:s22], $0x1000  }
0x24a: {  	[sflag:s22] =	ssyncset.done $0x0  }
0x24b: {  	[sflag:s22] =	ssyncadd.s32 $0xFFFFF000  }
0x24c: {  	[spmem:s12] =	stream.linear.scatter [tilespmem:s24], [sflag:$0x2], $0x8000, $0x38;
	[tilespmem:$0x1E000] =	vst v63  }
0x24d: {  	_ =	swait.ge [sflag:s22], $0x8000  }
0x24e: {  	[sflag:s22] =	ssyncset.done $0x0  }
0x24f: {  	[sflag:s22] =	ssyncadd.s32 $0xFFFF8000  }
0x250: {  	[spmem:s13] =	stream.linear.scatter [tilespmem:s24], [sflag:$0x2], $0x1000, $0x38;
	[tilespmem:$0x1E000] =	vst v63  }
0x251: {  	_ =	swait.ge [sflag:s22], $0x1000  }
0x252: {  	[sflag:s22] =	ssyncset.done $0x0  }
0x253: {  	[sflag:s22] =	ssyncadd.s32 $0xFFFFF000  }
0x254: {  	s31 =	simm.s32 $0x0;
	[bflag:$0x0] =	sbarrier.arrive $0xFFFF  }
0x255: {  	v34 =	vld [tilespmem:s31+$0x3000];
	_ =	sdelay $0x3  }
0x256: {  	s6 =	smov.u32 s1;
	v35 =	vor.u32 s1, v33;
	s0 =	simm.s32 $0x40  }
.LBB2_36:
0x257: {  	s4 =	sshra.s32 s0, $0x2;
	p0 =	sne.s32 s0, $0x3FC0;
	s0 =	sadd.s32 $0x40, s0;
	v35 =	vand.u32 $0x1FFF, v35;
	vm0 =	vge.s32 v34, v16;
	vm1 =	vlt.s32 v34, v17  }
.Ltmp17:
0x258: {  	v36 =	vsub.s32 v34, v16;
	v35 =	vor.u32 $0x10000, v35;
	vm0 =	vmand vm0, vm1;
	v34 =	vld [tilespmem:s4+$0x3000];
	(pc) =	sbr.rel @p0 .LBB2_36-.Ltmp17, $4  }
0x259: {  	v35 =	vsel vm0, v36, v35  }
0x25a: {  	[tilespmem:s31+$0x4000] =	vst v35;
	s31 =	smov.u32 s4  }
0x25b: {  	s6 =	sadd.s32 $0x10, s6  }
0x25c: {  	v35 =	vor.u32 s6, v33  }
0x25d: {  	v35 =	vand.u32 $0x1FFF, v35;
	vm0 =	vge.s32 v34, v16;
	vm1 =	vlt.s32 v34, v17  }
0x25e: {  	v63 =	vsub.s32 v34, v16;
	v35 =	vor.u32 $0x10000, v35;
	vm0 =	vmand vm0, vm1  }
0x25f: {  	v34 =	vsel vm0, v63, v35  }
0x260: {  	[tilespmem:s31+$0x4000] =	vst v34  }
0x261: {  	[spmem:s2] =	stream.indirect.scatter.add.f32 [tilespmem:s25], [sflag:$0x2], $0x8, s10, s23, $0xb8;
	[tilespmem:$0x1E000] =	vst v63  }
0x262: {  	_ =	swait.ge [sflag:s22], $0x8000  }
0x263: {  	[sflag:s22] =	ssyncset.done $0x0  }
0x264: {  	[sflag:s22] =	ssyncadd.s32 $0xFFFF8000  }
0x265: {  	[bflag:$0x0] =	sbarrier.arrive $0xFFFF  }
0x266: {  	s0 =	rddreg [dreg:$0x1a]  }
0x267: {  	[hbm:s0], [sflag:s29] =	dma.local [spmem:s30], $0x1000  }
0x268: {  	_ =	swait.ge [sflag:s22], $0x1000  }
0x269: {  	[sflag:s22] =	ssyncset.done $0x0  }
0x26a: {  	[sflag:s22] =	ssyncadd.s32 $0xFFFFF000  }
0x26b: {  	[spmem:s12] =	stream.linear.scatter [tilespmem:s24], [sflag:$0x2], $0x8000, $0x38;
	[tilespmem:$0x1E000] =	vst v63  }
0x26c: {  	_ =	swait.ge [sflag:s22], $0x8000  }
0x26d: {  	[sflag:s22] =	ssyncset.done $0x0  }
0x26e: {  	[sflag:s22] =	ssyncadd.s32 $0xFFFF8000  }
0x26f: {  	[spmem:s13] =	stream.linear.scatter [tilespmem:s24], [sflag:$0x2], $0x1000, $0x38;
	[tilespmem:$0x1E000] =	vst v63  }
0x270: {  	_ =	swait.ge [sflag:s22], $0x1000  }
0x271: {  	[sflag:s22] =	ssyncset.done $0x0  }
0x272: {  	[sflag:s22] =	ssyncadd.s32 $0xFFFFF000  }
0x273: {  	s31 =	simm.s32 $0x0;
	[bflag:$0x0] =	sbarrier.arrive $0xFFFF  }
0x274: {  	v34 =	vld [tilespmem:s31+$0x3000];
	_ =	sdelay $0x3  }
0x275: {  	s6 =	smov.u32 s1;
	v35 =	vor.u32 s1, v33;
	s0 =	simm.s32 $0x40  }
.LBB2_38:
0x276: {  	s4 =	sshra.s32 s0, $0x2;
	p0 =	sne.s32 s0, $0x3FC0;
	s0 =	sadd.s32 $0x40, s0;
	v35 =	vand.u32 $0x1FFF, v35;
	vm0 =	vge.s32 v34, v17;
	vm1 =	vlt.s32 v34, v18  }
.Ltmp18:
0x277: {  	v36 =	vsub.s32 v34, v17;
	v35 =	vor.u32 $0x10000, v35;
	vm0 =	vmand vm0, vm1;
	v34 =	vld [tilespmem:s4+$0x3000];
	(pc) =	sbr.rel @p0 .LBB2_38-.Ltmp18, $4  }
0x278: {  	v35 =	vsel vm0, v36, v35  }
0x279: {  	[tilespmem:s31+$0x4000] =	vst v35;
	s31 =	smov.u32 s4  }
0x27a: {  	s6 =	sadd.s32 $0x10, s6  }
0x27b: {  	v35 =	vor.u32 s6, v33  }
0x27c: {  	v35 =	vand.u32 $0x1FFF, v35;
	vm0 =	vge.s32 v34, v17;
	vm1 =	vlt.s32 v34, v18  }
0x27d: {  	v63 =	vsub.s32 v34, v17;
	v35 =	vor.u32 $0x10000, v35;
	vm0 =	vmand vm0, vm1  }
0x27e: {  	v34 =	vsel vm0, v63, v35  }
0x27f: {  	[tilespmem:s31+$0x4000] =	vst v34  }
0x280: {  	[spmem:s2] =	stream.indirect.scatter.add.f32 [tilespmem:s25], [sflag:$0x2], $0x8, s10, s23, $0xb8;
	[tilespmem:$0x1E000] =	vst v63  }
0x281: {  	_ =	swait.ge [sflag:s22], $0x8000  }
0x282: {  	[sflag:s22] =	ssyncset.done $0x0  }
0x283: {  	[sflag:s22] =	ssyncadd.s32 $0xFFFF8000  }
0x284: {  	[bflag:$0x0] =	sbarrier.arrive $0xFFFF  }
0x285: {  	s0 =	rddreg [dreg:$0x1b]  }
0x286: {  	[hbm:s0], [sflag:s29] =	dma.local [spmem:s30], $0x1000  }
0x287: {  	_ =	swait.ge [sflag:s22], $0x1000  }
0x288: {  	[sflag:s22] =	ssyncset.done $0x0  }
0x289: {  	[sflag:s22] =	ssyncadd.s32 $0xFFFFF000  }
0x28a: {  	[spmem:s12] =	stream.linear.scatter [tilespmem:s24], [sflag:$0x2], $0x8000, $0x38;
	[tilespmem:$0x1E000] =	vst v63  }
0x28b: {  	_ =	swait.ge [sflag:s22], $0x8000  }
0x28c: {  	[sflag:s22] =	ssyncset.done $0x0  }
0x28d: {  	[sflag:s22] =	ssyncadd.s32 $0xFFFF8000  }
0x28e: {  	[spmem:s13] =	stream.linear.scatter [tilespmem:s24], [sflag:$0x2], $0x1000, $0x38;
	[tilespmem:$0x1E000] =	vst v63  }
0x28f: {  	_ =	swait.ge [sflag:s22], $0x1000  }
0x290: {  	[sflag:s22] =	ssyncset.done $0x0  }
0x291: {  	[sflag:s22] =	ssyncadd.s32 $0xFFFFF000  }
0x292: {  	s31 =	simm.s32 $0x0;
	[bflag:$0x0] =	sbarrier.arrive $0xFFFF  }
0x293: {  	v34 =	vld [tilespmem:s31+$0x3000];
	_ =	sdelay $0x3  }
0x294: {  	s6 =	smov.u32 s1;
	v35 =	vor.u32 s1, v33;
	s0 =	simm.s32 $0x40  }
.LBB2_40:
0x295: {  	s4 =	sshra.s32 s0, $0x2;
	p0 =	sne.s32 s0, $0x3FC0;
	s0 =	sadd.s32 $0x40, s0;
	v35 =	vand.u32 $0x1FFF, v35;
	vm0 =	vge.s32 v34, v18;
	vm1 =	vlt.s32 v34, v19  }
.Ltmp19:
0x296: {  	v36 =	vsub.s32 v34, v18;
	v35 =	vor.u32 $0x10000, v35;
	vm0 =	vmand vm0, vm1;
	v34 =	vld [tilespmem:s4+$0x3000];
	(pc) =	sbr.rel @p0 .LBB2_40-.Ltmp19, $4  }
0x297: {  	v35 =	vsel vm0, v36, v35  }
0x298: {  	[tilespmem:s31+$0x4000] =	vst v35;
	s31 =	smov.u32 s4  }
0x299: {  	s6 =	sadd.s32 $0x10, s6  }
0x29a: {  	v35 =	vor.u32 s6, v33  }
0x29b: {  	v35 =	vand.u32 $0x1FFF, v35;
	vm0 =	vge.s32 v34, v18;
	vm1 =	vlt.s32 v34, v19  }
0x29c: {  	v63 =	vsub.s32 v34, v18;
	v35 =	vor.u32 $0x10000, v35;
	vm0 =	vmand vm0, vm1  }
0x29d: {  	v34 =	vsel vm0, v63, v35  }
0x29e: {  	[tilespmem:s31+$0x4000] =	vst v34  }
0x29f: {  	[spmem:s2] =	stream.indirect.scatter.add.f32 [tilespmem:s25], [sflag:$0x2], $0x8, s10, s23, $0xb8;
	[tilespmem:$0x1E000] =	vst v63  }
0x2a0: {  	_ =	swait.ge [sflag:s22], $0x8000  }
0x2a1: {  	[sflag:s22] =	ssyncset.done $0x0  }
0x2a2: {  	[sflag:s22] =	ssyncadd.s32 $0xFFFF8000  }
0x2a3: {  	[bflag:$0x0] =	sbarrier.arrive $0xFFFF  }
0x2a4: {  	s0 =	rddreg [dreg:$0x1c]  }
0x2a5: {  	[hbm:s0], [sflag:s29] =	dma.local [spmem:s30], $0x1000  }
0x2a6: {  	_ =	swait.ge [sflag:s22], $0x1000  }
0x2a7: {  	[sflag:s22] =	ssyncset.done $0x0  }
0x2a8: {  	[sflag:s22] =	ssyncadd.s32 $0xFFFFF000  }
0x2a9: {  	[spmem:s12] =	stream.linear.scatter [tilespmem:s24], [sflag:$0x2], $0x8000, $0x38;
	[tilespmem:$0x1E000] =	vst v63  }
0x2aa: {  	_ =	swait.ge [sflag:s22], $0x8000  }
0x2ab: {  	[sflag:s22] =	ssyncset.done $0x0  }
0x2ac: {  	[sflag:s22] =	ssyncadd.s32 $0xFFFF8000  }
0x2ad: {  	[spmem:s13] =	stream.linear.scatter [tilespmem:s24], [sflag:$0x2], $0x1000, $0x38;
	[tilespmem:$0x1E000] =	vst v63  }
0x2ae: {  	_ =	swait.ge [sflag:s22], $0x1000  }
0x2af: {  	[sflag:s22] =	ssyncset.done $0x0  }
0x2b0: {  	[sflag:s22] =	ssyncadd.s32 $0xFFFFF000  }
0x2b1: {  	s31 =	simm.s32 $0x0;
	[bflag:$0x0] =	sbarrier.arrive $0xFFFF  }
0x2b2: {  	v34 =	vld [tilespmem:s31+$0x3000];
	_ =	sdelay $0x3  }
0x2b3: {  	s6 =	smov.u32 s1;
	v35 =	vor.u32 s1, v33;
	s0 =	simm.s32 $0x40  }
.LBB2_42:
0x2b4: {  	s4 =	sshra.s32 s0, $0x2;
	p0 =	sne.s32 s0, $0x3FC0;
	s0 =	sadd.s32 $0x40, s0;
	v35 =	vand.u32 $0x1FFF, v35;
	vm0 =	vge.s32 v34, v19;
	vm1 =	vlt.s32 v34, v20  }
.Ltmp20:
0x2b5: {  	v36 =	vsub.s32 v34, v19;
	v35 =	vor.u32 $0x10000, v35;
	vm0 =	vmand vm0, vm1;
	v34 =	vld [tilespmem:s4+$0x3000];
	(pc) =	sbr.rel @p0 .LBB2_42-.Ltmp20, $4  }
0x2b6: {  	v35 =	vsel vm0, v36, v35  }
0x2b7: {  	[tilespmem:s31+$0x4000] =	vst v35;
	s31 =	smov.u32 s4  }
0x2b8: {  	s6 =	sadd.s32 $0x10, s6  }
0x2b9: {  	v35 =	vor.u32 s6, v33  }
0x2ba: {  	v35 =	vand.u32 $0x1FFF, v35;
	vm0 =	vge.s32 v34, v19;
	vm1 =	vlt.s32 v34, v20  }
0x2bb: {  	v63 =	vsub.s32 v34, v19;
	v35 =	vor.u32 $0x10000, v35;
	vm0 =	vmand vm0, vm1  }
0x2bc: {  	v34 =	vsel vm0, v63, v35  }
0x2bd: {  	[tilespmem:s31+$0x4000] =	vst v34  }
0x2be: {  	[spmem:s2] =	stream.indirect.scatter.add.f32 [tilespmem:s25], [sflag:$0x2], $0x8, s10, s23, $0xb8;
	[tilespmem:$0x1E000] =	vst v63  }
0x2bf: {  	_ =	swait.ge [sflag:s22], $0x8000  }
0x2c0: {  	[sflag:s22] =	ssyncset.done $0x0  }
0x2c1: {  	[sflag:s22] =	ssyncadd.s32 $0xFFFF8000  }
0x2c2: {  	[bflag:$0x0] =	sbarrier.arrive $0xFFFF  }
0x2c3: {  	s0 =	rddreg [dreg:$0x1d]  }
0x2c4: {  	[hbm:s0], [sflag:s29] =	dma.local [spmem:s30], $0x1000  }
0x2c5: {  	_ =	swait.ge [sflag:s22], $0x1000  }
0x2c6: {  	[sflag:s22] =	ssyncset.done $0x0  }
0x2c7: {  	[sflag:s22] =	ssyncadd.s32 $0xFFFFF000  }
0x2c8: {  	[spmem:s12] =	stream.linear.scatter [tilespmem:s24], [sflag:$0x2], $0x8000, $0x38;
	[tilespmem:$0x1E000] =	vst v63  }
0x2c9: {  	_ =	swait.ge [sflag:s22], $0x8000  }
0x2ca: {  	[sflag:s22] =	ssyncset.done $0x0  }
0x2cb: {  	[sflag:s22] =	ssyncadd.s32 $0xFFFF8000  }
0x2cc: {  	[spmem:s13] =	stream.linear.scatter [tilespmem:s24], [sflag:$0x2], $0x1000, $0x38;
	[tilespmem:$0x1E000] =	vst v63  }
0x2cd: {  	_ =	swait.ge [sflag:s22], $0x1000  }
0x2ce: {  	[sflag:s22] =	ssyncset.done $0x0  }
0x2cf: {  	[sflag:s22] =	ssyncadd.s32 $0xFFFFF000  }
0x2d0: {  	s31 =	simm.s32 $0x0;
	[bflag:$0x0] =	sbarrier.arrive $0xFFFF  }
0x2d1: {  	v34 =	vld [tilespmem:s31+$0x3000];
	_ =	sdelay $0x3  }
0x2d2: {  	s6 =	smov.u32 s1;
	v35 =	vor.u32 s1, v33;
	s0 =	simm.s32 $0x40  }
.LBB2_44:
0x2d3: {  	s4 =	sshra.s32 s0, $0x2;
	p0 =	sne.s32 s0, $0x3FC0;
	s0 =	sadd.s32 $0x40, s0;
	v35 =	vand.u32 $0x1FFF, v35;
	vm0 =	vge.s32 v34, v20;
	vm1 =	vlt.s32 v34, v21  }
.Ltmp21:
0x2d4: {  	v36 =	vsub.s32 v34, v20;
	v35 =	vor.u32 $0x10000, v35;
	vm0 =	vmand vm0, vm1;
	v34 =	vld [tilespmem:s4+$0x3000];
	(pc) =	sbr.rel @p0 .LBB2_44-.Ltmp21, $4  }
0x2d5: {  	v35 =	vsel vm0, v36, v35  }
0x2d6: {  	[tilespmem:s31+$0x4000] =	vst v35;
	s31 =	smov.u32 s4  }
0x2d7: {  	s6 =	sadd.s32 $0x10, s6  }
0x2d8: {  	v35 =	vor.u32 s6, v33  }
0x2d9: {  	v35 =	vand.u32 $0x1FFF, v35;
	vm0 =	vge.s32 v34, v20;
	vm1 =	vlt.s32 v34, v21  }
0x2da: {  	v63 =	vsub.s32 v34, v20;
	v35 =	vor.u32 $0x10000, v35;
	vm0 =	vmand vm0, vm1  }
0x2db: {  	v34 =	vsel vm0, v63, v35  }
0x2dc: {  	[tilespmem:s31+$0x4000] =	vst v34  }
0x2dd: {  	[spmem:s2] =	stream.indirect.scatter.add.f32 [tilespmem:s25], [sflag:$0x2], $0x8, s10, s23, $0xb8;
	[tilespmem:$0x1E000] =	vst v63  }
0x2de: {  	_ =	swait.ge [sflag:s22], $0x8000  }
0x2df: {  	[sflag:s22] =	ssyncset.done $0x0  }
0x2e0: {  	[sflag:s22] =	ssyncadd.s32 $0xFFFF8000  }
0x2e1: {  	[bflag:$0x0] =	sbarrier.arrive $0xFFFF  }
0x2e2: {  	s0 =	rddreg [dreg:$0x1e]  }
0x2e3: {  	[hbm:s0], [sflag:s29] =	dma.local [spmem:s30], $0x1000  }
0x2e4: {  	_ =	swait.ge [sflag:s22], $0x1000  }
0x2e5: {  	[sflag:s22] =	ssyncset.done $0x0  }
0x2e6: {  	[sflag:s22] =	ssyncadd.s32 $0xFFFFF000  }
0x2e7: {  	[spmem:s12] =	stream.linear.scatter [tilespmem:s24], [sflag:$0x2], $0x8000, $0x38;
	[tilespmem:$0x1E000] =	vst v63  }
0x2e8: {  	_ =	swait.ge [sflag:s22], $0x8000  }
0x2e9: {  	[sflag:s22] =	ssyncset.done $0x0  }
0x2ea: {  	[sflag:s22] =	ssyncadd.s32 $0xFFFF8000  }
0x2eb: {  	[spmem:s13] =	stream.linear.scatter [tilespmem:s24], [sflag:$0x2], $0x1000, $0x38;
	[tilespmem:$0x1E000] =	vst v63  }
0x2ec: {  	_ =	swait.ge [sflag:s22], $0x1000  }
0x2ed: {  	[sflag:s22] =	ssyncset.done $0x0  }
0x2ee: {  	[sflag:s22] =	ssyncadd.s32 $0xFFFFF000  }
0x2ef: {  	s31 =	simm.s32 $0x0;
	[bflag:$0x0] =	sbarrier.arrive $0xFFFF  }
0x2f0: {  	v34 =	vld [tilespmem:s31+$0x3000];
	_ =	sdelay $0x3  }
0x2f1: {  	s6 =	smov.u32 s1;
	v35 =	vor.u32 s1, v33;
	s0 =	simm.s32 $0x40  }
.LBB2_46:
0x2f2: {  	s4 =	sshra.s32 s0, $0x2;
	p0 =	sne.s32 s0, $0x3FC0;
	s0 =	sadd.s32 $0x40, s0;
	v35 =	vand.u32 $0x1FFF, v35;
	vm0 =	vge.s32 v34, v21;
	vm1 =	vlt.s32 v34, v22  }
.Ltmp22:
0x2f3: {  	v36 =	vsub.s32 v34, v21;
	v35 =	vor.u32 $0x10000, v35;
	vm0 =	vmand vm0, vm1;
	v34 =	vld [tilespmem:s4+$0x3000];
	(pc) =	sbr.rel @p0 .LBB2_46-.Ltmp22, $4  }
0x2f4: {  	v35 =	vsel vm0, v36, v35  }
0x2f5: {  	[tilespmem:s31+$0x4000] =	vst v35;
	s31 =	smov.u32 s4  }
0x2f6: {  	s6 =	sadd.s32 $0x10, s6  }
0x2f7: {  	v35 =	vor.u32 s6, v33  }
0x2f8: {  	v35 =	vand.u32 $0x1FFF, v35;
	vm0 =	vge.s32 v34, v21;
	vm1 =	vlt.s32 v34, v22  }
0x2f9: {  	v63 =	vsub.s32 v34, v21;
	v35 =	vor.u32 $0x10000, v35;
	vm0 =	vmand vm0, vm1  }
0x2fa: {  	v34 =	vsel vm0, v63, v35  }
0x2fb: {  	[tilespmem:s31+$0x4000] =	vst v34  }
0x2fc: {  	[spmem:s2] =	stream.indirect.scatter.add.f32 [tilespmem:s25], [sflag:$0x2], $0x8, s10, s23, $0xb8;
	[tilespmem:$0x1E000] =	vst v63  }
0x2fd: {  	_ =	swait.ge [sflag:s22], $0x8000  }
0x2fe: {  	[sflag:s22] =	ssyncset.done $0x0  }
0x2ff: {  	[sflag:s22] =	ssyncadd.s32 $0xFFFF8000  }
0x300: {  	[bflag:$0x0] =	sbarrier.arrive $0xFFFF  }
0x301: {  	s0 =	rddreg [dreg:$0x1f]  }
0x302: {  	[hbm:s0], [sflag:s29] =	dma.local [spmem:s30], $0x1000  }
0x303: {  	_ =	swait.ge [sflag:s22], $0x1000  }
0x304: {  	[sflag:s22] =	ssyncset.done $0x0  }
0x305: {  	[sflag:s22] =	ssyncadd.s32 $0xFFFFF000  }
0x306: {  	[spmem:s12] =	stream.linear.scatter [tilespmem:s24], [sflag:$0x2], $0x8000, $0x38;
	[tilespmem:$0x1E000] =	vst v63  }
0x307: {  	_ =	swait.ge [sflag:s22], $0x8000  }
0x308: {  	[sflag:s22] =	ssyncset.done $0x0  }
0x309: {  	[sflag:s22] =	ssyncadd.s32 $0xFFFF8000  }
0x30a: {  	[spmem:s13] =	stream.linear.scatter [tilespmem:s24], [sflag:$0x2], $0x1000, $0x38;
	[tilespmem:$0x1E000] =	vst v63  }
0x30b: {  	_ =	swait.ge [sflag:s22], $0x1000  }
0x30c: {  	[sflag:s22] =	ssyncset.done $0x0  }
0x30d: {  	[sflag:s22] =	ssyncadd.s32 $0xFFFFF000  }
0x30e: {  	s31 =	simm.s32 $0x0;
	[bflag:$0x0] =	sbarrier.arrive $0xFFFF  }
0x30f: {  	v34 =	vld [tilespmem:s31+$0x3000];
	_ =	sdelay $0x3  }
0x310: {  	s6 =	smov.u32 s1;
	v35 =	vor.u32 s1, v33;
	s0 =	simm.s32 $0x40  }
.LBB2_48:
0x311: {  	s4 =	sshra.s32 s0, $0x2;
	p0 =	sne.s32 s0, $0x3FC0;
	s0 =	sadd.s32 $0x40, s0;
	v35 =	vand.u32 $0x1FFF, v35;
	vm0 =	vge.s32 v34, v22;
	vm1 =	vlt.s32 v34, v23  }
.Ltmp23:
0x312: {  	v36 =	vsub.s32 v34, v22;
	v35 =	vor.u32 $0x10000, v35;
	vm0 =	vmand vm0, vm1;
	v34 =	vld [tilespmem:s4+$0x3000];
	(pc) =	sbr.rel @p0 .LBB2_48-.Ltmp23, $4  }
0x313: {  	v35 =	vsel vm0, v36, v35  }
0x314: {  	[tilespmem:s31+$0x4000] =	vst v35;
	s31 =	smov.u32 s4  }
0x315: {  	s6 =	sadd.s32 $0x10, s6  }
0x316: {  	v35 =	vor.u32 s6, v33  }
0x317: {  	v35 =	vand.u32 $0x1FFF, v35;
	vm0 =	vge.s32 v34, v22;
	vm1 =	vlt.s32 v34, v23  }
0x318: {  	v63 =	vsub.s32 v34, v22;
	v35 =	vor.u32 $0x10000, v35;
	vm0 =	vmand vm0, vm1  }
0x319: {  	v34 =	vsel vm0, v63, v35  }
0x31a: {  	[tilespmem:s31+$0x4000] =	vst v34  }
0x31b: {  	[spmem:s2] =	stream.indirect.scatter.add.f32 [tilespmem:s25], [sflag:$0x2], $0x8, s10, s23, $0xb8;
	[tilespmem:$0x1E000] =	vst v63  }
0x31c: {  	_ =	swait.ge [sflag:s22], $0x8000  }
0x31d: {  	[sflag:s22] =	ssyncset.done $0x0  }
0x31e: {  	[sflag:s22] =	ssyncadd.s32 $0xFFFF8000  }
0x31f: {  	[bflag:$0x0] =	sbarrier.arrive $0xFFFF  }
0x320: {  	[hbm:s7], [sflag:s29] =	dma.local [spmem:s30], $0x1000  }
0x321: {  	_ =	swait.ge [sflag:s22], $0x1000  }
0x322: {  	[sflag:s22] =	ssyncset.done $0x0  }
0x323: {  	[sflag:s22] =	ssyncadd.s32 $0xFFFFF000  }
0x324: {  	[spmem:s12] =	stream.linear.scatter [tilespmem:s24], [sflag:$0x2], $0x8000, $0x38;
	[tilespmem:$0x1E000] =	vst v63  }
0x325: {  	_ =	swait.ge [sflag:s22], $0x8000  }
0x326: {  	[sflag:s22] =	ssyncset.done $0x0  }
0x327: {  	[sflag:s22] =	ssyncadd.s32 $0xFFFF8000  }
0x328: {  	[spmem:s13] =	stream.linear.scatter [tilespmem:s24], [sflag:$0x2], $0x1000, $0x38;
	[tilespmem:$0x1E000] =	vst v63  }
0x329: {  	_ =	swait.ge [sflag:s22], $0x1000  }
0x32a: {  	[sflag:s22] =	ssyncset.done $0x0  }
0x32b: {  	[sflag:s22] =	ssyncadd.s32 $0xFFFFF000  }
0x32c: {  	s31 =	simm.s32 $0x0;
	[bflag:$0x0] =	sbarrier.arrive $0xFFFF  }
0x32d: {  	v34 =	vld [tilespmem:s31+$0x3000];
	_ =	sdelay $0x3  }
0x32e: {  	s0 =	simm.s32 $0x40;
	s6 =	smov.u32 s1;
	v35 =	vor.u32 s1, v33  }
.LBB2_50:
0x32f: {  	s4 =	sshra.s32 s0, $0x2;
	p0 =	sne.s32 s0, $0x3FC0;
	s0 =	sadd.s32 $0x40, s0;
	v35 =	vand.u32 $0x1FFF, v35;
	vm0 =	vge.s32 v34, v23;
	vm1 =	vlt.s32 v34, v24  }
.Ltmp24:
0x330: {  	v36 =	vsub.s32 v34, v23;
	v35 =	vor.u32 $0x10000, v35;
	vm0 =	vmand vm0, vm1;
	v34 =	vld [tilespmem:s4+$0x3000];
	(pc) =	sbr.rel @p0 .LBB2_50-.Ltmp24, $4  }
0x331: {  	v35 =	vsel vm0, v36, v35  }
0x332: {  	[tilespmem:s31+$0x4000] =	vst v35;
	s31 =	smov.u32 s4  }
0x333: {  	s6 =	sadd.s32 $0x10, s6  }
0x334: {  	v35 =	vor.u32 s6, v33  }
0x335: {  	v35 =	vand.u32 $0x1FFF, v35;
	vm0 =	vge.s32 v34, v23;
	vm1 =	vlt.s32 v34, v24  }
0x336: {  	v63 =	vsub.s32 v34, v23;
	v35 =	vor.u32 $0x10000, v35;
	vm0 =	vmand vm0, vm1  }
0x337: {  	v34 =	vsel vm0, v63, v35  }
0x338: {  	[tilespmem:s31+$0x4000] =	vst v34  }
0x339: {  	[spmem:s2] =	stream.indirect.scatter.add.f32 [tilespmem:s25], [sflag:$0x2], $0x8, s10, s23, $0xb8;
	[tilespmem:$0x1E000] =	vst v63  }
0x33a: {  	_ =	swait.ge [sflag:s22], $0x8000  }
0x33b: {  	[sflag:s22] =	ssyncset.done $0x0  }
0x33c: {  	[sflag:s22] =	ssyncadd.s32 $0xFFFF8000  }
0x33d: {  	[bflag:$0x0] =	sbarrier.arrive $0xFFFF  }
0x33e: {  	[hbm:s8], [sflag:s29] =	dma.local [spmem:s30], $0x1000  }
0x33f: {  	_ =	swait.ge [sflag:s22], $0x1000  }
0x340: {  	[sflag:s22] =	ssyncset.done $0x0  }
0x341: {  	[sflag:s22] =	ssyncadd.s32 $0xFFFFF000  }
0x342: {  	[spmem:s12] =	stream.linear.scatter [tilespmem:s24], [sflag:$0x2], $0x8000, $0x38;
	[tilespmem:$0x1E000] =	vst v63  }
0x343: {  	_ =	swait.ge [sflag:s22], $0x8000  }
0x344: {  	[sflag:s22] =	ssyncset.done $0x0  }
0x345: {  	[sflag:s22] =	ssyncadd.s32 $0xFFFF8000  }
0x346: {  	[spmem:s13] =	stream.linear.scatter [tilespmem:s24], [sflag:$0x2], $0x1000, $0x38;
	[tilespmem:$0x1E000] =	vst v63  }
0x347: {  	_ =	swait.ge [sflag:s22], $0x1000  }
0x348: {  	[sflag:s22] =	ssyncset.done $0x0  }
0x349: {  	[sflag:s22] =	ssyncadd.s32 $0xFFFFF000  }
0x34a: {  	s31 =	simm.s32 $0x0;
	[bflag:$0x0] =	sbarrier.arrive $0xFFFF  }
0x34b: {  	v34 =	vld [tilespmem:s31+$0x3000];
	_ =	sdelay $0x3  }
0x34c: {  	s0 =	simm.s32 $0x40;
	s6 =	smov.u32 s1;
	v35 =	vor.u32 s1, v33  }
.LBB2_52:
0x34d: {  	s4 =	sshra.s32 s0, $0x2;
	p0 =	sne.s32 s0, $0x3FC0;
	s0 =	sadd.s32 $0x40, s0;
	v35 =	vand.u32 $0x1FFF, v35;
	vm0 =	vge.s32 v34, v24;
	vm1 =	vlt.s32 v34, v25  }
.Ltmp25:
0x34e: {  	v36 =	vsub.s32 v34, v24;
	v35 =	vor.u32 $0x10000, v35;
	vm0 =	vmand vm0, vm1;
	v34 =	vld [tilespmem:s4+$0x3000];
	(pc) =	sbr.rel @p0 .LBB2_52-.Ltmp25, $4  }
0x34f: {  	v35 =	vsel vm0, v36, v35  }
0x350: {  	[tilespmem:s31+$0x4000] =	vst v35;
	s31 =	smov.u32 s4  }
0x351: {  	s6 =	sadd.s32 $0x10, s6  }
0x352: {  	v35 =	vor.u32 s6, v33  }
0x353: {  	v35 =	vand.u32 $0x1FFF, v35;
	vm0 =	vge.s32 v34, v24;
	vm1 =	vlt.s32 v34, v25  }
0x354: {  	v63 =	vsub.s32 v34, v24;
	v35 =	vor.u32 $0x10000, v35;
	vm0 =	vmand vm0, vm1  }
0x355: {  	v34 =	vsel vm0, v63, v35  }
0x356: {  	[tilespmem:s31+$0x4000] =	vst v34  }
0x357: {  	[spmem:s2] =	stream.indirect.scatter.add.f32 [tilespmem:s25], [sflag:$0x2], $0x8, s10, s23, $0xb8;
	[tilespmem:$0x1E000] =	vst v63  }
0x358: {  	_ =	swait.ge [sflag:s22], $0x8000  }
0x359: {  	[sflag:s22] =	ssyncset.done $0x0  }
0x35a: {  	[sflag:s22] =	ssyncadd.s32 $0xFFFF8000  }
0x35b: {  	[bflag:$0x0] =	sbarrier.arrive $0xFFFF  }
0x35c: {  	[hbm:s9], [sflag:s29] =	dma.local [spmem:s30], $0x1000  }
0x35d: {  	_ =	swait.ge [sflag:s22], $0x1000  }
0x35e: {  	[sflag:s22] =	ssyncset.done $0x0  }
0x35f: {  	[sflag:s22] =	ssyncadd.s32 $0xFFFFF000  }
0x360: {  	[spmem:s12] =	stream.linear.scatter [tilespmem:s24], [sflag:$0x2], $0x8000, $0x38;
	[tilespmem:$0x1E000] =	vst v63  }
0x361: {  	_ =	swait.ge [sflag:s22], $0x8000  }
0x362: {  	[sflag:s22] =	ssyncset.done $0x0  }
0x363: {  	[sflag:s22] =	ssyncadd.s32 $0xFFFF8000  }
0x364: {  	[spmem:s13] =	stream.linear.scatter [tilespmem:s24], [sflag:$0x2], $0x1000, $0x38;
	[tilespmem:$0x1E000] =	vst v63  }
0x365: {  	_ =	swait.ge [sflag:s22], $0x1000  }
0x366: {  	[sflag:s22] =	ssyncset.done $0x0  }
0x367: {  	[sflag:s22] =	ssyncadd.s32 $0xFFFFF000  }
0x368: {  	s31 =	simm.s32 $0x0;
	[bflag:$0x0] =	sbarrier.arrive $0xFFFF  }
0x369: {  	v34 =	vld [tilespmem:s31+$0x3000];
	_ =	sdelay $0x3  }
0x36a: {  	s0 =	simm.s32 $0x40;
	s6 =	smov.u32 s1;
	v35 =	vor.u32 s1, v33  }
.LBB2_54:
0x36b: {  	s4 =	sshra.s32 s0, $0x2;
	p0 =	sne.s32 s0, $0x3FC0;
	s0 =	sadd.s32 $0x40, s0;
	v35 =	vand.u32 $0x1FFF, v35;
	vm0 =	vge.s32 v34, v25;
	vm1 =	vlt.s32 v34, v26  }
.Ltmp26:
0x36c: {  	v36 =	vsub.s32 v34, v25;
	v35 =	vor.u32 $0x10000, v35;
	vm0 =	vmand vm0, vm1;
	v34 =	vld [tilespmem:s4+$0x3000];
	(pc) =	sbr.rel @p0 .LBB2_54-.Ltmp26, $4  }
0x36d: {  	v35 =	vsel vm0, v36, v35  }
0x36e: {  	[tilespmem:s31+$0x4000] =	vst v35;
	s31 =	smov.u32 s4  }
0x36f: {  	s6 =	sadd.s32 $0x10, s6  }
0x370: {  	v35 =	vor.u32 s6, v33  }
0x371: {  	v35 =	vand.u32 $0x1FFF, v35;
	vm0 =	vge.s32 v34, v25;
	vm1 =	vlt.s32 v34, v26  }
0x372: {  	v63 =	vsub.s32 v34, v25;
	v35 =	vor.u32 $0x10000, v35;
	vm0 =	vmand vm0, vm1  }
0x373: {  	v34 =	vsel vm0, v63, v35  }
0x374: {  	[tilespmem:s31+$0x4000] =	vst v34  }
0x375: {  	[spmem:s2] =	stream.indirect.scatter.add.f32 [tilespmem:s25], [sflag:$0x2], $0x8, s10, s23, $0xb8;
	[tilespmem:$0x1E000] =	vst v63  }
0x376: {  	_ =	swait.ge [sflag:s22], $0x8000  }
0x377: {  	[sflag:s22] =	ssyncset.done $0x0  }
0x378: {  	[sflag:s22] =	ssyncadd.s32 $0xFFFF8000  }
0x379: {  	[bflag:$0x0] =	sbarrier.arrive $0xFFFF  }
0x37a: {  	[hbm:s11], [sflag:s29] =	dma.local [spmem:s30], $0x1000  }
0x37b: {  	_ =	swait.ge [sflag:s22], $0x1000  }
0x37c: {  	[sflag:s22] =	ssyncset.done $0x0  }
0x37d: {  	[sflag:s22] =	ssyncadd.s32 $0xFFFFF000  }
0x37e: {  	[spmem:s12] =	stream.linear.scatter [tilespmem:s24], [sflag:$0x2], $0x8000, $0x38;
	[tilespmem:$0x1E000] =	vst v63  }
0x37f: {  	_ =	swait.ge [sflag:s22], $0x8000  }
0x380: {  	[sflag:s22] =	ssyncset.done $0x0  }
0x381: {  	[sflag:s22] =	ssyncadd.s32 $0xFFFF8000  }
0x382: {  	[spmem:s13] =	stream.linear.scatter [tilespmem:s24], [sflag:$0x2], $0x1000, $0x38;
	[tilespmem:$0x1E000] =	vst v63  }
0x383: {  	_ =	swait.ge [sflag:s22], $0x1000  }
0x384: {  	[sflag:s22] =	ssyncset.done $0x0  }
0x385: {  	[sflag:s22] =	ssyncadd.s32 $0xFFFFF000  }
0x386: {  	s31 =	simm.s32 $0x0;
	[bflag:$0x0] =	sbarrier.arrive $0xFFFF  }
0x387: {  	v34 =	vld [tilespmem:s31+$0x3000];
	_ =	sdelay $0x3  }
0x388: {  	s0 =	simm.s32 $0x40;
	s6 =	smov.u32 s1;
	v35 =	vor.u32 s1, v33  }
.LBB2_56:
0x389: {  	s4 =	sshra.s32 s0, $0x2;
	p0 =	sne.s32 s0, $0x3FC0;
	s0 =	sadd.s32 $0x40, s0;
	v35 =	vand.u32 $0x1FFF, v35;
	vm0 =	vge.s32 v34, v26;
	vm1 =	vlt.s32 v34, v27  }
.Ltmp27:
0x38a: {  	v36 =	vsub.s32 v34, v26;
	v35 =	vor.u32 $0x10000, v35;
	vm0 =	vmand vm0, vm1;
	v34 =	vld [tilespmem:s4+$0x3000];
	(pc) =	sbr.rel @p0 .LBB2_56-.Ltmp27, $4  }
0x38b: {  	v35 =	vsel vm0, v36, v35  }
0x38c: {  	[tilespmem:s31+$0x4000] =	vst v35;
	s31 =	smov.u32 s4  }
0x38d: {  	s6 =	sadd.s32 $0x10, s6  }
0x38e: {  	v35 =	vor.u32 s6, v33  }
0x38f: {  	v35 =	vand.u32 $0x1FFF, v35;
	vm0 =	vge.s32 v34, v26;
	vm1 =	vlt.s32 v34, v27  }
0x390: {  	v63 =	vsub.s32 v34, v26;
	v35 =	vor.u32 $0x10000, v35;
	vm0 =	vmand vm0, vm1  }
0x391: {  	v34 =	vsel vm0, v63, v35  }
0x392: {  	[tilespmem:s31+$0x4000] =	vst v34  }
0x393: {  	[spmem:s2] =	stream.indirect.scatter.add.f32 [tilespmem:s25], [sflag:$0x2], $0x8, s10, s23, $0xb8;
	[tilespmem:$0x1E000] =	vst v63  }
0x394: {  	_ =	swait.ge [sflag:s22], $0x8000  }
0x395: {  	[sflag:s22] =	ssyncset.done $0x0  }
0x396: {  	[sflag:s22] =	ssyncadd.s32 $0xFFFF8000  }
0x397: {  	[bflag:$0x0] =	sbarrier.arrive $0xFFFF  }
0x398: {  	[hbm:s14], [sflag:s29] =	dma.local [spmem:s30], $0x1000  }
0x399: {  	_ =	swait.ge [sflag:s22], $0x1000  }
0x39a: {  	[sflag:s22] =	ssyncset.done $0x0  }
0x39b: {  	[sflag:s22] =	ssyncadd.s32 $0xFFFFF000  }
0x39c: {  	[spmem:s12] =	stream.linear.scatter [tilespmem:s24], [sflag:$0x2], $0x8000, $0x38;
	[tilespmem:$0x1E000] =	vst v63  }
0x39d: {  	_ =	swait.ge [sflag:s22], $0x8000  }
0x39e: {  	[sflag:s22] =	ssyncset.done $0x0  }
0x39f: {  	[sflag:s22] =	ssyncadd.s32 $0xFFFF8000  }
0x3a0: {  	[spmem:s13] =	stream.linear.scatter [tilespmem:s24], [sflag:$0x2], $0x1000, $0x38;
	[tilespmem:$0x1E000] =	vst v63  }
0x3a1: {  	_ =	swait.ge [sflag:s22], $0x1000  }
0x3a2: {  	[sflag:s22] =	ssyncset.done $0x0  }
0x3a3: {  	[sflag:s22] =	ssyncadd.s32 $0xFFFFF000  }
0x3a4: {  	s31 =	simm.s32 $0x0;
	[bflag:$0x0] =	sbarrier.arrive $0xFFFF  }
0x3a5: {  	v34 =	vld [tilespmem:s31+$0x3000];
	_ =	sdelay $0x3  }
0x3a6: {  	s0 =	simm.s32 $0x40;
	s6 =	smov.u32 s1;
	v35 =	vor.u32 s1, v33  }
.LBB2_58:
0x3a7: {  	s4 =	sshra.s32 s0, $0x2;
	p0 =	sne.s32 s0, $0x3FC0;
	s0 =	sadd.s32 $0x40, s0;
	v35 =	vand.u32 $0x1FFF, v35;
	vm0 =	vge.s32 v34, v27;
	vm1 =	vlt.s32 v34, v28  }
.Ltmp28:
0x3a8: {  	v36 =	vsub.s32 v34, v27;
	v35 =	vor.u32 $0x10000, v35;
	vm0 =	vmand vm0, vm1;
	v34 =	vld [tilespmem:s4+$0x3000];
	(pc) =	sbr.rel @p0 .LBB2_58-.Ltmp28, $4  }
0x3a9: {  	v35 =	vsel vm0, v36, v35  }
0x3aa: {  	[tilespmem:s31+$0x4000] =	vst v35;
	s31 =	smov.u32 s4  }
0x3ab: {  	s6 =	sadd.s32 $0x10, s6  }
0x3ac: {  	v35 =	vor.u32 s6, v33  }
0x3ad: {  	v35 =	vand.u32 $0x1FFF, v35;
	vm0 =	vge.s32 v34, v27;
	vm1 =	vlt.s32 v34, v28  }
0x3ae: {  	v63 =	vsub.s32 v34, v27;
	v35 =	vor.u32 $0x10000, v35;
	vm0 =	vmand vm0, vm1  }
0x3af: {  	v34 =	vsel vm0, v63, v35  }
0x3b0: {  	[tilespmem:s31+$0x4000] =	vst v34  }
0x3b1: {  	[spmem:s2] =	stream.indirect.scatter.add.f32 [tilespmem:s25], [sflag:$0x2], $0x8, s10, s23, $0xb8;
	[tilespmem:$0x1E000] =	vst v63  }
0x3b2: {  	_ =	swait.ge [sflag:s22], $0x8000  }
0x3b3: {  	[sflag:s22] =	ssyncset.done $0x0  }
0x3b4: {  	[sflag:s22] =	ssyncadd.s32 $0xFFFF8000  }
0x3b5: {  	[bflag:$0x0] =	sbarrier.arrive $0xFFFF  }
0x3b6: {  	[hbm:s15], [sflag:s29] =	dma.local [spmem:s30], $0x1000  }
0x3b7: {  	_ =	swait.ge [sflag:s22], $0x1000  }
0x3b8: {  	[sflag:s22] =	ssyncset.done $0x0  }
0x3b9: {  	[sflag:s22] =	ssyncadd.s32 $0xFFFFF000  }
0x3ba: {  	[spmem:s12] =	stream.linear.scatter [tilespmem:s24], [sflag:$0x2], $0x8000, $0x38;
	[tilespmem:$0x1E000] =	vst v63  }
0x3bb: {  	_ =	swait.ge [sflag:s22], $0x8000  }
0x3bc: {  	[sflag:s22] =	ssyncset.done $0x0  }
0x3bd: {  	[sflag:s22] =	ssyncadd.s32 $0xFFFF8000  }
0x3be: {  	[spmem:s13] =	stream.linear.scatter [tilespmem:s24], [sflag:$0x2], $0x1000, $0x38;
	[tilespmem:$0x1E000] =	vst v63  }
0x3bf: {  	_ =	swait.ge [sflag:s22], $0x1000  }
0x3c0: {  	[sflag:s22] =	ssyncset.done $0x0  }
0x3c1: {  	[sflag:s22] =	ssyncadd.s32 $0xFFFFF000  }
0x3c2: {  	s31 =	simm.s32 $0x0;
	[bflag:$0x0] =	sbarrier.arrive $0xFFFF  }
0x3c3: {  	v34 =	vld [tilespmem:s31+$0x3000];
	_ =	sdelay $0x3  }
0x3c4: {  	s0 =	simm.s32 $0x40;
	s6 =	smov.u32 s1;
	v35 =	vor.u32 s1, v33  }
.LBB2_60:
0x3c5: {  	s4 =	sshra.s32 s0, $0x2;
	p0 =	sne.s32 s0, $0x3FC0;
	s0 =	sadd.s32 $0x40, s0;
	v35 =	vand.u32 $0x1FFF, v35;
	vm0 =	vge.s32 v34, v28;
	vm1 =	vlt.s32 v34, v29  }
.Ltmp29:
0x3c6: {  	v36 =	vsub.s32 v34, v28;
	v35 =	vor.u32 $0x10000, v35;
	vm0 =	vmand vm0, vm1;
	v34 =	vld [tilespmem:s4+$0x3000];
	(pc) =	sbr.rel @p0 .LBB2_60-.Ltmp29, $4  }
0x3c7: {  	v35 =	vsel vm0, v36, v35  }
0x3c8: {  	[tilespmem:s31+$0x4000] =	vst v35;
	s31 =	smov.u32 s4  }
0x3c9: {  	s6 =	sadd.s32 $0x10, s6  }
0x3ca: {  	v35 =	vor.u32 s6, v33  }
0x3cb: {  	v35 =	vand.u32 $0x1FFF, v35;
	vm0 =	vge.s32 v34, v28;
	vm1 =	vlt.s32 v34, v29  }
0x3cc: {  	v63 =	vsub.s32 v34, v28;
	v35 =	vor.u32 $0x10000, v35;
	vm0 =	vmand vm0, vm1  }
0x3cd: {  	v34 =	vsel vm0, v63, v35  }
0x3ce: {  	[tilespmem:s31+$0x4000] =	vst v34  }
0x3cf: {  	[spmem:s2] =	stream.indirect.scatter.add.f32 [tilespmem:s25], [sflag:$0x2], $0x8, s10, s23, $0xb8;
	[tilespmem:$0x1E000] =	vst v63  }
0x3d0: {  	_ =	swait.ge [sflag:s22], $0x8000  }
0x3d1: {  	[sflag:s22] =	ssyncset.done $0x0  }
0x3d2: {  	[sflag:s22] =	ssyncadd.s32 $0xFFFF8000  }
0x3d3: {  	[bflag:$0x0] =	sbarrier.arrive $0xFFFF  }
0x3d4: {  	[hbm:s16], [sflag:s29] =	dma.local [spmem:s30], $0x1000  }
0x3d5: {  	_ =	swait.ge [sflag:s22], $0x1000  }
0x3d6: {  	[sflag:s22] =	ssyncset.done $0x0  }
0x3d7: {  	[sflag:s22] =	ssyncadd.s32 $0xFFFFF000  }
0x3d8: {  	[spmem:s12] =	stream.linear.scatter [tilespmem:s24], [sflag:$0x2], $0x8000, $0x38;
	[tilespmem:$0x1E000] =	vst v63  }
0x3d9: {  	_ =	swait.ge [sflag:s22], $0x8000  }
0x3da: {  	[sflag:s22] =	ssyncset.done $0x0  }
0x3db: {  	[sflag:s22] =	ssyncadd.s32 $0xFFFF8000  }
0x3dc: {  	[spmem:s13] =	stream.linear.scatter [tilespmem:s24], [sflag:$0x2], $0x1000, $0x38;
	[tilespmem:$0x1E000] =	vst v63  }
0x3dd: {  	_ =	swait.ge [sflag:s22], $0x1000  }
0x3de: {  	[sflag:s22] =	ssyncset.done $0x0  }
0x3df: {  	[sflag:s22] =	ssyncadd.s32 $0xFFFFF000  }
0x3e0: {  	s31 =	simm.s32 $0x0;
	[bflag:$0x0] =	sbarrier.arrive $0xFFFF  }
0x3e1: {  	v34 =	vld [tilespmem:s31+$0x3000];
	_ =	sdelay $0x3  }
0x3e2: {  	s0 =	simm.s32 $0x40;
	s6 =	smov.u32 s1;
	v35 =	vor.u32 s1, v33  }
.LBB2_62:
0x3e3: {  	s4 =	sshra.s32 s0, $0x2;
	p0 =	sne.s32 s0, $0x3FC0;
	s0 =	sadd.s32 $0x40, s0;
	v35 =	vand.u32 $0x1FFF, v35;
	vm0 =	vge.s32 v34, v29;
	vm1 =	vlt.s32 v34, v30  }
.Ltmp30:
0x3e4: {  	v36 =	vsub.s32 v34, v29;
	v35 =	vor.u32 $0x10000, v35;
	vm0 =	vmand vm0, vm1;
	v34 =	vld [tilespmem:s4+$0x3000];
	(pc) =	sbr.rel @p0 .LBB2_62-.Ltmp30, $4  }
0x3e5: {  	v35 =	vsel vm0, v36, v35  }
0x3e6: {  	[tilespmem:s31+$0x4000] =	vst v35;
	s31 =	smov.u32 s4  }
0x3e7: {  	s6 =	sadd.s32 $0x10, s6  }
0x3e8: {  	v35 =	vor.u32 s6, v33  }
0x3e9: {  	v35 =	vand.u32 $0x1FFF, v35;
	vm0 =	vge.s32 v34, v29;
	vm1 =	vlt.s32 v34, v30  }
0x3ea: {  	v63 =	vsub.s32 v34, v29;
	v35 =	vor.u32 $0x10000, v35;
	vm0 =	vmand vm0, vm1  }
0x3eb: {  	v34 =	vsel vm0, v63, v35  }
0x3ec: {  	[tilespmem:s31+$0x4000] =	vst v34  }
0x3ed: {  	[spmem:s2] =	stream.indirect.scatter.add.f32 [tilespmem:s25], [sflag:$0x2], $0x8, s10, s23, $0xb8;
	[tilespmem:$0x1E000] =	vst v63  }
0x3ee: {  	_ =	swait.ge [sflag:s22], $0x8000  }
0x3ef: {  	[sflag:s22] =	ssyncset.done $0x0  }
0x3f0: {  	[sflag:s22] =	ssyncadd.s32 $0xFFFF8000  }
0x3f1: {  	[bflag:$0x0] =	sbarrier.arrive $0xFFFF  }
0x3f2: {  	[hbm:s17], [sflag:s29] =	dma.local [spmem:s30], $0x1000  }
0x3f3: {  	_ =	swait.ge [sflag:s22], $0x1000  }
0x3f4: {  	[sflag:s22] =	ssyncset.done $0x0  }
0x3f5: {  	[sflag:s22] =	ssyncadd.s32 $0xFFFFF000  }
0x3f6: {  	[spmem:s12] =	stream.linear.scatter [tilespmem:s24], [sflag:$0x2], $0x8000, $0x38;
	[tilespmem:$0x1E000] =	vst v63  }
0x3f7: {  	_ =	swait.ge [sflag:s22], $0x8000  }
0x3f8: {  	[sflag:s22] =	ssyncset.done $0x0  }
0x3f9: {  	[sflag:s22] =	ssyncadd.s32 $0xFFFF8000  }
0x3fa: {  	[spmem:s13] =	stream.linear.scatter [tilespmem:s24], [sflag:$0x2], $0x1000, $0x38;
	[tilespmem:$0x1E000] =	vst v63  }
0x3fb: {  	_ =	swait.ge [sflag:s22], $0x1000  }
0x3fc: {  	[sflag:s22] =	ssyncset.done $0x0  }
0x3fd: {  	[sflag:s22] =	ssyncadd.s32 $0xFFFFF000  }
0x3fe: {  	s31 =	simm.s32 $0x0;
	[bflag:$0x0] =	sbarrier.arrive $0xFFFF  }
0x3ff: {  	v34 =	vld [tilespmem:s31+$0x3000];
	_ =	sdelay $0x3  }
0x400: {  	s0 =	simm.s32 $0x40;
	s6 =	smov.u32 s1;
	v35 =	vor.u32 s1, v33  }
.LBB2_64:
0x401: {  	s4 =	sshra.s32 s0, $0x2;
	p0 =	sne.s32 s0, $0x3FC0;
	s0 =	sadd.s32 $0x40, s0;
	v35 =	vand.u32 $0x1FFF, v35;
	vm0 =	vge.s32 v34, v30;
	vm1 =	vlt.s32 v34, v31  }
.Ltmp31:
0x402: {  	v36 =	vsub.s32 v34, v30;
	v35 =	vor.u32 $0x10000, v35;
	vm0 =	vmand vm0, vm1;
	v34 =	vld [tilespmem:s4+$0x3000];
	(pc) =	sbr.rel @p0 .LBB2_64-.Ltmp31, $4  }
0x403: {  	v35 =	vsel vm0, v36, v35  }
0x404: {  	[tilespmem:s31+$0x4000] =	vst v35;
	s31 =	smov.u32 s4  }
0x405: {  	s6 =	sadd.s32 $0x10, s6  }
0x406: {  	v35 =	vor.u32 s6, v33  }
0x407: {  	v35 =	vand.u32 $0x1FFF, v35;
	vm0 =	vge.s32 v34, v30;
	vm1 =	vlt.s32 v34, v31  }
0x408: {  	v63 =	vsub.s32 v34, v30;
	v35 =	vor.u32 $0x10000, v35;
	vm0 =	vmand vm0, vm1  }
0x409: {  	v34 =	vsel vm0, v63, v35  }
0x40a: {  	[tilespmem:s31+$0x4000] =	vst v34  }
0x40b: {  	[spmem:s2] =	stream.indirect.scatter.add.f32 [tilespmem:s25], [sflag:$0x2], $0x8, s10, s23, $0xb8;
	[tilespmem:$0x1E000] =	vst v63  }
0x40c: {  	_ =	swait.ge [sflag:s22], $0x8000  }
0x40d: {  	[sflag:s22] =	ssyncset.done $0x0  }
0x40e: {  	[sflag:s22] =	ssyncadd.s32 $0xFFFF8000  }
0x40f: {  	[bflag:$0x0] =	sbarrier.arrive $0xFFFF  }
0x410: {  	[hbm:s18], [sflag:s29] =	dma.local [spmem:s30], $0x1000  }
0x411: {  	_ =	swait.ge [sflag:s22], $0x1000  }
0x412: {  	[sflag:s22] =	ssyncset.done $0x0  }
0x413: {  	[sflag:s22] =	ssyncadd.s32 $0xFFFFF000  }
0x414: {  	[spmem:s12] =	stream.linear.scatter [tilespmem:s24], [sflag:$0x2], $0x8000, $0x38;
	[tilespmem:$0x1E000] =	vst v63  }
0x415: {  	_ =	swait.ge [sflag:s22], $0x8000  }
0x416: {  	[sflag:s22] =	ssyncset.done $0x0  }
0x417: {  	[sflag:s22] =	ssyncadd.s32 $0xFFFF8000  }
0x418: {  	[spmem:s13] =	stream.linear.scatter [tilespmem:s24], [sflag:$0x2], $0x1000, $0x38;
	[tilespmem:$0x1E000] =	vst v63  }
0x419: {  	_ =	swait.ge [sflag:s22], $0x1000  }
0x41a: {  	[sflag:s22] =	ssyncset.done $0x0  }
0x41b: {  	[sflag:s22] =	ssyncadd.s32 $0xFFFFF000  }
0x41c: {  	s31 =	simm.s32 $0x0;
	[bflag:$0x0] =	sbarrier.arrive $0xFFFF  }
0x41d: {  	v34 =	vld [tilespmem:s31+$0x3000];
	_ =	sdelay $0x3  }
0x41e: {  	s0 =	simm.s32 $0x40;
	s6 =	smov.u32 s1;
	v35 =	vor.u32 s1, v33  }
.LBB2_66:
0x41f: {  	s4 =	sshra.s32 s0, $0x2;
	p0 =	sne.s32 s0, $0x3FC0;
	s0 =	sadd.s32 $0x40, s0;
	v35 =	vand.u32 $0x1FFF, v35;
	vm0 =	vge.s32 v34, v31;
	vm1 =	vlt.s32 v34, v32  }
.Ltmp32:
0x420: {  	v36 =	vsub.s32 v34, v31;
	v35 =	vor.u32 $0x10000, v35;
	vm0 =	vmand vm0, vm1;
	v34 =	vld [tilespmem:s4+$0x3000];
	(pc) =	sbr.rel @p0 .LBB2_66-.Ltmp32, $4  }
0x421: {  	v35 =	vsel vm0, v36, v35  }
0x422: {  	[tilespmem:s31+$0x4000] =	vst v35;
	s31 =	smov.u32 s4  }
0x423: {  	s6 =	sadd.s32 $0x10, s6  }
0x424: {  	v35 =	vor.u32 s6, v33  }
0x425: {  	v35 =	vand.u32 $0x1FFF, v35;
	vm0 =	vge.s32 v34, v31;
	vm1 =	vlt.s32 v34, v32  }
0x426: {  	v63 =	vsub.s32 v34, v31;
	v35 =	vor.u32 $0x10000, v35;
	vm0 =	vmand vm0, vm1  }
0x427: {  	v34 =	vsel vm0, v63, v35  }
0x428: {  	[tilespmem:s31+$0x4000] =	vst v34  }
0x429: {  	[spmem:s2] =	stream.indirect.scatter.add.f32 [tilespmem:s25], [sflag:$0x2], $0x8, s10, s23, $0xb8;
	[tilespmem:$0x1E000] =	vst v63  }
0x42a: {  	_ =	swait.ge [sflag:s22], $0x8000  }
0x42b: {  	[sflag:s22] =	ssyncset.done $0x0  }
0x42c: {  	[sflag:s22] =	ssyncadd.s32 $0xFFFF8000  }
0x42d: {  	[bflag:$0x0] =	sbarrier.arrive $0xFFFF  }
0x42e: {  	[hbm:s19], [sflag:s29] =	dma.local [spmem:s30], $0x1000  }
0x42f: {  	_ =	swait.ge [sflag:s22], $0x1000  }
0x430: {  	[sflag:s22] =	ssyncset.done $0x0  }
0x431: {  	[sflag:s22] =	ssyncadd.s32 $0xFFFFF000  }
0x432: {  	[spmem:s12] =	stream.linear.scatter [tilespmem:s24], [sflag:$0x2], $0x8000, $0x38;
	[tilespmem:$0x1E000] =	vst v63  }
0x433: {  	_ =	swait.ge [sflag:s22], $0x8000  }
0x434: {  	s28 =	sadd.s32 $0x1, s28;
	[sflag:s22] =	ssyncset.done $0x0  }
0x435: {  	p0 =	sne.s32 s28, s20;
	[sflag:s22] =	ssyncadd.s32 $0xFFFF8000  }
0x436: {  	[spmem:s13] =	stream.linear.scatter [tilespmem:s24], [sflag:$0x2], $0x1000, $0x38;
	[tilespmem:$0x1E000] =	vst v63  }
.Ltmp33:
0x437: {  	_ =	swait.ge [sflag:s22], $0x1000;
	(pc) =	sbr.rel @p0 .LBB2_1-.Ltmp33, $3  }
0x438: {  	[sflag:s22] =	ssyncset.done $0x0  }
0x439: {  	[sflag:s22] =	ssyncadd.s32 $0xFFFFF000  }
0x43a: {  	[bflag:$0x0] =	sbarrier.arrive $0xFFFF;
	_ =	sdelay $0x1  }
0x43b: {  	_ =	sfence.sel $0x180000  }
0x43c: {  	[bflag:$0x0] =	sbarrier.arrive $0xFFFF  }
0x43d: {  	_ =	strace $0x90000047  }
0x43e: {  	s0 =	stileid.u32;
	[bflag:$0x2] =	sbarrier.arrive $0xFFFF  }
0x43f: {  	p0 =	sne.s32 s0, $0x0;
	s0 =	rddreg [dreg:$0x4]  }
0x440: {  	s0 =	sadd.s32 @!p0 $0x100000, s0  }
0x441: {  	[sflag:s0] =	ssyncadd.tile.s32 @!p0 $0x1;
	_ =	shalt  }
.Lfunc_end2:
_tile_overlayer_lowered:
.L_overlay_start_2:
0x442: {  	(tag) =	ssettag $0x2  }
0x443: {  	s0 =	rddreg [dreg:$0x0];
	s2 =	stileid.u32  }
0x444: {  	s1 =	rddreg [dreg:$0x1];
	p0 =	sne.s32 s2, $0x0  }
0x445: {  	s3 =	rddreg [dreg:$0x2];
	[bflag:$0x3] =	sbarrier.arrive $0xFFFF;
	s2 =	simm.s32 @!p0 $0x1C02  }
0x446: {  	[timem:s3], [sflag:s2] =	dma.local @!p0 [hbm:s0], s1  }
0x447: {  	s0 =	simm.s32 @!p0 $0x2  }
0x448: {  	_ =	swait.ge @!p0 [sflag:s0], s1  }
0x449: {  	s1 =	ssub.s32 @!p0 $0x0, s1;
	[sflag:s0] =	ssyncset.done @!p0 $0x0  }
0x44a: {  	[sflag:s0] =	ssyncadd.s32 @!p0 s1  }
0x44b: {  	[bflag:$0x3] =	sbarrier.arrive $0xFFFF  }
0x44c: {  	_ =	shalt  }

// kernel: sparse-core-data-format-call.cloned.1.call-start
scs
called_computation_lowered:
.L_overlay_start_0:
0x0: {  	s2 =	sld [smem:$0x3FD9]  }
0x1: {  	s3 =	sld [smem:$0x3FFE];
	_ =	sdelay $0x1  }
0x2: {  	s1 =	srdreg.scid  }
0x3: {  	s0 =	sand.u32 $0x1, s1  }
0x4: {  	s18 =	sshll.u32 s0, $0xA;
	s2 =	sadd.s32 s3, s2  }
0x5: {  	s2 =	sadd.s32 s2, s18  }
0x6: {  	[smem:$0x3FC5] =	sst s2  }
0x7: {  	_ = 	snop  }
0x8: {  	s2 =	sld [smem:$0x3FD0];
	(tm) =	ssettm $0x1  }
0x9: {  	s19 =	sld [smem:$0x3FFB];
	_ =	sdelay $0x3  }
0xa: {  	_ =	strace s19  }
0xb: {  	s3 =	sld [smem:$0x3FFC];
	_ =	sdelay $0x3  }
0xc: {  	_ =	strace s3  }
0xd: {  	s3 =	sld [smem:$0x3FFD];
	_ =	sdelay $0x3  }
0xe: {  	_ =	strace s3  }
0xf: {  	_ =	strace $0x8FFFFFFF  }
0x10: {  	s20 =	sld [smem:$0x3FDB];
	_ =	sdelay $0x1  }
0x11: {  	s4 =	simm.s32 $_scs_section_size  }
0x12: {  	s5 =	simm.s32 $_size__tile_overlayer_lowered;
	s6 =	simm.s32 $_tile_overlayer_lowered  }
0x13: {  	s23 =	simm.s32 $0x1BFF;
	s22 =	sshll.u32 s6, $0x1;
	s3 =	sadd.s32 s4, s20  }
0x14: {  	s7 =	simm.s32 $0x0;
	s21 =	sshll.u32 s5, $0x1;
	s5 =	sadd.s32 s22, s3  }
0x15: {  	[timem:s7], [sflag:s23] =	dma.local [hbm:s5], s21  }
0x16: {  	_ =	swait.ge [sflag:s23], s21  }
0x17: {  	s4 =	ssub.s32 $0x0, s21;
	[sflag:s23] =	ssyncset.done $0x0  }
0x18: {  	[sflag:s23] =	ssyncadd.s32 s4;
	_ =	sdelay $0x1  }
0x19: {  	s24 =	simm.s32 $0x1B8B  }
0x1a: {  	_ =	swait.ge [sflag:s24], $0x1  }
0x1b: {  	[sflag:s24] =	ssyncset.done $0x0  }
0x1c: {  	s26 =	simm.s32 $0x1B8E;
	s25 =	sld [smem:$0x3FFE];
	[sflag:s24] =	ssyncadd.s32 $0xFFFFFFFF  }
0x1d: {  	s27 =	simm.s32 $execute0_lowered;
	[smem:$0x3FD2] =	sst s26  }
0x1e: {  	s5 =	sshll.u32 s27, $0x1;
	_ =	strace $0x80000049;
	[dreg:$0x1] =	wrdreg $0xFFFFFFFF  }
0x1f: {  	s28 =	simm.s32 $_size_execute0_lowered;
	s3 =	sadd.s32 s3, s5;
	[dreg:$0x0] =	wrdreg $0x0  }
0x20: {  	s5 =	sshll.u32 s28, $0x1;
	[dreg:$0x2] =	wrdreg s3  }
0x21: {  	[dreg:$0x3] =	wrdreg s5  }
0x22: {  	[dreg:$0x4] =	wrdreg $0xC0  }
0x23: {  	_ =	task [dreg:s7], $0x5FFFF  }
0x24: {  	[dreg:$0x1] =	wrdreg $0xFFFFFFFF  }
0x25: {  	[dreg:$0x0] =	wrdreg $0x60  }
0x26: {  	[dreg:$0x2] =	wrdreg s25  }
0x27: {  	[dreg:$0x3] =	wrdreg s2  }
0x28: {  	[dreg:$0x4] =	wrdreg $0x9  }
0x29: {  	_ =	task.clear_ibuf [dreg:s7], $0x5FFFF;
	_ =	strace $0x90000049  }
0x2a: {  	s29 =	simm.s32 $0x9;
	_ =	strace $0x8000004B  }
0x2b: {  	_ =	swait.ge [sflag:s29], $0x1  }
0x2c: {  	[sflag:s29] =	ssyncadd.s32 $0xFFFFFFFF  }
0x2d: {  	_ =	strace $0x9000004B  }
0x2e: {  	_ =	sfence  }
0x2f: {  	s30 =	sld [smem:$0x0];
	_ =	sdelay $0x2  }
0x30: {  	s31 =	sshll.u32 s1, $0xD;
	s1 =	sshrl.u32 s1, $0x2  }
0x31: {  	s3 =	sand.u32 $0x4000, s31;
	s1 =	sadd.s32 s1, s30  }
0x32: {  	s0 =	sor.u32 s3, s0;
	s1 =	sshll.u32 s1, $0x11  }
0x33: {  	s0 =	sor.u32 s1, s0  }
0x34: {  	s0 =	sadd.s32 $0x8F2B, s0  }
0x35: {  	[sflag:s0] =	ssyncadd.remote.s32 $0x1  }
0x36: {  	_ =	sfence.sel $0xFFFF  }
0x37: {  	[dreg:$0x0] =	wrdreg $0xFFFFFFFF;
	(pc) =	sbr.abs _section_cstart, $3  }
0x38: {  	[dreg:$0x1] =	wrdreg $0xFFFFFFFF  }
0x39: {  	_ =	task.clear_ibuf [dreg:s7], $0x2FFFF;
	_ =	strace $0x9FFFFFFF  }
0x3a: {  	(tm) =	ssettm $0x7FFFFFFF  }
0x3b: {  	_ =	shalt  }
tec
execute0_lowered:
.L_overlay_start_1:
0x0: {  	(tag) =	ssettag $0x1  }
0x1: {  	s15 =	rddreg [dreg:$0x0]  }
0x2: {  	s0 =	srdreg.scid;
	s1 =	stileid.u32;
	s16 =	sadd.s32 $0xA00, s15  }
0x3: {  	_ =	strace $0x8000004A;
	s17 =	sadd.s32 $0x8A00, s15;
	[dreg:$0x3] =	wrdreg s16  }
0x4: {  	s4 =	simm.s32 $0x1;
	s18 =	sadd.s32 $0x10A00, s15;
	[dreg:$0x4] =	wrdreg s17  }
0x5: {  	s5 =	simm.s32 $0x2;
	s19 =	sadd.s32 $0x18A00, s15;
	[dreg:$0x5] =	wrdreg s18  }
0x6: {  	s29 =	simm.s32 $0x0;
	s20 =	sadd.s32 $0x20A00, s15;
	[dreg:$0x6] =	wrdreg s19  }
0x7: {  	s30 =	simm.s32 $0x0;
	s21 =	sadd.s32 $0x28A00, s15;
	[dreg:$0x7] =	wrdreg s20  }
0x8: {  	s28 =	simm.s32 $0x0;
	s22 =	sadd.s32 $0x30A00, s15;
	[dreg:$0x8] =	wrdreg s21  }
0x9: {  	s0 =	sshll.u32 s0, $0x4;
	s23 =	sadd.s32 $0x38A00, s15;
	[dreg:$0x9] =	wrdreg s22  }
0xa: {  	[sflag:s4] =	ssyncpa.u1 $0x0;
	s24 =	sadd.s32 $0x40A00, s15;
	[dreg:$0xa] =	wrdreg s23  }
0xb: {  	s25 =	sadd.s32 $0x48A00, s15;
	s0 =	sand.u32 $0x10, s0;
	[dreg:$0xb] =	wrdreg s24  }
0xc: {  	s26 =	sadd.s32 $0x50A00, s15;
	[dreg:$0xc] =	wrdreg s25;
	s0 =	sor.u32 s1, s0  }
0xd: {  	s31 =	sadd.s32 $0x58A00, s15;
	[dreg:$0xd] =	wrdreg s26;
	s2 =	sshll.u32 s0, $0x4  }
0xe: {  	[sflag:s5] =	ssyncpa.u1 $0x0;
	[dreg:$0xe] =	wrdreg s31;
	s0 =	ssub.s32 $0x800, s2  }
0xf: {  	s18 =	sadd.s32 $0x60A00, s15;
	s19 =	sadd.s32 $0x68A00, s15;
	s3 =	sand.u32 $0x1F0, s0  }
.Ltmp0:
0x10: {  	p0 =	sne.s32 s3, $0x0;
	s3 =	simm.s32 $0x1;
	(pc) =	sbr.rel .LBB1_1-.Ltmp0, $4  }
0x11: {  	s20 =	sadd.s32 $0x70A00, s15;
	s0 =	sshrl.u32 s0, $0x9;
	s3 =	simm.s32 @!p0 $0x0  }
0x12: {  	s21 =	sadd.s32 $0x78A00, s15;
	s23 =	simm.s32 $0x8;
	s0 =	sadd.s32 s3, s0  }
0x13: {  	s24 =	simm.s32 $0x80;
	s26 =	simm.s32 $0x0;
	s6 =	sshll.u32 s0, $0x4  }
0x14: {  	s27 =	smov.u32 s2;
	p0 =	por $0x0, $0x0;
	s22 =	sor.u32 $0x1, s6  }
.LBB1_9:
0x15: {  	s0 =	sadd.s32 $0x80, s26  }
0x16: {  	s3 =	sadd.s32 $0x200, s27;
	s5 =	smov.u32 s27;
	p2 =	sgt.s32 s0, $0x7FF  }
0x17: {  	s5 =	smov.u32 @p2 s3  }
0x18: {  	s0 =	simm.s32 @p2 $0x0;
	p2 =	sgt.s32 s5, $0x7FF  }
0x19: {  	s5 =	smov.u32 @p2 s2;
	p2 =	sne.s32 s28, s22  }
.Ltmp1:
0x1a: {  	p1 =	slt.u32 s28, $0x2;
	(pc) =	sbr.rel @!p2 .LBB1_10-.Ltmp1, $4  }
0x1b: {  	s1 =	simm.s32 @!p1 $0x2  }
0x1c: {  	s29 =	smov.u32 s26;
	s30 =	smov.u32 s27;
	_ =	swait.ge @!p1 [sflag:s1], $0x4000  }
0x1d: {  	p0 =	por !p0, !p0;
	[sflag:s1] =	ssyncset.done @!p1 $0x0;
	s26 =	smov.u32 s0  }
0x1e: {  	s28 =	sadd.s32 $0x1, s28;
	[sflag:s1] =	ssyncadd.s32 @!p1 $0xFFFFC000;
	s27 =	smov.u32 s5  }
.LBB1_1:
0x1f: {  	p1 =	sge.u32 s28, s6  }
.Ltmp2:
0x20: {  	_ = 	snop;
	(pc) =	sbr.rel @p1 .LBB1_3-.Ltmp2, $1  }
0x21: {  	_ =	sdelay $0x3  }
0x22: {  	s0 =	sxor.u32 $0xFFFFFFFF, s28  }
0x23: {  	s1 =	sshll.u32 s27, $0xF;
	s3 =	sshll.u32 s26, $0x4;
	s5 =	rddreg [dreg:$0x3]  }
0x24: {  	s0 =	sshll.u32 s0, $0xE;
	s3 =	sand.u32 $0x7FF0, s3;
	s5 =	sadd.s32 s5, s1  }
0x25: {  	s17 =	rddreg [dreg:$0x4];
	s0 =	sand.u32 $0x4000, s0;
	s5 =	sadd.s32 s3, s5  }
0x26: {  	[tilespmem:s0], [sflag:$0x1] =	stream.strided.gather [hbm4b:s5+s23], $0x400, s24, s23, $0x38;
	[tilespmem:$0x10100] =	vst v63  }
0x27: {  	s5 =	sadd.s32 s1, s17  }
0x28: {  	s25 =	rddreg [dreg:$0x5];
	s7 =	sor.u32 $0x400, s0;
	s5 =	sadd.s32 s3, s5  }
0x29: {  	[tilespmem:s7], [sflag:$0x1] =	stream.strided.gather [hbm4b:s5+s23], $0x400, s24, s23, $0x38;
	[tilespmem:$0x10100] =	vst v63  }
0x2a: {  	s5 =	sadd.s32 s1, s25  }
0x2b: {  	s8 =	rddreg [dreg:$0x6];
	s31 =	sor.u32 $0x800, s0;
	s5 =	sadd.s32 s3, s5  }
0x2c: {  	[tilespmem:s31], [sflag:$0x1] =	stream.strided.gather [hbm4b:s5+s23], $0x400, s24, s23, $0x38;
	[tilespmem:$0x10100] =	vst v63  }
0x2d: {  	s5 =	sadd.s32 s1, s8  }
0x2e: {  	s10 =	rddreg [dreg:$0x7];
	s9 =	sor.u32 $0xC00, s0;
	s5 =	sadd.s32 s3, s5  }
0x2f: {  	[tilespmem:s9], [sflag:$0x1] =	stream.strided.gather [hbm4b:s5+s23], $0x400, s24, s23, $0x38;
	[tilespmem:$0x10100] =	vst v63  }
0x30: {  	s5 =	sadd.s32 s1, s10  }
0x31: {  	s12 =	rddreg [dreg:$0x8];
	s11 =	sor.u32 $0x1000, s0;
	s5 =	sadd.s32 s3, s5  }
0x32: {  	[tilespmem:s11], [sflag:$0x1] =	stream.strided.gather [hbm4b:s5+s23], $0x400, s24, s23, $0x38;
	[tilespmem:$0x10100] =	vst v63  }
0x33: {  	s5 =	sadd.s32 s1, s12  }
0x34: {  	s14 =	rddreg [dreg:$0x9];
	s13 =	sor.u32 $0x1400, s0;
	s5 =	sadd.s32 s3, s5  }
0x35: {  	[tilespmem:s13], [sflag:$0x1] =	stream.strided.gather [hbm4b:s5+s23], $0x400, s24, s23, $0x38;
	[tilespmem:$0x10100] =	vst v63  }
0x36: {  	s5 =	sadd.s32 s1, s14  }
0x37: {  	s16 =	rddreg [dreg:$0xa];
	s15 =	sor.u32 $0x1800, s0;
	s5 =	sadd.s32 s3, s5  }
0x38: {  	[tilespmem:s15], [sflag:$0x1] =	stream.strided.gather [hbm4b:s5+s23], $0x400, s24, s23, $0x38;
	[tilespmem:$0x10100] =	vst v63  }
0x39: {  	s5 =	sadd.s32 s1, s16  }
0x3a: {  	s17 =	sor.u32 $0x1C00, s0;
	s25 =	rddreg [dreg:$0xb];
	s5 =	sadd.s32 s3, s5  }
0x3b: {  	[tilespmem:s17], [sflag:$0x1] =	stream.strided.gather [hbm4b:s5+s23], $0x400, s24, s23, $0x38;
	[tilespmem:$0x10100] =	vst v63  }
0x3c: {  	s5 =	sadd.s32 s1, s25  }
0x3d: {  	s31 =	sor.u32 $0x2000, s0;
	s8 =	rddreg [dreg:$0xc];
	s5 =	sadd.s32 s3, s5  }
0x3e: {  	[tilespmem:s31], [sflag:$0x1] =	stream.strided.gather [hbm4b:s5+s23], $0x400, s24, s23, $0x38;
	[tilespmem:$0x10100] =	vst v63  }
0x3f: {  	s5 =	sadd.s32 s1, s8  }
0x40: {  	s9 =	sor.u32 $0x2400, s0;
	s10 =	rddreg [dreg:$0xd];
	s5 =	sadd.s32 s3, s5  }
0x41: {  	[tilespmem:s9], [sflag:$0x1] =	stream.strided.gather [hbm4b:s5+s23], $0x400, s24, s23, $0x38;
	[tilespmem:$0x10100] =	vst v63  }
0x42: {  	s5 =	sadd.s32 s1, s10  }
0x43: {  	s11 =	sor.u32 $0x2800, s0;
	s12 =	rddreg [dreg:$0xe];
	s5 =	sadd.s32 s3, s5  }
0x44: {  	[tilespmem:s11], [sflag:$0x1] =	stream.strided.gather [hbm4b:s5+s23], $0x400, s24, s23, $0x38;
	[tilespmem:$0x10100] =	vst v63  }
0x45: {  	s5 =	sadd.s32 s1, s12  }
0x46: {  	s13 =	sor.u32 $0x2C00, s0;
	s14 =	sadd.s32 s1, s18;
	s5 =	sadd.s32 s3, s5  }
0x47: {  	[tilespmem:s13], [sflag:$0x1] =	stream.strided.gather [hbm4b:s5+s23], $0x400, s24, s23, $0x38;
	[tilespmem:$0x10100] =	vst v63  }
0x48: {  	s15 =	sor.u32 $0x3000, s0;
	s16 =	sadd.s32 s1, s19;
	s5 =	sadd.s32 s3, s14  }
0x49: {  	[tilespmem:s15], [sflag:$0x1] =	stream.strided.gather [hbm4b:s5+s23], $0x400, s24, s23, $0x38;
	[tilespmem:$0x10100] =	vst v63  }
0x4a: {  	s17 =	sor.u32 $0x3400, s0;
	s25 =	sadd.s32 s1, s20;
	s5 =	sadd.s32 s3, s16  }
0x4b: {  	[tilespmem:s17], [sflag:$0x1] =	stream.strided.gather [hbm4b:s5+s23], $0x400, s24, s23, $0x38;
	[tilespmem:$0x10100] =	vst v63  }
0x4c: {  	s31 =	sor.u32 $0x3800, s0;
	s1 =	sadd.s32 s1, s21;
	s5 =	sadd.s32 s3, s25  }
0x4d: {  	[tilespmem:s31], [sflag:$0x1] =	stream.strided.gather [hbm4b:s5+s23], $0x400, s24, s23, $0x38;
	[tilespmem:$0x10100] =	vst v63  }
0x4e: {  	s0 =	sor.u32 $0x3C00, s0;
	s1 =	sadd.s32 s3, s1  }
0x4f: {  	[tilespmem:s0], [sflag:$0x1] =	stream.strided.gather [hbm4b:s1+s23], $0x400, s24, s23, $0x38;
	[tilespmem:$0x10100] =	vst v63  }
.LBB1_3:
0x50: {  	s0 =	sadd.s32 $0xFFFFFFFF, s28  }
0x51: {  	p1 =	sge.u32 s0, s6  }
.Ltmp3:
0x52: {  	_ = 	snop;
	(pc) =	sbr.rel @p1 .LBB1_9-.Ltmp3, $1  }
0x53: {  	_ =	sdelay $0x3  }
0x54: {  	s0 =	simm.s32 $0x1;
	s3 =	sand.u32 $0x1, s28  }
0x55: {  	_ =	swait.ge [sflag:s4], $0x4000;
	s0 =	simm.s32 @!p0 $0x0;
	s3 =	smul.u32 $0x10200, s3  }
0x56: {  	[sflag:s4] =	ssyncset.done $0x0;
	s1 =	smul.u32 $0x10200, s0  }
0x57: {  	s0 =	sshll.u32 s0, $0xE;
	[sflag:s4] =	ssyncadd.s32 $0xFFFFC000  }
0x58: {  	s0 =	sor.u32 $0x20, s0;
	s25 =	sshrl.u32 s3, $0x2;
	s1 =	sshrl.u32 s1, $0x2  }
0x59: {  	s3 =	simm.s32 $0x0;
	s31 =	sor.u32 $0x8000, s25;
	s15 =	sor.u32 $0x8007, s1  }
.LBB1_5:
0x5a: {  	v0 =	vld.msk [tilespmem:s0+$0xFFFFFFE0], $0xff;
	_ =	sdelay $0x4  }
0x5b: {  	[tilespmem:s15+$0xFFFFFFF9 ss:$0x81] =	vst.msk $0xff, v0  }
0x5c: {  	v0 =	vld.msk [tilespmem:s0+$0xFFFFFFE8], $0xff  }
0x5d: {  	s5 =	sadd.s32 $0x40, s0  }
0x5e: {  	v1 =	vld.msk [tilespmem:s5+$0xFFFFFFE0], $0xff;
	_ =	sdelay $0x2  }
0x5f: {  	[tilespmem:s15+$0xFFFFFFFA ss:$0x81] =	vst.msk $0xff, v0  }
0x60: {  	s25 =	sadd.s32 $0x8, s15;
	v0 =	vld.msk [tilespmem:s0+$0xFFFFFFF0], $0xff  }
0x61: {  	[tilespmem:s25+$0xFFFFFFF9 ss:$0x81] =	vst.msk $0xff, v1  }
0x62: {  	v1 =	vld.msk [tilespmem:s5+$0xFFFFFFE8], $0xff  }
0x63: {  	s8 =	sadd.s32 $0x40, s5  }
0x64: {  	v2 =	vld.msk [tilespmem:s8+$0xFFFFFFE0], $0xff  }
0x65: {  	[tilespmem:s15+$0xFFFFFFFB ss:$0x81] =	vst.msk $0xff, v0  }
0x66: {  	v0 =	vld.msk [tilespmem:s0+$0xFFFFFFF8], $0xff  }
0x67: {  	[tilespmem:s25+$0xFFFFFFFA ss:$0x81] =	vst.msk $0xff, v1  }
0x68: {  	s7 =	sadd.s32 $0x8, s25;
	v1 =	vld.msk [tilespmem:s5+$0xFFFFFFF0], $0xff  }
0x69: {  	[tilespmem:s7+$0xFFFFFFF9 ss:$0x81] =	vst.msk $0xff, v2  }
0x6a: {  	s10 =	sadd.s32 $0x40, s8;
	v2 =	vld.msk [tilespmem:s8+$0xFFFFFFE8], $0xff  }
0x6b: {  	[tilespmem:s15+$0xFFFFFFFC ss:$0x81] =	vst.msk $0xff, v0;
	v0 =	vld.msk [tilespmem:s10+$0xFFFFFFE0], $0xff  }
0x6c: {  	v3 =	vld.msk [tilespmem:s0+$0x0], $0xff  }
0x6d: {  	[tilespmem:s25+$0xFFFFFFFB ss:$0x81] =	vst.msk $0xff, v1  }
0x6e: {  	v1 =	vld.msk [tilespmem:s5+$0xFFFFFFF8], $0xff  }
0x6f: {  	s9 =	sadd.s32 $0x8, s7;
	[tilespmem:s7+$0xFFFFFFFA ss:$0x81] =	vst.msk $0xff, v2  }
0x70: {  	v2 =	vld.msk [tilespmem:s8+$0xFFFFFFF0], $0xff;
	[tilespmem:s9+$0xFFFFFFF9 ss:$0x81] =	vst.msk $0xff, v0  }
0x71: {  	v0 =	vld.msk [tilespmem:s10+$0xFFFFFFE8], $0xff;
	[tilespmem:s15+$0xFFFFFFFD ss:$0x81] =	vst.msk $0xff, v3  }
0x72: {  	s11 =	sadd.s32 $0x40, s10;
	v3 =	vld.msk [tilespmem:s0+$0x8], $0xff  }
0x73: {  	[tilespmem:s25+$0xFFFFFFFC ss:$0x81] =	vst.msk $0xff, v1;
	v1 =	vld.msk [tilespmem:s11+$0xFFFFFFE0], $0xff  }
0x74: {  	v4 =	vld.msk [tilespmem:s5+$0x0], $0xff  }
0x75: {  	[tilespmem:s7+$0xFFFFFFFB ss:$0x81] =	vst.msk $0xff, v2  }
0x76: {  	v2 =	vld.msk [tilespmem:s8+$0xFFFFFFF8], $0xff;
	[tilespmem:s9+$0xFFFFFFFA ss:$0x81] =	vst.msk $0xff, v0  }
0x77: {  	s12 =	sadd.s32 $0x8, s9;
	v0 =	vld.msk [tilespmem:s10+$0xFFFFFFF0], $0xff;
	[tilespmem:s15+$0xFFFFFFFE ss:$0x81] =	vst.msk $0xff, v3  }
0x78: {  	[tilespmem:s12+$0xFFFFFFF9 ss:$0x81] =	vst.msk $0xff, v1;
	v1 =	vld.msk [tilespmem:s0+$0x10], $0xff  }
0x79: {  	[tilespmem:s25+$0xFFFFFFFD ss:$0x81] =	vst.msk $0xff, v4;
	v3 =	vld.msk [tilespmem:s11+$0xFFFFFFE8], $0xff  }
0x7a: {  	s13 =	sadd.s32 $0x40, s11;
	v4 =	vld.msk [tilespmem:s5+$0x8], $0xff  }
0x7b: {  	[tilespmem:s7+$0xFFFFFFFC ss:$0x81] =	vst.msk $0xff, v2;
	v2 =	vld.msk [tilespmem:s13+$0xFFFFFFE0], $0xff  }
0x7c: {  	v5 =	vld.msk [tilespmem:s8+$0x0], $0xff;
	[tilespmem:s9+$0xFFFFFFFB ss:$0x81] =	vst.msk $0xff, v0  }
0x7d: {  	v6 =	vld.msk [tilespmem:s10+$0xFFFFFFF8], $0xff;
	[tilespmem:s15+$0xFFFFFFFF ss:$0x81] =	vst.msk $0xff, v1  }
0x7e: {  	[tilespmem:s12+$0xFFFFFFFA ss:$0x81] =	vst.msk $0xff, v3;
	v0 =	vld.msk [tilespmem:s0+$0x18], $0xff  }
0x7f: {  	s14 =	sadd.s32 $0x8, s12;
	[tilespmem:s25+$0xFFFFFFFE ss:$0x81] =	vst.msk $0xff, v4;
	v3 =	vld.msk [tilespmem:s11+$0xFFFFFFF0], $0xff  }
0x80: {  	[tilespmem:s14+$0xFFFFFFF9 ss:$0x81] =	vst.msk $0xff, v2;
	v1 =	vld.msk [tilespmem:s5+$0x10], $0xff  }
0x81: {  	[tilespmem:s7+$0xFFFFFFFD ss:$0x81] =	vst.msk $0xff, v5;
	v4 =	vld.msk [tilespmem:s13+$0xFFFFFFE8], $0xff  }
0x82: {  	s16 =	simm.s32 $0x28;
	s1 =	smov.u32 s15;
	s17 =	sadd.s32 $0x40, s13;
	v2 =	vld.msk [tilespmem:s8+$0x8], $0xff;
	[tilespmem:s9+$0xFFFFFFFC ss:$0x81] =	vst.msk $0xff, v6  }
.LBB1_6:
0x83: {  	v5 =	vld.msk [tilespmem:s17+$0xFFFFFFE0], $0xff;
	[tilespmem:s1+$0x0 ss:$0x81] =	vst.msk $0xff, v0;
	s1 =	smov.u32 s25;
	s25 =	smov.u32 s7;
	s7 =	smov.u32 s9  }
0x84: {  	s16 =	sadd.s32 $0x8, s16;
	s9 =	smov.u32 s12;
	[tilespmem:s12+$0xFFFFFFFB ss:$0x81] =	vst.msk $0xff, v3;
	v6 =	vld.msk [tilespmem:s10+$0x0], $0xff;
	s12 =	smov.u32 s14  }
0x85: {  	p1 =	slt.u32 s16, $0x78;
	v7 =	vld.msk [tilespmem:s11+$0xFFFFFFF8], $0xff;
	[tilespmem:s1+$0xFFFFFFFF ss:$0x81] =	vst.msk $0xff, v1  }
.Ltmp4:
0x86: {  	[tilespmem:s14+$0xFFFFFFFA ss:$0x81] =	vst.msk $0xff, v4;
	v0 =	vld.msk [tilespmem:s5+$0x18], $0xff;
	s5 =	smov.u32 s8;
	s8 =	smov.u32 s10;
	(pc) =	sbr.rel @p1 .LBB1_6-.Ltmp4, $4  }
0x87: {  	s14 =	sadd.s32 $0x8, s14;
	s10 =	smov.u32 s11;
	s11 =	smov.u32 s13;
	v3 =	vld.msk [tilespmem:s13+$0xFFFFFFF0], $0xff;
	[tilespmem:s25+$0xFFFFFFFE ss:$0x81] =	vst.msk $0xff, v2  }
0x88: {  	s13 =	smov.u32 s17;
	[tilespmem:s14+$0xFFFFFFF9 ss:$0x81] =	vst.msk $0xff, v5;
	v1 =	vld.msk [tilespmem:s5+$0x10], $0xff  }
0x89: {  	v4 =	vld.msk [tilespmem:s17+$0xFFFFFFE8], $0xff;
	[tilespmem:s7+$0xFFFFFFFD ss:$0x81] =	vst.msk $0xff, v6  }
0x8a: {  	s17 =	sadd.s32 $0x40, s17;
	[tilespmem:s9+$0xFFFFFFFC ss:$0x81] =	vst.msk $0xff, v7;
	v2 =	vld.msk [tilespmem:s8+$0x8], $0xff  }
0x8b: {  	_ =	sdelay $0x2  }
0x8c: {  	[tilespmem:s14+$0xFFFFFFFA ss:$0x81] =	vst.msk $0xff, v4  }
0x8d: {  	v4 =	vld.msk [tilespmem:s13+$0xFFFFFFF0], $0xff;
	_ =	sdelay $0x3  }
0x8e: {  	[tilespmem:s12+$0xFFFFFFFB ss:$0x81] =	vst.msk $0xff, v3  }
0x8f: {  	v3 =	vld.msk [tilespmem:s11+$0xFFFFFFF8], $0xff;
	[tilespmem:s14+$0xFFFFFFFB ss:$0x81] =	vst.msk $0xff, v4  }
0x90: {  	v4 =	vld.msk [tilespmem:s13+$0xFFFFFFF8], $0xff;
	_ =	sdelay $0x3  }
0x91: {  	v5 =	vld.msk [tilespmem:s10+$0x0], $0xff;
	[tilespmem:s12+$0xFFFFFFFC ss:$0x81] =	vst.msk $0xff, v3  }
0x92: {  	v3 =	vld.msk [tilespmem:s11+$0x0], $0xff;
	[tilespmem:s14+$0xFFFFFFFC ss:$0x81] =	vst.msk $0xff, v4  }
0x93: {  	v4 =	vld.msk [tilespmem:s13+$0x0], $0xff;
	_ =	sdelay $0x2  }
0x94: {  	[tilespmem:s9+$0xFFFFFFFD ss:$0x81] =	vst.msk $0xff, v5  }
0x95: {  	v5 =	vld.msk [tilespmem:s10+$0x8], $0xff;
	[tilespmem:s12+$0xFFFFFFFD ss:$0x81] =	vst.msk $0xff, v3  }
0x96: {  	v3 =	vld.msk [tilespmem:s11+$0x8], $0xff;
	[tilespmem:s14+$0xFFFFFFFD ss:$0x81] =	vst.msk $0xff, v4  }
0x97: {  	v4 =	vld.msk [tilespmem:s13+$0x8], $0xff;
	_ =	sdelay $0x1  }
0x98: {  	[tilespmem:s7+$0xFFFFFFFE ss:$0x81] =	vst.msk $0xff, v2  }
0x99: {  	v2 =	vld.msk [tilespmem:s8+$0x10], $0xff;
	[tilespmem:s9+$0xFFFFFFFE ss:$0x81] =	vst.msk $0xff, v5  }
0x9a: {  	v5 =	vld.msk [tilespmem:s10+$0x10], $0xff;
	[tilespmem:s12+$0xFFFFFFFE ss:$0x81] =	vst.msk $0xff, v3  }
0x9b: {  	v3 =	vld.msk [tilespmem:s11+$0x10], $0xff;
	[tilespmem:s14+$0xFFFFFFFE ss:$0x81] =	vst.msk $0xff, v4  }
0x9c: {  	v4 =	vld.msk [tilespmem:s13+$0x10], $0xff  }
0x9d: {  	[tilespmem:s25+$0xFFFFFFFF ss:$0x81] =	vst.msk $0xff, v1  }
0x9e: {  	v1 =	vld.msk [tilespmem:s5+$0x18], $0xff;
	[tilespmem:s7+$0xFFFFFFFF ss:$0x81] =	vst.msk $0xff, v2  }
0x9f: {  	v2 =	vld.msk [tilespmem:s8+$0x18], $0xff;
	[tilespmem:s9+$0xFFFFFFFF ss:$0x81] =	vst.msk $0xff, v5  }
0xa0: {  	v61 =	vld.msk [tilespmem:s10+$0x18], $0xff;
	[tilespmem:s12+$0xFFFFFFFF ss:$0x81] =	vst.msk $0xff, v3  }
0xa1: {  	s3 =	sadd.s32 $0x1, s3;
	v62 =	vld.msk [tilespmem:s11+$0x18], $0xff;
	[tilespmem:s14+$0xFFFFFFFF ss:$0x81] =	vst.msk $0xff, v4  }
0xa2: {  	[tilespmem:s1+$0x0 ss:$0x81] =	vst.msk $0xff, v0;
	p1 =	sne.s32 s3, $0x10;
	v63 =	vld.msk [tilespmem:s13+$0x18], $0xff  }
.Ltmp5:
0xa3: {  	[tilespmem:s25+$0x0 ss:$0x81] =	vst.msk $0xff, v1;
	(pc) =	sbr.rel @p1 .LBB1_5-.Ltmp5, $4  }
0xa4: {  	[tilespmem:s7+$0x0 ss:$0x81] =	vst.msk $0xff, v2  }
0xa5: {  	[tilespmem:s9+$0x0 ss:$0x81] =	vst.msk $0xff, v61  }
0xa6: {  	[tilespmem:s12+$0x0 ss:$0x81] =	vst.msk $0xff, v62  }
0xa7: {  	s15 =	sadd.s32 $0x408, s15;
	s0 =	sadd.s32 $0x400, s0;
	[tilespmem:s14+$0x0 ss:$0x81] =	vst.msk $0xff, v63  }
0xa8: {  	s0 =	sshll.u32 s29, $0x3  }
0xa9: {  	s1 =	sand.u32 $0x78, s29;
	s16 =	sshll.u32 s30, $0xB;
	s3 =	sand.u32 $0x700, s29  }
.Ltmp6:
0xaa: {  	s5 =	rddreg [dreg:$0x1];
	s0 =	sand.u32 $0x400, s0;
	(pc) =	sbr.rel .LBB1_9-.Ltmp6, $4  }
0xab: {  	s17 =	sand.u32 $0x7, s29;
	s0 =	sor.u32 s1, s0;
	s1 =	sadd.s32 s5, s16  }
0xac: {  	s25 =	sshll.u32 s17, $0x12;
	s0 =	sshrl.u32 s0, $0x3;
	s1 =	sadd.s32 s3, s1  }
0xad: {  	s30 =	simm.s32 $0x4000;
	s29 =	sor.u32 $0x400, s25;
	s0 =	sadd.s32 s0, s1  }
0xae: {  	[hbm4b:s0+s29] =	stream.strided.scatter [tilespmem:s31], [sflag:$0x2], $0x4000, s30, s29, $0x20;
	[tilespmem:$0x10100] =	vst v63  }
.LBB1_10:
0xaf: {  	_ =	sfence.sel $0x180000  }
0xb0: {  	s0 =	simm.s32 $0x1;
	[bflag:$0x0] =	sbarrier.arrive $0xFFFF  }
0xb1: {  	s30 =	simm.s32 $0x2;
	[sflag:s0] =	ssyncpa.u1 $0x1  }
0xb2: {  	[sflag:s30] =	ssyncpa.u1 $0x1  }
0xb3: {  	_ =	strace $0x9000004A  }
0xb4: {  	s31 =	stileid.u32;
	[bflag:$0x2] =	sbarrier.arrive $0xFFFF  }
0xb5: {  	p0 =	sne.s32 s31, $0x0;
	s0 =	rddreg [dreg:$0x2]  }
0xb6: {  	s0 =	sadd.s32 @!p0 $0x100000, s0  }
0xb7: {  	[sflag:s0] =	ssyncadd.tile.s32 @!p0 $0x1;
	_ =	shalt  }
.Lfunc_end1:
_tile_overlayer_lowered:
.L_overlay_start_2:
0xb8: {  	(tag) =	ssettag $0x2  }
0xb9: {  	s0 =	rddreg [dreg:$0x0];
	s2 =	stileid.u32  }
0xba: {  	s1 =	rddreg [dreg:$0x1];
	p0 =	sne.s32 s2, $0x0  }
0xbb: {  	s3 =	rddreg [dreg:$0x2];
	[bflag:$0x3] =	sbarrier.arrive $0xFFFF;
	s2 =	simm.s32 @!p0 $0x1C01  }
0xbc: {  	[timem:s3], [sflag:s2] =	dma.local @!p0 [hbm:s0], s1  }
0xbd: {  	s0 =	simm.s32 @!p0 $0x1  }
0xbe: {  	_ =	swait.ge @!p0 [sflag:s0], s1  }
0xbf: {  	s1 =	ssub.s32 @!p0 $0x0, s1;
	[sflag:s0] =	ssyncset.done @!p0 $0x0  }
0xc0: {  	[sflag:s0] =	ssyncadd.s32 @!p0 s1  }
0xc1: {  	[bflag:$0x3] =	sbarrier.arrive $0xFFFF  }
0xc2: {  	_ =	shalt  }

</sc_bundles>
